<compile_context>
chip_gen: v7x
topology: tpu7x:2x2x1
jax: 0.10.2.dev20260603
libtpu: 0.0.44.dev20260713+nightly
codegen_flags: <defaults>
</compile_context>

<pallas_src>
import jax
import jax.numpy as jnp
from jax import lax
from jax.experimental import pallas as pl
from jax.experimental.pallas import tpu as pltpu
from jax.experimental.pallas import tpu_sc as plsc

N = 100000
E = 6400000

L = 16
SUB = 16
CORES = 2
NW = CORES * SUB
NP = 100352
NR = NP // L
RPT = NP // SUB
QT = RPT // 4
DW = NP // NW
DR = DW // L

W = 512
KB = 4
G = 98
EPW = W * KB * G
EPAD = EPW * NW

_mesh = plsc.VectorSubcoreMesh(core_axis_name="c", subcore_axis_name="s")
_params = pltpu.CompilerParams(needs_layout_passes=False,
                               use_tc_tiling_on_sc=False)
_f32 = jnp.float32
_i32 = jnp.int32


def _rsqrt16(d):
    i = plsc.bitcast(d, _i32)
    i = jnp.int32(0x5F3759DF) - (i >> 1)
    y = plsc.bitcast(i, _f32)
    for _ in range(3):
        y = y * (1.5 - 0.5 * d * y * y)
    return y


def _ids():
    cid = lax.axis_index("c")
    sid = lax.axis_index("s")
    return cid, sid, cid * SUB + sid


def _edge_pass(comb_h, table_h, shared_acc, idx0, idx1, msg0, msg1,
               sem0, sem1, wid):
    grp_base = wid * G

    def load_idx(g, idx):
        pltpu.sync_copy(comb_h.at[pl.ds((grp_base + g) * 2 * KB, 2 * KB)],
                        idx)

    def fire_gathers(idx, msg, sem):
        return [pltpu.async_copy(table_h.at[idx.at[j]], msg.at[j], sem)
                for j in range(KB)]

    def wait_gathers(idx, msg, sem):
        for j in range(KB):
            pltpu.make_async_copy(table_h.at[idx.at[j]], msg.at[j],
                                  sem).wait()

    def fire_scatters(idx, msg, sem):
        return [pltpu.async_copy(msg.at[j], shared_acc.at[idx.at[KB + j]],
                                 sem, add=True)
                for j in range(KB)]

    def wait(descs):
        for d in descs:
            d.wait()

    load_idx(0, idx0)
    fire_gathers(idx0, msg0, sem0)

    @pl.loop(0, G // 2)
    def _(t):
        ga = 2 * t
        load_idx(ga + 1, idx1)
        fire_gathers(idx1, msg1, sem1)
        wait_gathers(idx0, msg0, sem0)
        wait(fire_scatters(idx0, msg0, sem0))

        @pl.when(t < G // 2 - 1)
        def _():
            load_idx(ga + 2, idx0)
            fire_gathers(idx0, msg0, sem0)

        wait_gathers(idx1, msg1, sem1)
        wait(fire_scatters(idx1, msg1, sem1))


def _acc_writeback(shared_acc, stage, out_ref, r0, out_base):
    for q in range(4):
        pltpu.sync_copy(shared_acc.at[pl.ds(r0 + q * QT, QT)], stage)
        pltpu.sync_copy(stage, out_ref.at[pl.ds(out_base + q * QT, QT)])


def _zero_fill(stage, nrows, ncols):
    iota = lax.iota(_i32, L)
    zero = jnp.zeros((L,), _f32)
    nit = nrows * ncols // L

    @pl.loop(0, nit)
    def _(i):
        f = iota + i * L
        plsc.store_scatter(stage, [f // ncols, f % ncols], zero)


def _deg_body(dst_h, deg_out, shared_deg, ones8, idx_d, idx_d2, stage, cmp_, sem):
    cid, sid, wid = _ids()
    r0 = sid * RPT
    iota = lax.iota(_i32, L)

    _zero_fill(ones8, W, 8)
    one = jnp.full((L,), 1.0, _f32)
    zcol = jnp.zeros((L,), _i32)

    @pl.loop(0, W // L)
    def _(t):
        plsc.store_scatter(ones8, [iota + t * L, zcol], one)

    _zero_fill(stage, QT, 8)
    vinit = one * jnp.where(cid == 0, 1.0, 0.0).astype(_f32)

    @pl.loop(0, QT // L)
    def _(i):
        plsc.store_scatter(stage, [iota + i * L, zcol], vinit)

    for q in range(4):
        pltpu.sync_copy(stage, shared_deg.at[pl.ds(r0 + q * QT, QT)])
    plsc.subcore_barrier()

    row_base = wid * G * KB

    def fire_scat(idx):
        return [pltpu.async_copy(ones8, shared_deg.at[idx.at[j]], sem,
                                 add=True)
                for j in range(KB)]

    def wait(descs):
        for d in descs:
            d.wait()

    pltpu.sync_copy(dst_h.at[pl.ds(row_base, KB)], idx_d)

    @pl.loop(0, G // 2)
    def _(t):
        rb = row_base + 2 * t * KB
        s0 = fire_scat(idx_d)
        pltpu.sync_copy(dst_h.at[pl.ds(rb + KB, KB)], idx_d2)
        wait(s0)
        s1 = fire_scat(idx_d2)

        @pl.when(t < G // 2 - 1)
        def _():
            pltpu.sync_copy(dst_h.at[pl.ds(rb + 2 * KB, KB)], idx_d)

        wait(s1)

    plsc.subcore_barrier()

    for q in range(4):
        pltpu.sync_copy(shared_deg.at[pl.ds(r0 + q * QT, QT)], stage)

        @pl.loop(0, QT // L)
        def _(i):
            v = plsc.load_gather(stage, [iota + i * L, zcol])
            cmp_[i] = v

        row_out = cid * NR + sid * (RPT // L) + q * (QT // L)
        pltpu.sync_copy(cmp_, deg_out.at[pl.ds(row_out, QT // L)])


def _dense1_body(x0_h, x1_h, deg_h, wvec_h, h1s_out, dis_out,
                 xb0, xb1, db0, db1, disb, hst, wbuf):
    cid, sid, wid = _ids()
    rw = wid * DR
    sl = pl.ds(rw, DR)
    pltpu.sync_copy(wvec_h, wbuf)
    pltpu.sync_copy(x0_h.at[sl], xb0)
    pltpu.sync_copy(x1_h.at[sl], xb1)
    pltpu.sync_copy(deg_h.at[sl], db0)
    pltpu.sync_copy(deg_h.at[pl.ds(NR + rw, DR)], db1)

    iota = lax.iota(_i32, L)
    wv0 = wbuf[0]
    _zero_fill(hst, DW, 8)

    @pl.loop(0, DR)
    def _(i):
        d = db0[i] + db1[i]
        y = _rsqrt16(d)
        disb[i] = y
        xv0 = xb0[i]
        xv1 = xb1[i]
        rows = iota + i * L
        for j in range(4):
            hj = (xv0 * wv0[j] + xv1 * wv0[4 + j]) * y
            plsc.store_scatter(hst, [rows, jnp.full((L,), j, _i32)], hj)

    pltpu.sync_copy(disb, dis_out.at[sl])
    pltpu.sync_copy(hst, h1s_out.at[pl.ds(wid * DW, DW)])


def _edgek_body(table_h, comb_h, acc_out,
                shared_acc, idx0, idx1, msg0, msg1, stage, sem0, sem1):
    cid, sid, wid = _ids()
    r0 = sid * RPT
    _zero_fill(stage, QT, 8)
    for q in range(4):
        pltpu.sync_copy(stage, shared_acc.at[pl.ds(r0 + q * QT, QT)])
    plsc.subcore_barrier()
    _edge_pass(comb_h, table_h, shared_acc, idx0, idx1, msg0, msg1,
               sem0, sem1, wid)
    plsc.subcore_barrier()
    _acc_writeback(shared_acc, stage, acc_out, r0, cid * NP + r0)


def _dense2_body(x0_h, x1_h, dis_h, acc1_h, wvec_h, h2s_out,
                 xb0, xb1, disb, a0b, a1b, h2st, wbuf):
    cid, sid, wid = _ids()
    rw = wid * DR
    sl = pl.ds(rw, DR)
    nb = wid * DW
    pltpu.sync_copy(wvec_h, wbuf)
    pltpu.sync_copy(x0_h.at[sl], xb0)
    pltpu.sync_copy(x1_h.at[sl], xb1)
    pltpu.sync_copy(dis_h.at[sl], disb)
    pltpu.sync_copy(acc1_h.at[pl.ds(nb, DW)], a0b)
    pltpu.sync_copy(acc1_h.at[pl.ds(NP + nb, DW)], a1b)

    iota = lax.iota(_i32, L)
    zero = jnp.zeros((L,), _f32)
    wv0 = wbuf[0]
    wv1 = wbuf[1]
    _zero_fill(h2st, DW, 8)

    @pl.loop(0, DR)
    def _(i):
        y = disb[i]
        xv0 = xb0[i]
        xv1 = xb1[i]
        rows = iota + i * L
        h2 = [zero, zero]
        for j in range(4):
            colj = jnp.full((L,), j, _i32)
            a = (plsc.load_gather(a0b, [rows, colj])
                 + plsc.load_gather(a1b, [rows, colj]))
            hj = (xv0 * wv0[j] + xv1 * wv0[4 + j]) * y
            o = jnp.maximum((a + hj) * y + wv1[j], 0.0)
            for k in range(2):
                h2[k] = h2[k] + o * wv0[8 + j * 2 + k]
        for k in range(2):
            plsc.store_scatter(h2st, [rows, jnp.full((L,), k, _i32)],
                               h2[k] * y)

    pltpu.sync_copy(h2st, h2s_out.at[pl.ds(nb, DW)])


def _final_body(acc2_h, h2s_h, dis_h, wvec_h, out_t,
                a0b, a1b, h2b, disb, st0, st1, wbuf):
    cid, sid, wid = _ids()
    rw = wid * DR
    nb = wid * DW
    pltpu.sync_copy(wvec_h, wbuf)
    pltpu.sync_copy(acc2_h.at[pl.ds(nb, DW)], a0b)
    pltpu.sync_copy(acc2_h.at[pl.ds(NP + nb, DW)], a1b)
    pltpu.sync_copy(h2s_h.at[pl.ds(nb, DW)], h2b)
    pltpu.sync_copy(dis_h.at[pl.ds(rw, DR)], disb)

    wv1 = wbuf[1]
    iota = lax.iota(_i32, L)
    stages = [st0, st1]

    @pl.loop(0, DR)
    def _(i):
        y = disb[i]
        rows = iota + i * L
        for k in range(2):
            colk = jnp.full((L,), k, _i32)
            v = (plsc.load_gather(a0b, [rows, colk])
                 + plsc.load_gather(a1b, [rows, colk])
                 + plsc.load_gather(h2b, [rows, colk])) * y + wv1[4 + k]
            stages[k][i] = v

    for k in range(2):
        pltpu.sync_copy(stages[k], out_t.at[k, pl.ds(rw, DR)])


_deg_kernel = pl.kernel(
    _deg_body,
    compiler_params=_params,
    out_type=jax.ShapeDtypeStruct((CORES * NR, L), _f32),
    mesh=_mesh,
    scratch_types=[
        pltpu.VMEM_SHARED((NP, 8), _f32),
        pltpu.VMEM((W, 8), _f32),
        pltpu.VMEM((KB, W), _i32),
        pltpu.VMEM((KB, W), _i32),
        pltpu.VMEM((QT, 8), _f32),
        pltpu.VMEM((QT // L, L), _f32),
        pltpu.SemaphoreType.DMA,
    ],
)

_dense1_kernel = pl.kernel(
    _dense1_body,
    compiler_params=_params,
    out_type=(jax.ShapeDtypeStruct((NP, 8), _f32),
              jax.ShapeDtypeStruct((NR, L), _f32)),
    mesh=_mesh,
    scratch_types=[
        pltpu.VMEM((DR, L), _f32),
        pltpu.VMEM((DR, L), _f32),
        pltpu.VMEM((DR, L), _f32),
        pltpu.VMEM((DR, L), _f32),
        pltpu.VMEM((DR, L), _f32),
        pltpu.VMEM((DW, 8), _f32),
        pltpu.VMEM((2, L), _f32),
    ],
)

_edgek_kernel = pl.kernel(
    _edgek_body,
    compiler_params=_params,
    out_type=jax.ShapeDtypeStruct((CORES * NP, 8), _f32),
    mesh=_mesh,
    scratch_types=[
        pltpu.VMEM_SHARED((NP, 8), _f32),
        pltpu.VMEM((2 * KB, W), _i32),
        pltpu.VMEM((2 * KB, W), _i32),
        pltpu.VMEM((KB, W, 8), _f32),
        pltpu.VMEM((KB, W, 8), _f32),
        pltpu.VMEM((QT, 8), _f32),
        pltpu.SemaphoreType.DMA,
        pltpu.SemaphoreType.DMA,
    ],
)

_dense2_kernel = pl.kernel(
    _dense2_body,
    compiler_params=_params,
    out_type=jax.ShapeDtypeStruct((NP, 8), _f32),
    mesh=_mesh,
    scratch_types=[
        pltpu.VMEM((DR, L), _f32),
        pltpu.VMEM((DR, L), _f32),
        pltpu.VMEM((DR, L), _f32),
        pltpu.VMEM((DW, 8), _f32),
        pltpu.VMEM((DW, 8), _f32),
        pltpu.VMEM((DW, 8), _f32),
        pltpu.VMEM((2, L), _f32),
    ],
)

_final_kernel = pl.kernel(
    _final_body,
    compiler_params=_params,
    out_type=jax.ShapeDtypeStruct((2, NR, L), _f32),
    mesh=_mesh,
    scratch_types=[
        pltpu.VMEM((DW, 8), _f32),
        pltpu.VMEM((DW, 8), _f32),
        pltpu.VMEM((DW, 8), _f32),
        pltpu.VMEM((DR, L), _f32),
        pltpu.VMEM((DR, L), _f32),
        pltpu.VMEM((DR, L), _f32),
        pltpu.VMEM((2, L), _f32),
    ],
)


@jax.jit
def kernel(x, edge_index, W1, b1, W2, b2):
    ei = edge_index.astype(_i32)
    pad = jnp.full((EPAD - E,), N, _i32)
    srcw = jnp.concatenate([ei[0], pad]).reshape(NW * G, KB, W)
    dstw = jnp.concatenate([ei[1], pad]).reshape(NW * G, KB, W)
    comb = jnp.concatenate([srcw, dstw], axis=1).reshape(NW * G * 2 * KB, W)
    dst512 = dstw.reshape(NW * G * KB, W)

    xp = jnp.pad(x.astype(_f32), ((0, NP - N), (0, 0)))
    x0 = xp[:, 0].reshape(NR, L)
    x1 = xp[:, 1].reshape(NR, L)
    wvec = jnp.concatenate([
        W1.reshape(-1), W2.reshape(-1), b1.reshape(-1), b2.reshape(-1),
        jnp.zeros((10,), _f32)]).astype(_f32).reshape(2, L)

    deg2 = _deg_kernel(dst512)
    h1s, dis = _dense1_kernel(x0, x1, deg2, wvec)
    acc1 = _edgek_kernel(h1s, comb)
    h2s = _dense2_kernel(x0, x1, dis, acc1, wvec)
    acc2 = _edgek_kernel(h2s, comb)
    out_t = _final_kernel(acc2, h2s, dis, wvec)
    return out_t.reshape(2, NP).T[:N]

# --- scband reference (transcript-rebuilt; emitter-appended) ---
"""Pipeline reference for scband-net-25778393710796 (READ-ONLY COPY).

The authoritative reference and input builder live on the scoring server;
editing this copy changes nothing except your own understanding.
"""

import jax, jax.numpy as jnp
import numpy as np

N = 100000
E = 6400000


def gcn_conv(x, edge_index, W, b):
    # x: [N, d_in], edge_index: [2, E] (row=source, col=target)
    n = x.shape[0]
    x = x @ W
    loop = jnp.arange(n, dtype=edge_index.dtype)
    src = jnp.concatenate([edge_index[0], loop])
    dst = jnp.concatenate([edge_index[1], loop])
    # symmetric normalization: deg computed over targets (col), as in PyG GCNConv
    deg = jnp.zeros((n,), dtype=x.dtype).at[dst].add(1.0)
    deg_inv_sqrt = jnp.where(deg > 0, jax.lax.rsqrt(deg), 0.0)
    norm = deg_inv_sqrt[src] * deg_inv_sqrt[dst]
    msg = x[src] * norm[:, None]
    out = jnp.zeros((n, x.shape[1]), dtype=x.dtype).at[dst].add(msg)
    return out + b


def setup_inputs(seed: int = 0) -> dict:
    key = jax.random.key(seed)
    k1, k2, k3, k4, k5, k6 = jax.random.split(key, 6)
    x = jax.random.normal(k1, (N, 2), dtype=jnp.float32)
    edge_index = jax.random.randint(k2, (2, E), 0, N, dtype=jnp.int64)
    # GCNConv(2, 4) and GCNConv(4, 2) parameters (glorot weights, zero bias)
    W1 = jax.random.normal(k3, (2, 4), dtype=jnp.float32) * (1.0 / np.sqrt(2.0))
    b1 = jnp.zeros((4,), dtype=jnp.float32)
    W2 = jax.random.normal(k4, (4, 2), dtype=jnp.float32) * (1.0 / np.sqrt(4.0))
    b2 = jnp.zeros((2,), dtype=jnp.float32)
    return {"x": x, "edge_index": edge_index, "W1": W1, "b1": b1, "W2": W2, "b2": b2}


def reference(x, edge_index, W1, b1, W2, b2):
    h = gcn_conv(x, edge_index, W1, b1)
    h = jax.nn.relu(h)
    # F.dropout(x, 0.0) is identity
    out = gcn_conv(h, edge_index, W2, b2)
    return out

if __name__ == "__main__":
    import jax
    _d = setup_inputs()
    print(jax.jit(kernel)(*tuple(_d.values())))

</pallas_src>

<mosaic_0001>
#map = affine_map<(d0, d1) -> (0, 0)>
module attributes {stable_mosaic.version = 14 : i64} {
  func.func @_edgek_body(%arg0: i32, %arg1: i32, %arg2: memref<100352x8xf32, #tpu.memory_space<hbm>>, %arg3: memref<25088x512xi32, #tpu.memory_space<hbm>>, %arg4: memref<200704x8xf32, #tpu.memory_space<hbm>>, %arg5: memref<100352x8xf32, #tpu.memory_space<vmem_shared>>, %arg6: memref<8x512xi32, #tpu.memory_space<vmem>>, %arg7: memref<8x512xi32, #tpu.memory_space<vmem>>, %arg8: memref<4x512x8xf32, #tpu.memory_space<vmem>>, %arg9: memref<4x512x8xf32, #tpu.memory_space<vmem>>, %arg10: memref<1568x8xf32, #tpu.memory_space<vmem>>, %arg11: memref<!tpu.dma_semaphore, #tpu.memory_space<semaphore_mem>>, %arg12: memref<!tpu.dma_semaphore, #tpu.memory_space<semaphore_mem>>) attributes {dimension_semantics = [#tpu.dimension_semantics<core_parallel>, #tpu.dimension_semantics<subcore_parallel>], iteration_bounds = array<i64: 2, 16>, scalar_prefetch = 0 : i64, scratch_operands = 8 : i64, tpu.core_type = #tpu.core_type<sc_vector_subcore>, window_params = [{transform_indices = #map}, {transform_indices = #map}, {transform_indices = #map}]} {
    %mul3A = arith.constant 16 : i32
    %mul3A_0 = arith.muli %arg0, %mul3A : i32
    %add3A = arith.addi %mul3A_0, %arg1 : i32
    %mul3A_1 = arith.constant 6272 : i32
    %mul3A_2 = arith.muli %arg1, %mul3A_1 : i32
    %iota3A = tpu.iota {dimensions = array<i32: 0>} : vector<16xi32>
    %broadcast_in_dim3A = arith.constant 0.000000e+00 : f32
    %broadcast_in_dim3A_3 = vector.broadcast %broadcast_in_dim3A : f32 to vector<16xf32>
    %scan3A = arith.constant 0 : i32
    %scan3A_4 = arith.constant 784 : i32
    %scan3A_5 = arith.addi %scan3A, %scan3A_4 : i32
    %scan3A_6 = arith.constant 1 : i32
    scf.for %scan3A_96 = %scan3A to %scan3A_5 step %scan3A_6  : i32 {
      %mul3A_97 = arith.constant 1 : i32
      %mul3A_98 = arith.muli %scan3A_96, %mul3A_97 : i32
      %add3A_99 = arith.constant 0 : i32
      %add3A_100 = arith.addi %add3A_99, %mul3A_98 : i32
      %mul3A_101 = arith.constant 16 : i32
      %mul3A_102 = arith.muli %add3A_100, %mul3A_101 : i32
      %add3A_103 = vector.broadcast %mul3A_102 : i32 to vector<16xi32>
      %add3A_104 = arith.addi %iota3A, %add3A_103 : vector<16xi32>
      %jit3A = arith.constant 8 : i32
      %div3A = vector.broadcast %jit3A : i32 to vector<16xi32>
      %div3A_105 = arith.divsi %add3A_104, %div3A : vector<16xi32>
      %sign3A = arith.constant 0 : i32
      %sign3A_106 = vector.broadcast %sign3A : i32 to vector<16xi32>
      %sign3A_107 = arith.cmpi sgt, %add3A_104, %sign3A_106 : vector<16xi32>
      %sign3A_108 = arith.extui %sign3A_107 : vector<16xi1> to vector<16xi32>
      %sign3A_109 = arith.constant 0 : i32
      %sign3A_110 = vector.broadcast %sign3A_109 : i32 to vector<16xi32>
      %sign3A_111 = arith.cmpi slt, %add3A_104, %sign3A_110 : vector<16xi32>
      %sign3A_112 = arith.extui %sign3A_111 : vector<16xi1> to vector<16xi32>
      %sign3A_113 = arith.subi %sign3A_108, %sign3A_112 : vector<16xi32>
      %sign3A_114 = arith.constant 0 : i32
      %sign3A_115 = arith.cmpi sgt, %jit3A, %sign3A_114 : i32
      %sign3A_116 = arith.extui %sign3A_115 : i1 to i32
      %sign3A_117 = arith.constant 0 : i32
      %sign3A_118 = arith.cmpi slt, %jit3A, %sign3A_117 : i32
      %sign3A_119 = arith.extui %sign3A_118 : i1 to i32
      %sign3A_120 = arith.subi %sign3A_116, %sign3A_119 : i32
      %ne3A = vector.broadcast %sign3A_120 : i32 to vector<16xi32>
      %ne3A_121 = arith.cmpi ne, %sign3A_113, %ne3A : vector<16xi32>
      %rem3A = vector.broadcast %jit3A : i32 to vector<16xi32>
      %rem3A_122 = arith.remsi %add3A_104, %rem3A : vector<16xi32>
      %ne3A_123 = arith.constant 0 : i32
      %ne3A_124 = vector.broadcast %ne3A_123 : i32 to vector<16xi32>
      %ne3A_125 = arith.cmpi ne, %rem3A_122, %ne3A_124 : vector<16xi32>
      %and3A = arith.andi %ne3A_121, %ne3A_125 : vector<16xi1>
      %sub3A = arith.constant 1 : i32
      %sub3A_126 = vector.broadcast %sub3A : i32 to vector<16xi32>
      %sub3A_127 = arith.subi %div3A_105, %sub3A_126 : vector<16xi32>
      %select_n3A = arith.select %and3A, %sub3A_127, %div3A_105 : vector<16xi1>, vector<16xi32>
      %jit3A_128 = arith.constant 8 : i32
      %eq3A = arith.constant 0 : i32
      %eq3A_129 = arith.cmpi eq, %jit3A_128, %eq3A : i32
      %jit3A_130 = arith.constant 1 : i32
      %select_n3A_131 = arith.select %eq3A_129, %jit3A_130, %jit3A_128 : i32
      %rem3A_132 = vector.broadcast %select_n3A_131 : i32 to vector<16xi32>
      %rem3A_133 = arith.remsi %add3A_104, %rem3A_132 : vector<16xi32>
      %ne3A_134 = arith.constant 0 : i32
      %ne3A_135 = vector.broadcast %ne3A_134 : i32 to vector<16xi32>
      %ne3A_136 = arith.cmpi ne, %rem3A_133, %ne3A_135 : vector<16xi32>
      %lt3A = arith.constant 0 : i32
      %lt3A_137 = vector.broadcast %lt3A : i32 to vector<16xi32>
      %lt3A_138 = arith.cmpi slt, %rem3A_133, %lt3A_137 : vector<16xi32>
      %lt3A_139 = arith.constant 0 : i32
      %lt3A_140 = arith.cmpi slt, %select_n3A_131, %lt3A_139 : i32
      %ne3A_141 = vector.broadcast %lt3A_140 : i1 to vector<16xi1>
      %ne3A_142 = vector.broadcast %ne3A_141 : vector<16xi1> to vector<16xi1>
      %ne3A_143 = arith.xori %lt3A_138, %ne3A_142 : vector<16xi1>
      %and3A_144 = arith.andi %ne3A_143, %ne3A_136 : vector<16xi1>
      %add3A_145 = vector.broadcast %select_n3A_131 : i32 to vector<16xi32>
      %add3A_146 = arith.addi %rem3A_133, %add3A_145 : vector<16xi32>
      %select_n3A_147 = arith.select %and3A_144, %add3A_146, %rem3A_133 : vector<16xi1>, vector<16xi32>
      tpu.vector_store_idx %arg10[%select_n3A, %select_n3A_147], %broadcast_in_dim3A_3 : memref<1568x8xf32, #tpu.memory_space<vmem>>[vector<16xi32>, vector<16xi32>], vector<16xf32>,
    }
    %scan3A_7 = arith.constant 784 : i32
    %add3A_8 = arith.constant 0 : i32
    %add3A_9 = arith.addi %mul3A_2, %add3A_8 : i32
    "tpu.region"() ({
      %run_scoped3A = tpu.sem_alloc : memref<!tpu.dma_semaphore, #tpu.memory_space<semaphore_mem>>
      %dma_start3A_96 = arith.constant 0 : i32
      %dma_start3A_97 = tpu.memref_slice %arg5[%add3A_9, %dma_start3A_96] : memref<100352x8xf32, #tpu.memory_space<vmem_shared>> -> memref<1568x8xf32, #tpu.memory_space<vmem_shared>>
      %dma_start3A_98 = arith.constant 0 : i32
      %dma_start3A_99 = tpu.memref_slice %arg5[%add3A_9, %dma_start3A_98] : memref<100352x8xf32, #tpu.memory_space<vmem_shared>> -> memref<1568x8xf32, #tpu.memory_space<vmem_shared>>
      tpu.enqueue_dma source(%arg10 : memref<1568x8xf32, #tpu.memory_space<vmem>>) target(%dma_start3A_99 : memref<1568x8xf32, #tpu.memory_space<vmem_shared>>) target_semaphore(%run_scoped3A : memref<!tpu.dma_semaphore, #tpu.memory_space<semaphore_mem>>)
      %dma_wait3A = arith.constant 0 : i32
      %dma_wait3A_100 = tpu.memref_slice %arg5[%add3A_9, %dma_wait3A] : memref<100352x8xf32, #tpu.memory_space<vmem_shared>> -> memref<1568x8xf32, #tpu.memory_space<vmem_shared>>
      %dma_wait3A_101 = arith.constant 0 : i32
      %dma_wait3A_102 = tpu.memref_slice %arg5[%add3A_9, %dma_wait3A_101] : memref<100352x8xf32, #tpu.memory_space<vmem_shared>> -> memref<1568x8xf32, #tpu.memory_space<vmem_shared>>
      tpu.wait_dma2 semaphore(%run_scoped3A : memref<!tpu.dma_semaphore, #tpu.memory_space<semaphore_mem>>) src(%arg10 : memref<1568x8xf32, #tpu.memory_space<vmem>>) dst(%dma_wait3A_102 : memref<1568x8xf32, #tpu.memory_space<vmem_shared>>)
      tpu.yield
    }) : () -> ()
    %add3A_10 = arith.constant 1568 : i32
    %add3A_11 = arith.addi %mul3A_2, %add3A_10 : i32
    "tpu.region"() ({
      %run_scoped3A = tpu.sem_alloc : memref<!tpu.dma_semaphore, #tpu.memory_space<semaphore_mem>>
      %dma_start3A_96 = arith.constant 0 : i32
      %dma_start3A_97 = tpu.memref_slice %arg5[%add3A_11, %dma_start3A_96] : memref<100352x8xf32, #tpu.memory_space<vmem_shared>> -> memref<1568x8xf32, #tpu.memory_space<vmem_shared>>
      %dma_start3A_98 = arith.constant 0 : i32
      %dma_start3A_99 = tpu.memref_slice %arg5[%add3A_11, %dma_start3A_98] : memref<100352x8xf32, #tpu.memory_space<vmem_shared>> -> memref<1568x8xf32, #tpu.memory_space<vmem_shared>>
      tpu.enqueue_dma source(%arg10 : memref<1568x8xf32, #tpu.memory_space<vmem>>) target(%dma_start3A_99 : memref<1568x8xf32, #tpu.memory_space<vmem_shared>>) target_semaphore(%run_scoped3A : memref<!tpu.dma_semaphore, #tpu.memory_space<semaphore_mem>>)
      %dma_wait3A = arith.constant 0 : i32
      %dma_wait3A_100 = tpu.memref_slice %arg5[%add3A_11, %dma_wait3A] : memref<100352x8xf32, #tpu.memory_space<vmem_shared>> -> memref<1568x8xf32, #tpu.memory_space<vmem_shared>>
      %dma_wait3A_101 = arith.constant 0 : i32
      %dma_wait3A_102 = tpu.memref_slice %arg5[%add3A_11, %dma_wait3A_101] : memref<100352x8xf32, #tpu.memory_space<vmem_shared>> -> memref<1568x8xf32, #tpu.memory_space<vmem_shared>>
      tpu.wait_dma2 semaphore(%run_scoped3A : memref<!tpu.dma_semaphore, #tpu.memory_space<semaphore_mem>>) src(%arg10 : memref<1568x8xf32, #tpu.memory_space<vmem>>) dst(%dma_wait3A_102 : memref<1568x8xf32, #tpu.memory_space<vmem_shared>>)
      tpu.yield
    }) : () -> ()
    %add3A_12 = arith.constant 3136 : i32
    %add3A_13 = arith.addi %mul3A_2, %add3A_12 : i32
    "tpu.region"() ({
      %run_scoped3A = tpu.sem_alloc : memref<!tpu.dma_semaphore, #tpu.memory_space<semaphore_mem>>
      %dma_start3A_96 = arith.constant 0 : i32
      %dma_start3A_97 = tpu.memref_slice %arg5[%add3A_13, %dma_start3A_96] : memref<100352x8xf32, #tpu.memory_space<vmem_shared>> -> memref<1568x8xf32, #tpu.memory_space<vmem_shared>>
      %dma_start3A_98 = arith.constant 0 : i32
      %dma_start3A_99 = tpu.memref_slice %arg5[%add3A_13, %dma_start3A_98] : memref<100352x8xf32, #tpu.memory_space<vmem_shared>> -> memref<1568x8xf32, #tpu.memory_space<vmem_shared>>
      tpu.enqueue_dma source(%arg10 : memref<1568x8xf32, #tpu.memory_space<vmem>>) target(%dma_start3A_99 : memref<1568x8xf32, #tpu.memory_space<vmem_shared>>) target_semaphore(%run_scoped3A : memref<!tpu.dma_semaphore, #tpu.memory_space<semaphore_mem>>)
      %dma_wait3A = arith.constant 0 : i32
      %dma_wait3A_100 = tpu.memref_slice %arg5[%add3A_13, %dma_wait3A] : memref<100352x8xf32, #tpu.memory_space<vmem_shared>> -> memref<1568x8xf32, #tpu.memory_space<vmem_shared>>
      %dma_wait3A_101 = arith.constant 0 : i32
      %dma_wait3A_102 = tpu.memref_slice %arg5[%add3A_13, %dma_wait3A_101] : memref<100352x8xf32, #tpu.memory_space<vmem_shared>> -> memref<1568x8xf32, #tpu.memory_space<vmem_shared>>
      tpu.wait_dma2 semaphore(%run_scoped3A : memref<!tpu.dma_semaphore, #tpu.memory_space<semaphore_mem>>) src(%arg10 : memref<1568x8xf32, #tpu.memory_space<vmem>>) dst(%dma_wait3A_102 : memref<1568x8xf32, #tpu.memory_space<vmem_shared>>)
      tpu.yield
    }) : () -> ()
    %add3A_14 = arith.constant 4704 : i32
    %add3A_15 = arith.addi %mul3A_2, %add3A_14 : i32
    "tpu.region"() ({
      %run_scoped3A = tpu.sem_alloc : memref<!tpu.dma_semaphore, #tpu.memory_space<semaphore_mem>>
      %dma_start3A_96 = arith.constant 0 : i32
      %dma_start3A_97 = tpu.memref_slice %arg5[%add3A_15, %dma_start3A_96] : memref<100352x8xf32, #tpu.memory_space<vmem_shared>> -> memref<1568x8xf32, #tpu.memory_space<vmem_shared>>
      %dma_start3A_98 = arith.constant 0 : i32
      %dma_start3A_99 = tpu.memref_slice %arg5[%add3A_15, %dma_start3A_98] : memref<100352x8xf32, #tpu.memory_space<vmem_shared>> -> memref<1568x8xf32, #tpu.memory_space<vmem_shared>>
      tpu.enqueue_dma source(%arg10 : memref<1568x8xf32, #tpu.memory_space<vmem>>) target(%dma_start3A_99 : memref<1568x8xf32, #tpu.memory_space<vmem_shared>>) target_semaphore(%run_scoped3A : memref<!tpu.dma_semaphore, #tpu.memory_space<semaphore_mem>>)
      %dma_wait3A = arith.constant 0 : i32
      %dma_wait3A_100 = tpu.memref_slice %arg5[%add3A_15, %dma_wait3A] : memref<100352x8xf32, #tpu.memory_space<vmem_shared>> -> memref<1568x8xf32, #tpu.memory_space<vmem_shared>>
      %dma_wait3A_101 = arith.constant 0 : i32
      %dma_wait3A_102 = tpu.memref_slice %arg5[%add3A_15, %dma_wait3A_101] : memref<100352x8xf32, #tpu.memory_space<vmem_shared>> -> memref<1568x8xf32, #tpu.memory_space<vmem_shared>>
      tpu.wait_dma2 semaphore(%run_scoped3A : memref<!tpu.dma_semaphore, #tpu.memory_space<semaphore_mem>>) src(%arg10 : memref<1568x8xf32, #tpu.memory_space<vmem>>) dst(%dma_wait3A_102 : memref<1568x8xf32, #tpu.memory_space<vmem_shared>>)
      tpu.yield
    }) : () -> ()
    %barrier3A = arith.constant 0 : index
    tpu.barrier barrier_id(%barrier3A)
    %mul3A_16 = arith.constant 98 : i32
    %mul3A_17 = arith.muli %add3A, %mul3A_16 : i32
    %add3A_18 = arith.constant 0 : i32
    %add3A_19 = arith.addi %mul3A_17, %add3A_18 : i32
    %mul3A_20 = arith.constant 2 : i32
    %mul3A_21 = arith.muli %add3A_19, %mul3A_20 : i32
    %mul3A_22 = arith.constant 4 : i32
    %mul3A_23 = arith.muli %mul3A_21, %mul3A_22 : i32
    "tpu.region"() ({
      %run_scoped3A = tpu.sem_alloc : memref<!tpu.dma_semaphore, #tpu.memory_space<semaphore_mem>>
      %dma_start3A_96 = arith.constant 0 : i32
      %dma_start3A_97 = tpu.memref_slice %arg3[%mul3A_23, %dma_start3A_96] : memref<25088x512xi32, #tpu.memory_space<hbm>> -> memref<8x512xi32, #tpu.memory_space<hbm>>
      %dma_start3A_98 = arith.constant 0 : i32
      %dma_start3A_99 = tpu.memref_slice %arg3[%mul3A_23, %dma_start3A_98] : memref<25088x512xi32, #tpu.memory_space<hbm>> -> memref<8x512xi32, #tpu.memory_space<hbm>>
      tpu.enqueue_dma source(%dma_start3A_99 : memref<8x512xi32, #tpu.memory_space<hbm>>) target(%arg6 : memref<8x512xi32, #tpu.memory_space<vmem>>) target_semaphore(%run_scoped3A : memref<!tpu.dma_semaphore, #tpu.memory_space<semaphore_mem>>)
      %dma_wait3A = arith.constant 0 : i32
      %dma_wait3A_100 = tpu.memref_slice %arg3[%mul3A_23, %dma_wait3A] : memref<25088x512xi32, #tpu.memory_space<hbm>> -> memref<8x512xi32, #tpu.memory_space<hbm>>
      %dma_wait3A_101 = arith.constant 0 : i32
      %dma_wait3A_102 = tpu.memref_slice %arg3[%mul3A_23, %dma_wait3A_101] : memref<25088x512xi32, #tpu.memory_space<hbm>> -> memref<8x512xi32, #tpu.memory_space<hbm>>
      tpu.wait_dma2 semaphore(%run_scoped3A : memref<!tpu.dma_semaphore, #tpu.memory_space<semaphore_mem>>) src(%dma_wait3A_102 : memref<8x512xi32, #tpu.memory_space<hbm>>) dst(%arg6 : memref<8x512xi32, #tpu.memory_space<vmem>>)
      tpu.yield
    }) : () -> ()
    %dma_start3A = arith.constant 0 : i32
    %dma_start3A_24 = arith.constant 0 : i32
    %dma_start3A_25 = arith.constant 0 : i32
    %dma_start3A_26 = arith.constant 0 : i32
    %dma_start3A_27 = tpu.memref_slice %arg8[%dma_start3A_24, %dma_start3A_25, %dma_start3A_26] : memref<4x512x8xf32, #tpu.memory_space<vmem>> -> memref<1x512x8xf32, #tpu.memory_space<vmem>>
    %dma_start3A_28 = tpu.memref_squeeze %dma_start3A_27 : memref<1x512x8xf32, #tpu.memory_space<vmem>> -> memref<512x8xf32, #tpu.memory_space<vmem>>
    %dma_start3A_29 = arith.constant 0 : i32
    %dma_start3A_30 = tpu.memref_slice %arg6[%dma_start3A, %dma_start3A_29] : memref<8x512xi32, #tpu.memory_space<vmem>> -> memref<1x512xi32, #tpu.memory_space<vmem>>
    %dma_start3A_31 = tpu.memref_squeeze %dma_start3A_30 : memref<1x512xi32, #tpu.memory_space<vmem>> -> memref<512xi32, #tpu.memory_space<vmem>>
    %dma_start3A_32 = arith.constant 0 : i32
    %dma_start3A_33 = arith.constant 0 : i32
    %dma_start3A_34 = tpu.memref_slice %arg2[%dma_start3A_32, %dma_start3A_33] : memref<100352x8xf32, #tpu.memory_space<hbm>> -> memref<100352x8xf32, #tpu.memory_space<hbm>>
    tpu.enqueue_indirect_dma source(%dma_start3A_34 : memref<100352x8xf32, #tpu.memory_space<hbm>>) target(%dma_start3A_28 : memref<512x8xf32, #tpu.memory_space<vmem>>) offsets(%dma_start3A_31 : memref<512xi32, #tpu.memory_space<vmem>>) semaphore(%arg11 : memref<!tpu.dma_semaphore, #tpu.memory_space<semaphore_mem>>)
    %dma_start3A_35 = arith.constant 1 : i32
    %dma_start3A_36 = arith.constant 1 : i32
    %dma_start3A_37 = arith.constant 0 : i32
    %dma_start3A_38 = arith.constant 0 : i32
    %dma_start3A_39 = tpu.memref_slice %arg8[%dma_start3A_36, %dma_start3A_37, %dma_start3A_38] : memref<4x512x8xf32, #tpu.memory_space<vmem>> -> memref<1x512x8xf32, #tpu.memory_space<vmem>>
    %dma_start3A_40 = tpu.memref_squeeze %dma_start3A_39 : memref<1x512x8xf32, #tpu.memory_space<vmem>> -> memref<512x8xf32, #tpu.memory_space<vmem>>
    %dma_start3A_41 = arith.constant 0 : i32
    %dma_start3A_42 = tpu.memref_slice %arg6[%dma_start3A_35, %dma_start3A_41] : memref<8x512xi32, #tpu.memory_space<vmem>> -> memref<1x512xi32, #tpu.memory_space<vmem>>
    %dma_start3A_43 = tpu.memref_squeeze %dma_start3A_42 : memref<1x512xi32, #tpu.memory_space<vmem>> -> memref<512xi32, #tpu.memory_space<vmem>>
    %dma_start3A_44 = arith.constant 0 : i32
    %dma_start3A_45 = arith.constant 0 : i32
    %dma_start3A_46 = tpu.memref_slice %arg2[%dma_start3A_44, %dma_start3A_45] : memref<100352x8xf32, #tpu.memory_space<hbm>> -> memref<100352x8xf32, #tpu.memory_space<hbm>>
    tpu.enqueue_indirect_dma source(%dma_start3A_46 : memref<100352x8xf32, #tpu.memory_space<hbm>>) target(%dma_start3A_40 : memref<512x8xf32, #tpu.memory_space<vmem>>) offsets(%dma_start3A_43 : memref<512xi32, #tpu.memory_space<vmem>>) semaphore(%arg11 : memref<!tpu.dma_semaphore, #tpu.memory_space<semaphore_mem>>)
    %dma_start3A_47 = arith.constant 2 : i32
    %dma_start3A_48 = arith.constant 2 : i32
    %dma_start3A_49 = arith.constant 0 : i32
    %dma_start3A_50 = arith.constant 0 : i32
    %dma_start3A_51 = tpu.memref_slice %arg8[%dma_start3A_48, %dma_start3A_49, %dma_start3A_50] : memref<4x512x8xf32, #tpu.memory_space<vmem>> -> memref<1x512x8xf32, #tpu.memory_space<vmem>>
    %dma_start3A_52 = tpu.memref_squeeze %dma_start3A_51 : memref<1x512x8xf32, #tpu.memory_space<vmem>> -> memref<512x8xf32, #tpu.memory_space<vmem>>
    %dma_start3A_53 = arith.constant 0 : i32
    %dma_start3A_54 = tpu.memref_slice %arg6[%dma_start3A_47, %dma_start3A_53] : memref<8x512xi32, #tpu.memory_space<vmem>> -> memref<1x512xi32, #tpu.memory_space<vmem>>
    %dma_start3A_55 = tpu.memref_squeeze %dma_start3A_54 : memref<1x512xi32, #tpu.memory_space<vmem>> -> memref<512xi32, #tpu.memory_space<vmem>>
    %dma_start3A_56 = arith.constant 0 : i32
    %dma_start3A_57 = arith.constant 0 : i32
    %dma_start3A_58 = tpu.memref_slice %arg2[%dma_start3A_56, %dma_start3A_57] : memref<100352x8xf32, #tpu.memory_space<hbm>> -> memref<100352x8xf32, #tpu.memory_space<hbm>>
    tpu.enqueue_indirect_dma source(%dma_start3A_58 : memref<100352x8xf32, #tpu.memory_space<hbm>>) target(%dma_start3A_52 : memref<512x8xf32, #tpu.memory_space<vmem>>) offsets(%dma_start3A_55 : memref<512xi32, #tpu.memory_space<vmem>>) semaphore(%arg11 : memref<!tpu.dma_semaphore, #tpu.memory_space<semaphore_mem>>)
    %dma_start3A_59 = arith.constant 3 : i32
    %dma_start3A_60 = arith.constant 3 : i32
    %dma_start3A_61 = arith.constant 0 : i32
    %dma_start3A_62 = arith.constant 0 : i32
    %dma_start3A_63 = tpu.memref_slice %arg8[%dma_start3A_60, %dma_start3A_61, %dma_start3A_62] : memref<4x512x8xf32, #tpu.memory_space<vmem>> -> memref<1x512x8xf32, #tpu.memory_space<vmem>>
    %dma_start3A_64 = tpu.memref_squeeze %dma_start3A_63 : memref<1x512x8xf32, #tpu.memory_space<vmem>> -> memref<512x8xf32, #tpu.memory_space<vmem>>
    %dma_start3A_65 = arith.constant 0 : i32
    %dma_start3A_66 = tpu.memref_slice %arg6[%dma_start3A_59, %dma_start3A_65] : memref<8x512xi32, #tpu.memory_space<vmem>> -> memref<1x512xi32, #tpu.memory_space<vmem>>
    %dma_start3A_67 = tpu.memref_squeeze %dma_start3A_66 : memref<1x512xi32, #tpu.memory_space<vmem>> -> memref<512xi32, #tpu.memory_space<vmem>>
    %dma_start3A_68 = arith.constant 0 : i32
    %dma_start3A_69 = arith.constant 0 : i32
    %dma_start3A_70 = tpu.memref_slice %arg2[%dma_start3A_68, %dma_start3A_69] : memref<100352x8xf32, #tpu.memory_space<hbm>> -> memref<100352x8xf32, #tpu.memory_space<hbm>>
    tpu.enqueue_indirect_dma source(%dma_start3A_70 : memref<100352x8xf32, #tpu.memory_space<hbm>>) target(%dma_start3A_64 : memref<512x8xf32, #tpu.memory_space<vmem>>) offsets(%dma_start3A_67 : memref<512xi32, #tpu.memory_space<vmem>>) semaphore(%arg11 : memref<!tpu.dma_semaphore, #tpu.memory_space<semaphore_mem>>)
    %scan3A_71 = arith.constant 0 : i32
    %scan3A_72 = arith.constant 49 : i32
    %scan3A_73 = arith.addi %scan3A_71, %scan3A_72 : i32
    %scan3A_74 = arith.constant 1 : i32
    scf.for %scan3A_96 = %scan3A_71 to %scan3A_73 step %scan3A_74  : i32 {
      %mul3A_97 = arith.constant 1 : i32
      %mul3A_98 = arith.muli %scan3A_96, %mul3A_97 : i32
      %add3A_99 = arith.constant 0 : i32
      %add3A_100 = arith.addi %add3A_99, %mul3A_98 : i32
      %mul3A_101 = arith.constant 2 : i32
      %mul3A_102 = arith.muli %mul3A_101, %add3A_100 : i32
      %add3A_103 = arith.constant 1 : i32
      %add3A_104 = arith.addi %mul3A_102, %add3A_103 : i32
      %add3A_105 = arith.addi %mul3A_17, %add3A_104 : i32
      %mul3A_106 = arith.constant 2 : i32
      %mul3A_107 = arith.muli %add3A_105, %mul3A_106 : i32
      %mul3A_108 = arith.constant 4 : i32
      %mul3A_109 = arith.muli %mul3A_107, %mul3A_108 : i32
      "tpu.region"() ({
        %run_scoped3A = tpu.sem_alloc : memref<!tpu.dma_semaphore, #tpu.memory_space<semaphore_mem>>
        %dma_start3A_447 = arith.constant 0 : i32
        %dma_start3A_448 = tpu.memref_slice %arg3[%mul3A_109, %dma_start3A_447] : memref<25088x512xi32, #tpu.memory_space<hbm>> -> memref<8x512xi32, #tpu.memory_space<hbm>>
        %dma_start3A_449 = arith.constant 0 : i32
        %dma_start3A_450 = tpu.memref_slice %arg3[%mul3A_109, %dma_start3A_449] : memref<25088x512xi32, #tpu.memory_space<hbm>> -> memref<8x512xi32, #tpu.memory_space<hbm>>
        tpu.enqueue_dma source(%dma_start3A_450 : memref<8x512xi32, #tpu.memory_space<hbm>>) target(%arg7 : memref<8x512xi32, #tpu.memory_space<vmem>>) target_semaphore(%run_scoped3A : memref<!tpu.dma_semaphore, #tpu.memory_space<semaphore_mem>>)
        %dma_wait3A_451 = arith.constant 0 : i32
        %dma_wait3A_452 = tpu.memref_slice %arg3[%mul3A_109, %dma_wait3A_451] : memref<25088x512xi32, #tpu.memory_space<hbm>> -> memref<8x512xi32, #tpu.memory_space<hbm>>
        %dma_wait3A_453 = arith.constant 0 : i32
        %dma_wait3A_454 = tpu.memref_slice %arg3[%mul3A_109, %dma_wait3A_453] : memref<25088x512xi32, #tpu.memory_space<hbm>> -> memref<8x512xi32, #tpu.memory_space<hbm>>
        tpu.wait_dma2 semaphore(%run_scoped3A : memref<!tpu.dma_semaphore, #tpu.memory_space<semaphore_mem>>) src(%dma_wait3A_454 : memref<8x512xi32, #tpu.memory_space<hbm>>) dst(%arg7 : memref<8x512xi32, #tpu.memory_space<vmem>>)
        tpu.yield
      }) : () -> ()
      %dma_start3A_110 = arith.constant 0 : i32
      %dma_start3A_111 = arith.constant 0 : i32
      %dma_start3A_112 = arith.constant 0 : i32
      %dma_start3A_113 = arith.constant 0 : i32
      %dma_start3A_114 = tpu.memref_slice %arg9[%dma_start3A_111, %dma_start3A_112, %dma_start3A_113] : memref<4x512x8xf32, #tpu.memory_space<vmem>> -> memref<1x512x8xf32, #tpu.memory_space<vmem>>
      %dma_start3A_115 = tpu.memref_squeeze %dma_start3A_114 : memref<1x512x8xf32, #tpu.memory_space<vmem>> -> memref<512x8xf32, #tpu.memory_space<vmem>>
      %dma_start3A_116 = arith.constant 0 : i32
      %dma_start3A_117 = tpu.memref_slice %arg7[%dma_start3A_110, %dma_start3A_116] : memref<8x512xi32, #tpu.memory_space<vmem>> -> memref<1x512xi32, #tpu.memory_space<vmem>>
      %dma_start3A_118 = tpu.memref_squeeze %dma_start3A_117 : memref<1x512xi32, #tpu.memory_space<vmem>> -> memref<512xi32, #tpu.memory_space<vmem>>
      %dma_start3A_119 = arith.constant 0 : i32
      %dma_start3A_120 = arith.constant 0 : i32
      %dma_start3A_121 = tpu.memref_slice %arg2[%dma_start3A_119, %dma_start3A_120] : memref<100352x8xf32, #tpu.memory_space<hbm>> -> memref<100352x8xf32, #tpu.memory_space<hbm>>
      tpu.enqueue_indirect_dma source(%dma_start3A_121 : memref<100352x8xf32, #tpu.memory_space<hbm>>) target(%dma_start3A_115 : memref<512x8xf32, #tpu.memory_space<vmem>>) offsets(%dma_start3A_118 : memref<512xi32, #tpu.memory_space<vmem>>) semaphore(%arg12 : memref<!tpu.dma_semaphore, #tpu.memory_space<semaphore_mem>>)
      %dma_start3A_122 = arith.constant 1 : i32
      %dma_start3A_123 = arith.constant 1 : i32
      %dma_start3A_124 = arith.constant 0 : i32
      %dma_start3A_125 = arith.constant 0 : i32
      %dma_start3A_126 = tpu.memref_slice %arg9[%dma_start3A_123, %dma_start3A_124, %dma_start3A_125] : memref<4x512x8xf32, #tpu.memory_space<vmem>> -> memref<1x512x8xf32, #tpu.memory_space<vmem>>
      %dma_start3A_127 = tpu.memref_squeeze %dma_start3A_126 : memref<1x512x8xf32, #tpu.memory_space<vmem>> -> memref<512x8xf32, #tpu.memory_space<vmem>>
      %dma_start3A_128 = arith.constant 0 : i32
      %dma_start3A_129 = tpu.memref_slice %arg7[%dma_start3A_122, %dma_start3A_128] : memref<8x512xi32, #tpu.memory_space<vmem>> -> memref<1x512xi32, #tpu.memory_space<vmem>>
      %dma_start3A_130 = tpu.memref_squeeze %dma_start3A_129 : memref<1x512xi32, #tpu.memory_space<vmem>> -> memref<512xi32, #tpu.memory_space<vmem>>
      %dma_start3A_131 = arith.constant 0 : i32
      %dma_start3A_132 = arith.constant 0 : i32
      %dma_start3A_133 = tpu.memref_slice %arg2[%dma_start3A_131, %dma_start3A_132] : memref<100352x8xf32, #tpu.memory_space<hbm>> -> memref<100352x8xf32, #tpu.memory_space<hbm>>
      tpu.enqueue_indirect_dma source(%dma_start3A_133 : memref<100352x8xf32, #tpu.memory_space<hbm>>) target(%dma_start3A_127 : memref<512x8xf32, #tpu.memory_space<vmem>>) offsets(%dma_start3A_130 : memref<512xi32, #tpu.memory_space<vmem>>) semaphore(%arg12 : memref<!tpu.dma_semaphore, #tpu.memory_space<semaphore_mem>>)
      %dma_start3A_134 = arith.constant 2 : i32
      %dma_start3A_135 = arith.constant 2 : i32
      %dma_start3A_136 = arith.constant 0 : i32
      %dma_start3A_137 = arith.constant 0 : i32
      %dma_start3A_138 = tpu.memref_slice %arg9[%dma_start3A_135, %dma_start3A_136, %dma_start3A_137] : memref<4x512x8xf32, #tpu.memory_space<vmem>> -> memref<1x512x8xf32, #tpu.memory_space<vmem>>
      %dma_start3A_139 = tpu.memref_squeeze %dma_start3A_138 : memref<1x512x8xf32, #tpu.memory_space<vmem>> -> memref<512x8xf32, #tpu.memory_space<vmem>>
      %dma_start3A_140 = arith.constant 0 : i32
      %dma_start3A_141 = tpu.memref_slice %arg7[%dma_start3A_134, %dma_start3A_140] : memref<8x512xi32, #tpu.memory_space<vmem>> -> memref<1x512xi32, #tpu.memory_space<vmem>>
      %dma_start3A_142 = tpu.memref_squeeze %dma_start3A_141 : memref<1x512xi32, #tpu.memory_space<vmem>> -> memref<512xi32, #tpu.memory_space<vmem>>
      %dma_start3A_143 = arith.constant 0 : i32
      %dma_start3A_144 = arith.constant 0 : i32
      %dma_start3A_145 = tpu.memref_slice %arg2[%dma_start3A_143, %dma_start3A_144] : memref<100352x8xf32, #tpu.memory_space<hbm>> -> memref<100352x8xf32, #tpu.memory_space<hbm>>
      tpu.enqueue_indirect_dma source(%dma_start3A_145 : memref<100352x8xf32, #tpu.memory_space<hbm>>) target(%dma_start3A_139 : memref<512x8xf32, #tpu.memory_space<vmem>>) offsets(%dma_start3A_142 : memref<512xi32, #tpu.memory_space<vmem>>) semaphore(%arg12 : memref<!tpu.dma_semaphore, #tpu.memory_space<semaphore_mem>>)
      %dma_start3A_146 = arith.constant 3 : i32
      %dma_start3A_147 = arith.constant 3 : i32
      %dma_start3A_148 = arith.constant 0 : i32
      %dma_start3A_149 = arith.constant 0 : i32
      %dma_start3A_150 = tpu.memref_slice %arg9[%dma_start3A_147, %dma_start3A_148, %dma_start3A_149] : memref<4x512x8xf32, #tpu.memory_space<vmem>> -> memref<1x512x8xf32, #tpu.memory_space<vmem>>
      %dma_start3A_151 = tpu.memref_squeeze %dma_start3A_150 : memref<1x512x8xf32, #tpu.memory_space<vmem>> -> memref<512x8xf32, #tpu.memory_space<vmem>>
      %dma_start3A_152 = arith.constant 0 : i32
      %dma_start3A_153 = tpu.memref_slice %arg7[%dma_start3A_146, %dma_start3A_152] : memref<8x512xi32, #tpu.memory_space<vmem>> -> memref<1x512xi32, #tpu.memory_space<vmem>>
      %dma_start3A_154 = tpu.memref_squeeze %dma_start3A_153 : memref<1x512xi32, #tpu.memory_space<vmem>> -> memref<512xi32, #tpu.memory_space<vmem>>
      %dma_start3A_155 = arith.constant 0 : i32
      %dma_start3A_156 = arith.constant 0 : i32
      %dma_start3A_157 = tpu.memref_slice %arg2[%dma_start3A_155, %dma_start3A_156] : memref<100352x8xf32, #tpu.memory_space<hbm>> -> memref<100352x8xf32, #tpu.memory_space<hbm>>
      tpu.enqueue_indirect_dma source(%dma_start3A_157 : memref<100352x8xf32, #tpu.memory_space<hbm>>) target(%dma_start3A_151 : memref<512x8xf32, #tpu.memory_space<vmem>>) offsets(%dma_start3A_154 : memref<512xi32, #tpu.memory_space<vmem>>) semaphore(%arg12 : memref<!tpu.dma_semaphore, #tpu.memory_space<semaphore_mem>>)
      %dma_wait3A = arith.constant 0 : i32
      %dma_wait3A_158 = arith.constant 0 : i32
      %dma_wait3A_159 = arith.constant 0 : i32
      %dma_wait3A_160 = arith.constant 0 : i32
      %dma_wait3A_161 = tpu.memref_slice %arg8[%dma_wait3A_158, %dma_wait3A_159, %dma_wait3A_160] : memref<4x512x8xf32, #tpu.memory_space<vmem>> -> memref<1x512x8xf32, #tpu.memory_space<vmem>>
      %dma_wait3A_162 = tpu.memref_squeeze %dma_wait3A_161 : memref<1x512x8xf32, #tpu.memory_space<vmem>> -> memref<512x8xf32, #tpu.memory_space<vmem>>
      %dma_wait3A_163 = arith.constant 0 : i32
      %dma_wait3A_164 = tpu.memref_slice %arg6[%dma_wait3A, %dma_wait3A_163] : memref<8x512xi32, #tpu.memory_space<vmem>> -> memref<1x512xi32, #tpu.memory_space<vmem>>
      %dma_wait3A_165 = tpu.memref_squeeze %dma_wait3A_164 : memref<1x512xi32, #tpu.memory_space<vmem>> -> memref<512xi32, #tpu.memory_space<vmem>>
      %dma_wait3A_166 = arith.constant 0 : i32
      %dma_wait3A_167 = arith.constant 0 : i32
      %dma_wait3A_168 = tpu.memref_slice %arg2[%dma_wait3A_166, %dma_wait3A_167] : memref<100352x8xf32, #tpu.memory_space<hbm>> -> memref<100352x8xf32, #tpu.memory_space<hbm>>
      tpu.wait_indirect_dma semaphore(%arg11 : memref<!tpu.dma_semaphore, #tpu.memory_space<semaphore_mem>>) src(%dma_wait3A_168 : memref<100352x8xf32, #tpu.memory_space<hbm>>) dst(%dma_wait3A_162 : memref<512x8xf32, #tpu.memory_space<vmem>>)
      %dma_wait3A_169 = arith.constant 1 : i32
      %dma_wait3A_170 = arith.constant 1 : i32
      %dma_wait3A_171 = arith.constant 0 : i32
      %dma_wait3A_172 = arith.constant 0 : i32
      %dma_wait3A_173 = tpu.memref_slice %arg8[%dma_wait3A_170, %dma_wait3A_171, %dma_wait3A_172] : memref<4x512x8xf32, #tpu.memory_space<vmem>> -> memref<1x512x8xf32, #tpu.memory_space<vmem>>
      %dma_wait3A_174 = tpu.memref_squeeze %dma_wait3A_173 : memref<1x512x8xf32, #tpu.memory_space<vmem>> -> memref<512x8xf32, #tpu.memory_space<vmem>>
      %dma_wait3A_175 = arith.constant 0 : i32
      %dma_wait3A_176 = tpu.memref_slice %arg6[%dma_wait3A_169, %dma_wait3A_175] : memref<8x512xi32, #tpu.memory_space<vmem>> -> memref<1x512xi32, #tpu.memory_space<vmem>>
      %dma_wait3A_177 = tpu.memref_squeeze %dma_wait3A_176 : memref<1x512xi32, #tpu.memory_space<vmem>> -> memref<512xi32, #tpu.memory_space<vmem>>
      %dma_wait3A_178 = arith.constant 0 : i32
      %dma_wait3A_179 = arith.constant 0 : i32
      %dma_wait3A_180 = tpu.memref_slice %arg2[%dma_wait3A_178, %dma_wait3A_179] : memref<100352x8xf32, #tpu.memory_space<hbm>> -> memref<100352x8xf32, #tpu.memory_space<hbm>>
      tpu.wait_indirect_dma semaphore(%arg11 : memref<!tpu.dma_semaphore, #tpu.memory_space<semaphore_mem>>) src(%dma_wait3A_180 : memref<100352x8xf32, #tpu.memory_space<hbm>>) dst(%dma_wait3A_174 : memref<512x8xf32, #tpu.memory_space<vmem>>)
      %dma_wait3A_181 = arith.constant 2 : i32
      %dma_wait3A_182 = arith.constant 2 : i32
      %dma_wait3A_183 = arith.constant 0 : i32
      %dma_wait3A_184 = arith.constant 0 : i32
      %dma_wait3A_185 = tpu.memref_slice %arg8[%dma_wait3A_182, %dma_wait3A_183, %dma_wait3A_184] : memref<4x512x8xf32, #tpu.memory_space<vmem>> -> memref<1x512x8xf32, #tpu.memory_space<vmem>>
      %dma_wait3A_186 = tpu.memref_squeeze %dma_wait3A_185 : memref<1x512x8xf32, #tpu.memory_space<vmem>> -> memref<512x8xf32, #tpu.memory_space<vmem>>
      %dma_wait3A_187 = arith.constant 0 : i32
      %dma_wait3A_188 = tpu.memref_slice %arg6[%dma_wait3A_181, %dma_wait3A_187] : memref<8x512xi32, #tpu.memory_space<vmem>> -> memref<1x512xi32, #tpu.memory_space<vmem>>
      %dma_wait3A_189 = tpu.memref_squeeze %dma_wait3A_188 : memref<1x512xi32, #tpu.memory_space<vmem>> -> memref<512xi32, #tpu.memory_space<vmem>>
      %dma_wait3A_190 = arith.constant 0 : i32
      %dma_wait3A_191 = arith.constant 0 : i32
      %dma_wait3A_192 = tpu.memref_slice %arg2[%dma_wait3A_190, %dma_wait3A_191] : memref<100352x8xf32, #tpu.memory_space<hbm>> -> memref<100352x8xf32, #tpu.memory_space<hbm>>
      tpu.wait_indirect_dma semaphore(%arg11 : memref<!tpu.dma_semaphore, #tpu.memory_space<semaphore_mem>>) src(%dma_wait3A_192 : memref<100352x8xf32, #tpu.memory_space<hbm>>) dst(%dma_wait3A_186 : memref<512x8xf32, #tpu.memory_space<vmem>>)
      %dma_wait3A_193 = arith.constant 3 : i32
      %dma_wait3A_194 = arith.constant 3 : i32
      %dma_wait3A_195 = arith.constant 0 : i32
      %dma_wait3A_196 = arith.constant 0 : i32
      %dma_wait3A_197 = tpu.memref_slice %arg8[%dma_wait3A_194, %dma_wait3A_195, %dma_wait3A_196] : memref<4x512x8xf32, #tpu.memory_space<vmem>> -> memref<1x512x8xf32, #tpu.memory_space<vmem>>
      %dma_wait3A_198 = tpu.memref_squeeze %dma_wait3A_197 : memref<1x512x8xf32, #tpu.memory_space<vmem>> -> memref<512x8xf32, #tpu.memory_space<vmem>>
      %dma_wait3A_199 = arith.constant 0 : i32
      %dma_wait3A_200 = tpu.memref_slice %arg6[%dma_wait3A_193, %dma_wait3A_199] : memref<8x512xi32, #tpu.memory_space<vmem>> -> memref<1x512xi32, #tpu.memory_space<vmem>>
      %dma_wait3A_201 = tpu.memref_squeeze %dma_wait3A_200 : memref<1x512xi32, #tpu.memory_space<vmem>> -> memref<512xi32, #tpu.memory_space<vmem>>
      %dma_wait3A_202 = arith.constant 0 : i32
      %dma_wait3A_203 = arith.constant 0 : i32
      %dma_wait3A_204 = tpu.memref_slice %arg2[%dma_wait3A_202, %dma_wait3A_203] : memref<100352x8xf32, #tpu.memory_space<hbm>> -> memref<100352x8xf32, #tpu.memory_space<hbm>>
      tpu.wait_indirect_dma semaphore(%arg11 : memref<!tpu.dma_semaphore, #tpu.memory_space<semaphore_mem>>) src(%dma_wait3A_204 : memref<100352x8xf32, #tpu.memory_space<hbm>>) dst(%dma_wait3A_198 : memref<512x8xf32, #tpu.memory_space<vmem>>)
      %dma_start3A_205 = arith.constant 0 : i32
      %dma_start3A_206 = arith.constant 4 : i32
      %dma_start3A_207 = arith.constant 0 : i32
      %dma_start3A_208 = arith.constant 0 : i32
      %dma_start3A_209 = tpu.memref_slice %arg8[%dma_start3A_205, %dma_start3A_207, %dma_start3A_208] : memref<4x512x8xf32, #tpu.memory_space<vmem>> -> memref<1x512x8xf32, #tpu.memory_space<vmem>>
      %dma_start3A_210 = tpu.memref_squeeze %dma_start3A_209 : memref<1x512x8xf32, #tpu.memory_space<vmem>> -> memref<512x8xf32, #tpu.memory_space<vmem>>
      %dma_start3A_211 = arith.constant 0 : i32
      %dma_start3A_212 = tpu.memref_slice %arg6[%dma_start3A_206, %dma_start3A_211] : memref<8x512xi32, #tpu.memory_space<vmem>> -> memref<1x512xi32, #tpu.memory_space<vmem>>
      %dma_start3A_213 = tpu.memref_squeeze %dma_start3A_212 : memref<1x512xi32, #tpu.memory_space<vmem>> -> memref<512xi32, #tpu.memory_space<vmem>>
      %dma_start3A_214 = arith.constant 0 : i32
      %dma_start3A_215 = arith.constant 0 : i32
      %dma_start3A_216 = tpu.memref_slice %arg5[%dma_start3A_214, %dma_start3A_215] : memref<100352x8xf32, #tpu.memory_space<vmem_shared>> -> memref<100352x8xf32, #tpu.memory_space<vmem_shared>>
      tpu.enqueue_indirect_dma source(%dma_start3A_210 : memref<512x8xf32, #tpu.memory_space<vmem>>) target(%dma_start3A_216 : memref<100352x8xf32, #tpu.memory_space<vmem_shared>>) offsets(%dma_start3A_213 : memref<512xi32, #tpu.memory_space<vmem>>) semaphore(%arg11 : memref<!tpu.dma_semaphore, #tpu.memory_space<semaphore_mem>>) {add = true}
      %dma_start3A_217 = arith.constant 1 : i32
      %dma_start3A_218 = arith.constant 5 : i32
      %dma_start3A_219 = arith.constant 0 : i32
      %dma_start3A_220 = arith.constant 0 : i32
      %dma_start3A_221 = tpu.memref_slice %arg8[%dma_start3A_217, %dma_start3A_219, %dma_start3A_220] : memref<4x512x8xf32, #tpu.memory_space<vmem>> -> memref<1x512x8xf32, #tpu.memory_space<vmem>>
      %dma_start3A_222 = tpu.memref_squeeze %dma_start3A_221 : memref<1x512x8xf32, #tpu.memory_space<vmem>> -> memref<512x8xf32, #tpu.memory_space<vmem>>
      %dma_start3A_223 = arith.constant 0 : i32
      %dma_start3A_224 = tpu.memref_slice %arg6[%dma_start3A_218, %dma_start3A_223] : memref<8x512xi32, #tpu.memory_space<vmem>> -> memref<1x512xi32, #tpu.memory_space<vmem>>
      %dma_start3A_225 = tpu.memref_squeeze %dma_start3A_224 : memref<1x512xi32, #tpu.memory_space<vmem>> -> memref<512xi32, #tpu.memory_space<vmem>>
      %dma_start3A_226 = arith.constant 0 : i32
      %dma_start3A_227 = arith.constant 0 : i32
      %dma_start3A_228 = tpu.memref_slice %arg5[%dma_start3A_226, %dma_start3A_227] : memref<100352x8xf32, #tpu.memory_space<vmem_shared>> -> memref<100352x8xf32, #tpu.memory_space<vmem_shared>>
      tpu.enqueue_indirect_dma source(%dma_start3A_222 : memref<512x8xf32, #tpu.memory_space<vmem>>) target(%dma_start3A_228 : memref<100352x8xf32, #tpu.memory_space<vmem_shared>>) offsets(%dma_start3A_225 : memref<512xi32, #tpu.memory_space<vmem>>) semaphore(%arg11 : memref<!tpu.dma_semaphore, #tpu.memory_space<semaphore_mem>>) {add = true}
      %dma_start3A_229 = arith.constant 2 : i32
      %dma_start3A_230 = arith.constant 6 : i32
      %dma_start3A_231 = arith.constant 0 : i32
      %dma_start3A_232 = arith.constant 0 : i32
      %dma_start3A_233 = tpu.memref_slice %arg8[%dma_start3A_229, %dma_start3A_231, %dma_start3A_232] : memref<4x512x8xf32, #tpu.memory_space<vmem>> -> memref<1x512x8xf32, #tpu.memory_space<vmem>>
      %dma_start3A_234 = tpu.memref_squeeze %dma_start3A_233 : memref<1x512x8xf32, #tpu.memory_space<vmem>> -> memref<512x8xf32, #tpu.memory_space<vmem>>
      %dma_start3A_235 = arith.constant 0 : i32
      %dma_start3A_236 = tpu.memref_slice %arg6[%dma_start3A_230, %dma_start3A_235] : memref<8x512xi32, #tpu.memory_space<vmem>> -> memref<1x512xi32, #tpu.memory_space<vmem>>
      %dma_start3A_237 = tpu.memref_squeeze %dma_start3A_236 : memref<1x512xi32, #tpu.memory_space<vmem>> -> memref<512xi32, #tpu.memory_space<vmem>>
      %dma_start3A_238 = arith.constant 0 : i32
      %dma_start3A_239 = arith.constant 0 : i32
      %dma_start3A_240 = tpu.memref_slice %arg5[%dma_start3A_238, %dma_start3A_239] : memref<100352x8xf32, #tpu.memory_space<vmem_shared>> -> memref<100352x8xf32, #tpu.memory_space<vmem_shared>>
      tpu.enqueue_indirect_dma source(%dma_start3A_234 : memref<512x8xf32, #tpu.memory_space<vmem>>) target(%dma_start3A_240 : memref<100352x8xf32, #tpu.memory_space<vmem_shared>>) offsets(%dma_start3A_237 : memref<512xi32, #tpu.memory_space<vmem>>) semaphore(%arg11 : memref<!tpu.dma_semaphore, #tpu.memory_space<semaphore_mem>>) {add = true}
      %dma_start3A_241 = arith.constant 3 : i32
      %dma_start3A_242 = arith.constant 7 : i32
      %dma_start3A_243 = arith.constant 0 : i32
      %dma_start3A_244 = arith.constant 0 : i32
      %dma_start3A_245 = tpu.memref_slice %arg8[%dma_start3A_241, %dma_start3A_243, %dma_start3A_244] : memref<4x512x8xf32, #tpu.memory_space<vmem>> -> memref<1x512x8xf32, #tpu.memory_space<vmem>>
      %dma_start3A_246 = tpu.memref_squeeze %dma_start3A_245 : memref<1x512x8xf32, #tpu.memory_space<vmem>> -> memref<512x8xf32, #tpu.memory_space<vmem>>
      %dma_start3A_247 = arith.constant 0 : i32
      %dma_start3A_248 = tpu.memref_slice %arg6[%dma_start3A_242, %dma_start3A_247] : memref<8x512xi32, #tpu.memory_space<vmem>> -> memref<1x512xi32, #tpu.memory_space<vmem>>
      %dma_start3A_249 = tpu.memref_squeeze %dma_start3A_248 : memref<1x512xi32, #tpu.memory_space<vmem>> -> memref<512xi32, #tpu.memory_space<vmem>>
      %dma_start3A_250 = arith.constant 0 : i32
      %dma_start3A_251 = arith.constant 0 : i32
      %dma_start3A_252 = tpu.memref_slice %arg5[%dma_start3A_250, %dma_start3A_251] : memref<100352x8xf32, #tpu.memory_space<vmem_shared>> -> memref<100352x8xf32, #tpu.memory_space<vmem_shared>>
      tpu.enqueue_indirect_dma source(%dma_start3A_246 : memref<512x8xf32, #tpu.memory_space<vmem>>) target(%dma_start3A_252 : memref<100352x8xf32, #tpu.memory_space<vmem_shared>>) offsets(%dma_start3A_249 : memref<512xi32, #tpu.memory_space<vmem>>) semaphore(%arg11 : memref<!tpu.dma_semaphore, #tpu.memory_space<semaphore_mem>>) {add = true}
      %dma_wait3A_253 = arith.constant 0 : i32
      %dma_wait3A_254 = arith.constant 4 : i32
      %dma_wait3A_255 = arith.constant 0 : i32
      %dma_wait3A_256 = arith.constant 0 : i32
      %dma_wait3A_257 = tpu.memref_slice %arg8[%dma_wait3A_253, %dma_wait3A_255, %dma_wait3A_256] : memref<4x512x8xf32, #tpu.memory_space<vmem>> -> memref<1x512x8xf32, #tpu.memory_space<vmem>>
      %dma_wait3A_258 = tpu.memref_squeeze %dma_wait3A_257 : memref<1x512x8xf32, #tpu.memory_space<vmem>> -> memref<512x8xf32, #tpu.memory_space<vmem>>
      %dma_wait3A_259 = arith.constant 0 : i32
      %dma_wait3A_260 = tpu.memref_slice %arg6[%dma_wait3A_254, %dma_wait3A_259] : memref<8x512xi32, #tpu.memory_space<vmem>> -> memref<1x512xi32, #tpu.memory_space<vmem>>
      %dma_wait3A_261 = tpu.memref_squeeze %dma_wait3A_260 : memref<1x512xi32, #tpu.memory_space<vmem>> -> memref<512xi32, #tpu.memory_space<vmem>>
      %dma_wait3A_262 = arith.constant 0 : i32
      %dma_wait3A_263 = arith.constant 0 : i32
      %dma_wait3A_264 = tpu.memref_slice %arg5[%dma_wait3A_262, %dma_wait3A_263] : memref<100352x8xf32, #tpu.memory_space<vmem_shared>> -> memref<100352x8xf32, #tpu.memory_space<vmem_shared>>
      tpu.wait_indirect_dma semaphore(%arg11 : memref<!tpu.dma_semaphore, #tpu.memory_space<semaphore_mem>>) src(%dma_wait3A_258 : memref<512x8xf32, #tpu.memory_space<vmem>>) dst(%dma_wait3A_264 : memref<100352x8xf32, #tpu.memory_space<vmem_shared>>)
      %dma_wait3A_265 = arith.constant 1 : i32
      %dma_wait3A_266 = arith.constant 5 : i32
      %dma_wait3A_267 = arith.constant 0 : i32
      %dma_wait3A_268 = arith.constant 0 : i32
      %dma_wait3A_269 = tpu.memref_slice %arg8[%dma_wait3A_265, %dma_wait3A_267, %dma_wait3A_268] : memref<4x512x8xf32, #tpu.memory_space<vmem>> -> memref<1x512x8xf32, #tpu.memory_space<vmem>>
      %dma_wait3A_270 = tpu.memref_squeeze %dma_wait3A_269 : memref<1x512x8xf32, #tpu.memory_space<vmem>> -> memref<512x8xf32, #tpu.memory_space<vmem>>
      %dma_wait3A_271 = arith.constant 0 : i32
      %dma_wait3A_272 = tpu.memref_slice %arg6[%dma_wait3A_266, %dma_wait3A_271] : memref<8x512xi32, #tpu.memory_space<vmem>> -> memref<1x512xi32, #tpu.memory_space<vmem>>
      %dma_wait3A_273 = tpu.memref_squeeze %dma_wait3A_272 : memref<1x512xi32, #tpu.memory_space<vmem>> -> memref<512xi32, #tpu.memory_space<vmem>>
      %dma_wait3A_274 = arith.constant 0 : i32
      %dma_wait3A_275 = arith.constant 0 : i32
      %dma_wait3A_276 = tpu.memref_slice %arg5[%dma_wait3A_274, %dma_wait3A_275] : memref<100352x8xf32, #tpu.memory_space<vmem_shared>> -> memref<100352x8xf32, #tpu.memory_space<vmem_shared>>
      tpu.wait_indirect_dma semaphore(%arg11 : memref<!tpu.dma_semaphore, #tpu.memory_space<semaphore_mem>>) src(%dma_wait3A_270 : memref<512x8xf32, #tpu.memory_space<vmem>>) dst(%dma_wait3A_276 : memref<100352x8xf32, #tpu.memory_space<vmem_shared>>)
      %dma_wait3A_277 = arith.constant 2 : i32
      %dma_wait3A_278 = arith.constant 6 : i32
      %dma_wait3A_279 = arith.constant 0 : i32
      %dma_wait3A_280 = arith.constant 0 : i32
      %dma_wait3A_281 = tpu.memref_slice %arg8[%dma_wait3A_277, %dma_wait3A_279, %dma_wait3A_280] : memref<4x512x8xf32, #tpu.memory_space<vmem>> -> memref<1x512x8xf32, #tpu.memory_space<vmem>>
      %dma_wait3A_282 = tpu.memref_squeeze %dma_wait3A_281 : memref<1x512x8xf32, #tpu.memory_space<vmem>> -> memref<512x8xf32, #tpu.memory_space<vmem>>
      %dma_wait3A_283 = arith.constant 0 : i32
      %dma_wait3A_284 = tpu.memref_slice %arg6[%dma_wait3A_278, %dma_wait3A_283] : memref<8x512xi32, #tpu.memory_space<vmem>> -> memref<1x512xi32, #tpu.memory_space<vmem>>
      %dma_wait3A_285 = tpu.memref_squeeze %dma_wait3A_284 : memref<1x512xi32, #tpu.memory_space<vmem>> -> memref<512xi32, #tpu.memory_space<vmem>>
      %dma_wait3A_286 = arith.constant 0 : i32
      %dma_wait3A_287 = arith.constant 0 : i32
      %dma_wait3A_288 = tpu.memref_slice %arg5[%dma_wait3A_286, %dma_wait3A_287] : memref<100352x8xf32, #tpu.memory_space<vmem_shared>> -> memref<100352x8xf32, #tpu.memory_space<vmem_shared>>
      tpu.wait_indirect_dma semaphore(%arg11 : memref<!tpu.dma_semaphore, #tpu.memory_space<semaphore_mem>>) src(%dma_wait3A_282 : memref<512x8xf32, #tpu.memory_space<vmem>>) dst(%dma_wait3A_288 : memref<100352x8xf32, #tpu.memory_space<vmem_shared>>)
      %dma_wait3A_289 = arith.constant 3 : i32
      %dma_wait3A_290 = arith.constant 7 : i32
      %dma_wait3A_291 = arith.constant 0 : i32
      %dma_wait3A_292 = arith.constant 0 : i32
      %dma_wait3A_293 = tpu.memref_slice %arg8[%dma_wait3A_289, %dma_wait3A_291, %dma_wait3A_292] : memref<4x512x8xf32, #tpu.memory_space<vmem>> -> memref<1x512x8xf32, #tpu.memory_space<vmem>>
      %dma_wait3A_294 = tpu.memref_squeeze %dma_wait3A_293 : memref<1x512x8xf32, #tpu.memory_space<vmem>> -> memref<512x8xf32, #tpu.memory_space<vmem>>
      %dma_wait3A_295 = arith.constant 0 : i32
      %dma_wait3A_296 = tpu.memref_slice %arg6[%dma_wait3A_290, %dma_wait3A_295] : memref<8x512xi32, #tpu.memory_space<vmem>> -> memref<1x512xi32, #tpu.memory_space<vmem>>
      %dma_wait3A_297 = tpu.memref_squeeze %dma_wait3A_296 : memref<1x512xi32, #tpu.memory_space<vmem>> -> memref<512xi32, #tpu.memory_space<vmem>>
      %dma_wait3A_298 = arith.constant 0 : i32
      %dma_wait3A_299 = arith.constant 0 : i32
      %dma_wait3A_300 = tpu.memref_slice %arg5[%dma_wait3A_298, %dma_wait3A_299] : memref<100352x8xf32, #tpu.memory_space<vmem_shared>> -> memref<100352x8xf32, #tpu.memory_space<vmem_shared>>
      tpu.wait_indirect_dma semaphore(%arg11 : memref<!tpu.dma_semaphore, #tpu.memory_space<semaphore_mem>>) src(%dma_wait3A_294 : memref<512x8xf32, #tpu.memory_space<vmem>>) dst(%dma_wait3A_300 : memref<100352x8xf32, #tpu.memory_space<vmem_shared>>)
      %lt3A = arith.constant 48 : i32
      %lt3A_301 = arith.cmpi slt, %add3A_100, %lt3A : i32
      %convert_element_type3A = arith.extui %lt3A_301 : i1 to i32
      %cond3A = arith.constant 0 : i32
      %cond3A_302 = arith.cmpi ne, %convert_element_type3A, %cond3A : i32
      scf.if %cond3A_302 {
        %add3A_447 = arith.constant 2 : i32
        %add3A_448 = arith.addi %mul3A_102, %add3A_447 : i32
        %add3A_449 = arith.addi %mul3A_17, %add3A_448 : i32
        %mul3A_450 = arith.constant 2 : i32
        %mul3A_451 = arith.muli %add3A_449, %mul3A_450 : i32
        %mul3A_452 = arith.constant 4 : i32
        %mul3A_453 = arith.muli %mul3A_451, %mul3A_452 : i32
        "tpu.region"() ({
          %run_scoped3A = tpu.sem_alloc : memref<!tpu.dma_semaphore, #tpu.memory_space<semaphore_mem>>
          %dma_start3A_502 = arith.constant 0 : i32
          %dma_start3A_503 = tpu.memref_slice %arg3[%mul3A_453, %dma_start3A_502] : memref<25088x512xi32, #tpu.memory_space<hbm>> -> memref<8x512xi32, #tpu.memory_space<hbm>>
          %dma_start3A_504 = arith.constant 0 : i32
          %dma_start3A_505 = tpu.memref_slice %arg3[%mul3A_453, %dma_start3A_504] : memref<25088x512xi32, #tpu.memory_space<hbm>> -> memref<8x512xi32, #tpu.memory_space<hbm>>
          tpu.enqueue_dma source(%dma_start3A_505 : memref<8x512xi32, #tpu.memory_space<hbm>>) target(%arg6 : memref<8x512xi32, #tpu.memory_space<vmem>>) target_semaphore(%run_scoped3A : memref<!tpu.dma_semaphore, #tpu.memory_space<semaphore_mem>>)
          %dma_wait3A_506 = arith.constant 0 : i32
          %dma_wait3A_507 = tpu.memref_slice %arg3[%mul3A_453, %dma_wait3A_506] : memref<25088x512xi32, #tpu.memory_space<hbm>> -> memref<8x512xi32, #tpu.memory_space<hbm>>
          %dma_wait3A_508 = arith.constant 0 : i32
          %dma_wait3A_509 = tpu.memref_slice %arg3[%mul3A_453, %dma_wait3A_508] : memref<25088x512xi32, #tpu.memory_space<hbm>> -> memref<8x512xi32, #tpu.memory_space<hbm>>
          tpu.wait_dma2 semaphore(%run_scoped3A : memref<!tpu.dma_semaphore, #tpu.memory_space<semaphore_mem>>) src(%dma_wait3A_509 : memref<8x512xi32, #tpu.memory_space<hbm>>) dst(%arg6 : memref<8x512xi32, #tpu.memory_space<vmem>>)
          tpu.yield
        }) : () -> ()
        %dma_start3A_454 = arith.constant 0 : i32
        %dma_start3A_455 = arith.constant 0 : i32
        %dma_start3A_456 = arith.constant 0 : i32
        %dma_start3A_457 = arith.constant 0 : i32
        %dma_start3A_458 = tpu.memref_slice %arg8[%dma_start3A_455, %dma_start3A_456, %dma_start3A_457] : memref<4x512x8xf32, #tpu.memory_space<vmem>> -> memref<1x512x8xf32, #tpu.memory_space<vmem>>
        %dma_start3A_459 = tpu.memref_squeeze %dma_start3A_458 : memref<1x512x8xf32, #tpu.memory_space<vmem>> -> memref<512x8xf32, #tpu.memory_space<vmem>>
        %dma_start3A_460 = arith.constant 0 : i32
        %dma_start3A_461 = tpu.memref_slice %arg6[%dma_start3A_454, %dma_start3A_460] : memref<8x512xi32, #tpu.memory_space<vmem>> -> memref<1x512xi32, #tpu.memory_space<vmem>>
        %dma_start3A_462 = tpu.memref_squeeze %dma_start3A_461 : memref<1x512xi32, #tpu.memory_space<vmem>> -> memref<512xi32, #tpu.memory_space<vmem>>
        %dma_start3A_463 = arith.constant 0 : i32
        %dma_start3A_464 = arith.constant 0 : i32
        %dma_start3A_465 = tpu.memref_slice %arg2[%dma_start3A_463, %dma_start3A_464] : memref<100352x8xf32, #tpu.memory_space<hbm>> -> memref<100352x8xf32, #tpu.memory_space<hbm>>
        tpu.enqueue_indirect_dma source(%dma_start3A_465 : memref<100352x8xf32, #tpu.memory_space<hbm>>) target(%dma_start3A_459 : memref<512x8xf32, #tpu.memory_space<vmem>>) offsets(%dma_start3A_462 : memref<512xi32, #tpu.memory_space<vmem>>) semaphore(%arg11 : memref<!tpu.dma_semaphore, #tpu.memory_space<semaphore_mem>>)
        %dma_start3A_466 = arith.constant 1 : i32
        %dma_start3A_467 = arith.constant 1 : i32
        %dma_start3A_468 = arith.constant 0 : i32
        %dma_start3A_469 = arith.constant 0 : i32
        %dma_start3A_470 = tpu.memref_slice %arg8[%dma_start3A_467, %dma_start3A_468, %dma_start3A_469] : memref<4x512x8xf32, #tpu.memory_space<vmem>> -> memref<1x512x8xf32, #tpu.memory_space<vmem>>
        %dma_start3A_471 = tpu.memref_squeeze %dma_start3A_470 : memref<1x512x8xf32, #tpu.memory_space<vmem>> -> memref<512x8xf32, #tpu.memory_space<vmem>>
        %dma_start3A_472 = arith.constant 0 : i32
        %dma_start3A_473 = tpu.memref_slice %arg6[%dma_start3A_466, %dma_start3A_472] : memref<8x512xi32, #tpu.memory_space<vmem>> -> memref<1x512xi32, #tpu.memory_space<vmem>>
        %dma_start3A_474 = tpu.memref_squeeze %dma_start3A_473 : memref<1x512xi32, #tpu.memory_space<vmem>> -> memref<512xi32, #tpu.memory_space<vmem>>
        %dma_start3A_475 = arith.constant 0 : i32
        %dma_start3A_476 = arith.constant 0 : i32
        %dma_start3A_477 = tpu.memref_slice %arg2[%dma_start3A_475, %dma_start3A_476] : memref<100352x8xf32, #tpu.memory_space<hbm>> -> memref<100352x8xf32, #tpu.memory_space<hbm>>
        tpu.enqueue_indirect_dma source(%dma_start3A_477 : memref<100352x8xf32, #tpu.memory_space<hbm>>) target(%dma_start3A_471 : memref<512x8xf32, #tpu.memory_space<vmem>>) offsets(%dma_start3A_474 : memref<512xi32, #tpu.memory_space<vmem>>) semaphore(%arg11 : memref<!tpu.dma_semaphore, #tpu.memory_space<semaphore_mem>>)
        %dma_start3A_478 = arith.constant 2 : i32
        %dma_start3A_479 = arith.constant 2 : i32
        %dma_start3A_480 = arith.constant 0 : i32
        %dma_start3A_481 = arith.constant 0 : i32
        %dma_start3A_482 = tpu.memref_slice %arg8[%dma_start3A_479, %dma_start3A_480, %dma_start3A_481] : memref<4x512x8xf32, #tpu.memory_space<vmem>> -> memref<1x512x8xf32, #tpu.memory_space<vmem>>
        %dma_start3A_483 = tpu.memref_squeeze %dma_start3A_482 : memref<1x512x8xf32, #tpu.memory_space<vmem>> -> memref<512x8xf32, #tpu.memory_space<vmem>>
        %dma_start3A_484 = arith.constant 0 : i32
        %dma_start3A_485 = tpu.memref_slice %arg6[%dma_start3A_478, %dma_start3A_484] : memref<8x512xi32, #tpu.memory_space<vmem>> -> memref<1x512xi32, #tpu.memory_space<vmem>>
        %dma_start3A_486 = tpu.memref_squeeze %dma_start3A_485 : memref<1x512xi32, #tpu.memory_space<vmem>> -> memref<512xi32, #tpu.memory_space<vmem>>
        %dma_start3A_487 = arith.constant 0 : i32
        %dma_start3A_488 = arith.constant 0 : i32
        %dma_start3A_489 = tpu.memref_slice %arg2[%dma_start3A_487, %dma_start3A_488] : memref<100352x8xf32, #tpu.memory_space<hbm>> -> memref<100352x8xf32, #tpu.memory_space<hbm>>
        tpu.enqueue_indirect_dma source(%dma_start3A_489 : memref<100352x8xf32, #tpu.memory_space<hbm>>) target(%dma_start3A_483 : memref<512x8xf32, #tpu.memory_space<vmem>>) offsets(%dma_start3A_486 : memref<512xi32, #tpu.memory_space<vmem>>) semaphore(%arg11 : memref<!tpu.dma_semaphore, #tpu.memory_space<semaphore_mem>>)
        %dma_start3A_490 = arith.constant 3 : i32
        %dma_start3A_491 = arith.constant 3 : i32
        %dma_start3A_492 = arith.constant 0 : i32
        %dma_start3A_493 = arith.constant 0 : i32
        %dma_start3A_494 = tpu.memref_slice %arg8[%dma_start3A_491, %dma_start3A_492, %dma_start3A_493] : memref<4x512x8xf32, #tpu.memory_space<vmem>> -> memref<1x512x8xf32, #tpu.memory_space<vmem>>
        %dma_start3A_495 = tpu.memref_squeeze %dma_start3A_494 : memref<1x512x8xf32, #tpu.memory_space<vmem>> -> memref<512x8xf32, #tpu.memory_space<vmem>>
        %dma_start3A_496 = arith.constant 0 : i32
        %dma_start3A_497 = tpu.memref_slice %arg6[%dma_start3A_490, %dma_start3A_496] : memref<8x512xi32, #tpu.memory_space<vmem>> -> memref<1x512xi32, #tpu.memory_space<vmem>>
        %dma_start3A_498 = tpu.memref_squeeze %dma_start3A_497 : memref<1x512xi32, #tpu.memory_space<vmem>> -> memref<512xi32, #tpu.memory_space<vmem>>
        %dma_start3A_499 = arith.constant 0 : i32
        %dma_start3A_500 = arith.constant 0 : i32
        %dma_start3A_501 = tpu.memref_slice %arg2[%dma_start3A_499, %dma_start3A_500] : memref<100352x8xf32, #tpu.memory_space<hbm>> -> memref<100352x8xf32, #tpu.memory_space<hbm>>
        tpu.enqueue_indirect_dma source(%dma_start3A_501 : memref<100352x8xf32, #tpu.memory_space<hbm>>) target(%dma_start3A_495 : memref<512x8xf32, #tpu.memory_space<vmem>>) offsets(%dma_start3A_498 : memref<512xi32, #tpu.memory_space<vmem>>) semaphore(%arg11 : memref<!tpu.dma_semaphore, #tpu.memory_space<semaphore_mem>>)
      } else {
      }
      %dma_wait3A_303 = arith.constant 0 : i32
      %dma_wait3A_304 = arith.constant 0 : i32
      %dma_wait3A_305 = arith.constant 0 : i32
      %dma_wait3A_306 = arith.constant 0 : i32
      %dma_wait3A_307 = tpu.memref_slice %arg9[%dma_wait3A_304, %dma_wait3A_305, %dma_wait3A_306] : memref<4x512x8xf32, #tpu.memory_space<vmem>> -> memref<1x512x8xf32, #tpu.memory_space<vmem>>
      %dma_wait3A_308 = tpu.memref_squeeze %dma_wait3A_307 : memref<1x512x8xf32, #tpu.memory_space<vmem>> -> memref<512x8xf32, #tpu.memory_space<vmem>>
      %dma_wait3A_309 = arith.constant 0 : i32
      %dma_wait3A_310 = tpu.memref_slice %arg7[%dma_wait3A_303, %dma_wait3A_309] : memref<8x512xi32, #tpu.memory_space<vmem>> -> memref<1x512xi32, #tpu.memory_space<vmem>>
      %dma_wait3A_311 = tpu.memref_squeeze %dma_wait3A_310 : memref<1x512xi32, #tpu.memory_space<vmem>> -> memref<512xi32, #tpu.memory_space<vmem>>
      %dma_wait3A_312 = arith.constant 0 : i32
      %dma_wait3A_313 = arith.constant 0 : i32
      %dma_wait3A_314 = tpu.memref_slice %arg2[%dma_wait3A_312, %dma_wait3A_313] : memref<100352x8xf32, #tpu.memory_space<hbm>> -> memref<100352x8xf32, #tpu.memory_space<hbm>>
      tpu.wait_indirect_dma semaphore(%arg12 : memref<!tpu.dma_semaphore, #tpu.memory_space<semaphore_mem>>) src(%dma_wait3A_314 : memref<100352x8xf32, #tpu.memory_space<hbm>>) dst(%dma_wait3A_308 : memref<512x8xf32, #tpu.memory_space<vmem>>)
      %dma_wait3A_315 = arith.constant 1 : i32
      %dma_wait3A_316 = arith.constant 1 : i32
      %dma_wait3A_317 = arith.constant 0 : i32
      %dma_wait3A_318 = arith.constant 0 : i32
      %dma_wait3A_319 = tpu.memref_slice %arg9[%dma_wait3A_316, %dma_wait3A_317, %dma_wait3A_318] : memref<4x512x8xf32, #tpu.memory_space<vmem>> -> memref<1x512x8xf32, #tpu.memory_space<vmem>>
      %dma_wait3A_320 = tpu.memref_squeeze %dma_wait3A_319 : memref<1x512x8xf32, #tpu.memory_space<vmem>> -> memref<512x8xf32, #tpu.memory_space<vmem>>
      %dma_wait3A_321 = arith.constant 0 : i32
      %dma_wait3A_322 = tpu.memref_slice %arg7[%dma_wait3A_315, %dma_wait3A_321] : memref<8x512xi32, #tpu.memory_space<vmem>> -> memref<1x512xi32, #tpu.memory_space<vmem>>
      %dma_wait3A_323 = tpu.memref_squeeze %dma_wait3A_322 : memref<1x512xi32, #tpu.memory_space<vmem>> -> memref<512xi32, #tpu.memory_space<vmem>>
      %dma_wait3A_324 = arith.constant 0 : i32
      %dma_wait3A_325 = arith.constant 0 : i32
      %dma_wait3A_326 = tpu.memref_slice %arg2[%dma_wait3A_324, %dma_wait3A_325] : memref<100352x8xf32, #tpu.memory_space<hbm>> -> memref<100352x8xf32, #tpu.memory_space<hbm>>
      tpu.wait_indirect_dma semaphore(%arg12 : memref<!tpu.dma_semaphore, #tpu.memory_space<semaphore_mem>>) src(%dma_wait3A_326 : memref<100352x8xf32, #tpu.memory_space<hbm>>) dst(%dma_wait3A_320 : memref<512x8xf32, #tpu.memory_space<vmem>>)
      %dma_wait3A_327 = arith.constant 2 : i32
      %dma_wait3A_328 = arith.constant 2 : i32
      %dma_wait3A_329 = arith.constant 0 : i32
      %dma_wait3A_330 = arith.constant 0 : i32
      %dma_wait3A_331 = tpu.memref_slice %arg9[%dma_wait3A_328, %dma_wait3A_329, %dma_wait3A_330] : memref<4x512x8xf32, #tpu.memory_space<vmem>> -> memref<1x512x8xf32, #tpu.memory_space<vmem>>
      %dma_wait3A_332 = tpu.memref_squeeze %dma_wait3A_331 : memref<1x512x8xf32, #tpu.memory_space<vmem>> -> memref<512x8xf32, #tpu.memory_space<vmem>>
      %dma_wait3A_333 = arith.constant 0 : i32
      %dma_wait3A_334 = tpu.memref_slice %arg7[%dma_wait3A_327, %dma_wait3A_333] : memref<8x512xi32, #tpu.memory_space<vmem>> -> memref<1x512xi32, #tpu.memory_space<vmem>>
      %dma_wait3A_335 = tpu.memref_squeeze %dma_wait3A_334 : memref<1x512xi32, #tpu.memory_space<vmem>> -> memref<512xi32, #tpu.memory_space<vmem>>
      %dma_wait3A_336 = arith.constant 0 : i32
      %dma_wait3A_337 = arith.constant 0 : i32
      %dma_wait3A_338 = tpu.memref_slice %arg2[%dma_wait3A_336, %dma_wait3A_337] : memref<100352x8xf32, #tpu.memory_space<hbm>> -> memref<100352x8xf32, #tpu.memory_space<hbm>>
      tpu.wait_indirect_dma semaphore(%arg12 : memref<!tpu.dma_semaphore, #tpu.memory_space<semaphore_mem>>) src(%dma_wait3A_338 : memref<100352x8xf32, #tpu.memory_space<hbm>>) dst(%dma_wait3A_332 : memref<512x8xf32, #tpu.memory_space<vmem>>)
      %dma_wait3A_339 = arith.constant 3 : i32
      %dma_wait3A_340 = arith.constant 3 : i32
      %dma_wait3A_341 = arith.constant 0 : i32
      %dma_wait3A_342 = arith.constant 0 : i32
      %dma_wait3A_343 = tpu.memref_slice %arg9[%dma_wait3A_340, %dma_wait3A_341, %dma_wait3A_342] : memref<4x512x8xf32, #tpu.memory_space<vmem>> -> memref<1x512x8xf32, #tpu.memory_space<vmem>>
      %dma_wait3A_344 = tpu.memref_squeeze %dma_wait3A_343 : memref<1x512x8xf32, #tpu.memory_space<vmem>> -> memref<512x8xf32, #tpu.memory_space<vmem>>
      %dma_wait3A_345 = arith.constant 0 : i32
      %dma_wait3A_346 = tpu.memref_slice %arg7[%dma_wait3A_339, %dma_wait3A_345] : memref<8x512xi32, #tpu.memory_space<vmem>> -> memref<1x512xi32, #tpu.memory_space<vmem>>
      %dma_wait3A_347 = tpu.memref_squeeze %dma_wait3A_346 : memref<1x512xi32, #tpu.memory_space<vmem>> -> memref<512xi32, #tpu.memory_space<vmem>>
      %dma_wait3A_348 = arith.constant 0 : i32
      %dma_wait3A_349 = arith.constant 0 : i32
      %dma_wait3A_350 = tpu.memref_slice %arg2[%dma_wait3A_348, %dma_wait3A_349] : memref<100352x8xf32, #tpu.memory_space<hbm>> -> memref<100352x8xf32, #tpu.memory_space<hbm>>
      tpu.wait_indirect_dma semaphore(%arg12 : memref<!tpu.dma_semaphore, #tpu.memory_space<semaphore_mem>>) src(%dma_wait3A_350 : memref<100352x8xf32, #tpu.memory_space<hbm>>) dst(%dma_wait3A_344 : memref<512x8xf32, #tpu.memory_space<vmem>>)
      %dma_start3A_351 = arith.constant 0 : i32
      %dma_start3A_352 = arith.constant 4 : i32
      %dma_start3A_353 = arith.constant 0 : i32
      %dma_start3A_354 = arith.constant 0 : i32
      %dma_start3A_355 = tpu.memref_slice %arg9[%dma_start3A_351, %dma_start3A_353, %dma_start3A_354] : memref<4x512x8xf32, #tpu.memory_space<vmem>> -> memref<1x512x8xf32, #tpu.memory_space<vmem>>
      %dma_start3A_356 = tpu.memref_squeeze %dma_start3A_355 : memref<1x512x8xf32, #tpu.memory_space<vmem>> -> memref<512x8xf32, #tpu.memory_space<vmem>>
      %dma_start3A_357 = arith.constant 0 : i32
      %dma_start3A_358 = tpu.memref_slice %arg7[%dma_start3A_352, %dma_start3A_357] : memref<8x512xi32, #tpu.memory_space<vmem>> -> memref<1x512xi32, #tpu.memory_space<vmem>>
      %dma_start3A_359 = tpu.memref_squeeze %dma_start3A_358 : memref<1x512xi32, #tpu.memory_space<vmem>> -> memref<512xi32, #tpu.memory_space<vmem>>
      %dma_start3A_360 = arith.constant 0 : i32
      %dma_start3A_361 = arith.constant 0 : i32
      %dma_start3A_362 = tpu.memref_slice %arg5[%dma_start3A_360, %dma_start3A_361] : memref<100352x8xf32, #tpu.memory_space<vmem_shared>> -> memref<100352x8xf32, #tpu.memory_space<vmem_shared>>
      tpu.enqueue_indirect_dma source(%dma_start3A_356 : memref<512x8xf32, #tpu.memory_space<vmem>>) target(%dma_start3A_362 : memref<100352x8xf32, #tpu.memory_space<vmem_shared>>) offsets(%dma_start3A_359 : memref<512xi32, #tpu.memory_space<vmem>>) semaphore(%arg12 : memref<!tpu.dma_semaphore, #tpu.memory_space<semaphore_mem>>) {add = true}
      %dma_start3A_363 = arith.constant 1 : i32
      %dma_start3A_364 = arith.constant 5 : i32
      %dma_start3A_365 = arith.constant 0 : i32
      %dma_start3A_366 = arith.constant 0 : i32
      %dma_start3A_367 = tpu.memref_slice %arg9[%dma_start3A_363, %dma_start3A_365, %dma_start3A_366] : memref<4x512x8xf32, #tpu.memory_space<vmem>> -> memref<1x512x8xf32, #tpu.memory_space<vmem>>
      %dma_start3A_368 = tpu.memref_squeeze %dma_start3A_367 : memref<1x512x8xf32, #tpu.memory_space<vmem>> -> memref<512x8xf32, #tpu.memory_space<vmem>>
      %dma_start3A_369 = arith.constant 0 : i32
      %dma_start3A_370 = tpu.memref_slice %arg7[%dma_start3A_364, %dma_start3A_369] : memref<8x512xi32, #tpu.memory_space<vmem>> -> memref<1x512xi32, #tpu.memory_space<vmem>>
      %dma_start3A_371 = tpu.memref_squeeze %dma_start3A_370 : memref<1x512xi32, #tpu.memory_space<vmem>> -> memref<512xi32, #tpu.memory_space<vmem>>
      %dma_start3A_372 = arith.constant 0 : i32
      %dma_start3A_373 = arith.constant 0 : i32
      %dma_start3A_374 = tpu.memref_slice %arg5[%dma_start3A_372, %dma_start3A_373] : memref<100352x8xf32, #tpu.memory_space<vmem_shared>> -> memref<100352x8xf32, #tpu.memory_space<vmem_shared>>
      tpu.enqueue_indirect_dma source(%dma_start3A_368 : memref<512x8xf32, #tpu.memory_space<vmem>>) target(%dma_start3A_374 : memref<100352x8xf32, #tpu.memory_space<vmem_shared>>) offsets(%dma_start3A_371 : memref<512xi32, #tpu.memory_space<vmem>>) semaphore(%arg12 : memref<!tpu.dma_semaphore, #tpu.memory_space<semaphore_mem>>) {add = true}
      %dma_start3A_375 = arith.constant 2 : i32
      %dma_start3A_376 = arith.constant 6 : i32
      %dma_start3A_377 = arith.constant 0 : i32
      %dma_start3A_378 = arith.constant 0 : i32
      %dma_start3A_379 = tpu.memref_slice %arg9[%dma_start3A_375, %dma_start3A_377, %dma_start3A_378] : memref<4x512x8xf32, #tpu.memory_space<vmem>> -> memref<1x512x8xf32, #tpu.memory_space<vmem>>
      %dma_start3A_380 = tpu.memref_squeeze %dma_start3A_379 : memref<1x512x8xf32, #tpu.memory_space<vmem>> -> memref<512x8xf32, #tpu.memory_space<vmem>>
      %dma_start3A_381 = arith.constant 0 : i32
      %dma_start3A_382 = tpu.memref_slice %arg7[%dma_start3A_376, %dma_start3A_381] : memref<8x512xi32, #tpu.memory_space<vmem>> -> memref<1x512xi32, #tpu.memory_space<vmem>>
      %dma_start3A_383 = tpu.memref_squeeze %dma_start3A_382 : memref<1x512xi32, #tpu.memory_space<vmem>> -> memref<512xi32, #tpu.memory_space<vmem>>
      %dma_start3A_384 = arith.constant 0 : i32
      %dma_start3A_385 = arith.constant 0 : i32
      %dma_start3A_386 = tpu.memref_slice %arg5[%dma_start3A_384, %dma_start3A_385] : memref<100352x8xf32, #tpu.memory_space<vmem_shared>> -> memref<100352x8xf32, #tpu.memory_space<vmem_shared>>
      tpu.enqueue_indirect_dma source(%dma_start3A_380 : memref<512x8xf32, #tpu.memory_space<vmem>>) target(%dma_start3A_386 : memref<100352x8xf32, #tpu.memory_space<vmem_shared>>) offsets(%dma_start3A_383 : memref<512xi32, #tpu.memory_space<vmem>>) semaphore(%arg12 : memref<!tpu.dma_semaphore, #tpu.memory_space<semaphore_mem>>) {add = true}
      %dma_start3A_387 = arith.constant 3 : i32
      %dma_start3A_388 = arith.constant 7 : i32
      %dma_start3A_389 = arith.constant 0 : i32
      %dma_start3A_390 = arith.constant 0 : i32
      %dma_start3A_391 = tpu.memref_slice %arg9[%dma_start3A_387, %dma_start3A_389, %dma_start3A_390] : memref<4x512x8xf32, #tpu.memory_space<vmem>> -> memref<1x512x8xf32, #tpu.memory_space<vmem>>
      %dma_start3A_392 = tpu.memref_squeeze %dma_start3A_391 : memref<1x512x8xf32, #tpu.memory_space<vmem>> -> memref<512x8xf32, #tpu.memory_space<vmem>>
      %dma_start3A_393 = arith.constant 0 : i32
      %dma_start3A_394 = tpu.memref_slice %arg7[%dma_start3A_388, %dma_start3A_393] : memref<8x512xi32, #tpu.memory_space<vmem>> -> memref<1x512xi32, #tpu.memory_space<vmem>>
      %dma_start3A_395 = tpu.memref_squeeze %dma_start3A_394 : memref<1x512xi32, #tpu.memory_space<vmem>> -> memref<512xi32, #tpu.memory_space<vmem>>
      %dma_start3A_396 = arith.constant 0 : i32
      %dma_start3A_397 = arith.constant 0 : i32
      %dma_start3A_398 = tpu.memref_slice %arg5[%dma_start3A_396, %dma_start3A_397] : memref<100352x8xf32, #tpu.memory_space<vmem_shared>> -> memref<100352x8xf32, #tpu.memory_space<vmem_shared>>
      tpu.enqueue_indirect_dma source(%dma_start3A_392 : memref<512x8xf32, #tpu.memory_space<vmem>>) target(%dma_start3A_398 : memref<100352x8xf32, #tpu.memory_space<vmem_shared>>) offsets(%dma_start3A_395 : memref<512xi32, #tpu.memory_space<vmem>>) semaphore(%arg12 : memref<!tpu.dma_semaphore, #tpu.memory_space<semaphore_mem>>) {add = true}
      %dma_wait3A_399 = arith.constant 0 : i32
      %dma_wait3A_400 = arith.constant 4 : i32
      %dma_wait3A_401 = arith.constant 0 : i32
      %dma_wait3A_402 = arith.constant 0 : i32
      %dma_wait3A_403 = tpu.memref_slice %arg9[%dma_wait3A_399, %dma_wait3A_401, %dma_wait3A_402] : memref<4x512x8xf32, #tpu.memory_space<vmem>> -> memref<1x512x8xf32, #tpu.memory_space<vmem>>
      %dma_wait3A_404 = tpu.memref_squeeze %dma_wait3A_403 : memref<1x512x8xf32, #tpu.memory_space<vmem>> -> memref<512x8xf32, #tpu.memory_space<vmem>>
      %dma_wait3A_405 = arith.constant 0 : i32
      %dma_wait3A_406 = tpu.memref_slice %arg7[%dma_wait3A_400, %dma_wait3A_405] : memref<8x512xi32, #tpu.memory_space<vmem>> -> memref<1x512xi32, #tpu.memory_space<vmem>>
      %dma_wait3A_407 = tpu.memref_squeeze %dma_wait3A_406 : memref<1x512xi32, #tpu.memory_space<vmem>> -> memref<512xi32, #tpu.memory_space<vmem>>
      %dma_wait3A_408 = arith.constant 0 : i32
      %dma_wait3A_409 = arith.constant 0 : i32
      %dma_wait3A_410 = tpu.memref_slice %arg5[%dma_wait3A_408, %dma_wait3A_409] : memref<100352x8xf32, #tpu.memory_space<vmem_shared>> -> memref<100352x8xf32, #tpu.memory_space<vmem_shared>>
      tpu.wait_indirect_dma semaphore(%arg12 : memref<!tpu.dma_semaphore, #tpu.memory_space<semaphore_mem>>) src(%dma_wait3A_404 : memref<512x8xf32, #tpu.memory_space<vmem>>) dst(%dma_wait3A_410 : memref<100352x8xf32, #tpu.memory_space<vmem_shared>>)
      %dma_wait3A_411 = arith.constant 1 : i32
      %dma_wait3A_412 = arith.constant 5 : i32
      %dma_wait3A_413 = arith.constant 0 : i32
      %dma_wait3A_414 = arith.constant 0 : i32
      %dma_wait3A_415 = tpu.memref_slice %arg9[%dma_wait3A_411, %dma_wait3A_413, %dma_wait3A_414] : memref<4x512x8xf32, #tpu.memory_space<vmem>> -> memref<1x512x8xf32, #tpu.memory_space<vmem>>
      %dma_wait3A_416 = tpu.memref_squeeze %dma_wait3A_415 : memref<1x512x8xf32, #tpu.memory_space<vmem>> -> memref<512x8xf32, #tpu.memory_space<vmem>>
      %dma_wait3A_417 = arith.constant 0 : i32
      %dma_wait3A_418 = tpu.memref_slice %arg7[%dma_wait3A_412, %dma_wait3A_417] : memref<8x512xi32, #tpu.memory_space<vmem>> -> memref<1x512xi32, #tpu.memory_space<vmem>>
      %dma_wait3A_419 = tpu.memref_squeeze %dma_wait3A_418 : memref<1x512xi32, #tpu.memory_space<vmem>> -> memref<512xi32, #tpu.memory_space<vmem>>
      %dma_wait3A_420 = arith.constant 0 : i32
      %dma_wait3A_421 = arith.constant 0 : i32
      %dma_wait3A_422 = tpu.memref_slice %arg5[%dma_wait3A_420, %dma_wait3A_421] : memref<100352x8xf32, #tpu.memory_space<vmem_shared>> -> memref<100352x8xf32, #tpu.memory_space<vmem_shared>>
      tpu.wait_indirect_dma semaphore(%arg12 : memref<!tpu.dma_semaphore, #tpu.memory_space<semaphore_mem>>) src(%dma_wait3A_416 : memref<512x8xf32, #tpu.memory_space<vmem>>) dst(%dma_wait3A_422 : memref<100352x8xf32, #tpu.memory_space<vmem_shared>>)
      %dma_wait3A_423 = arith.constant 2 : i32
      %dma_wait3A_424 = arith.constant 6 : i32
      %dma_wait3A_425 = arith.constant 0 : i32
      %dma_wait3A_426 = arith.constant 0 : i32
      %dma_wait3A_427 = tpu.memref_slice %arg9[%dma_wait3A_423, %dma_wait3A_425, %dma_wait3A_426] : memref<4x512x8xf32, #tpu.memory_space<vmem>> -> memref<1x512x8xf32, #tpu.memory_space<vmem>>
      %dma_wait3A_428 = tpu.memref_squeeze %dma_wait3A_427 : memref<1x512x8xf32, #tpu.memory_space<vmem>> -> memref<512x8xf32, #tpu.memory_space<vmem>>
      %dma_wait3A_429 = arith.constant 0 : i32
      %dma_wait3A_430 = tpu.memref_slice %arg7[%dma_wait3A_424, %dma_wait3A_429] : memref<8x512xi32, #tpu.memory_space<vmem>> -> memref<1x512xi32, #tpu.memory_space<vmem>>
      %dma_wait3A_431 = tpu.memref_squeeze %dma_wait3A_430 : memref<1x512xi32, #tpu.memory_space<vmem>> -> memref<512xi32, #tpu.memory_space<vmem>>
      %dma_wait3A_432 = arith.constant 0 : i32
      %dma_wait3A_433 = arith.constant 0 : i32
      %dma_wait3A_434 = tpu.memref_slice %arg5[%dma_wait3A_432, %dma_wait3A_433] : memref<100352x8xf32, #tpu.memory_space<vmem_shared>> -> memref<100352x8xf32, #tpu.memory_space<vmem_shared>>
      tpu.wait_indirect_dma semaphore(%arg12 : memref<!tpu.dma_semaphore, #tpu.memory_space<semaphore_mem>>) src(%dma_wait3A_428 : memref<512x8xf32, #tpu.memory_space<vmem>>) dst(%dma_wait3A_434 : memref<100352x8xf32, #tpu.memory_space<vmem_shared>>)
      %dma_wait3A_435 = arith.constant 3 : i32
      %dma_wait3A_436 = arith.constant 7 : i32
      %dma_wait3A_437 = arith.constant 0 : i32
      %dma_wait3A_438 = arith.constant 0 : i32
      %dma_wait3A_439 = tpu.memref_slice %arg9[%dma_wait3A_435, %dma_wait3A_437, %dma_wait3A_438] : memref<4x512x8xf32, #tpu.memory_space<vmem>> -> memref<1x512x8xf32, #tpu.memory_space<vmem>>
      %dma_wait3A_440 = tpu.memref_squeeze %dma_wait3A_439 : memref<1x512x8xf32, #tpu.memory_space<vmem>> -> memref<512x8xf32, #tpu.memory_space<vmem>>
      %dma_wait3A_441 = arith.constant 0 : i32
      %dma_wait3A_442 = tpu.memref_slice %arg7[%dma_wait3A_436, %dma_wait3A_441] : memref<8x512xi32, #tpu.memory_space<vmem>> -> memref<1x512xi32, #tpu.memory_space<vmem>>
      %dma_wait3A_443 = tpu.memref_squeeze %dma_wait3A_442 : memref<1x512xi32, #tpu.memory_space<vmem>> -> memref<512xi32, #tpu.memory_space<vmem>>
      %dma_wait3A_444 = arith.constant 0 : i32
      %dma_wait3A_445 = arith.constant 0 : i32
      %dma_wait3A_446 = tpu.memref_slice %arg5[%dma_wait3A_444, %dma_wait3A_445] : memref<100352x8xf32, #tpu.memory_space<vmem_shared>> -> memref<100352x8xf32, #tpu.memory_space<vmem_shared>>
      tpu.wait_indirect_dma semaphore(%arg12 : memref<!tpu.dma_semaphore, #tpu.memory_space<semaphore_mem>>) src(%dma_wait3A_440 : memref<512x8xf32, #tpu.memory_space<vmem>>) dst(%dma_wait3A_446 : memref<100352x8xf32, #tpu.memory_space<vmem_shared>>)
    }
    %scan3A_75 = arith.constant 49 : i32
    %barrier3A_76 = arith.constant 0 : index
    tpu.barrier barrier_id(%barrier3A_76)
    %mul3A_77 = arith.constant 100352 : i32
    %mul3A_78 = arith.muli %arg0, %mul3A_77 : i32
    %add3A_79 = arith.addi %mul3A_78, %mul3A_2 : i32
    %add3A_80 = arith.constant 0 : i32
    %add3A_81 = arith.addi %mul3A_2, %add3A_80 : i32
    "tpu.region"() ({
      %run_scoped3A = tpu.sem_alloc : memref<!tpu.dma_semaphore, #tpu.memory_space<semaphore_mem>>
      %dma_start3A_96 = arith.constant 0 : i32
      %dma_start3A_97 = tpu.memref_slice %arg5[%add3A_81, %dma_start3A_96] : memref<100352x8xf32, #tpu.memory_space<vmem_shared>> -> memref<1568x8xf32, #tpu.memory_space<vmem_shared>>
      %dma_start3A_98 = arith.constant 0 : i32
      %dma_start3A_99 = tpu.memref_slice %arg5[%add3A_81, %dma_start3A_98] : memref<100352x8xf32, #tpu.memory_space<vmem_shared>> -> memref<1568x8xf32, #tpu.memory_space<vmem_shared>>
      tpu.enqueue_dma source(%dma_start3A_99 : memref<1568x8xf32, #tpu.memory_space<vmem_shared>>) target(%arg10 : memref<1568x8xf32, #tpu.memory_space<vmem>>) target_semaphore(%run_scoped3A : memref<!tpu.dma_semaphore, #tpu.memory_space<semaphore_mem>>)
      %dma_wait3A = arith.constant 0 : i32
      %dma_wait3A_100 = tpu.memref_slice %arg5[%add3A_81, %dma_wait3A] : memref<100352x8xf32, #tpu.memory_space<vmem_shared>> -> memref<1568x8xf32, #tpu.memory_space<vmem_shared>>
      %dma_wait3A_101 = arith.constant 0 : i32
      %dma_wait3A_102 = tpu.memref_slice %arg5[%add3A_81, %dma_wait3A_101] : memref<100352x8xf32, #tpu.memory_space<vmem_shared>> -> memref<1568x8xf32, #tpu.memory_space<vmem_shared>>
      tpu.wait_dma2 semaphore(%run_scoped3A : memref<!tpu.dma_semaphore, #tpu.memory_space<semaphore_mem>>) src(%dma_wait3A_102 : memref<1568x8xf32, #tpu.memory_space<vmem_shared>>) dst(%arg10 : memref<1568x8xf32, #tpu.memory_space<vmem>>)
      tpu.yield
    }) : () -> ()
    %add3A_82 = arith.constant 0 : i32
    %add3A_83 = arith.addi %add3A_79, %add3A_82 : i32
    "tpu.region"() ({
      %run_scoped3A = tpu.sem_alloc : memref<!tpu.dma_semaphore, #tpu.memory_space<semaphore_mem>>
      %dma_start3A_96 = arith.constant 0 : i32
      %dma_start3A_97 = tpu.memref_slice %arg4[%add3A_83, %dma_start3A_96] : memref<200704x8xf32, #tpu.memory_space<hbm>> -> memref<1568x8xf32, #tpu.memory_space<hbm>>
      %dma_start3A_98 = arith.constant 0 : i32
      %dma_start3A_99 = tpu.memref_slice %arg4[%add3A_83, %dma_start3A_98] : memref<200704x8xf32, #tpu.memory_space<hbm>> -> memref<1568x8xf32, #tpu.memory_space<hbm>>
      tpu.enqueue_dma source(%arg10 : memref<1568x8xf32, #tpu.memory_space<vmem>>) target(%dma_start3A_99 : memref<1568x8xf32, #tpu.memory_space<hbm>>) target_semaphore(%run_scoped3A : memref<!tpu.dma_semaphore, #tpu.memory_space<semaphore_mem>>)
      %dma_wait3A = arith.constant 0 : i32
      %dma_wait3A_100 = tpu.memref_slice %arg4[%add3A_83, %dma_wait3A] : memref<200704x8xf32, #tpu.memory_space<hbm>> -> memref<1568x8xf32, #tpu.memory_space<hbm>>
      %dma_wait3A_101 = arith.constant 0 : i32
      %dma_wait3A_102 = tpu.memref_slice %arg4[%add3A_83, %dma_wait3A_101] : memref<200704x8xf32, #tpu.memory_space<hbm>> -> memref<1568x8xf32, #tpu.memory_space<hbm>>
      tpu.wait_dma2 semaphore(%run_scoped3A : memref<!tpu.dma_semaphore, #tpu.memory_space<semaphore_mem>>) src(%arg10 : memref<1568x8xf32, #tpu.memory_space<vmem>>) dst(%dma_wait3A_102 : memref<1568x8xf32, #tpu.memory_space<hbm>>)
      tpu.yield
    }) : () -> ()
    %add3A_84 = arith.constant 1568 : i32
    %add3A_85 = arith.addi %mul3A_2, %add3A_84 : i32
    "tpu.region"() ({
      %run_scoped3A = tpu.sem_alloc : memref<!tpu.dma_semaphore, #tpu.memory_space<semaphore_mem>>
      %dma_start3A_96 = arith.constant 0 : i32
      %dma_start3A_97 = tpu.memref_slice %arg5[%add3A_85, %dma_start3A_96] : memref<100352x8xf32, #tpu.memory_space<vmem_shared>> -> memref<1568x8xf32, #tpu.memory_space<vmem_shared>>
      %dma_start3A_98 = arith.constant 0 : i32
      %dma_start3A_99 = tpu.memref_slice %arg5[%add3A_85, %dma_start3A_98] : memref<100352x8xf32, #tpu.memory_space<vmem_shared>> -> memref<1568x8xf32, #tpu.memory_space<vmem_shared>>
      tpu.enqueue_dma source(%dma_start3A_99 : memref<1568x8xf32, #tpu.memory_space<vmem_shared>>) target(%arg10 : memref<1568x8xf32, #tpu.memory_space<vmem>>) target_semaphore(%run_scoped3A : memref<!tpu.dma_semaphore, #tpu.memory_space<semaphore_mem>>)
      %dma_wait3A = arith.constant 0 : i32
      %dma_wait3A_100 = tpu.memref_slice %arg5[%add3A_85, %dma_wait3A] : memref<100352x8xf32, #tpu.memory_space<vmem_shared>> -> memref<1568x8xf32, #tpu.memory_space<vmem_shared>>
      %dma_wait3A_101 = arith.constant 0 : i32
      %dma_wait3A_102 = tpu.memref_slice %arg5[%add3A_85, %dma_wait3A_101] : memref<100352x8xf32, #tpu.memory_space<vmem_shared>> -> memref<1568x8xf32, #tpu.memory_space<vmem_shared>>
      tpu.wait_dma2 semaphore(%run_scoped3A : memref<!tpu.dma_semaphore, #tpu.memory_space<semaphore_mem>>) src(%dma_wait3A_102 : memref<1568x8xf32, #tpu.memory_space<vmem_shared>>) dst(%arg10 : memref<1568x8xf32, #tpu.memory_space<vmem>>)
      tpu.yield
    }) : () -> ()
    %add3A_86 = arith.constant 1568 : i32
    %add3A_87 = arith.addi %add3A_79, %add3A_86 : i32
    "tpu.region"() ({
      %run_scoped3A = tpu.sem_alloc : memref<!tpu.dma_semaphore, #tpu.memory_space<semaphore_mem>>
      %dma_start3A_96 = arith.constant 0 : i32
      %dma_start3A_97 = tpu.memref_slice %arg4[%add3A_87, %dma_start3A_96] : memref<200704x8xf32, #tpu.memory_space<hbm>> -> memref<1568x8xf32, #tpu.memory_space<hbm>>
      %dma_start3A_98 = arith.constant 0 : i32
      %dma_start3A_99 = tpu.memref_slice %arg4[%add3A_87, %dma_start3A_98] : memref<200704x8xf32, #tpu.memory_space<hbm>> -> memref<1568x8xf32, #tpu.memory_space<hbm>>
      tpu.enqueue_dma source(%arg10 : memref<1568x8xf32, #tpu.memory_space<vmem>>) target(%dma_start3A_99 : memref<1568x8xf32, #tpu.memory_space<hbm>>) target_semaphore(%run_scoped3A : memref<!tpu.dma_semaphore, #tpu.memory_space<semaphore_mem>>)
      %dma_wait3A = arith.constant 0 : i32
      %dma_wait3A_100 = tpu.memref_slice %arg4[%add3A_87, %dma_wait3A] : memref<200704x8xf32, #tpu.memory_space<hbm>> -> memref<1568x8xf32, #tpu.memory_space<hbm>>
      %dma_wait3A_101 = arith.constant 0 : i32
      %dma_wait3A_102 = tpu.memref_slice %arg4[%add3A_87, %dma_wait3A_101] : memref<200704x8xf32, #tpu.memory_space<hbm>> -> memref<1568x8xf32, #tpu.memory_space<hbm>>
      tpu.wait_dma2 semaphore(%run_scoped3A : memref<!tpu.dma_semaphore, #tpu.memory_space<semaphore_mem>>) src(%arg10 : memref<1568x8xf32, #tpu.memory_space<vmem>>) dst(%dma_wait3A_102 : memref<1568x8xf32, #tpu.memory_space<hbm>>)
      tpu.yield
    }) : () -> ()
    %add3A_88 = arith.constant 3136 : i32
    %add3A_89 = arith.addi %mul3A_2, %add3A_88 : i32
    "tpu.region"() ({
      %run_scoped3A = tpu.sem_alloc : memref<!tpu.dma_semaphore, #tpu.memory_space<semaphore_mem>>
      %dma_start3A_96 = arith.constant 0 : i32
      %dma_start3A_97 = tpu.memref_slice %arg5[%add3A_89, %dma_start3A_96] : memref<100352x8xf32, #tpu.memory_space<vmem_shared>> -> memref<1568x8xf32, #tpu.memory_space<vmem_shared>>
      %dma_start3A_98 = arith.constant 0 : i32
      %dma_start3A_99 = tpu.memref_slice %arg5[%add3A_89, %dma_start3A_98] : memref<100352x8xf32, #tpu.memory_space<vmem_shared>> -> memref<1568x8xf32, #tpu.memory_space<vmem_shared>>
      tpu.enqueue_dma source(%dma_start3A_99 : memref<1568x8xf32, #tpu.memory_space<vmem_shared>>) target(%arg10 : memref<1568x8xf32, #tpu.memory_space<vmem>>) target_semaphore(%run_scoped3A : memref<!tpu.dma_semaphore, #tpu.memory_space<semaphore_mem>>)
      %dma_wait3A = arith.constant 0 : i32
      %dma_wait3A_100 = tpu.memref_slice %arg5[%add3A_89, %dma_wait3A] : memref<100352x8xf32, #tpu.memory_space<vmem_shared>> -> memref<1568x8xf32, #tpu.memory_space<vmem_shared>>
      %dma_wait3A_101 = arith.constant 0 : i32
      %dma_wait3A_102 = tpu.memref_slice %arg5[%add3A_89, %dma_wait3A_101] : memref<100352x8xf32, #tpu.memory_space<vmem_shared>> -> memref<1568x8xf32, #tpu.memory_space<vmem_shared>>
      tpu.wait_dma2 semaphore(%run_scoped3A : memref<!tpu.dma_semaphore, #tpu.memory_space<semaphore_mem>>) src(%dma_wait3A_102 : memref<1568x8xf32, #tpu.memory_space<vmem_shared>>) dst(%arg10 : memref<1568x8xf32, #tpu.memory_space<vmem>>)
      tpu.yield
    }) : () -> ()
    %add3A_90 = arith.constant 3136 : i32
    %add3A_91 = arith.addi %add3A_79, %add3A_90 : i32
    "tpu.region"() ({
      %run_scoped3A = tpu.sem_alloc : memref<!tpu.dma_semaphore, #tpu.memory_space<semaphore_mem>>
      %dma_start3A_96 = arith.constant 0 : i32
      %dma_start3A_97 = tpu.memref_slice %arg4[%add3A_91, %dma_start3A_96] : memref<200704x8xf32, #tpu.memory_space<hbm>> -> memref<1568x8xf32, #tpu.memory_space<hbm>>
      %dma_start3A_98 = arith.constant 0 : i32
      %dma_start3A_99 = tpu.memref_slice %arg4[%add3A_91, %dma_start3A_98] : memref<200704x8xf32, #tpu.memory_space<hbm>> -> memref<1568x8xf32, #tpu.memory_space<hbm>>
      tpu.enqueue_dma source(%arg10 : memref<1568x8xf32, #tpu.memory_space<vmem>>) target(%dma_start3A_99 : memref<1568x8xf32, #tpu.memory_space<hbm>>) target_semaphore(%run_scoped3A : memref<!tpu.dma_semaphore, #tpu.memory_space<semaphore_mem>>)
      %dma_wait3A = arith.constant 0 : i32
      %dma_wait3A_100 = tpu.memref_slice %arg4[%add3A_91, %dma_wait3A] : memref<200704x8xf32, #tpu.memory_space<hbm>> -> memref<1568x8xf32, #tpu.memory_space<hbm>>
      %dma_wait3A_101 = arith.constant 0 : i32
      %dma_wait3A_102 = tpu.memref_slice %arg4[%add3A_91, %dma_wait3A_101] : memref<200704x8xf32, #tpu.memory_space<hbm>> -> memref<1568x8xf32, #tpu.memory_space<hbm>>
      tpu.wait_dma2 semaphore(%run_scoped3A : memref<!tpu.dma_semaphore, #tpu.memory_space<semaphore_mem>>) src(%arg10 : memref<1568x8xf32, #tpu.memory_space<vmem>>) dst(%dma_wait3A_102 : memref<1568x8xf32, #tpu.memory_space<hbm>>)
      tpu.yield
    }) : () -> ()
    %add3A_92 = arith.constant 4704 : i32
    %add3A_93 = arith.addi %mul3A_2, %add3A_92 : i32
    "tpu.region"() ({
      %run_scoped3A = tpu.sem_alloc : memref<!tpu.dma_semaphore, #tpu.memory_space<semaphore_mem>>
      %dma_start3A_96 = arith.constant 0 : i32
      %dma_start3A_97 = tpu.memref_slice %arg5[%add3A_93, %dma_start3A_96] : memref<100352x8xf32, #tpu.memory_space<vmem_shared>> -> memref<1568x8xf32, #tpu.memory_space<vmem_shared>>
      %dma_start3A_98 = arith.constant 0 : i32
      %dma_start3A_99 = tpu.memref_slice %arg5[%add3A_93, %dma_start3A_98] : memref<100352x8xf32, #tpu.memory_space<vmem_shared>> -> memref<1568x8xf32, #tpu.memory_space<vmem_shared>>
      tpu.enqueue_dma source(%dma_start3A_99 : memref<1568x8xf32, #tpu.memory_space<vmem_shared>>) target(%arg10 : memref<1568x8xf32, #tpu.memory_space<vmem>>) target_semaphore(%run_scoped3A : memref<!tpu.dma_semaphore, #tpu.memory_space<semaphore_mem>>)
      %dma_wait3A = arith.constant 0 : i32
      %dma_wait3A_100 = tpu.memref_slice %arg5[%add3A_93, %dma_wait3A] : memref<100352x8xf32, #tpu.memory_space<vmem_shared>> -> memref<1568x8xf32, #tpu.memory_space<vmem_shared>>
      %dma_wait3A_101 = arith.constant 0 : i32
      %dma_wait3A_102 = tpu.memref_slice %arg5[%add3A_93, %dma_wait3A_101] : memref<100352x8xf32, #tpu.memory_space<vmem_shared>> -> memref<1568x8xf32, #tpu.memory_space<vmem_shared>>
      tpu.wait_dma2 semaphore(%run_scoped3A : memref<!tpu.dma_semaphore, #tpu.memory_space<semaphore_mem>>) src(%dma_wait3A_102 : memref<1568x8xf32, #tpu.memory_space<vmem_shared>>) dst(%arg10 : memref<1568x8xf32, #tpu.memory_space<vmem>>)
      tpu.yield
    }) : () -> ()
    %add3A_94 = arith.constant 4704 : i32
    %add3A_95 = arith.addi %add3A_79, %add3A_94 : i32
    "tpu.region"() ({
      %run_scoped3A = tpu.sem_alloc : memref<!tpu.dma_semaphore, #tpu.memory_space<semaphore_mem>>
      %dma_start3A_96 = arith.constant 0 : i32
      %dma_start3A_97 = tpu.memref_slice %arg4[%add3A_95, %dma_start3A_96] : memref<200704x8xf32, #tpu.memory_space<hbm>> -> memref<1568x8xf32, #tpu.memory_space<hbm>>
      %dma_start3A_98 = arith.constant 0 : i32
      %dma_start3A_99 = tpu.memref_slice %arg4[%add3A_95, %dma_start3A_98] : memref<200704x8xf32, #tpu.memory_space<hbm>> -> memref<1568x8xf32, #tpu.memory_space<hbm>>
      tpu.enqueue_dma source(%arg10 : memref<1568x8xf32, #tpu.memory_space<vmem>>) target(%dma_start3A_99 : memref<1568x8xf32, #tpu.memory_space<hbm>>) target_semaphore(%run_scoped3A : memref<!tpu.dma_semaphore, #tpu.memory_space<semaphore_mem>>)
      %dma_wait3A = arith.constant 0 : i32
      %dma_wait3A_100 = tpu.memref_slice %arg4[%add3A_95, %dma_wait3A] : memref<200704x8xf32, #tpu.memory_space<hbm>> -> memref<1568x8xf32, #tpu.memory_space<hbm>>
      %dma_wait3A_101 = arith.constant 0 : i32
      %dma_wait3A_102 = tpu.memref_slice %arg4[%add3A_95, %dma_wait3A_101] : memref<200704x8xf32, #tpu.memory_space<hbm>> -> memref<1568x8xf32, #tpu.memory_space<hbm>>
      tpu.wait_dma2 semaphore(%run_scoped3A : memref<!tpu.dma_semaphore, #tpu.memory_space<semaphore_mem>>) src(%arg10 : memref<1568x8xf32, #tpu.memory_space<vmem>>) dst(%dma_wait3A_102 : memref<1568x8xf32, #tpu.memory_space<hbm>>)
      tpu.yield
    }) : () -> ()
    return
  }
}

#map = affine_map<(d0, d1) -> (0, 0)>
module attributes {stable_mosaic.version = 14 : i64} {
  func.func @_deg_body(%arg0: i32, %arg1: i32, %arg2: memref<12544x512xi32, #tpu.memory_space<hbm>>, %arg3: memref<12544x16xf32, #tpu.memory_space<hbm>>, %arg4: memref<100352x8xf32, #tpu.memory_space<vmem_shared>>, %arg5: memref<512x8xf32, #tpu.memory_space<vmem>>, %arg6: memref<4x512xi32, #tpu.memory_space<vmem>>, %arg7: memref<4x512xi32, #tpu.memory_space<vmem>>, %arg8: memref<1568x8xf32, #tpu.memory_space<vmem>>, %arg9: memref<98x16xf32, #tpu.memory_space<vmem>>, %arg10: memref<!tpu.dma_semaphore, #tpu.memory_space<semaphore_mem>>) attributes {dimension_semantics = [#tpu.dimension_semantics<core_parallel>, #tpu.dimension_semantics<subcore_parallel>], iteration_bounds = array<i64: 2, 16>, scalar_prefetch = 0 : i64, scratch_operands = 7 : i64, tpu.core_type = #tpu.core_type<sc_vector_subcore>, window_params = [{transform_indices = #map}, {transform_indices = #map}]} {
    %mul3A = arith.constant 16 : i32
    %mul3A_0 = arith.muli %arg0, %mul3A : i32
    %add3A = arith.addi %mul3A_0, %arg1 : i32
    %mul3A_1 = arith.constant 6272 : i32
    %mul3A_2 = arith.muli %arg1, %mul3A_1 : i32
    %iota3A = tpu.iota {dimensions = array<i32: 0>} : vector<16xi32>
    %iota3A_3 = tpu.iota {dimensions = array<i32: 0>} : vector<16xi32>
    %broadcast_in_dim3A = arith.constant 0.000000e+00 : f32
    %broadcast_in_dim3A_4 = vector.broadcast %broadcast_in_dim3A : f32 to vector<16xf32>
    %scan3A = arith.constant 0 : i32
    %scan3A_5 = arith.constant 256 : i32
    %scan3A_6 = arith.addi %scan3A, %scan3A_5 : i32
    %scan3A_7 = arith.constant 1 : i32
    scf.for %scan3A_109 = %scan3A to %scan3A_6 step %scan3A_7  : i32 {
      %mul3A_110 = arith.constant 1 : i32
      %mul3A_111 = arith.muli %scan3A_109, %mul3A_110 : i32
      %add3A_112 = arith.constant 0 : i32
      %add3A_113 = arith.addi %add3A_112, %mul3A_111 : i32
      %mul3A_114 = arith.constant 16 : i32
      %mul3A_115 = arith.muli %add3A_113, %mul3A_114 : i32
      %add3A_116 = vector.broadcast %mul3A_115 : i32 to vector<16xi32>
      %add3A_117 = arith.addi %iota3A_3, %add3A_116 : vector<16xi32>
      %jit3A_118 = arith.constant 8 : i32
      %div3A = vector.broadcast %jit3A_118 : i32 to vector<16xi32>
      %div3A_119 = arith.divsi %add3A_117, %div3A : vector<16xi32>
      %sign3A = arith.constant 0 : i32
      %sign3A_120 = vector.broadcast %sign3A : i32 to vector<16xi32>
      %sign3A_121 = arith.cmpi sgt, %add3A_117, %sign3A_120 : vector<16xi32>
      %sign3A_122 = arith.extui %sign3A_121 : vector<16xi1> to vector<16xi32>
      %sign3A_123 = arith.constant 0 : i32
      %sign3A_124 = vector.broadcast %sign3A_123 : i32 to vector<16xi32>
      %sign3A_125 = arith.cmpi slt, %add3A_117, %sign3A_124 : vector<16xi32>
      %sign3A_126 = arith.extui %sign3A_125 : vector<16xi1> to vector<16xi32>
      %sign3A_127 = arith.subi %sign3A_122, %sign3A_126 : vector<16xi32>
      %sign3A_128 = arith.constant 0 : i32
      %sign3A_129 = arith.cmpi sgt, %jit3A_118, %sign3A_128 : i32
      %sign3A_130 = arith.extui %sign3A_129 : i1 to i32
      %sign3A_131 = arith.constant 0 : i32
      %sign3A_132 = arith.cmpi slt, %jit3A_118, %sign3A_131 : i32
      %sign3A_133 = arith.extui %sign3A_132 : i1 to i32
      %sign3A_134 = arith.subi %sign3A_130, %sign3A_133 : i32
      %ne3A = vector.broadcast %sign3A_134 : i32 to vector<16xi32>
      %ne3A_135 = arith.cmpi ne, %sign3A_127, %ne3A : vector<16xi32>
      %rem3A = vector.broadcast %jit3A_118 : i32 to vector<16xi32>
      %rem3A_136 = arith.remsi %add3A_117, %rem3A : vector<16xi32>
      %ne3A_137 = arith.constant 0 : i32
      %ne3A_138 = vector.broadcast %ne3A_137 : i32 to vector<16xi32>
      %ne3A_139 = arith.cmpi ne, %rem3A_136, %ne3A_138 : vector<16xi32>
      %and3A = arith.andi %ne3A_135, %ne3A_139 : vector<16xi1>
      %sub3A = arith.constant 1 : i32
      %sub3A_140 = vector.broadcast %sub3A : i32 to vector<16xi32>
      %sub3A_141 = arith.subi %div3A_119, %sub3A_140 : vector<16xi32>
      %select_n3A_142 = arith.select %and3A, %sub3A_141, %div3A_119 : vector<16xi1>, vector<16xi32>
      %jit3A_143 = arith.constant 8 : i32
      %eq3A_144 = arith.constant 0 : i32
      %eq3A_145 = arith.cmpi eq, %jit3A_143, %eq3A_144 : i32
      %jit3A_146 = arith.constant 1 : i32
      %select_n3A_147 = arith.select %eq3A_145, %jit3A_146, %jit3A_143 : i32
      %rem3A_148 = vector.broadcast %select_n3A_147 : i32 to vector<16xi32>
      %rem3A_149 = arith.remsi %add3A_117, %rem3A_148 : vector<16xi32>
      %ne3A_150 = arith.constant 0 : i32
      %ne3A_151 = vector.broadcast %ne3A_150 : i32 to vector<16xi32>
      %ne3A_152 = arith.cmpi ne, %rem3A_149, %ne3A_151 : vector<16xi32>
      %lt3A = arith.constant 0 : i32
      %lt3A_153 = vector.broadcast %lt3A : i32 to vector<16xi32>
      %lt3A_154 = arith.cmpi slt, %rem3A_149, %lt3A_153 : vector<16xi32>
      %lt3A_155 = arith.constant 0 : i32
      %lt3A_156 = arith.cmpi slt, %select_n3A_147, %lt3A_155 : i32
      %ne3A_157 = vector.broadcast %lt3A_156 : i1 to vector<16xi1>
      %ne3A_158 = vector.broadcast %ne3A_157 : vector<16xi1> to vector<16xi1>
      %ne3A_159 = arith.xori %lt3A_154, %ne3A_158 : vector<16xi1>
      %and3A_160 = arith.andi %ne3A_159, %ne3A_152 : vector<16xi1>
      %add3A_161 = vector.broadcast %select_n3A_147 : i32 to vector<16xi32>
      %add3A_162 = arith.addi %rem3A_149, %add3A_161 : vector<16xi32>
      %select_n3A_163 = arith.select %and3A_160, %add3A_162, %rem3A_149 : vector<16xi1>, vector<16xi32>
      tpu.vector_store_idx %arg5[%select_n3A_142, %select_n3A_163], %broadcast_in_dim3A_4 : memref<512x8xf32, #tpu.memory_space<vmem>>[vector<16xi32>, vector<16xi32>], vector<16xf32>,
    }
    %scan3A_8 = arith.constant 256 : i32
    %broadcast_in_dim3A_9 = arith.constant 1.000000e+00 : f32
    %broadcast_in_dim3A_10 = vector.broadcast %broadcast_in_dim3A_9 : f32 to vector<16xf32>
    %broadcast_in_dim3A_11 = arith.constant 0 : i32
    %broadcast_in_dim3A_12 = vector.broadcast %broadcast_in_dim3A_11 : i32 to vector<16xi32>
    %scan3A_13 = arith.constant 0 : i32
    %scan3A_14 = arith.constant 32 : i32
    %scan3A_15 = arith.addi %scan3A_13, %scan3A_14 : i32
    %scan3A_16 = arith.constant 1 : i32
    scf.for %scan3A_109 = %scan3A_13 to %scan3A_15 step %scan3A_16  : i32 {
      %mul3A_110 = arith.constant 1 : i32
      %mul3A_111 = arith.muli %scan3A_109, %mul3A_110 : i32
      %add3A_112 = arith.constant 0 : i32
      %add3A_113 = arith.addi %add3A_112, %mul3A_111 : i32
      %mul3A_114 = arith.constant 16 : i32
      %mul3A_115 = arith.muli %add3A_113, %mul3A_114 : i32
      %add3A_116 = vector.broadcast %mul3A_115 : i32 to vector<16xi32>
      %add3A_117 = arith.addi %iota3A, %add3A_116 : vector<16xi32>
      tpu.vector_store_idx %arg5[%add3A_117, %broadcast_in_dim3A_12], %broadcast_in_dim3A_10 : memref<512x8xf32, #tpu.memory_space<vmem>>[vector<16xi32>, vector<16xi32>], vector<16xf32>,
    }
    %scan3A_17 = arith.constant 32 : i32
    %iota3A_18 = tpu.iota {dimensions = array<i32: 0>} : vector<16xi32>
    %broadcast_in_dim3A_19 = arith.constant 0.000000e+00 : f32
    %broadcast_in_dim3A_20 = vector.broadcast %broadcast_in_dim3A_19 : f32 to vector<16xf32>
    %scan3A_21 = arith.constant 0 : i32
    %scan3A_22 = arith.constant 784 : i32
    %scan3A_23 = arith.addi %scan3A_21, %scan3A_22 : i32
    %scan3A_24 = arith.constant 1 : i32
    scf.for %scan3A_109 = %scan3A_21 to %scan3A_23 step %scan3A_24  : i32 {
      %mul3A_110 = arith.constant 1 : i32
      %mul3A_111 = arith.muli %scan3A_109, %mul3A_110 : i32
      %add3A_112 = arith.constant 0 : i32
      %add3A_113 = arith.addi %add3A_112, %mul3A_111 : i32
      %mul3A_114 = arith.constant 16 : i32
      %mul3A_115 = arith.muli %add3A_113, %mul3A_114 : i32
      %add3A_116 = vector.broadcast %mul3A_115 : i32 to vector<16xi32>
      %add3A_117 = arith.addi %iota3A_18, %add3A_116 : vector<16xi32>
      %jit3A_118 = arith.constant 8 : i32
      %div3A = vector.broadcast %jit3A_118 : i32 to vector<16xi32>
      %div3A_119 = arith.divsi %add3A_117, %div3A : vector<16xi32>
      %sign3A = arith.constant 0 : i32
      %sign3A_120 = vector.broadcast %sign3A : i32 to vector<16xi32>
      %sign3A_121 = arith.cmpi sgt, %add3A_117, %sign3A_120 : vector<16xi32>
      %sign3A_122 = arith.extui %sign3A_121 : vector<16xi1> to vector<16xi32>
      %sign3A_123 = arith.constant 0 : i32
      %sign3A_124 = vector.broadcast %sign3A_123 : i32 to vector<16xi32>
      %sign3A_125 = arith.cmpi slt, %add3A_117, %sign3A_124 : vector<16xi32>
      %sign3A_126 = arith.extui %sign3A_125 : vector<16xi1> to vector<16xi32>
      %sign3A_127 = arith.subi %sign3A_122, %sign3A_126 : vector<16xi32>
      %sign3A_128 = arith.constant 0 : i32
      %sign3A_129 = arith.cmpi sgt, %jit3A_118, %sign3A_128 : i32
      %sign3A_130 = arith.extui %sign3A_129 : i1 to i32
      %sign3A_131 = arith.constant 0 : i32
      %sign3A_132 = arith.cmpi slt, %jit3A_118, %sign3A_131 : i32
      %sign3A_133 = arith.extui %sign3A_132 : i1 to i32
      %sign3A_134 = arith.subi %sign3A_130, %sign3A_133 : i32
      %ne3A = vector.broadcast %sign3A_134 : i32 to vector<16xi32>
      %ne3A_135 = arith.cmpi ne, %sign3A_127, %ne3A : vector<16xi32>
      %rem3A = vector.broadcast %jit3A_118 : i32 to vector<16xi32>
      %rem3A_136 = arith.remsi %add3A_117, %rem3A : vector<16xi32>
      %ne3A_137 = arith.constant 0 : i32
      %ne3A_138 = vector.broadcast %ne3A_137 : i32 to vector<16xi32>
      %ne3A_139 = arith.cmpi ne, %rem3A_136, %ne3A_138 : vector<16xi32>
      %and3A = arith.andi %ne3A_135, %ne3A_139 : vector<16xi1>
      %sub3A = arith.constant 1 : i32
      %sub3A_140 = vector.broadcast %sub3A : i32 to vector<16xi32>
      %sub3A_141 = arith.subi %div3A_119, %sub3A_140 : vector<16xi32>
      %select_n3A_142 = arith.select %and3A, %sub3A_141, %div3A_119 : vector<16xi1>, vector<16xi32>
      %jit3A_143 = arith.constant 8 : i32
      %eq3A_144 = arith.constant 0 : i32
      %eq3A_145 = arith.cmpi eq, %jit3A_143, %eq3A_144 : i32
      %jit3A_146 = arith.constant 1 : i32
      %select_n3A_147 = arith.select %eq3A_145, %jit3A_146, %jit3A_143 : i32
      %rem3A_148 = vector.broadcast %select_n3A_147 : i32 to vector<16xi32>
      %rem3A_149 = arith.remsi %add3A_117, %rem3A_148 : vector<16xi32>
      %ne3A_150 = arith.constant 0 : i32
      %ne3A_151 = vector.broadcast %ne3A_150 : i32 to vector<16xi32>
      %ne3A_152 = arith.cmpi ne, %rem3A_149, %ne3A_151 : vector<16xi32>
      %lt3A = arith.constant 0 : i32
      %lt3A_153 = vector.broadcast %lt3A : i32 to vector<16xi32>
      %lt3A_154 = arith.cmpi slt, %rem3A_149, %lt3A_153 : vector<16xi32>
      %lt3A_155 = arith.constant 0 : i32
      %lt3A_156 = arith.cmpi slt, %select_n3A_147, %lt3A_155 : i32
      %ne3A_157 = vector.broadcast %lt3A_156 : i1 to vector<16xi1>
      %ne3A_158 = vector.broadcast %ne3A_157 : vector<16xi1> to vector<16xi1>
      %ne3A_159 = arith.xori %lt3A_154, %ne3A_158 : vector<16xi1>
      %and3A_160 = arith.andi %ne3A_159, %ne3A_152 : vector<16xi1>
      %add3A_161 = vector.broadcast %select_n3A_147 : i32 to vector<16xi32>
      %add3A_162 = arith.addi %rem3A_149, %add3A_161 : vector<16xi32>
      %select_n3A_163 = arith.select %and3A_160, %add3A_162, %rem3A_149 : vector<16xi1>, vector<16xi32>
      tpu.vector_store_idx %arg8[%select_n3A_142, %select_n3A_163], %broadcast_in_dim3A_20 : memref<1568x8xf32, #tpu.memory_space<vmem>>[vector<16xi32>, vector<16xi32>], vector<16xf32>,
    }
    %scan3A_25 = arith.constant 784 : i32
    %eq3A = arith.constant 0 : i32
    %eq3A_26 = arith.cmpi eq, %arg0, %eq3A : i32
    %jit3A = arith.constant 1.000000e+00 : f32
    %jit3A_27 = arith.constant 0.000000e+00 : f32
    %select_n3A = arith.select %eq3A_26, %jit3A, %jit3A_27 : f32
    %mul3A_28 = vector.broadcast %select_n3A : f32 to vector<16xf32>
    %mul3A_29 = arith.mulf %broadcast_in_dim3A_10, %mul3A_28 : vector<16xf32>
    %scan3A_30 = arith.constant 0 : i32
    %scan3A_31 = arith.constant 98 : i32
    %scan3A_32 = arith.addi %scan3A_30, %scan3A_31 : i32
    %scan3A_33 = arith.constant 1 : i32
    scf.for %scan3A_109 = %scan3A_30 to %scan3A_32 step %scan3A_33  : i32 {
      %mul3A_110 = arith.constant 1 : i32
      %mul3A_111 = arith.muli %scan3A_109, %mul3A_110 : i32
      %add3A_112 = arith.constant 0 : i32
      %add3A_113 = arith.addi %add3A_112, %mul3A_111 : i32
      %mul3A_114 = arith.constant 16 : i32
      %mul3A_115 = arith.muli %add3A_113, %mul3A_114 : i32
      %add3A_116 = vector.broadcast %mul3A_115 : i32 to vector<16xi32>
      %add3A_117 = arith.addi %iota3A, %add3A_116 : vector<16xi32>
      tpu.vector_store_idx %arg8[%add3A_117, %broadcast_in_dim3A_12], %mul3A_29 : memref<1568x8xf32, #tpu.memory_space<vmem>>[vector<16xi32>, vector<16xi32>], vector<16xf32>,
    }
    %scan3A_34 = arith.constant 98 : i32
    %add3A_35 = arith.constant 0 : i32
    %add3A_36 = arith.addi %mul3A_2, %add3A_35 : i32
    "tpu.region"() ({
      %run_scoped3A = tpu.sem_alloc : memref<!tpu.dma_semaphore, #tpu.memory_space<semaphore_mem>>
      %dma_start3A = arith.constant 0 : i32
      %dma_start3A_109 = tpu.memref_slice %arg4[%add3A_36, %dma_start3A] : memref<100352x8xf32, #tpu.memory_space<vmem_shared>> -> memref<1568x8xf32, #tpu.memory_space<vmem_shared>>
      %dma_start3A_110 = arith.constant 0 : i32
      %dma_start3A_111 = tpu.memref_slice %arg4[%add3A_36, %dma_start3A_110] : memref<100352x8xf32, #tpu.memory_space<vmem_shared>> -> memref<1568x8xf32, #tpu.memory_space<vmem_shared>>
      tpu.enqueue_dma source(%arg8 : memref<1568x8xf32, #tpu.memory_space<vmem>>) target(%dma_start3A_111 : memref<1568x8xf32, #tpu.memory_space<vmem_shared>>) target_semaphore(%run_scoped3A : memref<!tpu.dma_semaphore, #tpu.memory_space<semaphore_mem>>)
      %dma_wait3A = arith.constant 0 : i32
      %dma_wait3A_112 = tpu.memref_slice %arg4[%add3A_36, %dma_wait3A] : memref<100352x8xf32, #tpu.memory_space<vmem_shared>> -> memref<1568x8xf32, #tpu.memory_space<vmem_shared>>
      %dma_wait3A_113 = arith.constant 0 : i32
      %dma_wait3A_114 = tpu.memref_slice %arg4[%add3A_36, %dma_wait3A_113] : memref<100352x8xf32, #tpu.memory_space<vmem_shared>> -> memref<1568x8xf32, #tpu.memory_space<vmem_shared>>
      tpu.wait_dma2 semaphore(%run_scoped3A : memref<!tpu.dma_semaphore, #tpu.memory_space<semaphore_mem>>) src(%arg8 : memref<1568x8xf32, #tpu.memory_space<vmem>>) dst(%dma_wait3A_114 : memref<1568x8xf32, #tpu.memory_space<vmem_shared>>)
      tpu.yield
    }) : () -> ()
    %add3A_37 = arith.constant 1568 : i32
    %add3A_38 = arith.addi %mul3A_2, %add3A_37 : i32
    "tpu.region"() ({
      %run_scoped3A = tpu.sem_alloc : memref<!tpu.dma_semaphore, #tpu.memory_space<semaphore_mem>>
      %dma_start3A = arith.constant 0 : i32
      %dma_start3A_109 = tpu.memref_slice %arg4[%add3A_38, %dma_start3A] : memref<100352x8xf32, #tpu.memory_space<vmem_shared>> -> memref<1568x8xf32, #tpu.memory_space<vmem_shared>>
      %dma_start3A_110 = arith.constant 0 : i32
      %dma_start3A_111 = tpu.memref_slice %arg4[%add3A_38, %dma_start3A_110] : memref<100352x8xf32, #tpu.memory_space<vmem_shared>> -> memref<1568x8xf32, #tpu.memory_space<vmem_shared>>
      tpu.enqueue_dma source(%arg8 : memref<1568x8xf32, #tpu.memory_space<vmem>>) target(%dma_start3A_111 : memref<1568x8xf32, #tpu.memory_space<vmem_shared>>) target_semaphore(%run_scoped3A : memref<!tpu.dma_semaphore, #tpu.memory_space<semaphore_mem>>)
      %dma_wait3A = arith.constant 0 : i32
      %dma_wait3A_112 = tpu.memref_slice %arg4[%add3A_38, %dma_wait3A] : memref<100352x8xf32, #tpu.memory_space<vmem_shared>> -> memref<1568x8xf32, #tpu.memory_space<vmem_shared>>
      %dma_wait3A_113 = arith.constant 0 : i32
      %dma_wait3A_114 = tpu.memref_slice %arg4[%add3A_38, %dma_wait3A_113] : memref<100352x8xf32, #tpu.memory_space<vmem_shared>> -> memref<1568x8xf32, #tpu.memory_space<vmem_shared>>
      tpu.wait_dma2 semaphore(%run_scoped3A : memref<!tpu.dma_semaphore, #tpu.memory_space<semaphore_mem>>) src(%arg8 : memref<1568x8xf32, #tpu.memory_space<vmem>>) dst(%dma_wait3A_114 : memref<1568x8xf32, #tpu.memory_space<vmem_shared>>)
      tpu.yield
    }) : () -> ()
    %add3A_39 = arith.constant 3136 : i32
    %add3A_40 = arith.addi %mul3A_2, %add3A_39 : i32
    "tpu.region"() ({
      %run_scoped3A = tpu.sem_alloc : memref<!tpu.dma_semaphore, #tpu.memory_space<semaphore_mem>>
      %dma_start3A = arith.constant 0 : i32
      %dma_start3A_109 = tpu.memref_slice %arg4[%add3A_40, %dma_start3A] : memref<100352x8xf32, #tpu.memory_space<vmem_shared>> -> memref<1568x8xf32, #tpu.memory_space<vmem_shared>>
      %dma_start3A_110 = arith.constant 0 : i32
      %dma_start3A_111 = tpu.memref_slice %arg4[%add3A_40, %dma_start3A_110] : memref<100352x8xf32, #tpu.memory_space<vmem_shared>> -> memref<1568x8xf32, #tpu.memory_space<vmem_shared>>
      tpu.enqueue_dma source(%arg8 : memref<1568x8xf32, #tpu.memory_space<vmem>>) target(%dma_start3A_111 : memref<1568x8xf32, #tpu.memory_space<vmem_shared>>) target_semaphore(%run_scoped3A : memref<!tpu.dma_semaphore, #tpu.memory_space<semaphore_mem>>)
      %dma_wait3A = arith.constant 0 : i32
      %dma_wait3A_112 = tpu.memref_slice %arg4[%add3A_40, %dma_wait3A] : memref<100352x8xf32, #tpu.memory_space<vmem_shared>> -> memref<1568x8xf32, #tpu.memory_space<vmem_shared>>
      %dma_wait3A_113 = arith.constant 0 : i32
      %dma_wait3A_114 = tpu.memref_slice %arg4[%add3A_40, %dma_wait3A_113] : memref<100352x8xf32, #tpu.memory_space<vmem_shared>> -> memref<1568x8xf32, #tpu.memory_space<vmem_shared>>
      tpu.wait_dma2 semaphore(%run_scoped3A : memref<!tpu.dma_semaphore, #tpu.memory_space<semaphore_mem>>) src(%arg8 : memref<1568x8xf32, #tpu.memory_space<vmem>>) dst(%dma_wait3A_114 : memref<1568x8xf32, #tpu.memory_space<vmem_shared>>)
      tpu.yield
    }) : () -> ()
    %add3A_41 = arith.constant 4704 : i32
    %add3A_42 = arith.addi %mul3A_2, %add3A_41 : i32
    "tpu.region"() ({
      %run_scoped3A = tpu.sem_alloc : memref<!tpu.dma_semaphore, #tpu.memory_space<semaphore_mem>>
      %dma_start3A = arith.constant 0 : i32
      %dma_start3A_109 = tpu.memref_slice %arg4[%add3A_42, %dma_start3A] : memref<100352x8xf32, #tpu.memory_space<vmem_shared>> -> memref<1568x8xf32, #tpu.memory_space<vmem_shared>>
      %dma_start3A_110 = arith.constant 0 : i32
      %dma_start3A_111 = tpu.memref_slice %arg4[%add3A_42, %dma_start3A_110] : memref<100352x8xf32, #tpu.memory_space<vmem_shared>> -> memref<1568x8xf32, #tpu.memory_space<vmem_shared>>
      tpu.enqueue_dma source(%arg8 : memref<1568x8xf32, #tpu.memory_space<vmem>>) target(%dma_start3A_111 : memref<1568x8xf32, #tpu.memory_space<vmem_shared>>) target_semaphore(%run_scoped3A : memref<!tpu.dma_semaphore, #tpu.memory_space<semaphore_mem>>)
      %dma_wait3A = arith.constant 0 : i32
      %dma_wait3A_112 = tpu.memref_slice %arg4[%add3A_42, %dma_wait3A] : memref<100352x8xf32, #tpu.memory_space<vmem_shared>> -> memref<1568x8xf32, #tpu.memory_space<vmem_shared>>
      %dma_wait3A_113 = arith.constant 0 : i32
      %dma_wait3A_114 = tpu.memref_slice %arg4[%add3A_42, %dma_wait3A_113] : memref<100352x8xf32, #tpu.memory_space<vmem_shared>> -> memref<1568x8xf32, #tpu.memory_space<vmem_shared>>
      tpu.wait_dma2 semaphore(%run_scoped3A : memref<!tpu.dma_semaphore, #tpu.memory_space<semaphore_mem>>) src(%arg8 : memref<1568x8xf32, #tpu.memory_space<vmem>>) dst(%dma_wait3A_114 : memref<1568x8xf32, #tpu.memory_space<vmem_shared>>)
      tpu.yield
    }) : () -> ()
    %barrier3A = arith.constant 0 : index
    tpu.barrier barrier_id(%barrier3A)
    %mul3A_43 = arith.constant 98 : i32
    %mul3A_44 = arith.muli %add3A, %mul3A_43 : i32
    %mul3A_45 = arith.constant 4 : i32
    %mul3A_46 = arith.muli %mul3A_44, %mul3A_45 : i32
    "tpu.region"() ({
      %run_scoped3A = tpu.sem_alloc : memref<!tpu.dma_semaphore, #tpu.memory_space<semaphore_mem>>
      %dma_start3A = arith.constant 0 : i32
      %dma_start3A_109 = tpu.memref_slice %arg2[%mul3A_46, %dma_start3A] : memref<12544x512xi32, #tpu.memory_space<hbm>> -> memref<4x512xi32, #tpu.memory_space<hbm>>
      %dma_start3A_110 = arith.constant 0 : i32
      %dma_start3A_111 = tpu.memref_slice %arg2[%mul3A_46, %dma_start3A_110] : memref<12544x512xi32, #tpu.memory_space<hbm>> -> memref<4x512xi32, #tpu.memory_space<hbm>>
      tpu.enqueue_dma source(%dma_start3A_111 : memref<4x512xi32, #tpu.memory_space<hbm>>) target(%arg6 : memref<4x512xi32, #tpu.memory_space<vmem>>) target_semaphore(%run_scoped3A : memref<!tpu.dma_semaphore, #tpu.memory_space<semaphore_mem>>)
      %dma_wait3A = arith.constant 0 : i32
      %dma_wait3A_112 = tpu.memref_slice %arg2[%mul3A_46, %dma_wait3A] : memref<12544x512xi32, #tpu.memory_space<hbm>> -> memref<4x512xi32, #tpu.memory_space<hbm>>
      %dma_wait3A_113 = arith.constant 0 : i32
      %dma_wait3A_114 = tpu.memref_slice %arg2[%mul3A_46, %dma_wait3A_113] : memref<12544x512xi32, #tpu.memory_space<hbm>> -> memref<4x512xi32, #tpu.memory_space<hbm>>
      tpu.wait_dma2 semaphore(%run_scoped3A : memref<!tpu.dma_semaphore, #tpu.memory_space<semaphore_mem>>) src(%dma_wait3A_114 : memref<4x512xi32, #tpu.memory_space<hbm>>) dst(%arg6 : memref<4x512xi32, #tpu.memory_space<vmem>>)
      tpu.yield
    }) : () -> ()
    %scan3A_47 = arith.constant 0 : i32
    %scan3A_48 = arith.constant 49 : i32
    %scan3A_49 = arith.addi %scan3A_47, %scan3A_48 : i32
    %scan3A_50 = arith.constant 1 : i32
    scf.for %scan3A_109 = %scan3A_47 to %scan3A_49 step %scan3A_50  : i32 {
      %mul3A_110 = arith.constant 1 : i32
      %mul3A_111 = arith.muli %scan3A_109, %mul3A_110 : i32
      %add3A_112 = arith.constant 0 : i32
      %add3A_113 = arith.addi %add3A_112, %mul3A_111 : i32
      %mul3A_114 = arith.constant 2 : i32
      %mul3A_115 = arith.muli %mul3A_114, %add3A_113 : i32
      %mul3A_116 = arith.constant 4 : i32
      %mul3A_117 = arith.muli %mul3A_115, %mul3A_116 : i32
      %add3A_118 = arith.addi %mul3A_46, %mul3A_117 : i32
      %dma_start3A = arith.constant 0 : i32
      %dma_start3A_119 = arith.constant 0 : i32
      %dma_start3A_120 = tpu.memref_slice %arg6[%dma_start3A, %dma_start3A_119] : memref<4x512xi32, #tpu.memory_space<vmem>> -> memref<1x512xi32, #tpu.memory_space<vmem>>
      %dma_start3A_121 = tpu.memref_squeeze %dma_start3A_120 : memref<1x512xi32, #tpu.memory_space<vmem>> -> memref<512xi32, #tpu.memory_space<vmem>>
      %dma_start3A_122 = arith.constant 0 : i32
      %dma_start3A_123 = arith.constant 0 : i32
      %dma_start3A_124 = tpu.memref_slice %arg4[%dma_start3A_122, %dma_start3A_123] : memref<100352x8xf32, #tpu.memory_space<vmem_shared>> -> memref<100352x8xf32, #tpu.memory_space<vmem_shared>>
      tpu.enqueue_indirect_dma source(%arg5 : memref<512x8xf32, #tpu.memory_space<vmem>>) target(%dma_start3A_124 : memref<100352x8xf32, #tpu.memory_space<vmem_shared>>) offsets(%dma_start3A_121 : memref<512xi32, #tpu.memory_space<vmem>>) semaphore(%arg10 : memref<!tpu.dma_semaphore, #tpu.memory_space<semaphore_mem>>) {add = true}
      %dma_start3A_125 = arith.constant 1 : i32
      %dma_start3A_126 = arith.constant 0 : i32
      %dma_start3A_127 = tpu.memref_slice %arg6[%dma_start3A_125, %dma_start3A_126] : memref<4x512xi32, #tpu.memory_space<vmem>> -> memref<1x512xi32, #tpu.memory_space<vmem>>
      %dma_start3A_128 = tpu.memref_squeeze %dma_start3A_127 : memref<1x512xi32, #tpu.memory_space<vmem>> -> memref<512xi32, #tpu.memory_space<vmem>>
      %dma_start3A_129 = arith.constant 0 : i32
      %dma_start3A_130 = arith.constant 0 : i32
      %dma_start3A_131 = tpu.memref_slice %arg4[%dma_start3A_129, %dma_start3A_130] : memref<100352x8xf32, #tpu.memory_space<vmem_shared>> -> memref<100352x8xf32, #tpu.memory_space<vmem_shared>>
      tpu.enqueue_indirect_dma source(%arg5 : memref<512x8xf32, #tpu.memory_space<vmem>>) target(%dma_start3A_131 : memref<100352x8xf32, #tpu.memory_space<vmem_shared>>) offsets(%dma_start3A_128 : memref<512xi32, #tpu.memory_space<vmem>>) semaphore(%arg10 : memref<!tpu.dma_semaphore, #tpu.memory_space<semaphore_mem>>) {add = true}
      %dma_start3A_132 = arith.constant 2 : i32
      %dma_start3A_133 = arith.constant 0 : i32
      %dma_start3A_134 = tpu.memref_slice %arg6[%dma_start3A_132, %dma_start3A_133] : memref<4x512xi32, #tpu.memory_space<vmem>> -> memref<1x512xi32, #tpu.memory_space<vmem>>
      %dma_start3A_135 = tpu.memref_squeeze %dma_start3A_134 : memref<1x512xi32, #tpu.memory_space<vmem>> -> memref<512xi32, #tpu.memory_space<vmem>>
      %dma_start3A_136 = arith.constant 0 : i32
      %dma_start3A_137 = arith.constant 0 : i32
      %dma_start3A_138 = tpu.memref_slice %arg4[%dma_start3A_136, %dma_start3A_137] : memref<100352x8xf32, #tpu.memory_space<vmem_shared>> -> memref<100352x8xf32, #tpu.memory_space<vmem_shared>>
      tpu.enqueue_indirect_dma source(%arg5 : memref<512x8xf32, #tpu.memory_space<vmem>>) target(%dma_start3A_138 : memref<100352x8xf32, #tpu.memory_space<vmem_shared>>) offsets(%dma_start3A_135 : memref<512xi32, #tpu.memory_space<vmem>>) semaphore(%arg10 : memref<!tpu.dma_semaphore, #tpu.memory_space<semaphore_mem>>) {add = true}
      %dma_start3A_139 = arith.constant 3 : i32
      %dma_start3A_140 = arith.constant 0 : i32
      %dma_start3A_141 = tpu.memref_slice %arg6[%dma_start3A_139, %dma_start3A_140] : memref<4x512xi32, #tpu.memory_space<vmem>> -> memref<1x512xi32, #tpu.memory_space<vmem>>
      %dma_start3A_142 = tpu.memref_squeeze %dma_start3A_141 : memref<1x512xi32, #tpu.memory_space<vmem>> -> memref<512xi32, #tpu.memory_space<vmem>>
      %dma_start3A_143 = arith.constant 0 : i32
      %dma_start3A_144 = arith.constant 0 : i32
      %dma_start3A_145 = tpu.memref_slice %arg4[%dma_start3A_143, %dma_start3A_144] : memref<100352x8xf32, #tpu.memory_space<vmem_shared>> -> memref<100352x8xf32, #tpu.memory_space<vmem_shared>>
      tpu.enqueue_indirect_dma source(%arg5 : memref<512x8xf32, #tpu.memory_space<vmem>>) target(%dma_start3A_145 : memref<100352x8xf32, #tpu.memory_space<vmem_shared>>) offsets(%dma_start3A_142 : memref<512xi32, #tpu.memory_space<vmem>>) semaphore(%arg10 : memref<!tpu.dma_semaphore, #tpu.memory_space<semaphore_mem>>) {add = true}
      %add3A_146 = arith.constant 4 : i32
      %add3A_147 = arith.addi %add3A_118, %add3A_146 : i32
      "tpu.region"() ({
        %run_scoped3A = tpu.sem_alloc : memref<!tpu.dma_semaphore, #tpu.memory_space<semaphore_mem>>
        %dma_start3A_233 = arith.constant 0 : i32
        %dma_start3A_234 = tpu.memref_slice %arg2[%add3A_147, %dma_start3A_233] : memref<12544x512xi32, #tpu.memory_space<hbm>> -> memref<4x512xi32, #tpu.memory_space<hbm>>
        %dma_start3A_235 = arith.constant 0 : i32
        %dma_start3A_236 = tpu.memref_slice %arg2[%add3A_147, %dma_start3A_235] : memref<12544x512xi32, #tpu.memory_space<hbm>> -> memref<4x512xi32, #tpu.memory_space<hbm>>
        tpu.enqueue_dma source(%dma_start3A_236 : memref<4x512xi32, #tpu.memory_space<hbm>>) target(%arg7 : memref<4x512xi32, #tpu.memory_space<vmem>>) target_semaphore(%run_scoped3A : memref<!tpu.dma_semaphore, #tpu.memory_space<semaphore_mem>>)
        %dma_wait3A_237 = arith.constant 0 : i32
        %dma_wait3A_238 = tpu.memref_slice %arg2[%add3A_147, %dma_wait3A_237] : memref<12544x512xi32, #tpu.memory_space<hbm>> -> memref<4x512xi32, #tpu.memory_space<hbm>>
        %dma_wait3A_239 = arith.constant 0 : i32
        %dma_wait3A_240 = tpu.memref_slice %arg2[%add3A_147, %dma_wait3A_239] : memref<12544x512xi32, #tpu.memory_space<hbm>> -> memref<4x512xi32, #tpu.memory_space<hbm>>
        tpu.wait_dma2 semaphore(%run_scoped3A : memref<!tpu.dma_semaphore, #tpu.memory_space<semaphore_mem>>) src(%dma_wait3A_240 : memref<4x512xi32, #tpu.memory_space<hbm>>) dst(%arg7 : memref<4x512xi32, #tpu.memory_space<vmem>>)
        tpu.yield
      }) : () -> ()
      %dma_wait3A = arith.constant 0 : i32
      %dma_wait3A_148 = arith.constant 0 : i32
      %dma_wait3A_149 = tpu.memref_slice %arg6[%dma_wait3A, %dma_wait3A_148] : memref<4x512xi32, #tpu.memory_space<vmem>> -> memref<1x512xi32, #tpu.memory_space<vmem>>
      %dma_wait3A_150 = tpu.memref_squeeze %dma_wait3A_149 : memref<1x512xi32, #tpu.memory_space<vmem>> -> memref<512xi32, #tpu.memory_space<vmem>>
      %dma_wait3A_151 = arith.constant 0 : i32
      %dma_wait3A_152 = arith.constant 0 : i32
      %dma_wait3A_153 = tpu.memref_slice %arg4[%dma_wait3A_151, %dma_wait3A_152] : memref<100352x8xf32, #tpu.memory_space<vmem_shared>> -> memref<100352x8xf32, #tpu.memory_space<vmem_shared>>
      tpu.wait_indirect_dma semaphore(%arg10 : memref<!tpu.dma_semaphore, #tpu.memory_space<semaphore_mem>>) src(%arg5 : memref<512x8xf32, #tpu.memory_space<vmem>>) dst(%dma_wait3A_153 : memref<100352x8xf32, #tpu.memory_space<vmem_shared>>)
      %dma_wait3A_154 = arith.constant 1 : i32
      %dma_wait3A_155 = arith.constant 0 : i32
      %dma_wait3A_156 = tpu.memref_slice %arg6[%dma_wait3A_154, %dma_wait3A_155] : memref<4x512xi32, #tpu.memory_space<vmem>> -> memref<1x512xi32, #tpu.memory_space<vmem>>
      %dma_wait3A_157 = tpu.memref_squeeze %dma_wait3A_156 : memref<1x512xi32, #tpu.memory_space<vmem>> -> memref<512xi32, #tpu.memory_space<vmem>>
      %dma_wait3A_158 = arith.constant 0 : i32
      %dma_wait3A_159 = arith.constant 0 : i32
      %dma_wait3A_160 = tpu.memref_slice %arg4[%dma_wait3A_158, %dma_wait3A_159] : memref<100352x8xf32, #tpu.memory_space<vmem_shared>> -> memref<100352x8xf32, #tpu.memory_space<vmem_shared>>
      tpu.wait_indirect_dma semaphore(%arg10 : memref<!tpu.dma_semaphore, #tpu.memory_space<semaphore_mem>>) src(%arg5 : memref<512x8xf32, #tpu.memory_space<vmem>>) dst(%dma_wait3A_160 : memref<100352x8xf32, #tpu.memory_space<vmem_shared>>)
      %dma_wait3A_161 = arith.constant 2 : i32
      %dma_wait3A_162 = arith.constant 0 : i32
      %dma_wait3A_163 = tpu.memref_slice %arg6[%dma_wait3A_161, %dma_wait3A_162] : memref<4x512xi32, #tpu.memory_space<vmem>> -> memref<1x512xi32, #tpu.memory_space<vmem>>
      %dma_wait3A_164 = tpu.memref_squeeze %dma_wait3A_163 : memref<1x512xi32, #tpu.memory_space<vmem>> -> memref<512xi32, #tpu.memory_space<vmem>>
      %dma_wait3A_165 = arith.constant 0 : i32
      %dma_wait3A_166 = arith.constant 0 : i32
      %dma_wait3A_167 = tpu.memref_slice %arg4[%dma_wait3A_165, %dma_wait3A_166] : memref<100352x8xf32, #tpu.memory_space<vmem_shared>> -> memref<100352x8xf32, #tpu.memory_space<vmem_shared>>
      tpu.wait_indirect_dma semaphore(%arg10 : memref<!tpu.dma_semaphore, #tpu.memory_space<semaphore_mem>>) src(%arg5 : memref<512x8xf32, #tpu.memory_space<vmem>>) dst(%dma_wait3A_167 : memref<100352x8xf32, #tpu.memory_space<vmem_shared>>)
      %dma_wait3A_168 = arith.constant 3 : i32
      %dma_wait3A_169 = arith.constant 0 : i32
      %dma_wait3A_170 = tpu.memref_slice %arg6[%dma_wait3A_168, %dma_wait3A_169] : memref<4x512xi32, #tpu.memory_space<vmem>> -> memref<1x512xi32, #tpu.memory_space<vmem>>
      %dma_wait3A_171 = tpu.memref_squeeze %dma_wait3A_170 : memref<1x512xi32, #tpu.memory_space<vmem>> -> memref<512xi32, #tpu.memory_space<vmem>>
      %dma_wait3A_172 = arith.constant 0 : i32
      %dma_wait3A_173 = arith.constant 0 : i32
      %dma_wait3A_174 = tpu.memref_slice %arg4[%dma_wait3A_172, %dma_wait3A_173] : memref<100352x8xf32, #tpu.memory_space<vmem_shared>> -> memref<100352x8xf32, #tpu.memory_space<vmem_shared>>
      tpu.wait_indirect_dma semaphore(%arg10 : memref<!tpu.dma_semaphore, #tpu.memory_space<semaphore_mem>>) src(%arg5 : memref<512x8xf32, #tpu.memory_space<vmem>>) dst(%dma_wait3A_174 : memref<100352x8xf32, #tpu.memory_space<vmem_shared>>)
      %dma_start3A_175 = arith.constant 0 : i32
      %dma_start3A_176 = arith.constant 0 : i32
      %dma_start3A_177 = tpu.memref_slice %arg7[%dma_start3A_175, %dma_start3A_176] : memref<4x512xi32, #tpu.memory_space<vmem>> -> memref<1x512xi32, #tpu.memory_space<vmem>>
      %dma_start3A_178 = tpu.memref_squeeze %dma_start3A_177 : memref<1x512xi32, #tpu.memory_space<vmem>> -> memref<512xi32, #tpu.memory_space<vmem>>
      %dma_start3A_179 = arith.constant 0 : i32
      %dma_start3A_180 = arith.constant 0 : i32
      %dma_start3A_181 = tpu.memref_slice %arg4[%dma_start3A_179, %dma_start3A_180] : memref<100352x8xf32, #tpu.memory_space<vmem_shared>> -> memref<100352x8xf32, #tpu.memory_space<vmem_shared>>
      tpu.enqueue_indirect_dma source(%arg5 : memref<512x8xf32, #tpu.memory_space<vmem>>) target(%dma_start3A_181 : memref<100352x8xf32, #tpu.memory_space<vmem_shared>>) offsets(%dma_start3A_178 : memref<512xi32, #tpu.memory_space<vmem>>) semaphore(%arg10 : memref<!tpu.dma_semaphore, #tpu.memory_space<semaphore_mem>>) {add = true}
      %dma_start3A_182 = arith.constant 1 : i32
      %dma_start3A_183 = arith.constant 0 : i32
      %dma_start3A_184 = tpu.memref_slice %arg7[%dma_start3A_182, %dma_start3A_183] : memref<4x512xi32, #tpu.memory_space<vmem>> -> memref<1x512xi32, #tpu.memory_space<vmem>>
      %dma_start3A_185 = tpu.memref_squeeze %dma_start3A_184 : memref<1x512xi32, #tpu.memory_space<vmem>> -> memref<512xi32, #tpu.memory_space<vmem>>
      %dma_start3A_186 = arith.constant 0 : i32
      %dma_start3A_187 = arith.constant 0 : i32
      %dma_start3A_188 = tpu.memref_slice %arg4[%dma_start3A_186, %dma_start3A_187] : memref<100352x8xf32, #tpu.memory_space<vmem_shared>> -> memref<100352x8xf32, #tpu.memory_space<vmem_shared>>
      tpu.enqueue_indirect_dma source(%arg5 : memref<512x8xf32, #tpu.memory_space<vmem>>) target(%dma_start3A_188 : memref<100352x8xf32, #tpu.memory_space<vmem_shared>>) offsets(%dma_start3A_185 : memref<512xi32, #tpu.memory_space<vmem>>) semaphore(%arg10 : memref<!tpu.dma_semaphore, #tpu.memory_space<semaphore_mem>>) {add = true}
      %dma_start3A_189 = arith.constant 2 : i32
      %dma_start3A_190 = arith.constant 0 : i32
      %dma_start3A_191 = tpu.memref_slice %arg7[%dma_start3A_189, %dma_start3A_190] : memref<4x512xi32, #tpu.memory_space<vmem>> -> memref<1x512xi32, #tpu.memory_space<vmem>>
      %dma_start3A_192 = tpu.memref_squeeze %dma_start3A_191 : memref<1x512xi32, #tpu.memory_space<vmem>> -> memref<512xi32, #tpu.memory_space<vmem>>
      %dma_start3A_193 = arith.constant 0 : i32
      %dma_start3A_194 = arith.constant 0 : i32
      %dma_start3A_195 = tpu.memref_slice %arg4[%dma_start3A_193, %dma_start3A_194] : memref<100352x8xf32, #tpu.memory_space<vmem_shared>> -> memref<100352x8xf32, #tpu.memory_space<vmem_shared>>
      tpu.enqueue_indirect_dma source(%arg5 : memref<512x8xf32, #tpu.memory_space<vmem>>) target(%dma_start3A_195 : memref<100352x8xf32, #tpu.memory_space<vmem_shared>>) offsets(%dma_start3A_192 : memref<512xi32, #tpu.memory_space<vmem>>) semaphore(%arg10 : memref<!tpu.dma_semaphore, #tpu.memory_space<semaphore_mem>>) {add = true}
      %dma_start3A_196 = arith.constant 3 : i32
      %dma_start3A_197 = arith.constant 0 : i32
      %dma_start3A_198 = tpu.memref_slice %arg7[%dma_start3A_196, %dma_start3A_197] : memref<4x512xi32, #tpu.memory_space<vmem>> -> memref<1x512xi32, #tpu.memory_space<vmem>>
      %dma_start3A_199 = tpu.memref_squeeze %dma_start3A_198 : memref<1x512xi32, #tpu.memory_space<vmem>> -> memref<512xi32, #tpu.memory_space<vmem>>
      %dma_start3A_200 = arith.constant 0 : i32
      %dma_start3A_201 = arith.constant 0 : i32
      %dma_start3A_202 = tpu.memref_slice %arg4[%dma_start3A_200, %dma_start3A_201] : memref<100352x8xf32, #tpu.memory_space<vmem_shared>> -> memref<100352x8xf32, #tpu.memory_space<vmem_shared>>
      tpu.enqueue_indirect_dma source(%arg5 : memref<512x8xf32, #tpu.memory_space<vmem>>) target(%dma_start3A_202 : memref<100352x8xf32, #tpu.memory_space<vmem_shared>>) offsets(%dma_start3A_199 : memref<512xi32, #tpu.memory_space<vmem>>) semaphore(%arg10 : memref<!tpu.dma_semaphore, #tpu.memory_space<semaphore_mem>>) {add = true}
      %lt3A = arith.constant 48 : i32
      %lt3A_203 = arith.cmpi slt, %add3A_113, %lt3A : i32
      %convert_element_type3A = arith.extui %lt3A_203 : i1 to i32
      %cond3A = arith.constant 0 : i32
      %cond3A_204 = arith.cmpi ne, %convert_element_type3A, %cond3A : i32
      scf.if %cond3A_204 {
        %add3A_233 = arith.constant 8 : i32
        %add3A_234 = arith.addi %add3A_118, %add3A_233 : i32
        "tpu.region"() ({
          %run_scoped3A = tpu.sem_alloc : memref<!tpu.dma_semaphore, #tpu.memory_space<semaphore_mem>>
          %dma_start3A_235 = arith.constant 0 : i32
          %dma_start3A_236 = tpu.memref_slice %arg2[%add3A_234, %dma_start3A_235] : memref<12544x512xi32, #tpu.memory_space<hbm>> -> memref<4x512xi32, #tpu.memory_space<hbm>>
          %dma_start3A_237 = arith.constant 0 : i32
          %dma_start3A_238 = tpu.memref_slice %arg2[%add3A_234, %dma_start3A_237] : memref<12544x512xi32, #tpu.memory_space<hbm>> -> memref<4x512xi32, #tpu.memory_space<hbm>>
          tpu.enqueue_dma source(%dma_start3A_238 : memref<4x512xi32, #tpu.memory_space<hbm>>) target(%arg6 : memref<4x512xi32, #tpu.memory_space<vmem>>) target_semaphore(%run_scoped3A : memref<!tpu.dma_semaphore, #tpu.memory_space<semaphore_mem>>)
          %dma_wait3A_239 = arith.constant 0 : i32
          %dma_wait3A_240 = tpu.memref_slice %arg2[%add3A_234, %dma_wait3A_239] : memref<12544x512xi32, #tpu.memory_space<hbm>> -> memref<4x512xi32, #tpu.memory_space<hbm>>
          %dma_wait3A_241 = arith.constant 0 : i32
          %dma_wait3A_242 = tpu.memref_slice %arg2[%add3A_234, %dma_wait3A_241] : memref<12544x512xi32, #tpu.memory_space<hbm>> -> memref<4x512xi32, #tpu.memory_space<hbm>>
          tpu.wait_dma2 semaphore(%run_scoped3A : memref<!tpu.dma_semaphore, #tpu.memory_space<semaphore_mem>>) src(%dma_wait3A_242 : memref<4x512xi32, #tpu.memory_space<hbm>>) dst(%arg6 : memref<4x512xi32, #tpu.memory_space<vmem>>)
          tpu.yield
        }) : () -> ()
      } else {
      }
      %dma_wait3A_205 = arith.constant 0 : i32
      %dma_wait3A_206 = arith.constant 0 : i32
      %dma_wait3A_207 = tpu.memref_slice %arg7[%dma_wait3A_205, %dma_wait3A_206] : memref<4x512xi32, #tpu.memory_space<vmem>> -> memref<1x512xi32, #tpu.memory_space<vmem>>
      %dma_wait3A_208 = tpu.memref_squeeze %dma_wait3A_207 : memref<1x512xi32, #tpu.memory_space<vmem>> -> memref<512xi32, #tpu.memory_space<vmem>>
      %dma_wait3A_209 = arith.constant 0 : i32
      %dma_wait3A_210 = arith.constant 0 : i32
      %dma_wait3A_211 = tpu.memref_slice %arg4[%dma_wait3A_209, %dma_wait3A_210] : memref<100352x8xf32, #tpu.memory_space<vmem_shared>> -> memref<100352x8xf32, #tpu.memory_space<vmem_shared>>
      tpu.wait_indirect_dma semaphore(%arg10 : memref<!tpu.dma_semaphore, #tpu.memory_space<semaphore_mem>>) src(%arg5 : memref<512x8xf32, #tpu.memory_space<vmem>>) dst(%dma_wait3A_211 : memref<100352x8xf32, #tpu.memory_space<vmem_shared>>)
      %dma_wait3A_212 = arith.constant 1 : i32
      %dma_wait3A_213 = arith.constant 0 : i32
      %dma_wait3A_214 = tpu.memref_slice %arg7[%dma_wait3A_212, %dma_wait3A_213] : memref<4x512xi32, #tpu.memory_space<vmem>> -> memref<1x512xi32, #tpu.memory_space<vmem>>
      %dma_wait3A_215 = tpu.memref_squeeze %dma_wait3A_214 : memref<1x512xi32, #tpu.memory_space<vmem>> -> memref<512xi32, #tpu.memory_space<vmem>>
      %dma_wait3A_216 = arith.constant 0 : i32
      %dma_wait3A_217 = arith.constant 0 : i32
      %dma_wait3A_218 = tpu.memref_slice %arg4[%dma_wait3A_216, %dma_wait3A_217] : memref<100352x8xf32, #tpu.memory_space<vmem_shared>> -> memref<100352x8xf32, #tpu.memory_space<vmem_shared>>
      tpu.wait_indirect_dma semaphore(%arg10 : memref<!tpu.dma_semaphore, #tpu.memory_space<semaphore_mem>>) src(%arg5 : memref<512x8xf32, #tpu.memory_space<vmem>>) dst(%dma_wait3A_218 : memref<100352x8xf32, #tpu.memory_space<vmem_shared>>)
      %dma_wait3A_219 = arith.constant 2 : i32
      %dma_wait3A_220 = arith.constant 0 : i32
      %dma_wait3A_221 = tpu.memref_slice %arg7[%dma_wait3A_219, %dma_wait3A_220] : memref<4x512xi32, #tpu.memory_space<vmem>> -> memref<1x512xi32, #tpu.memory_space<vmem>>
      %dma_wait3A_222 = tpu.memref_squeeze %dma_wait3A_221 : memref<1x512xi32, #tpu.memory_space<vmem>> -> memref<512xi32, #tpu.memory_space<vmem>>
      %dma_wait3A_223 = arith.constant 0 : i32
      %dma_wait3A_224 = arith.constant 0 : i32
      %dma_wait3A_225 = tpu.memref_slice %arg4[%dma_wait3A_223, %dma_wait3A_224] : memref<100352x8xf32, #tpu.memory_space<vmem_shared>> -> memref<100352x8xf32, #tpu.memory_space<vmem_shared>>
      tpu.wait_indirect_dma semaphore(%arg10 : memref<!tpu.dma_semaphore, #tpu.memory_space<semaphore_mem>>) src(%arg5 : memref<512x8xf32, #tpu.memory_space<vmem>>) dst(%dma_wait3A_225 : memref<100352x8xf32, #tpu.memory_space<vmem_shared>>)
      %dma_wait3A_226 = arith.constant 3 : i32
      %dma_wait3A_227 = arith.constant 0 : i32
      %dma_wait3A_228 = tpu.memref_slice %arg7[%dma_wait3A_226, %dma_wait3A_227] : memref<4x512xi32, #tpu.memory_space<vmem>> -> memref<1x512xi32, #tpu.memory_space<vmem>>
      %dma_wait3A_229 = tpu.memref_squeeze %dma_wait3A_228 : memref<1x512xi32, #tpu.memory_space<vmem>> -> memref<512xi32, #tpu.memory_space<vmem>>
      %dma_wait3A_230 = arith.constant 0 : i32
      %dma_wait3A_231 = arith.constant 0 : i32
      %dma_wait3A_232 = tpu.memref_slice %arg4[%dma_wait3A_230, %dma_wait3A_231] : memref<100352x8xf32, #tpu.memory_space<vmem_shared>> -> memref<100352x8xf32, #tpu.memory_space<vmem_shared>>
      tpu.wait_indirect_dma semaphore(%arg10 : memref<!tpu.dma_semaphore, #tpu.memory_space<semaphore_mem>>) src(%arg5 : memref<512x8xf32, #tpu.memory_space<vmem>>) dst(%dma_wait3A_232 : memref<100352x8xf32, #tpu.memory_space<vmem_shared>>)
    }
    %scan3A_51 = arith.constant 49 : i32
    %barrier3A_52 = arith.constant 0 : index
    tpu.barrier barrier_id(%barrier3A_52)
    %add3A_53 = arith.constant 0 : i32
    %add3A_54 = arith.addi %mul3A_2, %add3A_53 : i32
    "tpu.region"() ({
      %run_scoped3A = tpu.sem_alloc : memref<!tpu.dma_semaphore, #tpu.memory_space<semaphore_mem>>
      %dma_start3A = arith.constant 0 : i32
      %dma_start3A_109 = tpu.memref_slice %arg4[%add3A_54, %dma_start3A] : memref<100352x8xf32, #tpu.memory_space<vmem_shared>> -> memref<1568x8xf32, #tpu.memory_space<vmem_shared>>
      %dma_start3A_110 = arith.constant 0 : i32
      %dma_start3A_111 = tpu.memref_slice %arg4[%add3A_54, %dma_start3A_110] : memref<100352x8xf32, #tpu.memory_space<vmem_shared>> -> memref<1568x8xf32, #tpu.memory_space<vmem_shared>>
      tpu.enqueue_dma source(%dma_start3A_111 : memref<1568x8xf32, #tpu.memory_space<vmem_shared>>) target(%arg8 : memref<1568x8xf32, #tpu.memory_space<vmem>>) target_semaphore(%run_scoped3A : memref<!tpu.dma_semaphore, #tpu.memory_space<semaphore_mem>>)
      %dma_wait3A = arith.constant 0 : i32
      %dma_wait3A_112 = tpu.memref_slice %arg4[%add3A_54, %dma_wait3A] : memref<100352x8xf32, #tpu.memory_space<vmem_shared>> -> memref<1568x8xf32, #tpu.memory_space<vmem_shared>>
      %dma_wait3A_113 = arith.constant 0 : i32
      %dma_wait3A_114 = tpu.memref_slice %arg4[%add3A_54, %dma_wait3A_113] : memref<100352x8xf32, #tpu.memory_space<vmem_shared>> -> memref<1568x8xf32, #tpu.memory_space<vmem_shared>>
      tpu.wait_dma2 semaphore(%run_scoped3A : memref<!tpu.dma_semaphore, #tpu.memory_space<semaphore_mem>>) src(%dma_wait3A_114 : memref<1568x8xf32, #tpu.memory_space<vmem_shared>>) dst(%arg8 : memref<1568x8xf32, #tpu.memory_space<vmem>>)
      tpu.yield
    }) : () -> ()
    %scan3A_55 = arith.constant 0 : i32
    %scan3A_56 = arith.constant 98 : i32
    %scan3A_57 = arith.addi %scan3A_55, %scan3A_56 : i32
    %scan3A_58 = arith.constant 1 : i32
    scf.for %scan3A_109 = %scan3A_55 to %scan3A_57 step %scan3A_58  : i32 {
      %mul3A_110 = arith.constant 1 : i32
      %mul3A_111 = arith.muli %scan3A_109, %mul3A_110 : i32
      %add3A_112 = arith.constant 0 : i32
      %add3A_113 = arith.addi %add3A_112, %mul3A_111 : i32
      %mul3A_114 = arith.constant 16 : i32
      %mul3A_115 = arith.muli %add3A_113, %mul3A_114 : i32
      %add3A_116 = vector.broadcast %mul3A_115 : i32 to vector<16xi32>
      %add3A_117 = arith.addi %iota3A, %add3A_116 : vector<16xi32>
      %gather3A = tpu.vector_load_idx %arg8[%add3A_117, %broadcast_in_dim3A_12] : memref<1568x8xf32, #tpu.memory_space<vmem>>[vector<16xi32>, vector<16xi32>], vector<16xf32>,
      %swap3A = arith.index_cast %add3A_113 : i32 to index
      %swap3A_118 = arith.constant 0 : index
      %swap3A_119 = tpu.vector_load %arg9[%swap3A, %swap3A_118] {strides = array<i32>} : memref<98x16xf32, #tpu.memory_space<vmem>>, vector<16xf32>,
      tpu.vector_store %arg9[%swap3A, %swap3A_118], %gather3A {strides = array<i32>} : memref<98x16xf32, #tpu.memory_space<vmem>>, vector<16xf32>,
    }
    %scan3A_59 = arith.constant 98 : i32
    %mul3A_60 = arith.constant 6272 : i32
    %mul3A_61 = arith.muli %arg0, %mul3A_60 : i32
    %mul3A_62 = arith.constant 392 : i32
    %mul3A_63 = arith.muli %arg1, %mul3A_62 : i32
    %add3A_64 = arith.addi %mul3A_61, %mul3A_63 : i32
    %add3A_65 = arith.constant 0 : i32
    %add3A_66 = arith.addi %add3A_64, %add3A_65 : i32
    "tpu.region"() ({
      %run_scoped3A = tpu.sem_alloc : memref<!tpu.dma_semaphore, #tpu.memory_space<semaphore_mem>>
      %dma_start3A = arith.constant 0 : i32
      %dma_start3A_109 = tpu.memref_slice %arg3[%add3A_66, %dma_start3A] : memref<12544x16xf32, #tpu.memory_space<hbm>> -> memref<98x16xf32, #tpu.memory_space<hbm>>
      %dma_start3A_110 = arith.constant 0 : i32
      %dma_start3A_111 = tpu.memref_slice %arg3[%add3A_66, %dma_start3A_110] : memref<12544x16xf32, #tpu.memory_space<hbm>> -> memref<98x16xf32, #tpu.memory_space<hbm>>
      tpu.enqueue_dma source(%arg9 : memref<98x16xf32, #tpu.memory_space<vmem>>) target(%dma_start3A_111 : memref<98x16xf32, #tpu.memory_space<hbm>>) target_semaphore(%run_scoped3A : memref<!tpu.dma_semaphore, #tpu.memory_space<semaphore_mem>>)
      %dma_wait3A = arith.constant 0 : i32
      %dma_wait3A_112 = tpu.memref_slice %arg3[%add3A_66, %dma_wait3A] : memref<12544x16xf32, #tpu.memory_space<hbm>> -> memref<98x16xf32, #tpu.memory_space<hbm>>
      %dma_wait3A_113 = arith.constant 0 : i32
      %dma_wait3A_114 = tpu.memref_slice %arg3[%add3A_66, %dma_wait3A_113] : memref<12544x16xf32, #tpu.memory_space<hbm>> -> memref<98x16xf32, #tpu.memory_space<hbm>>
      tpu.wait_dma2 semaphore(%run_scoped3A : memref<!tpu.dma_semaphore, #tpu.memory_space<semaphore_mem>>) src(%arg9 : memref<98x16xf32, #tpu.memory_space<vmem>>) dst(%dma_wait3A_114 : memref<98x16xf32, #tpu.memory_space<hbm>>)
      tpu.yield
    }) : () -> ()
    %add3A_67 = arith.constant 1568 : i32
    %add3A_68 = arith.addi %mul3A_2, %add3A_67 : i32
    "tpu.region"() ({
      %run_scoped3A = tpu.sem_alloc : memref<!tpu.dma_semaphore, #tpu.memory_space<semaphore_mem>>
      %dma_start3A = arith.constant 0 : i32
      %dma_start3A_109 = tpu.memref_slice %arg4[%add3A_68, %dma_start3A] : memref<100352x8xf32, #tpu.memory_space<vmem_shared>> -> memref<1568x8xf32, #tpu.memory_space<vmem_shared>>
      %dma_start3A_110 = arith.constant 0 : i32
      %dma_start3A_111 = tpu.memref_slice %arg4[%add3A_68, %dma_start3A_110] : memref<100352x8xf32, #tpu.memory_space<vmem_shared>> -> memref<1568x8xf32, #tpu.memory_space<vmem_shared>>
      tpu.enqueue_dma source(%dma_start3A_111 : memref<1568x8xf32, #tpu.memory_space<vmem_shared>>) target(%arg8 : memref<1568x8xf32, #tpu.memory_space<vmem>>) target_semaphore(%run_scoped3A : memref<!tpu.dma_semaphore, #tpu.memory_space<semaphore_mem>>)
      %dma_wait3A = arith.constant 0 : i32
      %dma_wait3A_112 = tpu.memref_slice %arg4[%add3A_68, %dma_wait3A] : memref<100352x8xf32, #tpu.memory_space<vmem_shared>> -> memref<1568x8xf32, #tpu.memory_space<vmem_shared>>
      %dma_wait3A_113 = arith.constant 0 : i32
      %dma_wait3A_114 = tpu.memref_slice %arg4[%add3A_68, %dma_wait3A_113] : memref<100352x8xf32, #tpu.memory_space<vmem_shared>> -> memref<1568x8xf32, #tpu.memory_space<vmem_shared>>
      tpu.wait_dma2 semaphore(%run_scoped3A : memref<!tpu.dma_semaphore, #tpu.memory_space<semaphore_mem>>) src(%dma_wait3A_114 : memref<1568x8xf32, #tpu.memory_space<vmem_shared>>) dst(%arg8 : memref<1568x8xf32, #tpu.memory_space<vmem>>)
      tpu.yield
    }) : () -> ()
    %scan3A_69 = arith.constant 0 : i32
    %scan3A_70 = arith.constant 98 : i32
    %scan3A_71 = arith.addi %scan3A_69, %scan3A_70 : i32
    %scan3A_72 = arith.constant 1 : i32
    scf.for %scan3A_109 = %scan3A_69 to %scan3A_71 step %scan3A_72  : i32 {
      %mul3A_110 = arith.constant 1 : i32
      %mul3A_111 = arith.muli %scan3A_109, %mul3A_110 : i32
      %add3A_112 = arith.constant 0 : i32
      %add3A_113 = arith.addi %add3A_112, %mul3A_111 : i32
      %mul3A_114 = arith.constant 16 : i32
      %mul3A_115 = arith.muli %add3A_113, %mul3A_114 : i32
      %add3A_116 = vector.broadcast %mul3A_115 : i32 to vector<16xi32>
      %add3A_117 = arith.addi %iota3A, %add3A_116 : vector<16xi32>
      %gather3A = tpu.vector_load_idx %arg8[%add3A_117, %broadcast_in_dim3A_12] : memref<1568x8xf32, #tpu.memory_space<vmem>>[vector<16xi32>, vector<16xi32>], vector<16xf32>,
      %swap3A = arith.index_cast %add3A_113 : i32 to index
      %swap3A_118 = arith.constant 0 : index
      %swap3A_119 = tpu.vector_load %arg9[%swap3A, %swap3A_118] {strides = array<i32>} : memref<98x16xf32, #tpu.memory_space<vmem>>, vector<16xf32>,
      tpu.vector_store %arg9[%swap3A, %swap3A_118], %gather3A {strides = array<i32>} : memref<98x16xf32, #tpu.memory_space<vmem>>, vector<16xf32>,
    }
    %scan3A_73 = arith.constant 98 : i32
    %mul3A_74 = arith.constant 6272 : i32
    %mul3A_75 = arith.muli %arg0, %mul3A_74 : i32
    %mul3A_76 = arith.constant 392 : i32
    %mul3A_77 = arith.muli %arg1, %mul3A_76 : i32
    %add3A_78 = arith.addi %mul3A_75, %mul3A_77 : i32
    %add3A_79 = arith.constant 98 : i32
    %add3A_80 = arith.addi %add3A_78, %add3A_79 : i32
    "tpu.region"() ({
      %run_scoped3A = tpu.sem_alloc : memref<!tpu.dma_semaphore, #tpu.memory_space<semaphore_mem>>
      %dma_start3A = arith.constant 0 : i32
      %dma_start3A_109 = tpu.memref_slice %arg3[%add3A_80, %dma_start3A] : memref<12544x16xf32, #tpu.memory_space<hbm>> -> memref<98x16xf32, #tpu.memory_space<hbm>>
      %dma_start3A_110 = arith.constant 0 : i32
      %dma_start3A_111 = tpu.memref_slice %arg3[%add3A_80, %dma_start3A_110] : memref<12544x16xf32, #tpu.memory_space<hbm>> -> memref<98x16xf32, #tpu.memory_space<hbm>>
      tpu.enqueue_dma source(%arg9 : memref<98x16xf32, #tpu.memory_space<vmem>>) target(%dma_start3A_111 : memref<98x16xf32, #tpu.memory_space<hbm>>) target_semaphore(%run_scoped3A : memref<!tpu.dma_semaphore, #tpu.memory_space<semaphore_mem>>)
      %dma_wait3A = arith.constant 0 : i32
      %dma_wait3A_112 = tpu.memref_slice %arg3[%add3A_80, %dma_wait3A] : memref<12544x16xf32, #tpu.memory_space<hbm>> -> memref<98x16xf32, #tpu.memory_space<hbm>>
      %dma_wait3A_113 = arith.constant 0 : i32
      %dma_wait3A_114 = tpu.memref_slice %arg3[%add3A_80, %dma_wait3A_113] : memref<12544x16xf32, #tpu.memory_space<hbm>> -> memref<98x16xf32, #tpu.memory_space<hbm>>
      tpu.wait_dma2 semaphore(%run_scoped3A : memref<!tpu.dma_semaphore, #tpu.memory_space<semaphore_mem>>) src(%arg9 : memref<98x16xf32, #tpu.memory_space<vmem>>) dst(%dma_wait3A_114 : memref<98x16xf32, #tpu.memory_space<hbm>>)
      tpu.yield
    }) : () -> ()
    %add3A_81 = arith.constant 3136 : i32
    %add3A_82 = arith.addi %mul3A_2, %add3A_81 : i32
    "tpu.region"() ({
      %run_scoped3A = tpu.sem_alloc : memref<!tpu.dma_semaphore, #tpu.memory_space<semaphore_mem>>
      %dma_start3A = arith.constant 0 : i32
      %dma_start3A_109 = tpu.memref_slice %arg4[%add3A_82, %dma_start3A] : memref<100352x8xf32, #tpu.memory_space<vmem_shared>> -> memref<1568x8xf32, #tpu.memory_space<vmem_shared>>
      %dma_start3A_110 = arith.constant 0 : i32
      %dma_start3A_111 = tpu.memref_slice %arg4[%add3A_82, %dma_start3A_110] : memref<100352x8xf32, #tpu.memory_space<vmem_shared>> -> memref<1568x8xf32, #tpu.memory_space<vmem_shared>>
      tpu.enqueue_dma source(%dma_start3A_111 : memref<1568x8xf32, #tpu.memory_space<vmem_shared>>) target(%arg8 : memref<1568x8xf32, #tpu.memory_space<vmem>>) target_semaphore(%run_scoped3A : memref<!tpu.dma_semaphore, #tpu.memory_space<semaphore_mem>>)
      %dma_wait3A = arith.constant 0 : i32
      %dma_wait3A_112 = tpu.memref_slice %arg4[%add3A_82, %dma_wait3A] : memref<100352x8xf32, #tpu.memory_space<vmem_shared>> -> memref<1568x8xf32, #tpu.memory_space<vmem_shared>>
      %dma_wait3A_113 = arith.constant 0 : i32
      %dma_wait3A_114 = tpu.memref_slice %arg4[%add3A_82, %dma_wait3A_113] : memref<100352x8xf32, #tpu.memory_space<vmem_shared>> -> memref<1568x8xf32, #tpu.memory_space<vmem_shared>>
      tpu.wait_dma2 semaphore(%run_scoped3A : memref<!tpu.dma_semaphore, #tpu.memory_space<semaphore_mem>>) src(%dma_wait3A_114 : memref<1568x8xf32, #tpu.memory_space<vmem_shared>>) dst(%arg8 : memref<1568x8xf32, #tpu.memory_space<vmem>>)
      tpu.yield
    }) : () -> ()
    %scan3A_83 = arith.constant 0 : i32
    %scan3A_84 = arith.constant 98 : i32
    %scan3A_85 = arith.addi %scan3A_83, %scan3A_84 : i32
    %scan3A_86 = arith.constant 1 : i32
    scf.for %scan3A_109 = %scan3A_83 to %scan3A_85 step %scan3A_86  : i32 {
      %mul3A_110 = arith.constant 1 : i32
      %mul3A_111 = arith.muli %scan3A_109, %mul3A_110 : i32
      %add3A_112 = arith.constant 0 : i32
      %add3A_113 = arith.addi %add3A_112, %mul3A_111 : i32
      %mul3A_114 = arith.constant 16 : i32
      %mul3A_115 = arith.muli %add3A_113, %mul3A_114 : i32
      %add3A_116 = vector.broadcast %mul3A_115 : i32 to vector<16xi32>
      %add3A_117 = arith.addi %iota3A, %add3A_116 : vector<16xi32>
      %gather3A = tpu.vector_load_idx %arg8[%add3A_117, %broadcast_in_dim3A_12] : memref<1568x8xf32, #tpu.memory_space<vmem>>[vector<16xi32>, vector<16xi32>], vector<16xf32>,
      %swap3A = arith.index_cast %add3A_113 : i32 to index
      %swap3A_118 = arith.constant 0 : index
      %swap3A_119 = tpu.vector_load %arg9[%swap3A, %swap3A_118] {strides = array<i32>} : memref<98x16xf32, #tpu.memory_space<vmem>>, vector<16xf32>,
      tpu.vector_store %arg9[%swap3A, %swap3A_118], %gather3A {strides = array<i32>} : memref<98x16xf32, #tpu.memory_space<vmem>>, vector<16xf32>,
    }
    %scan3A_87 = arith.constant 98 : i32
    %mul3A_88 = arith.constant 6272 : i32
    %mul3A_89 = arith.muli %arg0, %mul3A_88 : i32
    %mul3A_90 = arith.constant 392 : i32
    %mul3A_91 = arith.muli %arg1, %mul3A_90 : i32
    %add3A_92 = arith.addi %mul3A_89, %mul3A_91 : i32
    %add3A_93 = arith.constant 196 : i32
    %add3A_94 = arith.addi %add3A_92, %add3A_93 : i32
    "tpu.region"() ({
      %run_scoped3A = tpu.sem_alloc : memref<!tpu.dma_semaphore, #tpu.memory_space<semaphore_mem>>
      %dma_start3A = arith.constant 0 : i32
      %dma_start3A_109 = tpu.memref_slice %arg3[%add3A_94, %dma_start3A] : memref<12544x16xf32, #tpu.memory_space<hbm>> -> memref<98x16xf32, #tpu.memory_space<hbm>>
      %dma_start3A_110 = arith.constant 0 : i32
      %dma_start3A_111 = tpu.memref_slice %arg3[%add3A_94, %dma_start3A_110] : memref<12544x16xf32, #tpu.memory_space<hbm>> -> memref<98x16xf32, #tpu.memory_space<hbm>>
      tpu.enqueue_dma source(%arg9 : memref<98x16xf32, #tpu.memory_space<vmem>>) target(%dma_start3A_111 : memref<98x16xf32, #tpu.memory_space<hbm>>) target_semaphore(%run_scoped3A : memref<!tpu.dma_semaphore, #tpu.memory_space<semaphore_mem>>)
      %dma_wait3A = arith.constant 0 : i32
      %dma_wait3A_112 = tpu.memref_slice %arg3[%add3A_94, %dma_wait3A] : memref<12544x16xf32, #tpu.memory_space<hbm>> -> memref<98x16xf32, #tpu.memory_space<hbm>>
      %dma_wait3A_113 = arith.constant 0 : i32
      %dma_wait3A_114 = tpu.memref_slice %arg3[%add3A_94, %dma_wait3A_113] : memref<12544x16xf32, #tpu.memory_space<hbm>> -> memref<98x16xf32, #tpu.memory_space<hbm>>
      tpu.wait_dma2 semaphore(%run_scoped3A : memref<!tpu.dma_semaphore, #tpu.memory_space<semaphore_mem>>) src(%arg9 : memref<98x16xf32, #tpu.memory_space<vmem>>) dst(%dma_wait3A_114 : memref<98x16xf32, #tpu.memory_space<hbm>>)
      tpu.yield
    }) : () -> ()
    %add3A_95 = arith.constant 4704 : i32
    %add3A_96 = arith.addi %mul3A_2, %add3A_95 : i32
    "tpu.region"() ({
      %run_scoped3A = tpu.sem_alloc : memref<!tpu.dma_semaphore, #tpu.memory_space<semaphore_mem>>
      %dma_start3A = arith.constant 0 : i32
      %dma_start3A_109 = tpu.memref_slice %arg4[%add3A_96, %dma_start3A] : memref<100352x8xf32, #tpu.memory_space<vmem_shared>> -> memref<1568x8xf32, #tpu.memory_space<vmem_shared>>
      %dma_start3A_110 = arith.constant 0 : i32
      %dma_start3A_111 = tpu.memref_slice %arg4[%add3A_96, %dma_start3A_110] : memref<100352x8xf32, #tpu.memory_space<vmem_shared>> -> memref<1568x8xf32, #tpu.memory_space<vmem_shared>>
      tpu.enqueue_dma source(%dma_start3A_111 : memref<1568x8xf32, #tpu.memory_space<vmem_shared>>) target(%arg8 : memref<1568x8xf32, #tpu.memory_space<vmem>>) target_semaphore(%run_scoped3A : memref<!tpu.dma_semaphore, #tpu.memory_space<semaphore_mem>>)
      %dma_wait3A = arith.constant 0 : i32
      %dma_wait3A_112 = tpu.memref_slice %arg4[%add3A_96, %dma_wait3A] : memref<100352x8xf32, #tpu.memory_space<vmem_shared>> -> memref<1568x8xf32, #tpu.memory_space<vmem_shared>>
      %dma_wait3A_113 = arith.constant 0 : i32
      %dma_wait3A_114 = tpu.memref_slice %arg4[%add3A_96, %dma_wait3A_113] : memref<100352x8xf32, #tpu.memory_space<vmem_shared>> -> memref<1568x8xf32, #tpu.memory_space<vmem_shared>>
      tpu.wait_dma2 semaphore(%run_scoped3A : memref<!tpu.dma_semaphore, #tpu.memory_space<semaphore_mem>>) src(%dma_wait3A_114 : memref<1568x8xf32, #tpu.memory_space<vmem_shared>>) dst(%arg8 : memref<1568x8xf32, #tpu.memory_space<vmem>>)
      tpu.yield
    }) : () -> ()
    %scan3A_97 = arith.constant 0 : i32
    %scan3A_98 = arith.constant 98 : i32
    %scan3A_99 = arith.addi %scan3A_97, %scan3A_98 : i32
    %scan3A_100 = arith.constant 1 : i32
    scf.for %scan3A_109 = %scan3A_97 to %scan3A_99 step %scan3A_100  : i32 {
      %mul3A_110 = arith.constant 1 : i32
      %mul3A_111 = arith.muli %scan3A_109, %mul3A_110 : i32
      %add3A_112 = arith.constant 0 : i32
      %add3A_113 = arith.addi %add3A_112, %mul3A_111 : i32
      %mul3A_114 = arith.constant 16 : i32
      %mul3A_115 = arith.muli %add3A_113, %mul3A_114 : i32
      %add3A_116 = vector.broadcast %mul3A_115 : i32 to vector<16xi32>
      %add3A_117 = arith.addi %iota3A, %add3A_116 : vector<16xi32>
      %gather3A = tpu.vector_load_idx %arg8[%add3A_117, %broadcast_in_dim3A_12] : memref<1568x8xf32, #tpu.memory_space<vmem>>[vector<16xi32>, vector<16xi32>], vector<16xf32>,
      %swap3A = arith.index_cast %add3A_113 : i32 to index
      %swap3A_118 = arith.constant 0 : index
      %swap3A_119 = tpu.vector_load %arg9[%swap3A, %swap3A_118] {strides = array<i32>} : memref<98x16xf32, #tpu.memory_space<vmem>>, vector<16xf32>,
      tpu.vector_store %arg9[%swap3A, %swap3A_118], %gather3A {strides = array<i32>} : memref<98x16xf32, #tpu.memory_space<vmem>>, vector<16xf32>,
    }
    %scan3A_101 = arith.constant 98 : i32
    %mul3A_102 = arith.constant 6272 : i32
    %mul3A_103 = arith.muli %arg0, %mul3A_102 : i32
    %mul3A_104 = arith.constant 392 : i32
    %mul3A_105 = arith.muli %arg1, %mul3A_104 : i32
    %add3A_106 = arith.addi %mul3A_103, %mul3A_105 : i32
    %add3A_107 = arith.constant 294 : i32
    %add3A_108 = arith.addi %add3A_106, %add3A_107 : i32
    "tpu.region"() ({
      %run_scoped3A = tpu.sem_alloc : memref<!tpu.dma_semaphore, #tpu.memory_space<semaphore_mem>>
      %dma_start3A = arith.constant 0 : i32
      %dma_start3A_109 = tpu.memref_slice %arg3[%add3A_108, %dma_start3A] : memref<12544x16xf32, #tpu.memory_space<hbm>> -> memref<98x16xf32, #tpu.memory_space<hbm>>
      %dma_start3A_110 = arith.constant 0 : i32
      %dma_start3A_111 = tpu.memref_slice %arg3[%add3A_108, %dma_start3A_110] : memref<12544x16xf32, #tpu.memory_space<hbm>> -> memref<98x16xf32, #tpu.memory_space<hbm>>
      tpu.enqueue_dma source(%arg9 : memref<98x16xf32, #tpu.memory_space<vmem>>) target(%dma_start3A_111 : memref<98x16xf32, #tpu.memory_space<hbm>>) target_semaphore(%run_scoped3A : memref<!tpu.dma_semaphore, #tpu.memory_space<semaphore_mem>>)
      %dma_wait3A = arith.constant 0 : i32
      %dma_wait3A_112 = tpu.memref_slice %arg3[%add3A_108, %dma_wait3A] : memref<12544x16xf32, #tpu.memory_space<hbm>> -> memref<98x16xf32, #tpu.memory_space<hbm>>
      %dma_wait3A_113 = arith.constant 0 : i32
      %dma_wait3A_114 = tpu.memref_slice %arg3[%add3A_108, %dma_wait3A_113] : memref<12544x16xf32, #tpu.memory_space<hbm>> -> memref<98x16xf32, #tpu.memory_space<hbm>>
      tpu.wait_dma2 semaphore(%run_scoped3A : memref<!tpu.dma_semaphore, #tpu.memory_space<semaphore_mem>>) src(%arg9 : memref<98x16xf32, #tpu.memory_space<vmem>>) dst(%dma_wait3A_114 : memref<98x16xf32, #tpu.memory_space<hbm>>)
      tpu.yield
    }) : () -> ()
    return
  }
}

#map = affine_map<(d0, d1) -> (0, 0)>
module attributes {stable_mosaic.version = 14 : i64} {
  func.func @_dense1_body(%arg0: i32, %arg1: i32, %arg2: memref<6272x16xf32, #tpu.memory_space<hbm>>, %arg3: memref<6272x16xf32, #tpu.memory_space<hbm>>, %arg4: memref<12544x16xf32, #tpu.memory_space<hbm>>, %arg5: memref<2x16xf32, #tpu.memory_space<hbm>>, %arg6: memref<100352x8xf32, #tpu.memory_space<hbm>>, %arg7: memref<6272x16xf32, #tpu.memory_space<hbm>>, %arg8: memref<196x16xf32, #tpu.memory_space<vmem>>, %arg9: memref<196x16xf32, #tpu.memory_space<vmem>>, %arg10: memref<196x16xf32, #tpu.memory_space<vmem>>, %arg11: memref<196x16xf32, #tpu.memory_space<vmem>>, %arg12: memref<196x16xf32, #tpu.memory_space<vmem>>, %arg13: memref<3136x8xf32, #tpu.memory_space<vmem>>, %arg14: memref<2x16xf32, #tpu.memory_space<vmem>>) attributes {dimension_semantics = [#tpu.dimension_semantics<core_parallel>, #tpu.dimension_semantics<subcore_parallel>], iteration_bounds = array<i64: 2, 16>, scalar_prefetch = 0 : i64, scratch_operands = 7 : i64, tpu.core_type = #tpu.core_type<sc_vector_subcore>, window_params = [{transform_indices = #map}, {transform_indices = #map}, {transform_indices = #map}, {transform_indices = #map}, {transform_indices = #map}, {transform_indices = #map}]} {
    %mul3A = arith.constant 16 : i32
    %mul3A_0 = arith.muli %arg0, %mul3A : i32
    %add3A = arith.addi %mul3A_0, %arg1 : i32
    %mul3A_1 = arith.constant 196 : i32
    %mul3A_2 = arith.muli %add3A, %mul3A_1 : i32
    "tpu.region"() ({
      %run_scoped3A = tpu.sem_alloc : memref<!tpu.dma_semaphore, #tpu.memory_space<semaphore_mem>>
      tpu.enqueue_dma source(%arg5 : memref<2x16xf32, #tpu.memory_space<hbm>>) target(%arg14 : memref<2x16xf32, #tpu.memory_space<vmem>>) target_semaphore(%run_scoped3A : memref<!tpu.dma_semaphore, #tpu.memory_space<semaphore_mem>>)
      tpu.wait_dma2 semaphore(%run_scoped3A : memref<!tpu.dma_semaphore, #tpu.memory_space<semaphore_mem>>) src(%arg5 : memref<2x16xf32, #tpu.memory_space<hbm>>) dst(%arg14 : memref<2x16xf32, #tpu.memory_space<vmem>>)
      tpu.yield
    }) : () -> ()
    "tpu.region"() ({
      %run_scoped3A = tpu.sem_alloc : memref<!tpu.dma_semaphore, #tpu.memory_space<semaphore_mem>>
      %dma_start3A = arith.constant 0 : i32
      %dma_start3A_21 = tpu.memref_slice %arg2[%mul3A_2, %dma_start3A] : memref<6272x16xf32, #tpu.memory_space<hbm>> -> memref<196x16xf32, #tpu.memory_space<hbm>>
      %dma_start3A_22 = arith.constant 0 : i32
      %dma_start3A_23 = tpu.memref_slice %arg2[%mul3A_2, %dma_start3A_22] : memref<6272x16xf32, #tpu.memory_space<hbm>> -> memref<196x16xf32, #tpu.memory_space<hbm>>
      tpu.enqueue_dma source(%dma_start3A_23 : memref<196x16xf32, #tpu.memory_space<hbm>>) target(%arg8 : memref<196x16xf32, #tpu.memory_space<vmem>>) target_semaphore(%run_scoped3A : memref<!tpu.dma_semaphore, #tpu.memory_space<semaphore_mem>>)
      %dma_wait3A = arith.constant 0 : i32
      %dma_wait3A_24 = tpu.memref_slice %arg2[%mul3A_2, %dma_wait3A] : memref<6272x16xf32, #tpu.memory_space<hbm>> -> memref<196x16xf32, #tpu.memory_space<hbm>>
      %dma_wait3A_25 = arith.constant 0 : i32
      %dma_wait3A_26 = tpu.memref_slice %arg2[%mul3A_2, %dma_wait3A_25] : memref<6272x16xf32, #tpu.memory_space<hbm>> -> memref<196x16xf32, #tpu.memory_space<hbm>>
      tpu.wait_dma2 semaphore(%run_scoped3A : memref<!tpu.dma_semaphore, #tpu.memory_space<semaphore_mem>>) src(%dma_wait3A_26 : memref<196x16xf32, #tpu.memory_space<hbm>>) dst(%arg8 : memref<196x16xf32, #tpu.memory_space<vmem>>)
      tpu.yield
    }) : () -> ()
    "tpu.region"() ({
      %run_scoped3A = tpu.sem_alloc : memref<!tpu.dma_semaphore, #tpu.memory_space<semaphore_mem>>
      %dma_start3A = arith.constant 0 : i32
      %dma_start3A_21 = tpu.memref_slice %arg3[%mul3A_2, %dma_start3A] : memref<6272x16xf32, #tpu.memory_space<hbm>> -> memref<196x16xf32, #tpu.memory_space<hbm>>
      %dma_start3A_22 = arith.constant 0 : i32
      %dma_start3A_23 = tpu.memref_slice %arg3[%mul3A_2, %dma_start3A_22] : memref<6272x16xf32, #tpu.memory_space<hbm>> -> memref<196x16xf32, #tpu.memory_space<hbm>>
      tpu.enqueue_dma source(%dma_start3A_23 : memref<196x16xf32, #tpu.memory_space<hbm>>) target(%arg9 : memref<196x16xf32, #tpu.memory_space<vmem>>) target_semaphore(%run_scoped3A : memref<!tpu.dma_semaphore, #tpu.memory_space<semaphore_mem>>)
      %dma_wait3A = arith.constant 0 : i32
      %dma_wait3A_24 = tpu.memref_slice %arg3[%mul3A_2, %dma_wait3A] : memref<6272x16xf32, #tpu.memory_space<hbm>> -> memref<196x16xf32, #tpu.memory_space<hbm>>
      %dma_wait3A_25 = arith.constant 0 : i32
      %dma_wait3A_26 = tpu.memref_slice %arg3[%mul3A_2, %dma_wait3A_25] : memref<6272x16xf32, #tpu.memory_space<hbm>> -> memref<196x16xf32, #tpu.memory_space<hbm>>
      tpu.wait_dma2 semaphore(%run_scoped3A : memref<!tpu.dma_semaphore, #tpu.memory_space<semaphore_mem>>) src(%dma_wait3A_26 : memref<196x16xf32, #tpu.memory_space<hbm>>) dst(%arg9 : memref<196x16xf32, #tpu.memory_space<vmem>>)
      tpu.yield
    }) : () -> ()
    "tpu.region"() ({
      %run_scoped3A = tpu.sem_alloc : memref<!tpu.dma_semaphore, #tpu.memory_space<semaphore_mem>>
      %dma_start3A = arith.constant 0 : i32
      %dma_start3A_21 = tpu.memref_slice %arg4[%mul3A_2, %dma_start3A] : memref<12544x16xf32, #tpu.memory_space<hbm>> -> memref<196x16xf32, #tpu.memory_space<hbm>>
      %dma_start3A_22 = arith.constant 0 : i32
      %dma_start3A_23 = tpu.memref_slice %arg4[%mul3A_2, %dma_start3A_22] : memref<12544x16xf32, #tpu.memory_space<hbm>> -> memref<196x16xf32, #tpu.memory_space<hbm>>
      tpu.enqueue_dma source(%dma_start3A_23 : memref<196x16xf32, #tpu.memory_space<hbm>>) target(%arg10 : memref<196x16xf32, #tpu.memory_space<vmem>>) target_semaphore(%run_scoped3A : memref<!tpu.dma_semaphore, #tpu.memory_space<semaphore_mem>>)
      %dma_wait3A = arith.constant 0 : i32
      %dma_wait3A_24 = tpu.memref_slice %arg4[%mul3A_2, %dma_wait3A] : memref<12544x16xf32, #tpu.memory_space<hbm>> -> memref<196x16xf32, #tpu.memory_space<hbm>>
      %dma_wait3A_25 = arith.constant 0 : i32
      %dma_wait3A_26 = tpu.memref_slice %arg4[%mul3A_2, %dma_wait3A_25] : memref<12544x16xf32, #tpu.memory_space<hbm>> -> memref<196x16xf32, #tpu.memory_space<hbm>>
      tpu.wait_dma2 semaphore(%run_scoped3A : memref<!tpu.dma_semaphore, #tpu.memory_space<semaphore_mem>>) src(%dma_wait3A_26 : memref<196x16xf32, #tpu.memory_space<hbm>>) dst(%arg10 : memref<196x16xf32, #tpu.memory_space<vmem>>)
      tpu.yield
    }) : () -> ()
    %add3A_3 = arith.constant 6272 : i32
    %add3A_4 = arith.addi %add3A_3, %mul3A_2 : i32
    "tpu.region"() ({
      %run_scoped3A = tpu.sem_alloc : memref<!tpu.dma_semaphore, #tpu.memory_space<semaphore_mem>>
      %dma_start3A = arith.constant 0 : i32
      %dma_start3A_21 = tpu.memref_slice %arg4[%add3A_4, %dma_start3A] : memref<12544x16xf32, #tpu.memory_space<hbm>> -> memref<196x16xf32, #tpu.memory_space<hbm>>
      %dma_start3A_22 = arith.constant 0 : i32
      %dma_start3A_23 = tpu.memref_slice %arg4[%add3A_4, %dma_start3A_22] : memref<12544x16xf32, #tpu.memory_space<hbm>> -> memref<196x16xf32, #tpu.memory_space<hbm>>
      tpu.enqueue_dma source(%dma_start3A_23 : memref<196x16xf32, #tpu.memory_space<hbm>>) target(%arg11 : memref<196x16xf32, #tpu.memory_space<vmem>>) target_semaphore(%run_scoped3A : memref<!tpu.dma_semaphore, #tpu.memory_space<semaphore_mem>>)
      %dma_wait3A = arith.constant 0 : i32
      %dma_wait3A_24 = tpu.memref_slice %arg4[%add3A_4, %dma_wait3A] : memref<12544x16xf32, #tpu.memory_space<hbm>> -> memref<196x16xf32, #tpu.memory_space<hbm>>
      %dma_wait3A_25 = arith.constant 0 : i32
      %dma_wait3A_26 = tpu.memref_slice %arg4[%add3A_4, %dma_wait3A_25] : memref<12544x16xf32, #tpu.memory_space<hbm>> -> memref<196x16xf32, #tpu.memory_space<hbm>>
      tpu.wait_dma2 semaphore(%run_scoped3A : memref<!tpu.dma_semaphore, #tpu.memory_space<semaphore_mem>>) src(%dma_wait3A_26 : memref<196x16xf32, #tpu.memory_space<hbm>>) dst(%arg11 : memref<196x16xf32, #tpu.memory_space<vmem>>)
      tpu.yield
    }) : () -> ()
    %iota3A = tpu.iota {dimensions = array<i32: 0>} : vector<16xi32>
    %get3A = arith.constant 0 : i32
    %get3A_5 = arith.index_cast %get3A : i32 to index
    %get3A_6 = arith.constant 0 : index
    %get3A_7 = tpu.vector_load %arg14[%get3A_5, %get3A_6] {strides = array<i32>} : memref<2x16xf32, #tpu.memory_space<vmem>>, vector<16xf32>,
    %iota3A_8 = tpu.iota {dimensions = array<i32: 0>} : vector<16xi32>
    %broadcast_in_dim3A = arith.constant 0.000000e+00 : f32
    %broadcast_in_dim3A_9 = vector.broadcast %broadcast_in_dim3A : f32 to vector<16xf32>
    %scan3A = arith.constant 0 : i32
    %scan3A_10 = arith.constant 1568 : i32
    %scan3A_11 = arith.addi %scan3A, %scan3A_10 : i32
    %scan3A_12 = arith.constant 1 : i32
    scf.for %scan3A_21 = %scan3A to %scan3A_11 step %scan3A_12  : i32 {
      %mul3A_22 = arith.constant 1 : i32
      %mul3A_23 = arith.muli %scan3A_21, %mul3A_22 : i32
      %add3A_24 = arith.constant 0 : i32
      %add3A_25 = arith.addi %add3A_24, %mul3A_23 : i32
      %mul3A_26 = arith.constant 16 : i32
      %mul3A_27 = arith.muli %add3A_25, %mul3A_26 : i32
      %add3A_28 = vector.broadcast %mul3A_27 : i32 to vector<16xi32>
      %add3A_29 = arith.addi %iota3A_8, %add3A_28 : vector<16xi32>
      %jit3A = arith.constant 8 : i32
      %div3A = vector.broadcast %jit3A : i32 to vector<16xi32>
      %div3A_30 = arith.divsi %add3A_29, %div3A : vector<16xi32>
      %sign3A = arith.constant 0 : i32
      %sign3A_31 = vector.broadcast %sign3A : i32 to vector<16xi32>
      %sign3A_32 = arith.cmpi sgt, %add3A_29, %sign3A_31 : vector<16xi32>
      %sign3A_33 = arith.extui %sign3A_32 : vector<16xi1> to vector<16xi32>
      %sign3A_34 = arith.constant 0 : i32
      %sign3A_35 = vector.broadcast %sign3A_34 : i32 to vector<16xi32>
      %sign3A_36 = arith.cmpi slt, %add3A_29, %sign3A_35 : vector<16xi32>
      %sign3A_37 = arith.extui %sign3A_36 : vector<16xi1> to vector<16xi32>
      %sign3A_38 = arith.subi %sign3A_33, %sign3A_37 : vector<16xi32>
      %sign3A_39 = arith.constant 0 : i32
      %sign3A_40 = arith.cmpi sgt, %jit3A, %sign3A_39 : i32
      %sign3A_41 = arith.extui %sign3A_40 : i1 to i32
      %sign3A_42 = arith.constant 0 : i32
      %sign3A_43 = arith.cmpi slt, %jit3A, %sign3A_42 : i32
      %sign3A_44 = arith.extui %sign3A_43 : i1 to i32
      %sign3A_45 = arith.subi %sign3A_41, %sign3A_44 : i32
      %ne3A = vector.broadcast %sign3A_45 : i32 to vector<16xi32>
      %ne3A_46 = arith.cmpi ne, %sign3A_38, %ne3A : vector<16xi32>
      %rem3A = vector.broadcast %jit3A : i32 to vector<16xi32>
      %rem3A_47 = arith.remsi %add3A_29, %rem3A : vector<16xi32>
      %ne3A_48 = arith.constant 0 : i32
      %ne3A_49 = vector.broadcast %ne3A_48 : i32 to vector<16xi32>
      %ne3A_50 = arith.cmpi ne, %rem3A_47, %ne3A_49 : vector<16xi32>
      %and3A = arith.andi %ne3A_46, %ne3A_50 : vector<16xi1>
      %sub3A = arith.constant 1 : i32
      %sub3A_51 = vector.broadcast %sub3A : i32 to vector<16xi32>
      %sub3A_52 = arith.subi %div3A_30, %sub3A_51 : vector<16xi32>
      %select_n3A = arith.select %and3A, %sub3A_52, %div3A_30 : vector<16xi1>, vector<16xi32>
      %jit3A_53 = arith.constant 8 : i32
      %eq3A = arith.constant 0 : i32
      %eq3A_54 = arith.cmpi eq, %jit3A_53, %eq3A : i32
      %jit3A_55 = arith.constant 1 : i32
      %select_n3A_56 = arith.select %eq3A_54, %jit3A_55, %jit3A_53 : i32
      %rem3A_57 = vector.broadcast %select_n3A_56 : i32 to vector<16xi32>
      %rem3A_58 = arith.remsi %add3A_29, %rem3A_57 : vector<16xi32>
      %ne3A_59 = arith.constant 0 : i32
      %ne3A_60 = vector.broadcast %ne3A_59 : i32 to vector<16xi32>
      %ne3A_61 = arith.cmpi ne, %rem3A_58, %ne3A_60 : vector<16xi32>
      %lt3A = arith.constant 0 : i32
      %lt3A_62 = vector.broadcast %lt3A : i32 to vector<16xi32>
      %lt3A_63 = arith.cmpi slt, %rem3A_58, %lt3A_62 : vector<16xi32>
      %lt3A_64 = arith.constant 0 : i32
      %lt3A_65 = arith.cmpi slt, %select_n3A_56, %lt3A_64 : i32
      %ne3A_66 = vector.broadcast %lt3A_65 : i1 to vector<16xi1>
      %ne3A_67 = vector.broadcast %ne3A_66 : vector<16xi1> to vector<16xi1>
      %ne3A_68 = arith.xori %lt3A_63, %ne3A_67 : vector<16xi1>
      %and3A_69 = arith.andi %ne3A_68, %ne3A_61 : vector<16xi1>
      %add3A_70 = vector.broadcast %select_n3A_56 : i32 to vector<16xi32>
      %add3A_71 = arith.addi %rem3A_58, %add3A_70 : vector<16xi32>
      %select_n3A_72 = arith.select %and3A_69, %add3A_71, %rem3A_58 : vector<16xi1>, vector<16xi32>
      tpu.vector_store_idx %arg13[%select_n3A, %select_n3A_72], %broadcast_in_dim3A_9 : memref<3136x8xf32, #tpu.memory_space<vmem>>[vector<16xi32>, vector<16xi32>], vector<16xf32>,
    }
    %scan3A_13 = arith.constant 1568 : i32
    %scan3A_14 = arith.constant 0 : i32
    %scan3A_15 = arith.constant 196 : i32
    %scan3A_16 = arith.addi %scan3A_14, %scan3A_15 : i32
    %scan3A_17 = arith.constant 1 : i32
    scf.for %scan3A_21 = %scan3A_14 to %scan3A_16 step %scan3A_17  : i32 {
      %mul3A_22 = arith.constant 1 : i32
      %mul3A_23 = arith.muli %scan3A_21, %mul3A_22 : i32
      %add3A_24 = arith.constant 0 : i32
      %add3A_25 = arith.addi %add3A_24, %mul3A_23 : i32
      %get3A_26 = arith.index_cast %add3A_25 : i32 to index
      %get3A_27 = arith.constant 0 : index
      %get3A_28 = tpu.vector_load %arg10[%get3A_26, %get3A_27] {strides = array<i32>} : memref<196x16xf32, #tpu.memory_space<vmem>>, vector<16xf32>,
      %get3A_29 = arith.index_cast %add3A_25 : i32 to index
      %get3A_30 = arith.constant 0 : index
      %get3A_31 = tpu.vector_load %arg11[%get3A_29, %get3A_30] {strides = array<i32>} : memref<196x16xf32, #tpu.memory_space<vmem>>, vector<16xf32>,
      %add3A_32 = arith.addf %get3A_28, %get3A_31 : vector<16xf32>
      %bitcast3A = vector.bitcast %add3A_32 : vector<16xf32> to vector<16xi32>
      %shift_right_arithmetic3A = arith.constant 1 : i32
      %shift_right_arithmetic3A_33 = vector.broadcast %shift_right_arithmetic3A : i32 to vector<16xi32>
      %shift_right_arithmetic3A_34 = arith.shrsi %bitcast3A, %shift_right_arithmetic3A_33 : vector<16xi32>
      %sub3A = arith.constant 1597463007 : i32
      %sub3A_35 = vector.broadcast %sub3A : i32 to vector<16xi32>
      %sub3A_36 = arith.subi %sub3A_35, %shift_right_arithmetic3A_34 : vector<16xi32>
      %bitcast3A_37 = vector.bitcast %sub3A_36 : vector<16xi32> to vector<16xf32>
      %mul3A_38 = arith.constant 5.000000e-01 : f32
      %mul3A_39 = vector.broadcast %mul3A_38 : f32 to vector<16xf32>
      %mul3A_40 = arith.mulf %mul3A_39, %add3A_32 : vector<16xf32>
      %mul3A_41 = arith.mulf %mul3A_40, %bitcast3A_37 : vector<16xf32>
      %mul3A_42 = arith.mulf %mul3A_41, %bitcast3A_37 : vector<16xf32>
      %sub3A_43 = arith.constant 1.500000e+00 : f32
      %sub3A_44 = vector.broadcast %sub3A_43 : f32 to vector<16xf32>
      %sub3A_45 = arith.subf %sub3A_44, %mul3A_42 : vector<16xf32>
      %mul3A_46 = arith.mulf %bitcast3A_37, %sub3A_45 : vector<16xf32>
      %mul3A_47 = arith.constant 5.000000e-01 : f32
      %mul3A_48 = vector.broadcast %mul3A_47 : f32 to vector<16xf32>
      %mul3A_49 = arith.mulf %mul3A_48, %add3A_32 : vector<16xf32>
      %mul3A_50 = arith.mulf %mul3A_49, %mul3A_46 : vector<16xf32>
      %mul3A_51 = arith.mulf %mul3A_50, %mul3A_46 : vector<16xf32>
      %sub3A_52 = arith.constant 1.500000e+00 : f32
      %sub3A_53 = vector.broadcast %sub3A_52 : f32 to vector<16xf32>
      %sub3A_54 = arith.subf %sub3A_53, %mul3A_51 : vector<16xf32>
      %mul3A_55 = arith.mulf %mul3A_46, %sub3A_54 : vector<16xf32>
      %mul3A_56 = arith.constant 5.000000e-01 : f32
      %mul3A_57 = vector.broadcast %mul3A_56 : f32 to vector<16xf32>
      %mul3A_58 = arith.mulf %mul3A_57, %add3A_32 : vector<16xf32>
      %mul3A_59 = arith.mulf %mul3A_58, %mul3A_55 : vector<16xf32>
      %mul3A_60 = arith.mulf %mul3A_59, %mul3A_55 : vector<16xf32>
      %sub3A_61 = arith.constant 1.500000e+00 : f32
      %sub3A_62 = vector.broadcast %sub3A_61 : f32 to vector<16xf32>
      %sub3A_63 = arith.subf %sub3A_62, %mul3A_60 : vector<16xf32>
      %mul3A_64 = arith.mulf %mul3A_55, %sub3A_63 : vector<16xf32>
      %swap3A = arith.index_cast %add3A_25 : i32 to index
      %swap3A_65 = arith.constant 0 : index
      %swap3A_66 = tpu.vector_load %arg12[%swap3A, %swap3A_65] {strides = array<i32>} : memref<196x16xf32, #tpu.memory_space<vmem>>, vector<16xf32>,
      tpu.vector_store %arg12[%swap3A, %swap3A_65], %mul3A_64 {strides = array<i32>} : memref<196x16xf32, #tpu.memory_space<vmem>>, vector<16xf32>,
      %get3A_67 = arith.index_cast %add3A_25 : i32 to index
      %get3A_68 = arith.constant 0 : index
      %get3A_69 = tpu.vector_load %arg8[%get3A_67, %get3A_68] {strides = array<i32>} : memref<196x16xf32, #tpu.memory_space<vmem>>, vector<16xf32>,
      %get3A_70 = arith.index_cast %add3A_25 : i32 to index
      %get3A_71 = arith.constant 0 : index
      %get3A_72 = tpu.vector_load %arg9[%get3A_70, %get3A_71] {strides = array<i32>} : memref<196x16xf32, #tpu.memory_space<vmem>>, vector<16xf32>,
      %mul3A_73 = arith.constant 16 : i32
      %mul3A_74 = arith.muli %add3A_25, %mul3A_73 : i32
      %add3A_75 = vector.broadcast %mul3A_74 : i32 to vector<16xi32>
      %add3A_76 = arith.addi %iota3A, %add3A_75 : vector<16xi32>
      %slice3A = vector.extract_strided_slice %get3A_7 {offsets = [0], sizes = [1], strides = [1]} : vector<16xf32> to vector<1xf32>
      %squeeze3A = vector.extract %slice3A[0] : f32 from vector<1xf32>
      %mul3A_77 = vector.broadcast %squeeze3A : f32 to vector<16xf32>
      %mul3A_78 = arith.mulf %get3A_69, %mul3A_77 : vector<16xf32>
      %slice3A_79 = vector.extract_strided_slice %get3A_7 {offsets = [4], sizes = [1], strides = [1]} : vector<16xf32> to vector<1xf32>
      %squeeze3A_80 = vector.extract %slice3A_79[0] : f32 from vector<1xf32>
      %mul3A_81 = vector.broadcast %squeeze3A_80 : f32 to vector<16xf32>
      %mul3A_82 = arith.mulf %get3A_72, %mul3A_81 : vector<16xf32>
      %add3A_83 = arith.addf %mul3A_78, %mul3A_82 : vector<16xf32>
      %mul3A_84 = arith.mulf %add3A_83, %mul3A_64 : vector<16xf32>
      %broadcast_in_dim3A_85 = arith.constant 0 : i32
      %broadcast_in_dim3A_86 = vector.broadcast %broadcast_in_dim3A_85 : i32 to vector<16xi32>
      tpu.vector_store_idx %arg13[%add3A_76, %broadcast_in_dim3A_86], %mul3A_84 : memref<3136x8xf32, #tpu.memory_space<vmem>>[vector<16xi32>, vector<16xi32>], vector<16xf32>,
      %slice3A_87 = vector.extract_strided_slice %get3A_7 {offsets = [1], sizes = [1], strides = [1]} : vector<16xf32> to vector<1xf32>
      %squeeze3A_88 = vector.extract %slice3A_87[0] : f32 from vector<1xf32>
      %mul3A_89 = vector.broadcast %squeeze3A_88 : f32 to vector<16xf32>
      %mul3A_90 = arith.mulf %get3A_69, %mul3A_89 : vector<16xf32>
      %slice3A_91 = vector.extract_strided_slice %get3A_7 {offsets = [5], sizes = [1], strides = [1]} : vector<16xf32> to vector<1xf32>
      %squeeze3A_92 = vector.extract %slice3A_91[0] : f32 from vector<1xf32>
      %mul3A_93 = vector.broadcast %squeeze3A_92 : f32 to vector<16xf32>
      %mul3A_94 = arith.mulf %get3A_72, %mul3A_93 : vector<16xf32>
      %add3A_95 = arith.addf %mul3A_90, %mul3A_94 : vector<16xf32>
      %mul3A_96 = arith.mulf %add3A_95, %mul3A_64 : vector<16xf32>
      %broadcast_in_dim3A_97 = arith.constant 1 : i32
      %broadcast_in_dim3A_98 = vector.broadcast %broadcast_in_dim3A_97 : i32 to vector<16xi32>
      tpu.vector_store_idx %arg13[%add3A_76, %broadcast_in_dim3A_98], %mul3A_96 : memref<3136x8xf32, #tpu.memory_space<vmem>>[vector<16xi32>, vector<16xi32>], vector<16xf32>,
      %slice3A_99 = vector.extract_strided_slice %get3A_7 {offsets = [2], sizes = [1], strides = [1]} : vector<16xf32> to vector<1xf32>
      %squeeze3A_100 = vector.extract %slice3A_99[0] : f32 from vector<1xf32>
      %mul3A_101 = vector.broadcast %squeeze3A_100 : f32 to vector<16xf32>
      %mul3A_102 = arith.mulf %get3A_69, %mul3A_101 : vector<16xf32>
      %slice3A_103 = vector.extract_strided_slice %get3A_7 {offsets = [6], sizes = [1], strides = [1]} : vector<16xf32> to vector<1xf32>
      %squeeze3A_104 = vector.extract %slice3A_103[0] : f32 from vector<1xf32>
      %mul3A_105 = vector.broadcast %squeeze3A_104 : f32 to vector<16xf32>
      %mul3A_106 = arith.mulf %get3A_72, %mul3A_105 : vector<16xf32>
      %add3A_107 = arith.addf %mul3A_102, %mul3A_106 : vector<16xf32>
      %mul3A_108 = arith.mulf %add3A_107, %mul3A_64 : vector<16xf32>
      %broadcast_in_dim3A_109 = arith.constant 2 : i32
      %broadcast_in_dim3A_110 = vector.broadcast %broadcast_in_dim3A_109 : i32 to vector<16xi32>
      tpu.vector_store_idx %arg13[%add3A_76, %broadcast_in_dim3A_110], %mul3A_108 : memref<3136x8xf32, #tpu.memory_space<vmem>>[vector<16xi32>, vector<16xi32>], vector<16xf32>,
      %slice3A_111 = vector.extract_strided_slice %get3A_7 {offsets = [3], sizes = [1], strides = [1]} : vector<16xf32> to vector<1xf32>
      %squeeze3A_112 = vector.extract %slice3A_111[0] : f32 from vector<1xf32>
      %mul3A_113 = vector.broadcast %squeeze3A_112 : f32 to vector<16xf32>
      %mul3A_114 = arith.mulf %get3A_69, %mul3A_113 : vector<16xf32>
      %slice3A_115 = vector.extract_strided_slice %get3A_7 {offsets = [7], sizes = [1], strides = [1]} : vector<16xf32> to vector<1xf32>
      %squeeze3A_116 = vector.extract %slice3A_115[0] : f32 from vector<1xf32>
      %mul3A_117 = vector.broadcast %squeeze3A_116 : f32 to vector<16xf32>
      %mul3A_118 = arith.mulf %get3A_72, %mul3A_117 : vector<16xf32>
      %add3A_119 = arith.addf %mul3A_114, %mul3A_118 : vector<16xf32>
      %mul3A_120 = arith.mulf %add3A_119, %mul3A_64 : vector<16xf32>
      %broadcast_in_dim3A_121 = arith.constant 3 : i32
      %broadcast_in_dim3A_122 = vector.broadcast %broadcast_in_dim3A_121 : i32 to vector<16xi32>
      tpu.vector_store_idx %arg13[%add3A_76, %broadcast_in_dim3A_122], %mul3A_120 : memref<3136x8xf32, #tpu.memory_space<vmem>>[vector<16xi32>, vector<16xi32>], vector<16xf32>,
    }
    %scan3A_18 = arith.constant 196 : i32
    "tpu.region"() ({
      %run_scoped3A = tpu.sem_alloc : memref<!tpu.dma_semaphore, #tpu.memory_space<semaphore_mem>>
      %dma_start3A = arith.constant 0 : i32
      %dma_start3A_21 = tpu.memref_slice %arg7[%mul3A_2, %dma_start3A] : memref<6272x16xf32, #tpu.memory_space<hbm>> -> memref<196x16xf32, #tpu.memory_space<hbm>>
      %dma_start3A_22 = arith.constant 0 : i32
      %dma_start3A_23 = tpu.memref_slice %arg7[%mul3A_2, %dma_start3A_22] : memref<6272x16xf32, #tpu.memory_space<hbm>> -> memref<196x16xf32, #tpu.memory_space<hbm>>
      tpu.enqueue_dma source(%arg12 : memref<196x16xf32, #tpu.memory_space<vmem>>) target(%dma_start3A_23 : memref<196x16xf32, #tpu.memory_space<hbm>>) target_semaphore(%run_scoped3A : memref<!tpu.dma_semaphore, #tpu.memory_space<semaphore_mem>>)
      %dma_wait3A = arith.constant 0 : i32
      %dma_wait3A_24 = tpu.memref_slice %arg7[%mul3A_2, %dma_wait3A] : memref<6272x16xf32, #tpu.memory_space<hbm>> -> memref<196x16xf32, #tpu.memory_space<hbm>>
      %dma_wait3A_25 = arith.constant 0 : i32
      %dma_wait3A_26 = tpu.memref_slice %arg7[%mul3A_2, %dma_wait3A_25] : memref<6272x16xf32, #tpu.memory_space<hbm>> -> memref<196x16xf32, #tpu.memory_space<hbm>>
      tpu.wait_dma2 semaphore(%run_scoped3A : memref<!tpu.dma_semaphore, #tpu.memory_space<semaphore_mem>>) src(%arg12 : memref<196x16xf32, #tpu.memory_space<vmem>>) dst(%dma_wait3A_26 : memref<196x16xf32, #tpu.memory_space<hbm>>)
      tpu.yield
    }) : () -> ()
    %mul3A_19 = arith.constant 3136 : i32
    %mul3A_20 = arith.muli %add3A, %mul3A_19 : i32
    "tpu.region"() ({
      %run_scoped3A = tpu.sem_alloc : memref<!tpu.dma_semaphore, #tpu.memory_space<semaphore_mem>>
      %dma_start3A = arith.constant 0 : i32
      %dma_start3A_21 = tpu.memref_slice %arg6[%mul3A_20, %dma_start3A] : memref<100352x8xf32, #tpu.memory_space<hbm>> -> memref<3136x8xf32, #tpu.memory_space<hbm>>
      %dma_start3A_22 = arith.constant 0 : i32
      %dma_start3A_23 = tpu.memref_slice %arg6[%mul3A_20, %dma_start3A_22] : memref<100352x8xf32, #tpu.memory_space<hbm>> -> memref<3136x8xf32, #tpu.memory_space<hbm>>
      tpu.enqueue_dma source(%arg13 : memref<3136x8xf32, #tpu.memory_space<vmem>>) target(%dma_start3A_23 : memref<3136x8xf32, #tpu.memory_space<hbm>>) target_semaphore(%run_scoped3A : memref<!tpu.dma_semaphore, #tpu.memory_space<semaphore_mem>>)
      %dma_wait3A = arith.constant 0 : i32
      %dma_wait3A_24 = tpu.memref_slice %arg6[%mul3A_20, %dma_wait3A] : memref<100352x8xf32, #tpu.memory_space<hbm>> -> memref<3136x8xf32, #tpu.memory_space<hbm>>
      %dma_wait3A_25 = arith.constant 0 : i32
      %dma_wait3A_26 = tpu.memref_slice %arg6[%mul3A_20, %dma_wait3A_25] : memref<100352x8xf32, #tpu.memory_space<hbm>> -> memref<3136x8xf32, #tpu.memory_space<hbm>>
      tpu.wait_dma2 semaphore(%run_scoped3A : memref<!tpu.dma_semaphore, #tpu.memory_space<semaphore_mem>>) src(%arg13 : memref<3136x8xf32, #tpu.memory_space<vmem>>) dst(%dma_wait3A_26 : memref<3136x8xf32, #tpu.memory_space<hbm>>)
      tpu.yield
    }) : () -> ()
    return
  }
}

#map = affine_map<(d0, d1) -> (0, 0)>
module attributes {stable_mosaic.version = 14 : i64} {
  func.func @_dense2_body(%arg0: i32, %arg1: i32, %arg2: memref<6272x16xf32, #tpu.memory_space<hbm>>, %arg3: memref<6272x16xf32, #tpu.memory_space<hbm>>, %arg4: memref<6272x16xf32, #tpu.memory_space<hbm>>, %arg5: memref<200704x8xf32, #tpu.memory_space<hbm>>, %arg6: memref<2x16xf32, #tpu.memory_space<hbm>>, %arg7: memref<100352x8xf32, #tpu.memory_space<hbm>>, %arg8: memref<196x16xf32, #tpu.memory_space<vmem>>, %arg9: memref<196x16xf32, #tpu.memory_space<vmem>>, %arg10: memref<196x16xf32, #tpu.memory_space<vmem>>, %arg11: memref<3136x8xf32, #tpu.memory_space<vmem>>, %arg12: memref<3136x8xf32, #tpu.memory_space<vmem>>, %arg13: memref<3136x8xf32, #tpu.memory_space<vmem>>, %arg14: memref<2x16xf32, #tpu.memory_space<vmem>>) attributes {dimension_semantics = [#tpu.dimension_semantics<core_parallel>, #tpu.dimension_semantics<subcore_parallel>], iteration_bounds = array<i64: 2, 16>, scalar_prefetch = 0 : i64, scratch_operands = 7 : i64, tpu.core_type = #tpu.core_type<sc_vector_subcore>, window_params = [{transform_indices = #map}, {transform_indices = #map}, {transform_indices = #map}, {transform_indices = #map}, {transform_indices = #map}, {transform_indices = #map}]} {
    %mul3A = arith.constant 16 : i32
    %mul3A_0 = arith.muli %arg0, %mul3A : i32
    %add3A = arith.addi %mul3A_0, %arg1 : i32
    %mul3A_1 = arith.constant 196 : i32
    %mul3A_2 = arith.muli %add3A, %mul3A_1 : i32
    %mul3A_3 = arith.constant 3136 : i32
    %mul3A_4 = arith.muli %add3A, %mul3A_3 : i32
    "tpu.region"() ({
      %run_scoped3A = tpu.sem_alloc : memref<!tpu.dma_semaphore, #tpu.memory_space<semaphore_mem>>
      tpu.enqueue_dma source(%arg6 : memref<2x16xf32, #tpu.memory_space<hbm>>) target(%arg14 : memref<2x16xf32, #tpu.memory_space<vmem>>) target_semaphore(%run_scoped3A : memref<!tpu.dma_semaphore, #tpu.memory_space<semaphore_mem>>)
      tpu.wait_dma2 semaphore(%run_scoped3A : memref<!tpu.dma_semaphore, #tpu.memory_space<semaphore_mem>>) src(%arg6 : memref<2x16xf32, #tpu.memory_space<hbm>>) dst(%arg14 : memref<2x16xf32, #tpu.memory_space<vmem>>)
      tpu.yield
    }) : () -> ()
    "tpu.region"() ({
      %run_scoped3A = tpu.sem_alloc : memref<!tpu.dma_semaphore, #tpu.memory_space<semaphore_mem>>
      %dma_start3A = arith.constant 0 : i32
      %dma_start3A_27 = tpu.memref_slice %arg2[%mul3A_2, %dma_start3A] : memref<6272x16xf32, #tpu.memory_space<hbm>> -> memref<196x16xf32, #tpu.memory_space<hbm>>
      %dma_start3A_28 = arith.constant 0 : i32
      %dma_start3A_29 = tpu.memref_slice %arg2[%mul3A_2, %dma_start3A_28] : memref<6272x16xf32, #tpu.memory_space<hbm>> -> memref<196x16xf32, #tpu.memory_space<hbm>>
      tpu.enqueue_dma source(%dma_start3A_29 : memref<196x16xf32, #tpu.memory_space<hbm>>) target(%arg8 : memref<196x16xf32, #tpu.memory_space<vmem>>) target_semaphore(%run_scoped3A : memref<!tpu.dma_semaphore, #tpu.memory_space<semaphore_mem>>)
      %dma_wait3A = arith.constant 0 : i32
      %dma_wait3A_30 = tpu.memref_slice %arg2[%mul3A_2, %dma_wait3A] : memref<6272x16xf32, #tpu.memory_space<hbm>> -> memref<196x16xf32, #tpu.memory_space<hbm>>
      %dma_wait3A_31 = arith.constant 0 : i32
      %dma_wait3A_32 = tpu.memref_slice %arg2[%mul3A_2, %dma_wait3A_31] : memref<6272x16xf32, #tpu.memory_space<hbm>> -> memref<196x16xf32, #tpu.memory_space<hbm>>
      tpu.wait_dma2 semaphore(%run_scoped3A : memref<!tpu.dma_semaphore, #tpu.memory_space<semaphore_mem>>) src(%dma_wait3A_32 : memref<196x16xf32, #tpu.memory_space<hbm>>) dst(%arg8 : memref<196x16xf32, #tpu.memory_space<vmem>>)
      tpu.yield
    }) : () -> ()
    "tpu.region"() ({
      %run_scoped3A = tpu.sem_alloc : memref<!tpu.dma_semaphore, #tpu.memory_space<semaphore_mem>>
      %dma_start3A = arith.constant 0 : i32
      %dma_start3A_27 = tpu.memref_slice %arg3[%mul3A_2, %dma_start3A] : memref<6272x16xf32, #tpu.memory_space<hbm>> -> memref<196x16xf32, #tpu.memory_space<hbm>>
      %dma_start3A_28 = arith.constant 0 : i32
      %dma_start3A_29 = tpu.memref_slice %arg3[%mul3A_2, %dma_start3A_28] : memref<6272x16xf32, #tpu.memory_space<hbm>> -> memref<196x16xf32, #tpu.memory_space<hbm>>
      tpu.enqueue_dma source(%dma_start3A_29 : memref<196x16xf32, #tpu.memory_space<hbm>>) target(%arg9 : memref<196x16xf32, #tpu.memory_space<vmem>>) target_semaphore(%run_scoped3A : memref<!tpu.dma_semaphore, #tpu.memory_space<semaphore_mem>>)
      %dma_wait3A = arith.constant 0 : i32
      %dma_wait3A_30 = tpu.memref_slice %arg3[%mul3A_2, %dma_wait3A] : memref<6272x16xf32, #tpu.memory_space<hbm>> -> memref<196x16xf32, #tpu.memory_space<hbm>>
      %dma_wait3A_31 = arith.constant 0 : i32
      %dma_wait3A_32 = tpu.memref_slice %arg3[%mul3A_2, %dma_wait3A_31] : memref<6272x16xf32, #tpu.memory_space<hbm>> -> memref<196x16xf32, #tpu.memory_space<hbm>>
      tpu.wait_dma2 semaphore(%run_scoped3A : memref<!tpu.dma_semaphore, #tpu.memory_space<semaphore_mem>>) src(%dma_wait3A_32 : memref<196x16xf32, #tpu.memory_space<hbm>>) dst(%arg9 : memref<196x16xf32, #tpu.memory_space<vmem>>)
      tpu.yield
    }) : () -> ()
    "tpu.region"() ({
      %run_scoped3A = tpu.sem_alloc : memref<!tpu.dma_semaphore, #tpu.memory_space<semaphore_mem>>
      %dma_start3A = arith.constant 0 : i32
      %dma_start3A_27 = tpu.memref_slice %arg4[%mul3A_2, %dma_start3A] : memref<6272x16xf32, #tpu.memory_space<hbm>> -> memref<196x16xf32, #tpu.memory_space<hbm>>
      %dma_start3A_28 = arith.constant 0 : i32
      %dma_start3A_29 = tpu.memref_slice %arg4[%mul3A_2, %dma_start3A_28] : memref<6272x16xf32, #tpu.memory_space<hbm>> -> memref<196x16xf32, #tpu.memory_space<hbm>>
      tpu.enqueue_dma source(%dma_start3A_29 : memref<196x16xf32, #tpu.memory_space<hbm>>) target(%arg10 : memref<196x16xf32, #tpu.memory_space<vmem>>) target_semaphore(%run_scoped3A : memref<!tpu.dma_semaphore, #tpu.memory_space<semaphore_mem>>)
      %dma_wait3A = arith.constant 0 : i32
      %dma_wait3A_30 = tpu.memref_slice %arg4[%mul3A_2, %dma_wait3A] : memref<6272x16xf32, #tpu.memory_space<hbm>> -> memref<196x16xf32, #tpu.memory_space<hbm>>
      %dma_wait3A_31 = arith.constant 0 : i32
      %dma_wait3A_32 = tpu.memref_slice %arg4[%mul3A_2, %dma_wait3A_31] : memref<6272x16xf32, #tpu.memory_space<hbm>> -> memref<196x16xf32, #tpu.memory_space<hbm>>
      tpu.wait_dma2 semaphore(%run_scoped3A : memref<!tpu.dma_semaphore, #tpu.memory_space<semaphore_mem>>) src(%dma_wait3A_32 : memref<196x16xf32, #tpu.memory_space<hbm>>) dst(%arg10 : memref<196x16xf32, #tpu.memory_space<vmem>>)
      tpu.yield
    }) : () -> ()
    "tpu.region"() ({
      %run_scoped3A = tpu.sem_alloc : memref<!tpu.dma_semaphore, #tpu.memory_space<semaphore_mem>>
      %dma_start3A = arith.constant 0 : i32
      %dma_start3A_27 = tpu.memref_slice %arg5[%mul3A_4, %dma_start3A] : memref<200704x8xf32, #tpu.memory_space<hbm>> -> memref<3136x8xf32, #tpu.memory_space<hbm>>
      %dma_start3A_28 = arith.constant 0 : i32
      %dma_start3A_29 = tpu.memref_slice %arg5[%mul3A_4, %dma_start3A_28] : memref<200704x8xf32, #tpu.memory_space<hbm>> -> memref<3136x8xf32, #tpu.memory_space<hbm>>
      tpu.enqueue_dma source(%dma_start3A_29 : memref<3136x8xf32, #tpu.memory_space<hbm>>) target(%arg11 : memref<3136x8xf32, #tpu.memory_space<vmem>>) target_semaphore(%run_scoped3A : memref<!tpu.dma_semaphore, #tpu.memory_space<semaphore_mem>>)
      %dma_wait3A = arith.constant 0 : i32
      %dma_wait3A_30 = tpu.memref_slice %arg5[%mul3A_4, %dma_wait3A] : memref<200704x8xf32, #tpu.memory_space<hbm>> -> memref<3136x8xf32, #tpu.memory_space<hbm>>
      %dma_wait3A_31 = arith.constant 0 : i32
      %dma_wait3A_32 = tpu.memref_slice %arg5[%mul3A_4, %dma_wait3A_31] : memref<200704x8xf32, #tpu.memory_space<hbm>> -> memref<3136x8xf32, #tpu.memory_space<hbm>>
      tpu.wait_dma2 semaphore(%run_scoped3A : memref<!tpu.dma_semaphore, #tpu.memory_space<semaphore_mem>>) src(%dma_wait3A_32 : memref<3136x8xf32, #tpu.memory_space<hbm>>) dst(%arg11 : memref<3136x8xf32, #tpu.memory_space<vmem>>)
      tpu.yield
    }) : () -> ()
    %add3A_5 = arith.constant 100352 : i32
    %add3A_6 = arith.addi %add3A_5, %mul3A_4 : i32
    "tpu.region"() ({
      %run_scoped3A = tpu.sem_alloc : memref<!tpu.dma_semaphore, #tpu.memory_space<semaphore_mem>>
      %dma_start3A = arith.constant 0 : i32
      %dma_start3A_27 = tpu.memref_slice %arg5[%add3A_6, %dma_start3A] : memref<200704x8xf32, #tpu.memory_space<hbm>> -> memref<3136x8xf32, #tpu.memory_space<hbm>>
      %dma_start3A_28 = arith.constant 0 : i32
      %dma_start3A_29 = tpu.memref_slice %arg5[%add3A_6, %dma_start3A_28] : memref<200704x8xf32, #tpu.memory_space<hbm>> -> memref<3136x8xf32, #tpu.memory_space<hbm>>
      tpu.enqueue_dma source(%dma_start3A_29 : memref<3136x8xf32, #tpu.memory_space<hbm>>) target(%arg12 : memref<3136x8xf32, #tpu.memory_space<vmem>>) target_semaphore(%run_scoped3A : memref<!tpu.dma_semaphore, #tpu.memory_space<semaphore_mem>>)
      %dma_wait3A = arith.constant 0 : i32
      %dma_wait3A_30 = tpu.memref_slice %arg5[%add3A_6, %dma_wait3A] : memref<200704x8xf32, #tpu.memory_space<hbm>> -> memref<3136x8xf32, #tpu.memory_space<hbm>>
      %dma_wait3A_31 = arith.constant 0 : i32
      %dma_wait3A_32 = tpu.memref_slice %arg5[%add3A_6, %dma_wait3A_31] : memref<200704x8xf32, #tpu.memory_space<hbm>> -> memref<3136x8xf32, #tpu.memory_space<hbm>>
      tpu.wait_dma2 semaphore(%run_scoped3A : memref<!tpu.dma_semaphore, #tpu.memory_space<semaphore_mem>>) src(%dma_wait3A_32 : memref<3136x8xf32, #tpu.memory_space<hbm>>) dst(%arg12 : memref<3136x8xf32, #tpu.memory_space<vmem>>)
      tpu.yield
    }) : () -> ()
    %iota3A = tpu.iota {dimensions = array<i32: 0>} : vector<16xi32>
    %broadcast_in_dim3A = arith.constant 0.000000e+00 : f32
    %broadcast_in_dim3A_7 = vector.broadcast %broadcast_in_dim3A : f32 to vector<16xf32>
    %get3A = arith.constant 0 : i32
    %get3A_8 = arith.index_cast %get3A : i32 to index
    %get3A_9 = arith.constant 0 : index
    %get3A_10 = tpu.vector_load %arg14[%get3A_8, %get3A_9] {strides = array<i32>} : memref<2x16xf32, #tpu.memory_space<vmem>>, vector<16xf32>,
    %get3A_11 = arith.constant 1 : i32
    %get3A_12 = arith.index_cast %get3A_11 : i32 to index
    %get3A_13 = arith.constant 0 : index
    %get3A_14 = tpu.vector_load %arg14[%get3A_12, %get3A_13] {strides = array<i32>} : memref<2x16xf32, #tpu.memory_space<vmem>>, vector<16xf32>,
    %iota3A_15 = tpu.iota {dimensions = array<i32: 0>} : vector<16xi32>
    %broadcast_in_dim3A_16 = arith.constant 0.000000e+00 : f32
    %broadcast_in_dim3A_17 = vector.broadcast %broadcast_in_dim3A_16 : f32 to vector<16xf32>
    %scan3A = arith.constant 0 : i32
    %scan3A_18 = arith.constant 1568 : i32
    %scan3A_19 = arith.addi %scan3A, %scan3A_18 : i32
    %scan3A_20 = arith.constant 1 : i32
    scf.for %scan3A_27 = %scan3A to %scan3A_19 step %scan3A_20  : i32 {
      %mul3A_28 = arith.constant 1 : i32
      %mul3A_29 = arith.muli %scan3A_27, %mul3A_28 : i32
      %add3A_30 = arith.constant 0 : i32
      %add3A_31 = arith.addi %add3A_30, %mul3A_29 : i32
      %mul3A_32 = arith.constant 16 : i32
      %mul3A_33 = arith.muli %add3A_31, %mul3A_32 : i32
      %add3A_34 = vector.broadcast %mul3A_33 : i32 to vector<16xi32>
      %add3A_35 = arith.addi %iota3A_15, %add3A_34 : vector<16xi32>
      %jit3A = arith.constant 8 : i32
      %div3A = vector.broadcast %jit3A : i32 to vector<16xi32>
      %div3A_36 = arith.divsi %add3A_35, %div3A : vector<16xi32>
      %sign3A = arith.constant 0 : i32
      %sign3A_37 = vector.broadcast %sign3A : i32 to vector<16xi32>
      %sign3A_38 = arith.cmpi sgt, %add3A_35, %sign3A_37 : vector<16xi32>
      %sign3A_39 = arith.extui %sign3A_38 : vector<16xi1> to vector<16xi32>
      %sign3A_40 = arith.constant 0 : i32
      %sign3A_41 = vector.broadcast %sign3A_40 : i32 to vector<16xi32>
      %sign3A_42 = arith.cmpi slt, %add3A_35, %sign3A_41 : vector<16xi32>
      %sign3A_43 = arith.extui %sign3A_42 : vector<16xi1> to vector<16xi32>
      %sign3A_44 = arith.subi %sign3A_39, %sign3A_43 : vector<16xi32>
      %sign3A_45 = arith.constant 0 : i32
      %sign3A_46 = arith.cmpi sgt, %jit3A, %sign3A_45 : i32
      %sign3A_47 = arith.extui %sign3A_46 : i1 to i32
      %sign3A_48 = arith.constant 0 : i32
      %sign3A_49 = arith.cmpi slt, %jit3A, %sign3A_48 : i32
      %sign3A_50 = arith.extui %sign3A_49 : i1 to i32
      %sign3A_51 = arith.subi %sign3A_47, %sign3A_50 : i32
      %ne3A = vector.broadcast %sign3A_51 : i32 to vector<16xi32>
      %ne3A_52 = arith.cmpi ne, %sign3A_44, %ne3A : vector<16xi32>
      %rem3A = vector.broadcast %jit3A : i32 to vector<16xi32>
      %rem3A_53 = arith.remsi %add3A_35, %rem3A : vector<16xi32>
      %ne3A_54 = arith.constant 0 : i32
      %ne3A_55 = vector.broadcast %ne3A_54 : i32 to vector<16xi32>
      %ne3A_56 = arith.cmpi ne, %rem3A_53, %ne3A_55 : vector<16xi32>
      %and3A = arith.andi %ne3A_52, %ne3A_56 : vector<16xi1>
      %sub3A = arith.constant 1 : i32
      %sub3A_57 = vector.broadcast %sub3A : i32 to vector<16xi32>
      %sub3A_58 = arith.subi %div3A_36, %sub3A_57 : vector<16xi32>
      %select_n3A = arith.select %and3A, %sub3A_58, %div3A_36 : vector<16xi1>, vector<16xi32>
      %jit3A_59 = arith.constant 8 : i32
      %eq3A = arith.constant 0 : i32
      %eq3A_60 = arith.cmpi eq, %jit3A_59, %eq3A : i32
      %jit3A_61 = arith.constant 1 : i32
      %select_n3A_62 = arith.select %eq3A_60, %jit3A_61, %jit3A_59 : i32
      %rem3A_63 = vector.broadcast %select_n3A_62 : i32 to vector<16xi32>
      %rem3A_64 = arith.remsi %add3A_35, %rem3A_63 : vector<16xi32>
      %ne3A_65 = arith.constant 0 : i32
      %ne3A_66 = vector.broadcast %ne3A_65 : i32 to vector<16xi32>
      %ne3A_67 = arith.cmpi ne, %rem3A_64, %ne3A_66 : vector<16xi32>
      %lt3A = arith.constant 0 : i32
      %lt3A_68 = vector.broadcast %lt3A : i32 to vector<16xi32>
      %lt3A_69 = arith.cmpi slt, %rem3A_64, %lt3A_68 : vector<16xi32>
      %lt3A_70 = arith.constant 0 : i32
      %lt3A_71 = arith.cmpi slt, %select_n3A_62, %lt3A_70 : i32
      %ne3A_72 = vector.broadcast %lt3A_71 : i1 to vector<16xi1>
      %ne3A_73 = vector.broadcast %ne3A_72 : vector<16xi1> to vector<16xi1>
      %ne3A_74 = arith.xori %lt3A_69, %ne3A_73 : vector<16xi1>
      %and3A_75 = arith.andi %ne3A_74, %ne3A_67 : vector<16xi1>
      %add3A_76 = vector.broadcast %select_n3A_62 : i32 to vector<16xi32>
      %add3A_77 = arith.addi %rem3A_64, %add3A_76 : vector<16xi32>
      %select_n3A_78 = arith.select %and3A_75, %add3A_77, %rem3A_64 : vector<16xi1>, vector<16xi32>
      tpu.vector_store_idx %arg13[%select_n3A, %select_n3A_78], %broadcast_in_dim3A_17 : memref<3136x8xf32, #tpu.memory_space<vmem>>[vector<16xi32>, vector<16xi32>], vector<16xf32>,
    }
    %scan3A_21 = arith.constant 1568 : i32
    %scan3A_22 = arith.constant 0 : i32
    %scan3A_23 = arith.constant 196 : i32
    %scan3A_24 = arith.addi %scan3A_22, %scan3A_23 : i32
    %scan3A_25 = arith.constant 1 : i32
    scf.for %scan3A_27 = %scan3A_22 to %scan3A_24 step %scan3A_25  : i32 {
      %mul3A_28 = arith.constant 1 : i32
      %mul3A_29 = arith.muli %scan3A_27, %mul3A_28 : i32
      %add3A_30 = arith.constant 0 : i32
      %add3A_31 = arith.addi %add3A_30, %mul3A_29 : i32
      %get3A_32 = arith.index_cast %add3A_31 : i32 to index
      %get3A_33 = arith.constant 0 : index
      %get3A_34 = tpu.vector_load %arg10[%get3A_32, %get3A_33] {strides = array<i32>} : memref<196x16xf32, #tpu.memory_space<vmem>>, vector<16xf32>,
      %get3A_35 = arith.index_cast %add3A_31 : i32 to index
      %get3A_36 = arith.constant 0 : index
      %get3A_37 = tpu.vector_load %arg8[%get3A_35, %get3A_36] {strides = array<i32>} : memref<196x16xf32, #tpu.memory_space<vmem>>, vector<16xf32>,
      %get3A_38 = arith.index_cast %add3A_31 : i32 to index
      %get3A_39 = arith.constant 0 : index
      %get3A_40 = tpu.vector_load %arg9[%get3A_38, %get3A_39] {strides = array<i32>} : memref<196x16xf32, #tpu.memory_space<vmem>>, vector<16xf32>,
      %mul3A_41 = arith.constant 16 : i32
      %mul3A_42 = arith.muli %add3A_31, %mul3A_41 : i32
      %add3A_43 = vector.broadcast %mul3A_42 : i32 to vector<16xi32>
      %add3A_44 = arith.addi %iota3A, %add3A_43 : vector<16xi32>
      %broadcast_in_dim3A_45 = arith.constant 0 : i32
      %broadcast_in_dim3A_46 = vector.broadcast %broadcast_in_dim3A_45 : i32 to vector<16xi32>
      %gather3A = tpu.vector_load_idx %arg11[%add3A_44, %broadcast_in_dim3A_46] : memref<3136x8xf32, #tpu.memory_space<vmem>>[vector<16xi32>, vector<16xi32>], vector<16xf32>,
      %gather3A_47 = tpu.vector_load_idx %arg12[%add3A_44, %broadcast_in_dim3A_46] : memref<3136x8xf32, #tpu.memory_space<vmem>>[vector<16xi32>, vector<16xi32>], vector<16xf32>,
      %add3A_48 = arith.addf %gather3A, %gather3A_47 : vector<16xf32>
      %slice3A = vector.extract_strided_slice %get3A_10 {offsets = [0], sizes = [1], strides = [1]} : vector<16xf32> to vector<1xf32>
      %squeeze3A = vector.extract %slice3A[0] : f32 from vector<1xf32>
      %mul3A_49 = vector.broadcast %squeeze3A : f32 to vector<16xf32>
      %mul3A_50 = arith.mulf %get3A_37, %mul3A_49 : vector<16xf32>
      %slice3A_51 = vector.extract_strided_slice %get3A_10 {offsets = [4], sizes = [1], strides = [1]} : vector<16xf32> to vector<1xf32>
      %squeeze3A_52 = vector.extract %slice3A_51[0] : f32 from vector<1xf32>
      %mul3A_53 = vector.broadcast %squeeze3A_52 : f32 to vector<16xf32>
      %mul3A_54 = arith.mulf %get3A_40, %mul3A_53 : vector<16xf32>
      %add3A_55 = arith.addf %mul3A_50, %mul3A_54 : vector<16xf32>
      %mul3A_56 = arith.mulf %add3A_55, %get3A_34 : vector<16xf32>
      %add3A_57 = arith.addf %add3A_48, %mul3A_56 : vector<16xf32>
      %mul3A_58 = arith.mulf %add3A_57, %get3A_34 : vector<16xf32>
      %slice3A_59 = vector.extract_strided_slice %get3A_14 {offsets = [0], sizes = [1], strides = [1]} : vector<16xf32> to vector<1xf32>
      %squeeze3A_60 = vector.extract %slice3A_59[0] : f32 from vector<1xf32>
      %add3A_61 = vector.broadcast %squeeze3A_60 : f32 to vector<16xf32>
      %add3A_62 = arith.addf %mul3A_58, %add3A_61 : vector<16xf32>
      %max3A = arith.constant 0.000000e+00 : f32
      %max3A_63 = vector.broadcast %max3A : f32 to vector<16xf32>
      %max3A_64 = arith.maximumf %add3A_62, %max3A_63 : vector<16xf32>
      %slice3A_65 = vector.extract_strided_slice %get3A_10 {offsets = [8], sizes = [1], strides = [1]} : vector<16xf32> to vector<1xf32>
      %squeeze3A_66 = vector.extract %slice3A_65[0] : f32 from vector<1xf32>
      %mul3A_67 = vector.broadcast %squeeze3A_66 : f32 to vector<16xf32>
      %mul3A_68 = arith.mulf %max3A_64, %mul3A_67 : vector<16xf32>
      %add3A_69 = arith.addf %broadcast_in_dim3A_7, %mul3A_68 : vector<16xf32>
      %slice3A_70 = vector.extract_strided_slice %get3A_10 {offsets = [9], sizes = [1], strides = [1]} : vector<16xf32> to vector<1xf32>
      %squeeze3A_71 = vector.extract %slice3A_70[0] : f32 from vector<1xf32>
      %mul3A_72 = vector.broadcast %squeeze3A_71 : f32 to vector<16xf32>
      %mul3A_73 = arith.mulf %max3A_64, %mul3A_72 : vector<16xf32>
      %add3A_74 = arith.addf %broadcast_in_dim3A_7, %mul3A_73 : vector<16xf32>
      %broadcast_in_dim3A_75 = arith.constant 1 : i32
      %broadcast_in_dim3A_76 = vector.broadcast %broadcast_in_dim3A_75 : i32 to vector<16xi32>
      %gather3A_77 = tpu.vector_load_idx %arg11[%add3A_44, %broadcast_in_dim3A_76] : memref<3136x8xf32, #tpu.memory_space<vmem>>[vector<16xi32>, vector<16xi32>], vector<16xf32>,
      %gather3A_78 = tpu.vector_load_idx %arg12[%add3A_44, %broadcast_in_dim3A_76] : memref<3136x8xf32, #tpu.memory_space<vmem>>[vector<16xi32>, vector<16xi32>], vector<16xf32>,
      %add3A_79 = arith.addf %gather3A_77, %gather3A_78 : vector<16xf32>
      %slice3A_80 = vector.extract_strided_slice %get3A_10 {offsets = [1], sizes = [1], strides = [1]} : vector<16xf32> to vector<1xf32>
      %squeeze3A_81 = vector.extract %slice3A_80[0] : f32 from vector<1xf32>
      %mul3A_82 = vector.broadcast %squeeze3A_81 : f32 to vector<16xf32>
      %mul3A_83 = arith.mulf %get3A_37, %mul3A_82 : vector<16xf32>
      %slice3A_84 = vector.extract_strided_slice %get3A_10 {offsets = [5], sizes = [1], strides = [1]} : vector<16xf32> to vector<1xf32>
      %squeeze3A_85 = vector.extract %slice3A_84[0] : f32 from vector<1xf32>
      %mul3A_86 = vector.broadcast %squeeze3A_85 : f32 to vector<16xf32>
      %mul3A_87 = arith.mulf %get3A_40, %mul3A_86 : vector<16xf32>
      %add3A_88 = arith.addf %mul3A_83, %mul3A_87 : vector<16xf32>
      %mul3A_89 = arith.mulf %add3A_88, %get3A_34 : vector<16xf32>
      %add3A_90 = arith.addf %add3A_79, %mul3A_89 : vector<16xf32>
      %mul3A_91 = arith.mulf %add3A_90, %get3A_34 : vector<16xf32>
      %slice3A_92 = vector.extract_strided_slice %get3A_14 {offsets = [1], sizes = [1], strides = [1]} : vector<16xf32> to vector<1xf32>
      %squeeze3A_93 = vector.extract %slice3A_92[0] : f32 from vector<1xf32>
      %add3A_94 = vector.broadcast %squeeze3A_93 : f32 to vector<16xf32>
      %add3A_95 = arith.addf %mul3A_91, %add3A_94 : vector<16xf32>
      %max3A_96 = arith.constant 0.000000e+00 : f32
      %max3A_97 = vector.broadcast %max3A_96 : f32 to vector<16xf32>
      %max3A_98 = arith.maximumf %add3A_95, %max3A_97 : vector<16xf32>
      %slice3A_99 = vector.extract_strided_slice %get3A_10 {offsets = [10], sizes = [1], strides = [1]} : vector<16xf32> to vector<1xf32>
      %squeeze3A_100 = vector.extract %slice3A_99[0] : f32 from vector<1xf32>
      %mul3A_101 = vector.broadcast %squeeze3A_100 : f32 to vector<16xf32>
      %mul3A_102 = arith.mulf %max3A_98, %mul3A_101 : vector<16xf32>
      %add3A_103 = arith.addf %add3A_69, %mul3A_102 : vector<16xf32>
      %slice3A_104 = vector.extract_strided_slice %get3A_10 {offsets = [11], sizes = [1], strides = [1]} : vector<16xf32> to vector<1xf32>
      %squeeze3A_105 = vector.extract %slice3A_104[0] : f32 from vector<1xf32>
      %mul3A_106 = vector.broadcast %squeeze3A_105 : f32 to vector<16xf32>
      %mul3A_107 = arith.mulf %max3A_98, %mul3A_106 : vector<16xf32>
      %add3A_108 = arith.addf %add3A_74, %mul3A_107 : vector<16xf32>
      %broadcast_in_dim3A_109 = arith.constant 2 : i32
      %broadcast_in_dim3A_110 = vector.broadcast %broadcast_in_dim3A_109 : i32 to vector<16xi32>
      %gather3A_111 = tpu.vector_load_idx %arg11[%add3A_44, %broadcast_in_dim3A_110] : memref<3136x8xf32, #tpu.memory_space<vmem>>[vector<16xi32>, vector<16xi32>], vector<16xf32>,
      %gather3A_112 = tpu.vector_load_idx %arg12[%add3A_44, %broadcast_in_dim3A_110] : memref<3136x8xf32, #tpu.memory_space<vmem>>[vector<16xi32>, vector<16xi32>], vector<16xf32>,
      %add3A_113 = arith.addf %gather3A_111, %gather3A_112 : vector<16xf32>
      %slice3A_114 = vector.extract_strided_slice %get3A_10 {offsets = [2], sizes = [1], strides = [1]} : vector<16xf32> to vector<1xf32>
      %squeeze3A_115 = vector.extract %slice3A_114[0] : f32 from vector<1xf32>
      %mul3A_116 = vector.broadcast %squeeze3A_115 : f32 to vector<16xf32>
      %mul3A_117 = arith.mulf %get3A_37, %mul3A_116 : vector<16xf32>
      %slice3A_118 = vector.extract_strided_slice %get3A_10 {offsets = [6], sizes = [1], strides = [1]} : vector<16xf32> to vector<1xf32>
      %squeeze3A_119 = vector.extract %slice3A_118[0] : f32 from vector<1xf32>
      %mul3A_120 = vector.broadcast %squeeze3A_119 : f32 to vector<16xf32>
      %mul3A_121 = arith.mulf %get3A_40, %mul3A_120 : vector<16xf32>
      %add3A_122 = arith.addf %mul3A_117, %mul3A_121 : vector<16xf32>
      %mul3A_123 = arith.mulf %add3A_122, %get3A_34 : vector<16xf32>
      %add3A_124 = arith.addf %add3A_113, %mul3A_123 : vector<16xf32>
      %mul3A_125 = arith.mulf %add3A_124, %get3A_34 : vector<16xf32>
      %slice3A_126 = vector.extract_strided_slice %get3A_14 {offsets = [2], sizes = [1], strides = [1]} : vector<16xf32> to vector<1xf32>
      %squeeze3A_127 = vector.extract %slice3A_126[0] : f32 from vector<1xf32>
      %add3A_128 = vector.broadcast %squeeze3A_127 : f32 to vector<16xf32>
      %add3A_129 = arith.addf %mul3A_125, %add3A_128 : vector<16xf32>
      %max3A_130 = arith.constant 0.000000e+00 : f32
      %max3A_131 = vector.broadcast %max3A_130 : f32 to vector<16xf32>
      %max3A_132 = arith.maximumf %add3A_129, %max3A_131 : vector<16xf32>
      %slice3A_133 = vector.extract_strided_slice %get3A_10 {offsets = [12], sizes = [1], strides = [1]} : vector<16xf32> to vector<1xf32>
      %squeeze3A_134 = vector.extract %slice3A_133[0] : f32 from vector<1xf32>
      %mul3A_135 = vector.broadcast %squeeze3A_134 : f32 to vector<16xf32>
      %mul3A_136 = arith.mulf %max3A_132, %mul3A_135 : vector<16xf32>
      %add3A_137 = arith.addf %add3A_103, %mul3A_136 : vector<16xf32>
      %slice3A_138 = vector.extract_strided_slice %get3A_10 {offsets = [13], sizes = [1], strides = [1]} : vector<16xf32> to vector<1xf32>
      %squeeze3A_139 = vector.extract %slice3A_138[0] : f32 from vector<1xf32>
      %mul3A_140 = vector.broadcast %squeeze3A_139 : f32 to vector<16xf32>
      %mul3A_141 = arith.mulf %max3A_132, %mul3A_140 : vector<16xf32>
      %add3A_142 = arith.addf %add3A_108, %mul3A_141 : vector<16xf32>
      %broadcast_in_dim3A_143 = arith.constant 3 : i32
      %broadcast_in_dim3A_144 = vector.broadcast %broadcast_in_dim3A_143 : i32 to vector<16xi32>
      %gather3A_145 = tpu.vector_load_idx %arg11[%add3A_44, %broadcast_in_dim3A_144] : memref<3136x8xf32, #tpu.memory_space<vmem>>[vector<16xi32>, vector<16xi32>], vector<16xf32>,
      %gather3A_146 = tpu.vector_load_idx %arg12[%add3A_44, %broadcast_in_dim3A_144] : memref<3136x8xf32, #tpu.memory_space<vmem>>[vector<16xi32>, vector<16xi32>], vector<16xf32>,
      %add3A_147 = arith.addf %gather3A_145, %gather3A_146 : vector<16xf32>
      %slice3A_148 = vector.extract_strided_slice %get3A_10 {offsets = [3], sizes = [1], strides = [1]} : vector<16xf32> to vector<1xf32>
      %squeeze3A_149 = vector.extract %slice3A_148[0] : f32 from vector<1xf32>
      %mul3A_150 = vector.broadcast %squeeze3A_149 : f32 to vector<16xf32>
      %mul3A_151 = arith.mulf %get3A_37, %mul3A_150 : vector<16xf32>
      %slice3A_152 = vector.extract_strided_slice %get3A_10 {offsets = [7], sizes = [1], strides = [1]} : vector<16xf32> to vector<1xf32>
      %squeeze3A_153 = vector.extract %slice3A_152[0] : f32 from vector<1xf32>
      %mul3A_154 = vector.broadcast %squeeze3A_153 : f32 to vector<16xf32>
      %mul3A_155 = arith.mulf %get3A_40, %mul3A_154 : vector<16xf32>
      %add3A_156 = arith.addf %mul3A_151, %mul3A_155 : vector<16xf32>
      %mul3A_157 = arith.mulf %add3A_156, %get3A_34 : vector<16xf32>
      %add3A_158 = arith.addf %add3A_147, %mul3A_157 : vector<16xf32>
      %mul3A_159 = arith.mulf %add3A_158, %get3A_34 : vector<16xf32>
      %slice3A_160 = vector.extract_strided_slice %get3A_14 {offsets = [3], sizes = [1], strides = [1]} : vector<16xf32> to vector<1xf32>
      %squeeze3A_161 = vector.extract %slice3A_160[0] : f32 from vector<1xf32>
      %add3A_162 = vector.broadcast %squeeze3A_161 : f32 to vector<16xf32>
      %add3A_163 = arith.addf %mul3A_159, %add3A_162 : vector<16xf32>
      %max3A_164 = arith.constant 0.000000e+00 : f32
      %max3A_165 = vector.broadcast %max3A_164 : f32 to vector<16xf32>
      %max3A_166 = arith.maximumf %add3A_163, %max3A_165 : vector<16xf32>
      %slice3A_167 = vector.extract_strided_slice %get3A_10 {offsets = [14], sizes = [1], strides = [1]} : vector<16xf32> to vector<1xf32>
      %squeeze3A_168 = vector.extract %slice3A_167[0] : f32 from vector<1xf32>
      %mul3A_169 = vector.broadcast %squeeze3A_168 : f32 to vector<16xf32>
      %mul3A_170 = arith.mulf %max3A_166, %mul3A_169 : vector<16xf32>
      %add3A_171 = arith.addf %add3A_137, %mul3A_170 : vector<16xf32>
      %slice3A_172 = vector.extract_strided_slice %get3A_10 {offsets = [15], sizes = [1], strides = [1]} : vector<16xf32> to vector<1xf32>
      %squeeze3A_173 = vector.extract %slice3A_172[0] : f32 from vector<1xf32>
      %mul3A_174 = vector.broadcast %squeeze3A_173 : f32 to vector<16xf32>
      %mul3A_175 = arith.mulf %max3A_166, %mul3A_174 : vector<16xf32>
      %add3A_176 = arith.addf %add3A_142, %mul3A_175 : vector<16xf32>
      %broadcast_in_dim3A_177 = arith.constant 0 : i32
      %broadcast_in_dim3A_178 = vector.broadcast %broadcast_in_dim3A_177 : i32 to vector<16xi32>
      %mul3A_179 = arith.mulf %add3A_171, %get3A_34 : vector<16xf32>
      tpu.vector_store_idx %arg13[%add3A_44, %broadcast_in_dim3A_178], %mul3A_179 : memref<3136x8xf32, #tpu.memory_space<vmem>>[vector<16xi32>, vector<16xi32>], vector<16xf32>,
      %broadcast_in_dim3A_180 = arith.constant 1 : i32
      %broadcast_in_dim3A_181 = vector.broadcast %broadcast_in_dim3A_180 : i32 to vector<16xi32>
      %mul3A_182 = arith.mulf %add3A_176, %get3A_34 : vector<16xf32>
      tpu.vector_store_idx %arg13[%add3A_44, %broadcast_in_dim3A_181], %mul3A_182 : memref<3136x8xf32, #tpu.memory_space<vmem>>[vector<16xi32>, vector<16xi32>], vector<16xf32>,
    }
    %scan3A_26 = arith.constant 196 : i32
    "tpu.region"() ({
      %run_scoped3A = tpu.sem_alloc : memref<!tpu.dma_semaphore, #tpu.memory_space<semaphore_mem>>
      %dma_start3A = arith.constant 0 : i32
      %dma_start3A_27 = tpu.memref_slice %arg7[%mul3A_4, %dma_start3A] : memref<100352x8xf32, #tpu.memory_space<hbm>> -> memref<3136x8xf32, #tpu.memory_space<hbm>>
      %dma_start3A_28 = arith.constant 0 : i32
      %dma_start3A_29 = tpu.memref_slice %arg7[%mul3A_4, %dma_start3A_28] : memref<100352x8xf32, #tpu.memory_space<hbm>> -> memref<3136x8xf32, #tpu.memory_space<hbm>>
      tpu.enqueue_dma source(%arg13 : memref<3136x8xf32, #tpu.memory_space<vmem>>) target(%dma_start3A_29 : memref<3136x8xf32, #tpu.memory_space<hbm>>) target_semaphore(%run_scoped3A : memref<!tpu.dma_semaphore, #tpu.memory_space<semaphore_mem>>)
      %dma_wait3A = arith.constant 0 : i32
      %dma_wait3A_30 = tpu.memref_slice %arg7[%mul3A_4, %dma_wait3A] : memref<100352x8xf32, #tpu.memory_space<hbm>> -> memref<3136x8xf32, #tpu.memory_space<hbm>>
      %dma_wait3A_31 = arith.constant 0 : i32
      %dma_wait3A_32 = tpu.memref_slice %arg7[%mul3A_4, %dma_wait3A_31] : memref<100352x8xf32, #tpu.memory_space<hbm>> -> memref<3136x8xf32, #tpu.memory_space<hbm>>
      tpu.wait_dma2 semaphore(%run_scoped3A : memref<!tpu.dma_semaphore, #tpu.memory_space<semaphore_mem>>) src(%arg13 : memref<3136x8xf32, #tpu.memory_space<vmem>>) dst(%dma_wait3A_32 : memref<3136x8xf32, #tpu.memory_space<hbm>>)
      tpu.yield
    }) : () -> ()
    return
  }
}

#map = affine_map<(d0, d1) -> (0, 0)>
module attributes {stable_mosaic.version = 14 : i64} {
  func.func @_edgek_body(%arg0: i32, %arg1: i32, %arg2: memref<100352x8xf32, #tpu.memory_space<hbm>>, %arg3: memref<25088x512xi32, #tpu.memory_space<hbm>>, %arg4: memref<200704x8xf32, #tpu.memory_space<hbm>>, %arg5: memref<100352x8xf32, #tpu.memory_space<vmem_shared>>, %arg6: memref<8x512xi32, #tpu.memory_space<vmem>>, %arg7: memref<8x512xi32, #tpu.memory_space<vmem>>, %arg8: memref<4x512x8xf32, #tpu.memory_space<vmem>>, %arg9: memref<4x512x8xf32, #tpu.memory_space<vmem>>, %arg10: memref<1568x8xf32, #tpu.memory_space<vmem>>, %arg11: memref<!tpu.dma_semaphore, #tpu.memory_space<semaphore_mem>>, %arg12: memref<!tpu.dma_semaphore, #tpu.memory_space<semaphore_mem>>) attributes {dimension_semantics = [#tpu.dimension_semantics<core_parallel>, #tpu.dimension_semantics<subcore_parallel>], iteration_bounds = array<i64: 2, 16>, scalar_prefetch = 0 : i64, scratch_operands = 8 : i64, tpu.core_type = #tpu.core_type<sc_vector_subcore>, window_params = [{transform_indices = #map}, {transform_indices = #map}, {transform_indices = #map}]} {
    %mul3A = arith.constant 16 : i32
    %mul3A_0 = arith.muli %arg0, %mul3A : i32
    %add3A = arith.addi %mul3A_0, %arg1 : i32
    %mul3A_1 = arith.constant 6272 : i32
    %mul3A_2 = arith.muli %arg1, %mul3A_1 : i32
    %iota3A = tpu.iota {dimensions = array<i32: 0>} : vector<16xi32>
    %broadcast_in_dim3A = arith.constant 0.000000e+00 : f32
    %broadcast_in_dim3A_3 = vector.broadcast %broadcast_in_dim3A : f32 to vector<16xf32>
    %scan3A = arith.constant 0 : i32
    %scan3A_4 = arith.constant 784 : i32
    %scan3A_5 = arith.addi %scan3A, %scan3A_4 : i32
    %scan3A_6 = arith.constant 1 : i32
    scf.for %scan3A_96 = %scan3A to %scan3A_5 step %scan3A_6  : i32 {
      %mul3A_97 = arith.constant 1 : i32
      %mul3A_98 = arith.muli %scan3A_96, %mul3A_97 : i32
      %add3A_99 = arith.constant 0 : i32
      %add3A_100 = arith.addi %add3A_99, %mul3A_98 : i32
      %mul3A_101 = arith.constant 16 : i32
      %mul3A_102 = arith.muli %add3A_100, %mul3A_101 : i32
      %add3A_103 = vector.broadcast %mul3A_102 : i32 to vector<16xi32>
      %add3A_104 = arith.addi %iota3A, %add3A_103 : vector<16xi32>
      %jit3A = arith.constant 8 : i32
      %div3A = vector.broadcast %jit3A : i32 to vector<16xi32>
      %div3A_105 = arith.divsi %add3A_104, %div3A : vector<16xi32>
      %sign3A = arith.constant 0 : i32
      %sign3A_106 = vector.broadcast %sign3A : i32 to vector<16xi32>
      %sign3A_107 = arith.cmpi sgt, %add3A_104, %sign3A_106 : vector<16xi32>
      %sign3A_108 = arith.extui %sign3A_107 : vector<16xi1> to vector<16xi32>
      %sign3A_109 = arith.constant 0 : i32
      %sign3A_110 = vector.broadcast %sign3A_109 : i32 to vector<16xi32>
      %sign3A_111 = arith.cmpi slt, %add3A_104, %sign3A_110 : vector<16xi32>
      %sign3A_112 = arith.extui %sign3A_111 : vector<16xi1> to vector<16xi32>
      %sign3A_113 = arith.subi %sign3A_108, %sign3A_112 : vector<16xi32>
      %sign3A_114 = arith.constant 0 : i32
      %sign3A_115 = arith.cmpi sgt, %jit3A, %sign3A_114 : i32
      %sign3A_116 = arith.extui %sign3A_115 : i1 to i32
      %sign3A_117 = arith.constant 0 : i32
      %sign3A_118 = arith.cmpi slt, %jit3A, %sign3A_117 : i32
      %sign3A_119 = arith.extui %sign3A_118 : i1 to i32
      %sign3A_120 = arith.subi %sign3A_116, %sign3A_119 : i32
      %ne3A = vector.broadcast %sign3A_120 : i32 to vector<16xi32>
      %ne3A_121 = arith.cmpi ne, %sign3A_113, %ne3A : vector<16xi32>
      %rem3A = vector.broadcast %jit3A : i32 to vector<16xi32>
      %rem3A_122 = arith.remsi %add3A_104, %rem3A : vector<16xi32>
      %ne3A_123 = arith.constant 0 : i32
      %ne3A_124 = vector.broadcast %ne3A_123 : i32 to vector<16xi32>
      %ne3A_125 = arith.cmpi ne, %rem3A_122, %ne3A_124 : vector<16xi32>
      %and3A = arith.andi %ne3A_121, %ne3A_125 : vector<16xi1>
      %sub3A = arith.constant 1 : i32
      %sub3A_126 = vector.broadcast %sub3A : i32 to vector<16xi32>
      %sub3A_127 = arith.subi %div3A_105, %sub3A_126 : vector<16xi32>
      %select_n3A = arith.select %and3A, %sub3A_127, %div3A_105 : vector<16xi1>, vector<16xi32>
      %jit3A_128 = arith.constant 8 : i32
      %eq3A = arith.constant 0 : i32
      %eq3A_129 = arith.cmpi eq, %jit3A_128, %eq3A : i32
      %jit3A_130 = arith.constant 1 : i32
      %select_n3A_131 = arith.select %eq3A_129, %jit3A_130, %jit3A_128 : i32
      %rem3A_132 = vector.broadcast %select_n3A_131 : i32 to vector<16xi32>
      %rem3A_133 = arith.remsi %add3A_104, %rem3A_132 : vector<16xi32>
      %ne3A_134 = arith.constant 0 : i32
      %ne3A_135 = vector.broadcast %ne3A_134 : i32 to vector<16xi32>
      %ne3A_136 = arith.cmpi ne, %rem3A_133, %ne3A_135 : vector<16xi32>
      %lt3A = arith.constant 0 : i32
      %lt3A_137 = vector.broadcast %lt3A : i32 to vector<16xi32>
      %lt3A_138 = arith.cmpi slt, %rem3A_133, %lt3A_137 : vector<16xi32>
      %lt3A_139 = arith.constant 0 : i32
      %lt3A_140 = arith.cmpi slt, %select_n3A_131, %lt3A_139 : i32
      %ne3A_141 = vector.broadcast %lt3A_140 : i1 to vector<16xi1>
      %ne3A_142 = vector.broadcast %ne3A_141 : vector<16xi1> to vector<16xi1>
      %ne3A_143 = arith.xori %lt3A_138, %ne3A_142 : vector<16xi1>
      %and3A_144 = arith.andi %ne3A_143, %ne3A_136 : vector<16xi1>
      %add3A_145 = vector.broadcast %select_n3A_131 : i32 to vector<16xi32>
      %add3A_146 = arith.addi %rem3A_133, %add3A_145 : vector<16xi32>
      %select_n3A_147 = arith.select %and3A_144, %add3A_146, %rem3A_133 : vector<16xi1>, vector<16xi32>
      tpu.vector_store_idx %arg10[%select_n3A, %select_n3A_147], %broadcast_in_dim3A_3 : memref<1568x8xf32, #tpu.memory_space<vmem>>[vector<16xi32>, vector<16xi32>], vector<16xf32>,
    }
    %scan3A_7 = arith.constant 784 : i32
    %add3A_8 = arith.constant 0 : i32
    %add3A_9 = arith.addi %mul3A_2, %add3A_8 : i32
    "tpu.region"() ({
      %run_scoped3A = tpu.sem_alloc : memref<!tpu.dma_semaphore, #tpu.memory_space<semaphore_mem>>
      %dma_start3A_96 = arith.constant 0 : i32
      %dma_start3A_97 = tpu.memref_slice %arg5[%add3A_9, %dma_start3A_96] : memref<100352x8xf32, #tpu.memory_space<vmem_shared>> -> memref<1568x8xf32, #tpu.memory_space<vmem_shared>>
      %dma_start3A_98 = arith.constant 0 : i32
      %dma_start3A_99 = tpu.memref_slice %arg5[%add3A_9, %dma_start3A_98] : memref<100352x8xf32, #tpu.memory_space<vmem_shared>> -> memref<1568x8xf32, #tpu.memory_space<vmem_shared>>
      tpu.enqueue_dma source(%arg10 : memref<1568x8xf32, #tpu.memory_space<vmem>>) target(%dma_start3A_99 : memref<1568x8xf32, #tpu.memory_space<vmem_shared>>) target_semaphore(%run_scoped3A : memref<!tpu.dma_semaphore, #tpu.memory_space<semaphore_mem>>)
      %dma_wait3A = arith.constant 0 : i32
      %dma_wait3A_100 = tpu.memref_slice %arg5[%add3A_9, %dma_wait3A] : memref<100352x8xf32, #tpu.memory_space<vmem_shared>> -> memref<1568x8xf32, #tpu.memory_space<vmem_shared>>
      %dma_wait3A_101 = arith.constant 0 : i32
      %dma_wait3A_102 = tpu.memref_slice %arg5[%add3A_9, %dma_wait3A_101] : memref<100352x8xf32, #tpu.memory_space<vmem_shared>> -> memref<1568x8xf32, #tpu.memory_space<vmem_shared>>
      tpu.wait_dma2 semaphore(%run_scoped3A : memref<!tpu.dma_semaphore, #tpu.memory_space<semaphore_mem>>) src(%arg10 : memref<1568x8xf32, #tpu.memory_space<vmem>>) dst(%dma_wait3A_102 : memref<1568x8xf32, #tpu.memory_space<vmem_shared>>)
      tpu.yield
    }) : () -> ()
    %add3A_10 = arith.constant 1568 : i32
    %add3A_11 = arith.addi %mul3A_2, %add3A_10 : i32
    "tpu.region"() ({
      %run_scoped3A = tpu.sem_alloc : memref<!tpu.dma_semaphore, #tpu.memory_space<semaphore_mem>>
      %dma_start3A_96 = arith.constant 0 : i32
      %dma_start3A_97 = tpu.memref_slice %arg5[%add3A_11, %dma_start3A_96] : memref<100352x8xf32, #tpu.memory_space<vmem_shared>> -> memref<1568x8xf32, #tpu.memory_space<vmem_shared>>
      %dma_start3A_98 = arith.constant 0 : i32
      %dma_start3A_99 = tpu.memref_slice %arg5[%add3A_11, %dma_start3A_98] : memref<100352x8xf32, #tpu.memory_space<vmem_shared>> -> memref<1568x8xf32, #tpu.memory_space<vmem_shared>>
      tpu.enqueue_dma source(%arg10 : memref<1568x8xf32, #tpu.memory_space<vmem>>) target(%dma_start3A_99 : memref<1568x8xf32, #tpu.memory_space<vmem_shared>>) target_semaphore(%run_scoped3A : memref<!tpu.dma_semaphore, #tpu.memory_space<semaphore_mem>>)
      %dma_wait3A = arith.constant 0 : i32
      %dma_wait3A_100 = tpu.memref_slice %arg5[%add3A_11, %dma_wait3A] : memref<100352x8xf32, #tpu.memory_space<vmem_shared>> -> memref<1568x8xf32, #tpu.memory_space<vmem_shared>>
      %dma_wait3A_101 = arith.constant 0 : i32
      %dma_wait3A_102 = tpu.memref_slice %arg5[%add3A_11, %dma_wait3A_101] : memref<100352x8xf32, #tpu.memory_space<vmem_shared>> -> memref<1568x8xf32, #tpu.memory_space<vmem_shared>>
      tpu.wait_dma2 semaphore(%run_scoped3A : memref<!tpu.dma_semaphore, #tpu.memory_space<semaphore_mem>>) src(%arg10 : memref<1568x8xf32, #tpu.memory_space<vmem>>) dst(%dma_wait3A_102 : memref<1568x8xf32, #tpu.memory_space<vmem_shared>>)
      tpu.yield
    }) : () -> ()
    %add3A_12 = arith.constant 3136 : i32
    %add3A_13 = arith.addi %mul3A_2, %add3A_12 : i32
    "tpu.region"() ({
      %run_scoped3A = tpu.sem_alloc : memref<!tpu.dma_semaphore, #tpu.memory_space<semaphore_mem>>
      %dma_start3A_96 = arith.constant 0 : i32
      %dma_start3A_97 = tpu.memref_slice %arg5[%add3A_13, %dma_start3A_96] : memref<100352x8xf32, #tpu.memory_space<vmem_shared>> -> memref<1568x8xf32, #tpu.memory_space<vmem_shared>>
      %dma_start3A_98 = arith.constant 0 : i32
      %dma_start3A_99 = tpu.memref_slice %arg5[%add3A_13, %dma_start3A_98] : memref<100352x8xf32, #tpu.memory_space<vmem_shared>> -> memref<1568x8xf32, #tpu.memory_space<vmem_shared>>
      tpu.enqueue_dma source(%arg10 : memref<1568x8xf32, #tpu.memory_space<vmem>>) target(%dma_start3A_99 : memref<1568x8xf32, #tpu.memory_space<vmem_shared>>) target_semaphore(%run_scoped3A : memref<!tpu.dma_semaphore, #tpu.memory_space<semaphore_mem>>)
      %dma_wait3A = arith.constant 0 : i32
      %dma_wait3A_100 = tpu.memref_slice %arg5[%add3A_13, %dma_wait3A] : memref<100352x8xf32, #tpu.memory_space<vmem_shared>> -> memref<1568x8xf32, #tpu.memory_space<vmem_shared>>
      %dma_wait3A_101 = arith.constant 0 : i32
      %dma_wait3A_102 = tpu.memref_slice %arg5[%add3A_13, %dma_wait3A_101] : memref<100352x8xf32, #tpu.memory_space<vmem_shared>> -> memref<1568x8xf32, #tpu.memory_space<vmem_shared>>
      tpu.wait_dma2 semaphore(%run_scoped3A : memref<!tpu.dma_semaphore, #tpu.memory_space<semaphore_mem>>) src(%arg10 : memref<1568x8xf32, #tpu.memory_space<vmem>>) dst(%dma_wait3A_102 : memref<1568x8xf32, #tpu.memory_space<vmem_shared>>)
      tpu.yield
    }) : () -> ()
    %add3A_14 = arith.constant 4704 : i32
    %add3A_15 = arith.addi %mul3A_2, %add3A_14 : i32
    "tpu.region"() ({
      %run_scoped3A = tpu.sem_alloc : memref<!tpu.dma_semaphore, #tpu.memory_space<semaphore_mem>>
      %dma_start3A_96 = arith.constant 0 : i32
      %dma_start3A_97 = tpu.memref_slice %arg5[%add3A_15, %dma_start3A_96] : memref<100352x8xf32, #tpu.memory_space<vmem_shared>> -> memref<1568x8xf32, #tpu.memory_space<vmem_shared>>
      %dma_start3A_98 = arith.constant 0 : i32
      %dma_start3A_99 = tpu.memref_slice %arg5[%add3A_15, %dma_start3A_98] : memref<100352x8xf32, #tpu.memory_space<vmem_shared>> -> memref<1568x8xf32, #tpu.memory_space<vmem_shared>>
      tpu.enqueue_dma source(%arg10 : memref<1568x8xf32, #tpu.memory_space<vmem>>) target(%dma_start3A_99 : memref<1568x8xf32, #tpu.memory_space<vmem_shared>>) target_semaphore(%run_scoped3A : memref<!tpu.dma_semaphore, #tpu.memory_space<semaphore_mem>>)
      %dma_wait3A = arith.constant 0 : i32
      %dma_wait3A_100 = tpu.memref_slice %arg5[%add3A_15, %dma_wait3A] : memref<100352x8xf32, #tpu.memory_space<vmem_shared>> -> memref<1568x8xf32, #tpu.memory_space<vmem_shared>>
      %dma_wait3A_101 = arith.constant 0 : i32
      %dma_wait3A_102 = tpu.memref_slice %arg5[%add3A_15, %dma_wait3A_101] : memref<100352x8xf32, #tpu.memory_space<vmem_shared>> -> memref<1568x8xf32, #tpu.memory_space<vmem_shared>>
      tpu.wait_dma2 semaphore(%run_scoped3A : memref<!tpu.dma_semaphore, #tpu.memory_space<semaphore_mem>>) src(%arg10 : memref<1568x8xf32, #tpu.memory_space<vmem>>) dst(%dma_wait3A_102 : memref<1568x8xf32, #tpu.memory_space<vmem_shared>>)
      tpu.yield
    }) : () -> ()
    %barrier3A = arith.constant 0 : index
    tpu.barrier barrier_id(%barrier3A)
    %mul3A_16 = arith.constant 98 : i32
    %mul3A_17 = arith.muli %add3A, %mul3A_16 : i32
    %add3A_18 = arith.constant 0 : i32
    %add3A_19 = arith.addi %mul3A_17, %add3A_18 : i32
    %mul3A_20 = arith.constant 2 : i32
    %mul3A_21 = arith.muli %add3A_19, %mul3A_20 : i32
    %mul3A_22 = arith.constant 4 : i32
    %mul3A_23 = arith.muli %mul3A_21, %mul3A_22 : i32
    "tpu.region"() ({
      %run_scoped3A = tpu.sem_alloc : memref<!tpu.dma_semaphore, #tpu.memory_space<semaphore_mem>>
      %dma_start3A_96 = arith.constant 0 : i32
      %dma_start3A_97 = tpu.memref_slice %arg3[%mul3A_23, %dma_start3A_96] : memref<25088x512xi32, #tpu.memory_space<hbm>> -> memref<8x512xi32, #tpu.memory_space<hbm>>
      %dma_start3A_98 = arith.constant 0 : i32
      %dma_start3A_99 = tpu.memref_slice %arg3[%mul3A_23, %dma_start3A_98] : memref<25088x512xi32, #tpu.memory_space<hbm>> -> memref<8x512xi32, #tpu.memory_space<hbm>>
      tpu.enqueue_dma source(%dma_start3A_99 : memref<8x512xi32, #tpu.memory_space<hbm>>) target(%arg6 : memref<8x512xi32, #tpu.memory_space<vmem>>) target_semaphore(%run_scoped3A : memref<!tpu.dma_semaphore, #tpu.memory_space<semaphore_mem>>)
      %dma_wait3A = arith.constant 0 : i32
      %dma_wait3A_100 = tpu.memref_slice %arg3[%mul3A_23, %dma_wait3A] : memref<25088x512xi32, #tpu.memory_space<hbm>> -> memref<8x512xi32, #tpu.memory_space<hbm>>
      %dma_wait3A_101 = arith.constant 0 : i32
      %dma_wait3A_102 = tpu.memref_slice %arg3[%mul3A_23, %dma_wait3A_101] : memref<25088x512xi32, #tpu.memory_space<hbm>> -> memref<8x512xi32, #tpu.memory_space<hbm>>
      tpu.wait_dma2 semaphore(%run_scoped3A : memref<!tpu.dma_semaphore, #tpu.memory_space<semaphore_mem>>) src(%dma_wait3A_102 : memref<8x512xi32, #tpu.memory_space<hbm>>) dst(%arg6 : memref<8x512xi32, #tpu.memory_space<vmem>>)
      tpu.yield
    }) : () -> ()
    %dma_start3A = arith.constant 0 : i32
    %dma_start3A_24 = arith.constant 0 : i32
    %dma_start3A_25 = arith.constant 0 : i32
    %dma_start3A_26 = arith.constant 0 : i32
    %dma_start3A_27 = tpu.memref_slice %arg8[%dma_start3A_24, %dma_start3A_25, %dma_start3A_26] : memref<4x512x8xf32, #tpu.memory_space<vmem>> -> memref<1x512x8xf32, #tpu.memory_space<vmem>>
    %dma_start3A_28 = tpu.memref_squeeze %dma_start3A_27 : memref<1x512x8xf32, #tpu.memory_space<vmem>> -> memref<512x8xf32, #tpu.memory_space<vmem>>
    %dma_start3A_29 = arith.constant 0 : i32
    %dma_start3A_30 = tpu.memref_slice %arg6[%dma_start3A, %dma_start3A_29] : memref<8x512xi32, #tpu.memory_space<vmem>> -> memref<1x512xi32, #tpu.memory_space<vmem>>
    %dma_start3A_31 = tpu.memref_squeeze %dma_start3A_30 : memref<1x512xi32, #tpu.memory_space<vmem>> -> memref<512xi32, #tpu.memory_space<vmem>>
    %dma_start3A_32 = arith.constant 0 : i32
    %dma_start3A_33 = arith.constant 0 : i32
    %dma_start3A_34 = tpu.memref_slice %arg2[%dma_start3A_32, %dma_start3A_33] : memref<100352x8xf32, #tpu.memory_space<hbm>> -> memref<100352x8xf32, #tpu.memory_space<hbm>>
    tpu.enqueue_indirect_dma source(%dma_start3A_34 : memref<100352x8xf32, #tpu.memory_space<hbm>>) target(%dma_start3A_28 : memref<512x8xf32, #tpu.memory_space<vmem>>) offsets(%dma_start3A_31 : memref<512xi32, #tpu.memory_space<vmem>>) semaphore(%arg11 : memref<!tpu.dma_semaphore, #tpu.memory_space<semaphore_mem>>)
    %dma_start3A_35 = arith.constant 1 : i32
    %dma_start3A_36 = arith.constant 1 : i32
    %dma_start3A_37 = arith.constant 0 : i32
    %dma_start3A_38 = arith.constant 0 : i32
    %dma_start3A_39 = tpu.memref_slice %arg8[%dma_start3A_36, %dma_start3A_37, %dma_start3A_38] : memref<4x512x8xf32, #tpu.memory_space<vmem>> -> memref<1x512x8xf32, #tpu.memory_space<vmem>>
    %dma_start3A_40 = tpu.memref_squeeze %dma_start3A_39 : memref<1x512x8xf32, #tpu.memory_space<vmem>> -> memref<512x8xf32, #tpu.memory_space<vmem>>
    %dma_start3A_41 = arith.constant 0 : i32
    %dma_start3A_42 = tpu.memref_slice %arg6[%dma_start3A_35, %dma_start3A_41] : memref<8x512xi32, #tpu.memory_space<vmem>> -> memref<1x512xi32, #tpu.memory_space<vmem>>
    %dma_start3A_43 = tpu.memref_squeeze %dma_start3A_42 : memref<1x512xi32, #tpu.memory_space<vmem>> -> memref<512xi32, #tpu.memory_space<vmem>>
    %dma_start3A_44 = arith.constant 0 : i32
    %dma_start3A_45 = arith.constant 0 : i32
    %dma_start3A_46 = tpu.memref_slice %arg2[%dma_start3A_44, %dma_start3A_45] : memref<100352x8xf32, #tpu.memory_space<hbm>> -> memref<100352x8xf32, #tpu.memory_space<hbm>>
    tpu.enqueue_indirect_dma source(%dma_start3A_46 : memref<100352x8xf32, #tpu.memory_space<hbm>>) target(%dma_start3A_40 : memref<512x8xf32, #tpu.memory_space<vmem>>) offsets(%dma_start3A_43 : memref<512xi32, #tpu.memory_space<vmem>>) semaphore(%arg11 : memref<!tpu.dma_semaphore, #tpu.memory_space<semaphore_mem>>)
    %dma_start3A_47 = arith.constant 2 : i32
    %dma_start3A_48 = arith.constant 2 : i32
    %dma_start3A_49 = arith.constant 0 : i32
    %dma_start3A_50 = arith.constant 0 : i32
    %dma_start3A_51 = tpu.memref_slice %arg8[%dma_start3A_48, %dma_start3A_49, %dma_start3A_50] : memref<4x512x8xf32, #tpu.memory_space<vmem>> -> memref<1x512x8xf32, #tpu.memory_space<vmem>>
    %dma_start3A_52 = tpu.memref_squeeze %dma_start3A_51 : memref<1x512x8xf32, #tpu.memory_space<vmem>> -> memref<512x8xf32, #tpu.memory_space<vmem>>
    %dma_start3A_53 = arith.constant 0 : i32
    %dma_start3A_54 = tpu.memref_slice %arg6[%dma_start3A_47, %dma_start3A_53] : memref<8x512xi32, #tpu.memory_space<vmem>> -> memref<1x512xi32, #tpu.memory_space<vmem>>
    %dma_start3A_55 = tpu.memref_squeeze %dma_start3A_54 : memref<1x512xi32, #tpu.memory_space<vmem>> -> memref<512xi32, #tpu.memory_space<vmem>>
    %dma_start3A_56 = arith.constant 0 : i32
    %dma_start3A_57 = arith.constant 0 : i32
    %dma_start3A_58 = tpu.memref_slice %arg2[%dma_start3A_56, %dma_start3A_57] : memref<100352x8xf32, #tpu.memory_space<hbm>> -> memref<100352x8xf32, #tpu.memory_space<hbm>>
    tpu.enqueue_indirect_dma source(%dma_start3A_58 : memref<100352x8xf32, #tpu.memory_space<hbm>>) target(%dma_start3A_52 : memref<512x8xf32, #tpu.memory_space<vmem>>) offsets(%dma_start3A_55 : memref<512xi32, #tpu.memory_space<vmem>>) semaphore(%arg11 : memref<!tpu.dma_semaphore, #tpu.memory_space<semaphore_mem>>)
    %dma_start3A_59 = arith.constant 3 : i32
    %dma_start3A_60 = arith.constant 3 : i32
    %dma_start3A_61 = arith.constant 0 : i32
    %dma_start3A_62 = arith.constant 0 : i32
    %dma_start3A_63 = tpu.memref_slice %arg8[%dma_start3A_60, %dma_start3A_61, %dma_start3A_62] : memref<4x512x8xf32, #tpu.memory_space<vmem>> -> memref<1x512x8xf32, #tpu.memory_space<vmem>>
    %dma_start3A_64 = tpu.memref_squeeze %dma_start3A_63 : memref<1x512x8xf32, #tpu.memory_space<vmem>> -> memref<512x8xf32, #tpu.memory_space<vmem>>
    %dma_start3A_65 = arith.constant 0 : i32
    %dma_start3A_66 = tpu.memref_slice %arg6[%dma_start3A_59, %dma_start3A_65] : memref<8x512xi32, #tpu.memory_space<vmem>> -> memref<1x512xi32, #tpu.memory_space<vmem>>
    %dma_start3A_67 = tpu.memref_squeeze %dma_start3A_66 : memref<1x512xi32, #tpu.memory_space<vmem>> -> memref<512xi32, #tpu.memory_space<vmem>>
    %dma_start3A_68 = arith.constant 0 : i32
    %dma_start3A_69 = arith.constant 0 : i32
    %dma_start3A_70 = tpu.memref_slice %arg2[%dma_start3A_68, %dma_start3A_69] : memref<100352x8xf32, #tpu.memory_space<hbm>> -> memref<100352x8xf32, #tpu.memory_space<hbm>>
    tpu.enqueue_indirect_dma source(%dma_start3A_70 : memref<100352x8xf32, #tpu.memory_space<hbm>>) target(%dma_start3A_64 : memref<512x8xf32, #tpu.memory_space<vmem>>) offsets(%dma_start3A_67 : memref<512xi32, #tpu.memory_space<vmem>>) semaphore(%arg11 : memref<!tpu.dma_semaphore, #tpu.memory_space<semaphore_mem>>)
    %scan3A_71 = arith.constant 0 : i32
    %scan3A_72 = arith.constant 49 : i32
    %scan3A_73 = arith.addi %scan3A_71, %scan3A_72 : i32
    %scan3A_74 = arith.constant 1 : i32
    scf.for %scan3A_96 = %scan3A_71 to %scan3A_73 step %scan3A_74  : i32 {
      %mul3A_97 = arith.constant 1 : i32
      %mul3A_98 = arith.muli %scan3A_96, %mul3A_97 : i32
      %add3A_99 = arith.constant 0 : i32
      %add3A_100 = arith.addi %add3A_99, %mul3A_98 : i32
      %mul3A_101 = arith.constant 2 : i32
      %mul3A_102 = arith.muli %mul3A_101, %add3A_100 : i32
      %add3A_103 = arith.constant 1 : i32
      %add3A_104 = arith.addi %mul3A_102, %add3A_103 : i32
      %add3A_105 = arith.addi %mul3A_17, %add3A_104 : i32
      %mul3A_106 = arith.constant 2 : i32
      %mul3A_107 = arith.muli %add3A_105, %mul3A_106 : i32
      %mul3A_108 = arith.constant 4 : i32
      %mul3A_109 = arith.muli %mul3A_107, %mul3A_108 : i32
      "tpu.region"() ({
        %run_scoped3A = tpu.sem_alloc : memref<!tpu.dma_semaphore, #tpu.memory_space<semaphore_mem>>
        %dma_start3A_447 = arith.constant 0 : i32
        %dma_start3A_448 = tpu.memref_slice %arg3[%mul3A_109, %dma_start3A_447] : memref<25088x512xi32, #tpu.memory_space<hbm>> -> memref<8x512xi32, #tpu.memory_space<hbm>>
        %dma_start3A_449 = arith.constant 0 : i32
        %dma_start3A_450 = tpu.memref_slice %arg3[%mul3A_109, %dma_start3A_449] : memref<25088x512xi32, #tpu.memory_space<hbm>> -> memref<8x512xi32, #tpu.memory_space<hbm>>
        tpu.enqueue_dma source(%dma_start3A_450 : memref<8x512xi32, #tpu.memory_space<hbm>>) target(%arg7 : memref<8x512xi32, #tpu.memory_space<vmem>>) target_semaphore(%run_scoped3A : memref<!tpu.dma_semaphore, #tpu.memory_space<semaphore_mem>>)
        %dma_wait3A_451 = arith.constant 0 : i32
        %dma_wait3A_452 = tpu.memref_slice %arg3[%mul3A_109, %dma_wait3A_451] : memref<25088x512xi32, #tpu.memory_space<hbm>> -> memref<8x512xi32, #tpu.memory_space<hbm>>
        %dma_wait3A_453 = arith.constant 0 : i32
        %dma_wait3A_454 = tpu.memref_slice %arg3[%mul3A_109, %dma_wait3A_453] : memref<25088x512xi32, #tpu.memory_space<hbm>> -> memref<8x512xi32, #tpu.memory_space<hbm>>
        tpu.wait_dma2 semaphore(%run_scoped3A : memref<!tpu.dma_semaphore, #tpu.memory_space<semaphore_mem>>) src(%dma_wait3A_454 : memref<8x512xi32, #tpu.memory_space<hbm>>) dst(%arg7 : memref<8x512xi32, #tpu.memory_space<vmem>>)
        tpu.yield
      }) : () -> ()
      %dma_start3A_110 = arith.constant 0 : i32
      %dma_start3A_111 = arith.constant 0 : i32
      %dma_start3A_112 = arith.constant 0 : i32
      %dma_start3A_113 = arith.constant 0 : i32
      %dma_start3A_114 = tpu.memref_slice %arg9[%dma_start3A_111, %dma_start3A_112, %dma_start3A_113] : memref<4x512x8xf32, #tpu.memory_space<vmem>> -> memref<1x512x8xf32, #tpu.memory_space<vmem>>
      %dma_start3A_115 = tpu.memref_squeeze %dma_start3A_114 : memref<1x512x8xf32, #tpu.memory_space<vmem>> -> memref<512x8xf32, #tpu.memory_space<vmem>>
      %dma_start3A_116 = arith.constant 0 : i32
      %dma_start3A_117 = tpu.memref_slice %arg7[%dma_start3A_110, %dma_start3A_116] : memref<8x512xi32, #tpu.memory_space<vmem>> -> memref<1x512xi32, #tpu.memory_space<vmem>>
      %dma_start3A_118 = tpu.memref_squeeze %dma_start3A_117 : memref<1x512xi32, #tpu.memory_space<vmem>> -> memref<512xi32, #tpu.memory_space<vmem>>
      %dma_start3A_119 = arith.constant 0 : i32
      %dma_start3A_120 = arith.constant 0 : i32
      %dma_start3A_121 = tpu.memref_slice %arg2[%dma_start3A_119, %dma_start3A_120] : memref<100352x8xf32, #tpu.memory_space<hbm>> -> memref<100352x8xf32, #tpu.memory_space<hbm>>
      tpu.enqueue_indirect_dma source(%dma_start3A_121 : memref<100352x8xf32, #tpu.memory_space<hbm>>) target(%dma_start3A_115 : memref<512x8xf32, #tpu.memory_space<vmem>>) offsets(%dma_start3A_118 : memref<512xi32, #tpu.memory_space<vmem>>) semaphore(%arg12 : memref<!tpu.dma_semaphore, #tpu.memory_space<semaphore_mem>>)
      %dma_start3A_122 = arith.constant 1 : i32
      %dma_start3A_123 = arith.constant 1 : i32
      %dma_start3A_124 = arith.constant 0 : i32
      %dma_start3A_125 = arith.constant 0 : i32
      %dma_start3A_126 = tpu.memref_slice %arg9[%dma_start3A_123, %dma_start3A_124, %dma_start3A_125] : memref<4x512x8xf32, #tpu.memory_space<vmem>> -> memref<1x512x8xf32, #tpu.memory_space<vmem>>
      %dma_start3A_127 = tpu.memref_squeeze %dma_start3A_126 : memref<1x512x8xf32, #tpu.memory_space<vmem>> -> memref<512x8xf32, #tpu.memory_space<vmem>>
      %dma_start3A_128 = arith.constant 0 : i32
      %dma_start3A_129 = tpu.memref_slice %arg7[%dma_start3A_122, %dma_start3A_128] : memref<8x512xi32, #tpu.memory_space<vmem>> -> memref<1x512xi32, #tpu.memory_space<vmem>>
      %dma_start3A_130 = tpu.memref_squeeze %dma_start3A_129 : memref<1x512xi32, #tpu.memory_space<vmem>> -> memref<512xi32, #tpu.memory_space<vmem>>
      %dma_start3A_131 = arith.constant 0 : i32
      %dma_start3A_132 = arith.constant 0 : i32
      %dma_start3A_133 = tpu.memref_slice %arg2[%dma_start3A_131, %dma_start3A_132] : memref<100352x8xf32, #tpu.memory_space<hbm>> -> memref<100352x8xf32, #tpu.memory_space<hbm>>
      tpu.enqueue_indirect_dma source(%dma_start3A_133 : memref<100352x8xf32, #tpu.memory_space<hbm>>) target(%dma_start3A_127 : memref<512x8xf32, #tpu.memory_space<vmem>>) offsets(%dma_start3A_130 : memref<512xi32, #tpu.memory_space<vmem>>) semaphore(%arg12 : memref<!tpu.dma_semaphore, #tpu.memory_space<semaphore_mem>>)
      %dma_start3A_134 = arith.constant 2 : i32
      %dma_start3A_135 = arith.constant 2 : i32
      %dma_start3A_136 = arith.constant 0 : i32
      %dma_start3A_137 = arith.constant 0 : i32
      %dma_start3A_138 = tpu.memref_slice %arg9[%dma_start3A_135, %dma_start3A_136, %dma_start3A_137] : memref<4x512x8xf32, #tpu.memory_space<vmem>> -> memref<1x512x8xf32, #tpu.memory_space<vmem>>
      %dma_start3A_139 = tpu.memref_squeeze %dma_start3A_138 : memref<1x512x8xf32, #tpu.memory_space<vmem>> -> memref<512x8xf32, #tpu.memory_space<vmem>>
      %dma_start3A_140 = arith.constant 0 : i32
      %dma_start3A_141 = tpu.memref_slice %arg7[%dma_start3A_134, %dma_start3A_140] : memref<8x512xi32, #tpu.memory_space<vmem>> -> memref<1x512xi32, #tpu.memory_space<vmem>>
      %dma_start3A_142 = tpu.memref_squeeze %dma_start3A_141 : memref<1x512xi32, #tpu.memory_space<vmem>> -> memref<512xi32, #tpu.memory_space<vmem>>
      %dma_start3A_143 = arith.constant 0 : i32
      %dma_start3A_144 = arith.constant 0 : i32
      %dma_start3A_145 = tpu.memref_slice %arg2[%dma_start3A_143, %dma_start3A_144] : memref<100352x8xf32, #tpu.memory_space<hbm>> -> memref<100352x8xf32, #tpu.memory_space<hbm>>
      tpu.enqueue_indirect_dma source(%dma_start3A_145 : memref<100352x8xf32, #tpu.memory_space<hbm>>) target(%dma_start3A_139 : memref<512x8xf32, #tpu.memory_space<vmem>>) offsets(%dma_start3A_142 : memref<512xi32, #tpu.memory_space<vmem>>) semaphore(%arg12 : memref<!tpu.dma_semaphore, #tpu.memory_space<semaphore_mem>>)
      %dma_start3A_146 = arith.constant 3 : i32
      %dma_start3A_147 = arith.constant 3 : i32
      %dma_start3A_148 = arith.constant 0 : i32
      %dma_start3A_149 = arith.constant 0 : i32
      %dma_start3A_150 = tpu.memref_slice %arg9[%dma_start3A_147, %dma_start3A_148, %dma_start3A_149] : memref<4x512x8xf32, #tpu.memory_space<vmem>> -> memref<1x512x8xf32, #tpu.memory_space<vmem>>
      %dma_start3A_151 = tpu.memref_squeeze %dma_start3A_150 : memref<1x512x8xf32, #tpu.memory_space<vmem>> -> memref<512x8xf32, #tpu.memory_space<vmem>>
      %dma_start3A_152 = arith.constant 0 : i32
      %dma_start3A_153 = tpu.memref_slice %arg7[%dma_start3A_146, %dma_start3A_152] : memref<8x512xi32, #tpu.memory_space<vmem>> -> memref<1x512xi32, #tpu.memory_space<vmem>>
      %dma_start3A_154 = tpu.memref_squeeze %dma_start3A_153 : memref<1x512xi32, #tpu.memory_space<vmem>> -> memref<512xi32, #tpu.memory_space<vmem>>
      %dma_start3A_155 = arith.constant 0 : i32
      %dma_start3A_156 = arith.constant 0 : i32
      %dma_start3A_157 = tpu.memref_slice %arg2[%dma_start3A_155, %dma_start3A_156] : memref<100352x8xf32, #tpu.memory_space<hbm>> -> memref<100352x8xf32, #tpu.memory_space<hbm>>
      tpu.enqueue_indirect_dma source(%dma_start3A_157 : memref<100352x8xf32, #tpu.memory_space<hbm>>) target(%dma_start3A_151 : memref<512x8xf32, #tpu.memory_space<vmem>>) offsets(%dma_start3A_154 : memref<512xi32, #tpu.memory_space<vmem>>) semaphore(%arg12 : memref<!tpu.dma_semaphore, #tpu.memory_space<semaphore_mem>>)
      %dma_wait3A = arith.constant 0 : i32
      %dma_wait3A_158 = arith.constant 0 : i32
      %dma_wait3A_159 = arith.constant 0 : i32
      %dma_wait3A_160 = arith.constant 0 : i32
      %dma_wait3A_161 = tpu.memref_slice %arg8[%dma_wait3A_158, %dma_wait3A_159, %dma_wait3A_160] : memref<4x512x8xf32, #tpu.memory_space<vmem>> -> memref<1x512x8xf32, #tpu.memory_space<vmem>>
      %dma_wait3A_162 = tpu.memref_squeeze %dma_wait3A_161 : memref<1x512x8xf32, #tpu.memory_space<vmem>> -> memref<512x8xf32, #tpu.memory_space<vmem>>
      %dma_wait3A_163 = arith.constant 0 : i32
      %dma_wait3A_164 = tpu.memref_slice %arg6[%dma_wait3A, %dma_wait3A_163] : memref<8x512xi32, #tpu.memory_space<vmem>> -> memref<1x512xi32, #tpu.memory_space<vmem>>
      %dma_wait3A_165 = tpu.memref_squeeze %dma_wait3A_164 : memref<1x512xi32, #tpu.memory_space<vmem>> -> memref<512xi32, #tpu.memory_space<vmem>>
      %dma_wait3A_166 = arith.constant 0 : i32
      %dma_wait3A_167 = arith.constant 0 : i32
      %dma_wait3A_168 = tpu.memref_slice %arg2[%dma_wait3A_166, %dma_wait3A_167] : memref<100352x8xf32, #tpu.memory_space<hbm>> -> memref<100352x8xf32, #tpu.memory_space<hbm>>
      tpu.wait_indirect_dma semaphore(%arg11 : memref<!tpu.dma_semaphore, #tpu.memory_space<semaphore_mem>>) src(%dma_wait3A_168 : memref<100352x8xf32, #tpu.memory_space<hbm>>) dst(%dma_wait3A_162 : memref<512x8xf32, #tpu.memory_space<vmem>>)
      %dma_wait3A_169 = arith.constant 1 : i32
      %dma_wait3A_170 = arith.constant 1 : i32
      %dma_wait3A_171 = arith.constant 0 : i32
      %dma_wait3A_172 = arith.constant 0 : i32
      %dma_wait3A_173 = tpu.memref_slice %arg8[%dma_wait3A_170, %dma_wait3A_171, %dma_wait3A_172] : memref<4x512x8xf32, #tpu.memory_space<vmem>> -> memref<1x512x8xf32, #tpu.memory_space<vmem>>
      %dma_wait3A_174 = tpu.memref_squeeze %dma_wait3A_173 : memref<1x512x8xf32, #tpu.memory_space<vmem>> -> memref<512x8xf32, #tpu.memory_space<vmem>>
      %dma_wait3A_175 = arith.constant 0 : i32
      %dma_wait3A_176 = tpu.memref_slice %arg6[%dma_wait3A_169, %dma_wait3A_175] : memref<8x512xi32, #tpu.memory_space<vmem>> -> memref<1x512xi32, #tpu.memory_space<vmem>>
      %dma_wait3A_177 = tpu.memref_squeeze %dma_wait3A_176 : memref<1x512xi32, #tpu.memory_space<vmem>> -> memref<512xi32, #tpu.memory_space<vmem>>
      %dma_wait3A_178 = arith.constant 0 : i32
      %dma_wait3A_179 = arith.constant 0 : i32
      %dma_wait3A_180 = tpu.memref_slice %arg2[%dma_wait3A_178, %dma_wait3A_179] : memref<100352x8xf32, #tpu.memory_space<hbm>> -> memref<100352x8xf32, #tpu.memory_space<hbm>>
      tpu.wait_indirect_dma semaphore(%arg11 : memref<!tpu.dma_semaphore, #tpu.memory_space<semaphore_mem>>) src(%dma_wait3A_180 : memref<100352x8xf32, #tpu.memory_space<hbm>>) dst(%dma_wait3A_174 : memref<512x8xf32, #tpu.memory_space<vmem>>)
      %dma_wait3A_181 = arith.constant 2 : i32
      %dma_wait3A_182 = arith.constant 2 : i32
      %dma_wait3A_183 = arith.constant 0 : i32
      %dma_wait3A_184 = arith.constant 0 : i32
      %dma_wait3A_185 = tpu.memref_slice %arg8[%dma_wait3A_182, %dma_wait3A_183, %dma_wait3A_184] : memref<4x512x8xf32, #tpu.memory_space<vmem>> -> memref<1x512x8xf32, #tpu.memory_space<vmem>>
      %dma_wait3A_186 = tpu.memref_squeeze %dma_wait3A_185 : memref<1x512x8xf32, #tpu.memory_space<vmem>> -> memref<512x8xf32, #tpu.memory_space<vmem>>
      %dma_wait3A_187 = arith.constant 0 : i32
      %dma_wait3A_188 = tpu.memref_slice %arg6[%dma_wait3A_181, %dma_wait3A_187] : memref<8x512xi32, #tpu.memory_space<vmem>> -> memref<1x512xi32, #tpu.memory_space<vmem>>
      %dma_wait3A_189 = tpu.memref_squeeze %dma_wait3A_188 : memref<1x512xi32, #tpu.memory_space<vmem>> -> memref<512xi32, #tpu.memory_space<vmem>>
      %dma_wait3A_190 = arith.constant 0 : i32
      %dma_wait3A_191 = arith.constant 0 : i32
      %dma_wait3A_192 = tpu.memref_slice %arg2[%dma_wait3A_190, %dma_wait3A_191] : memref<100352x8xf32, #tpu.memory_space<hbm>> -> memref<100352x8xf32, #tpu.memory_space<hbm>>
      tpu.wait_indirect_dma semaphore(%arg11 : memref<!tpu.dma_semaphore, #tpu.memory_space<semaphore_mem>>) src(%dma_wait3A_192 : memref<100352x8xf32, #tpu.memory_space<hbm>>) dst(%dma_wait3A_186 : memref<512x8xf32, #tpu.memory_space<vmem>>)
      %dma_wait3A_193 = arith.constant 3 : i32
      %dma_wait3A_194 = arith.constant 3 : i32
      %dma_wait3A_195 = arith.constant 0 : i32
      %dma_wait3A_196 = arith.constant 0 : i32
      %dma_wait3A_197 = tpu.memref_slice %arg8[%dma_wait3A_194, %dma_wait3A_195, %dma_wait3A_196] : memref<4x512x8xf32, #tpu.memory_space<vmem>> -> memref<1x512x8xf32, #tpu.memory_space<vmem>>
      %dma_wait3A_198 = tpu.memref_squeeze %dma_wait3A_197 : memref<1x512x8xf32, #tpu.memory_space<vmem>> -> memref<512x8xf32, #tpu.memory_space<vmem>>
      %dma_wait3A_199 = arith.constant 0 : i32
      %dma_wait3A_200 = tpu.memref_slice %arg6[%dma_wait3A_193, %dma_wait3A_199] : memref<8x512xi32, #tpu.memory_space<vmem>> -> memref<1x512xi32, #tpu.memory_space<vmem>>
      %dma_wait3A_201 = tpu.memref_squeeze %dma_wait3A_200 : memref<1x512xi32, #tpu.memory_space<vmem>> -> memref<512xi32, #tpu.memory_space<vmem>>
      %dma_wait3A_202 = arith.constant 0 : i32
      %dma_wait3A_203 = arith.constant 0 : i32
      %dma_wait3A_204 = tpu.memref_slice %arg2[%dma_wait3A_202, %dma_wait3A_203] : memref<100352x8xf32, #tpu.memory_space<hbm>> -> memref<100352x8xf32, #tpu.memory_space<hbm>>
      tpu.wait_indirect_dma semaphore(%arg11 : memref<!tpu.dma_semaphore, #tpu.memory_space<semaphore_mem>>) src(%dma_wait3A_204 : memref<100352x8xf32, #tpu.memory_space<hbm>>) dst(%dma_wait3A_198 : memref<512x8xf32, #tpu.memory_space<vmem>>)
      %dma_start3A_205 = arith.constant 0 : i32
      %dma_start3A_206 = arith.constant 4 : i32
      %dma_start3A_207 = arith.constant 0 : i32
      %dma_start3A_208 = arith.constant 0 : i32
      %dma_start3A_209 = tpu.memref_slice %arg8[%dma_start3A_205, %dma_start3A_207, %dma_start3A_208] : memref<4x512x8xf32, #tpu.memory_space<vmem>> -> memref<1x512x8xf32, #tpu.memory_space<vmem>>
      %dma_start3A_210 = tpu.memref_squeeze %dma_start3A_209 : memref<1x512x8xf32, #tpu.memory_space<vmem>> -> memref<512x8xf32, #tpu.memory_space<vmem>>
      %dma_start3A_211 = arith.constant 0 : i32
      %dma_start3A_212 = tpu.memref_slice %arg6[%dma_start3A_206, %dma_start3A_211] : memref<8x512xi32, #tpu.memory_space<vmem>> -> memref<1x512xi32, #tpu.memory_space<vmem>>
      %dma_start3A_213 = tpu.memref_squeeze %dma_start3A_212 : memref<1x512xi32, #tpu.memory_space<vmem>> -> memref<512xi32, #tpu.memory_space<vmem>>
      %dma_start3A_214 = arith.constant 0 : i32
      %dma_start3A_215 = arith.constant 0 : i32
      %dma_start3A_216 = tpu.memref_slice %arg5[%dma_start3A_214, %dma_start3A_215] : memref<100352x8xf32, #tpu.memory_space<vmem_shared>> -> memref<100352x8xf32, #tpu.memory_space<vmem_shared>>
      tpu.enqueue_indirect_dma source(%dma_start3A_210 : memref<512x8xf32, #tpu.memory_space<vmem>>) target(%dma_start3A_216 : memref<100352x8xf32, #tpu.memory_space<vmem_shared>>) offsets(%dma_start3A_213 : memref<512xi32, #tpu.memory_space<vmem>>) semaphore(%arg11 : memref<!tpu.dma_semaphore, #tpu.memory_space<semaphore_mem>>) {add = true}
      %dma_start3A_217 = arith.constant 1 : i32
      %dma_start3A_218 = arith.constant 5 : i32
      %dma_start3A_219 = arith.constant 0 : i32
      %dma_start3A_220 = arith.constant 0 : i32
      %dma_start3A_221 = tpu.memref_slice %arg8[%dma_start3A_217, %dma_start3A_219, %dma_start3A_220] : memref<4x512x8xf32, #tpu.memory_space<vmem>> -> memref<1x512x8xf32, #tpu.memory_space<vmem>>
      %dma_start3A_222 = tpu.memref_squeeze %dma_start3A_221 : memref<1x512x8xf32, #tpu.memory_space<vmem>> -> memref<512x8xf32, #tpu.memory_space<vmem>>
      %dma_start3A_223 = arith.constant 0 : i32
      %dma_start3A_224 = tpu.memref_slice %arg6[%dma_start3A_218, %dma_start3A_223] : memref<8x512xi32, #tpu.memory_space<vmem>> -> memref<1x512xi32, #tpu.memory_space<vmem>>
      %dma_start3A_225 = tpu.memref_squeeze %dma_start3A_224 : memref<1x512xi32, #tpu.memory_space<vmem>> -> memref<512xi32, #tpu.memory_space<vmem>>
      %dma_start3A_226 = arith.constant 0 : i32
      %dma_start3A_227 = arith.constant 0 : i32
      %dma_start3A_228 = tpu.memref_slice %arg5[%dma_start3A_226, %dma_start3A_227] : memref<100352x8xf32, #tpu.memory_space<vmem_shared>> -> memref<100352x8xf32, #tpu.memory_space<vmem_shared>>
      tpu.enqueue_indirect_dma source(%dma_start3A_222 : memref<512x8xf32, #tpu.memory_space<vmem>>) target(%dma_start3A_228 : memref<100352x8xf32, #tpu.memory_space<vmem_shared>>) offsets(%dma_start3A_225 : memref<512xi32, #tpu.memory_space<vmem>>) semaphore(%arg11 : memref<!tpu.dma_semaphore, #tpu.memory_space<semaphore_mem>>) {add = true}
      %dma_start3A_229 = arith.constant 2 : i32
      %dma_start3A_230 = arith.constant 6 : i32
      %dma_start3A_231 = arith.constant 0 : i32
      %dma_start3A_232 = arith.constant 0 : i32
      %dma_start3A_233 = tpu.memref_slice %arg8[%dma_start3A_229, %dma_start3A_231, %dma_start3A_232] : memref<4x512x8xf32, #tpu.memory_space<vmem>> -> memref<1x512x8xf32, #tpu.memory_space<vmem>>
      %dma_start3A_234 = tpu.memref_squeeze %dma_start3A_233 : memref<1x512x8xf32, #tpu.memory_space<vmem>> -> memref<512x8xf32, #tpu.memory_space<vmem>>
      %dma_start3A_235 = arith.constant 0 : i32
      %dma_start3A_236 = tpu.memref_slice %arg6[%dma_start3A_230, %dma_start3A_235] : memref<8x512xi32, #tpu.memory_space<vmem>> -> memref<1x512xi32, #tpu.memory_space<vmem>>
      %dma_start3A_237 = tpu.memref_squeeze %dma_start3A_236 : memref<1x512xi32, #tpu.memory_space<vmem>> -> memref<512xi32, #tpu.memory_space<vmem>>
      %dma_start3A_238 = arith.constant 0 : i32
      %dma_start3A_239 = arith.constant 0 : i32
      %dma_start3A_240 = tpu.memref_slice %arg5[%dma_start3A_238, %dma_start3A_239] : memref<100352x8xf32, #tpu.memory_space<vmem_shared>> -> memref<100352x8xf32, #tpu.memory_space<vmem_shared>>
      tpu.enqueue_indirect_dma source(%dma_start3A_234 : memref<512x8xf32, #tpu.memory_space<vmem>>) target(%dma_start3A_240 : memref<100352x8xf32, #tpu.memory_space<vmem_shared>>) offsets(%dma_start3A_237 : memref<512xi32, #tpu.memory_space<vmem>>) semaphore(%arg11 : memref<!tpu.dma_semaphore, #tpu.memory_space<semaphore_mem>>) {add = true}
      %dma_start3A_241 = arith.constant 3 : i32
      %dma_start3A_242 = arith.constant 7 : i32
      %dma_start3A_243 = arith.constant 0 : i32
      %dma_start3A_244 = arith.constant 0 : i32
      %dma_start3A_245 = tpu.memref_slice %arg8[%dma_start3A_241, %dma_start3A_243, %dma_start3A_244] : memref<4x512x8xf32, #tpu.memory_space<vmem>> -> memref<1x512x8xf32, #tpu.memory_space<vmem>>
      %dma_start3A_246 = tpu.memref_squeeze %dma_start3A_245 : memref<1x512x8xf32, #tpu.memory_space<vmem>> -> memref<512x8xf32, #tpu.memory_space<vmem>>
      %dma_start3A_247 = arith.constant 0 : i32
      %dma_start3A_248 = tpu.memref_slice %arg6[%dma_start3A_242, %dma_start3A_247] : memref<8x512xi32, #tpu.memory_space<vmem>> -> memref<1x512xi32, #tpu.memory_space<vmem>>
      %dma_start3A_249 = tpu.memref_squeeze %dma_start3A_248 : memref<1x512xi32, #tpu.memory_space<vmem>> -> memref<512xi32, #tpu.memory_space<vmem>>
      %dma_start3A_250 = arith.constant 0 : i32
      %dma_start3A_251 = arith.constant 0 : i32
      %dma_start3A_252 = tpu.memref_slice %arg5[%dma_start3A_250, %dma_start3A_251] : memref<100352x8xf32, #tpu.memory_space<vmem_shared>> -> memref<100352x8xf32, #tpu.memory_space<vmem_shared>>
      tpu.enqueue_indirect_dma source(%dma_start3A_246 : memref<512x8xf32, #tpu.memory_space<vmem>>) target(%dma_start3A_252 : memref<100352x8xf32, #tpu.memory_space<vmem_shared>>) offsets(%dma_start3A_249 : memref<512xi32, #tpu.memory_space<vmem>>) semaphore(%arg11 : memref<!tpu.dma_semaphore, #tpu.memory_space<semaphore_mem>>) {add = true}
      %dma_wait3A_253 = arith.constant 0 : i32
      %dma_wait3A_254 = arith.constant 4 : i32
      %dma_wait3A_255 = arith.constant 0 : i32
      %dma_wait3A_256 = arith.constant 0 : i32
      %dma_wait3A_257 = tpu.memref_slice %arg8[%dma_wait3A_253, %dma_wait3A_255, %dma_wait3A_256] : memref<4x512x8xf32, #tpu.memory_space<vmem>> -> memref<1x512x8xf32, #tpu.memory_space<vmem>>
      %dma_wait3A_258 = tpu.memref_squeeze %dma_wait3A_257 : memref<1x512x8xf32, #tpu.memory_space<vmem>> -> memref<512x8xf32, #tpu.memory_space<vmem>>
      %dma_wait3A_259 = arith.constant 0 : i32
      %dma_wait3A_260 = tpu.memref_slice %arg6[%dma_wait3A_254, %dma_wait3A_259] : memref<8x512xi32, #tpu.memory_space<vmem>> -> memref<1x512xi32, #tpu.memory_space<vmem>>
      %dma_wait3A_261 = tpu.memref_squeeze %dma_wait3A_260 : memref<1x512xi32, #tpu.memory_space<vmem>> -> memref<512xi32, #tpu.memory_space<vmem>>
      %dma_wait3A_262 = arith.constant 0 : i32
      %dma_wait3A_263 = arith.constant 0 : i32
      %dma_wait3A_264 = tpu.memref_slice %arg5[%dma_wait3A_262, %dma_wait3A_263] : memref<100352x8xf32, #tpu.memory_space<vmem_shared>> -> memref<100352x8xf32, #tpu.memory_space<vmem_shared>>
      tpu.wait_indirect_dma semaphore(%arg11 : memref<!tpu.dma_semaphore, #tpu.memory_space<semaphore_mem>>) src(%dma_wait3A_258 : memref<512x8xf32, #tpu.memory_space<vmem>>) dst(%dma_wait3A_264 : memref<100352x8xf32, #tpu.memory_space<vmem_shared>>)
      %dma_wait3A_265 = arith.constant 1 : i32
      %dma_wait3A_266 = arith.constant 5 : i32
      %dma_wait3A_267 = arith.constant 0 : i32
      %dma_wait3A_268 = arith.constant 0 : i32
      %dma_wait3A_269 = tpu.memref_slice %arg8[%dma_wait3A_265, %dma_wait3A_267, %dma_wait3A_268] : memref<4x512x8xf32, #tpu.memory_space<vmem>> -> memref<1x512x8xf32, #tpu.memory_space<vmem>>
      %dma_wait3A_270 = tpu.memref_squeeze %dma_wait3A_269 : memref<1x512x8xf32, #tpu.memory_space<vmem>> -> memref<512x8xf32, #tpu.memory_space<vmem>>
      %dma_wait3A_271 = arith.constant 0 : i32
      %dma_wait3A_272 = tpu.memref_slice %arg6[%dma_wait3A_266, %dma_wait3A_271] : memref<8x512xi32, #tpu.memory_space<vmem>> -> memref<1x512xi32, #tpu.memory_space<vmem>>
      %dma_wait3A_273 = tpu.memref_squeeze %dma_wait3A_272 : memref<1x512xi32, #tpu.memory_space<vmem>> -> memref<512xi32, #tpu.memory_space<vmem>>
      %dma_wait3A_274 = arith.constant 0 : i32
      %dma_wait3A_275 = arith.constant 0 : i32
      %dma_wait3A_276 = tpu.memref_slice %arg5[%dma_wait3A_274, %dma_wait3A_275] : memref<100352x8xf32, #tpu.memory_space<vmem_shared>> -> memref<100352x8xf32, #tpu.memory_space<vmem_shared>>
      tpu.wait_indirect_dma semaphore(%arg11 : memref<!tpu.dma_semaphore, #tpu.memory_space<semaphore_mem>>) src(%dma_wait3A_270 : memref<512x8xf32, #tpu.memory_space<vmem>>) dst(%dma_wait3A_276 : memref<100352x8xf32, #tpu.memory_space<vmem_shared>>)
      %dma_wait3A_277 = arith.constant 2 : i32
      %dma_wait3A_278 = arith.constant 6 : i32
      %dma_wait3A_279 = arith.constant 0 : i32
      %dma_wait3A_280 = arith.constant 0 : i32
      %dma_wait3A_281 = tpu.memref_slice %arg8[%dma_wait3A_277, %dma_wait3A_279, %dma_wait3A_280] : memref<4x512x8xf32, #tpu.memory_space<vmem>> -> memref<1x512x8xf32, #tpu.memory_space<vmem>>
      %dma_wait3A_282 = tpu.memref_squeeze %dma_wait3A_281 : memref<1x512x8xf32, #tpu.memory_space<vmem>> -> memref<512x8xf32, #tpu.memory_space<vmem>>
      %dma_wait3A_283 = arith.constant 0 : i32
      %dma_wait3A_284 = tpu.memref_slice %arg6[%dma_wait3A_278, %dma_wait3A_283] : memref<8x512xi32, #tpu.memory_space<vmem>> -> memref<1x512xi32, #tpu.memory_space<vmem>>
      %dma_wait3A_285 = tpu.memref_squeeze %dma_wait3A_284 : memref<1x512xi32, #tpu.memory_space<vmem>> -> memref<512xi32, #tpu.memory_space<vmem>>
      %dma_wait3A_286 = arith.constant 0 : i32
      %dma_wait3A_287 = arith.constant 0 : i32
      %dma_wait3A_288 = tpu.memref_slice %arg5[%dma_wait3A_286, %dma_wait3A_287] : memref<100352x8xf32, #tpu.memory_space<vmem_shared>> -> memref<100352x8xf32, #tpu.memory_space<vmem_shared>>
      tpu.wait_indirect_dma semaphore(%arg11 : memref<!tpu.dma_semaphore, #tpu.memory_space<semaphore_mem>>) src(%dma_wait3A_282 : memref<512x8xf32, #tpu.memory_space<vmem>>) dst(%dma_wait3A_288 : memref<100352x8xf32, #tpu.memory_space<vmem_shared>>)
      %dma_wait3A_289 = arith.constant 3 : i32
      %dma_wait3A_290 = arith.constant 7 : i32
      %dma_wait3A_291 = arith.constant 0 : i32
      %dma_wait3A_292 = arith.constant 0 : i32
      %dma_wait3A_293 = tpu.memref_slice %arg8[%dma_wait3A_289, %dma_wait3A_291, %dma_wait3A_292] : memref<4x512x8xf32, #tpu.memory_space<vmem>> -> memref<1x512x8xf32, #tpu.memory_space<vmem>>
      %dma_wait3A_294 = tpu.memref_squeeze %dma_wait3A_293 : memref<1x512x8xf32, #tpu.memory_space<vmem>> -> memref<512x8xf32, #tpu.memory_space<vmem>>
      %dma_wait3A_295 = arith.constant 0 : i32
      %dma_wait3A_296 = tpu.memref_slice %arg6[%dma_wait3A_290, %dma_wait3A_295] : memref<8x512xi32, #tpu.memory_space<vmem>> -> memref<1x512xi32, #tpu.memory_space<vmem>>
      %dma_wait3A_297 = tpu.memref_squeeze %dma_wait3A_296 : memref<1x512xi32, #tpu.memory_space<vmem>> -> memref<512xi32, #tpu.memory_space<vmem>>
      %dma_wait3A_298 = arith.constant 0 : i32
      %dma_wait3A_299 = arith.constant 0 : i32
      %dma_wait3A_300 = tpu.memref_slice %arg5[%dma_wait3A_298, %dma_wait3A_299] : memref<100352x8xf32, #tpu.memory_space<vmem_shared>> -> memref<100352x8xf32, #tpu.memory_space<vmem_shared>>
      tpu.wait_indirect_dma semaphore(%arg11 : memref<!tpu.dma_semaphore, #tpu.memory_space<semaphore_mem>>) src(%dma_wait3A_294 : memref<512x8xf32, #tpu.memory_space<vmem>>) dst(%dma_wait3A_300 : memref<100352x8xf32, #tpu.memory_space<vmem_shared>>)
      %lt3A = arith.constant 48 : i32
      %lt3A_301 = arith.cmpi slt, %add3A_100, %lt3A : i32
      %convert_element_type3A = arith.extui %lt3A_301 : i1 to i32
      %cond3A = arith.constant 0 : i32
      %cond3A_302 = arith.cmpi ne, %convert_element_type3A, %cond3A : i32
      scf.if %cond3A_302 {
        %add3A_447 = arith.constant 2 : i32
        %add3A_448 = arith.addi %mul3A_102, %add3A_447 : i32
        %add3A_449 = arith.addi %mul3A_17, %add3A_448 : i32
        %mul3A_450 = arith.constant 2 : i32
        %mul3A_451 = arith.muli %add3A_449, %mul3A_450 : i32
        %mul3A_452 = arith.constant 4 : i32
        %mul3A_453 = arith.muli %mul3A_451, %mul3A_452 : i32
        "tpu.region"() ({
          %run_scoped3A = tpu.sem_alloc : memref<!tpu.dma_semaphore, #tpu.memory_space<semaphore_mem>>
          %dma_start3A_502 = arith.constant 0 : i32
          %dma_start3A_503 = tpu.memref_slice %arg3[%mul3A_453, %dma_start3A_502] : memref<25088x512xi32, #tpu.memory_space<hbm>> -> memref<8x512xi32, #tpu.memory_space<hbm>>
          %dma_start3A_504 = arith.constant 0 : i32
          %dma_start3A_505 = tpu.memref_slice %arg3[%mul3A_453, %dma_start3A_504] : memref<25088x512xi32, #tpu.memory_space<hbm>> -> memref<8x512xi32, #tpu.memory_space<hbm>>
          tpu.enqueue_dma source(%dma_start3A_505 : memref<8x512xi32, #tpu.memory_space<hbm>>) target(%arg6 : memref<8x512xi32, #tpu.memory_space<vmem>>) target_semaphore(%run_scoped3A : memref<!tpu.dma_semaphore, #tpu.memory_space<semaphore_mem>>)
          %dma_wait3A_506 = arith.constant 0 : i32
          %dma_wait3A_507 = tpu.memref_slice %arg3[%mul3A_453, %dma_wait3A_506] : memref<25088x512xi32, #tpu.memory_space<hbm>> -> memref<8x512xi32, #tpu.memory_space<hbm>>
          %dma_wait3A_508 = arith.constant 0 : i32
          %dma_wait3A_509 = tpu.memref_slice %arg3[%mul3A_453, %dma_wait3A_508] : memref<25088x512xi32, #tpu.memory_space<hbm>> -> memref<8x512xi32, #tpu.memory_space<hbm>>
          tpu.wait_dma2 semaphore(%run_scoped3A : memref<!tpu.dma_semaphore, #tpu.memory_space<semaphore_mem>>) src(%dma_wait3A_509 : memref<8x512xi32, #tpu.memory_space<hbm>>) dst(%arg6 : memref<8x512xi32, #tpu.memory_space<vmem>>)
          tpu.yield
        }) : () -> ()
        %dma_start3A_454 = arith.constant 0 : i32
        %dma_start3A_455 = arith.constant 0 : i32
        %dma_start3A_456 = arith.constant 0 : i32
        %dma_start3A_457 = arith.constant 0 : i32
        %dma_start3A_458 = tpu.memref_slice %arg8[%dma_start3A_455, %dma_start3A_456, %dma_start3A_457] : memref<4x512x8xf32, #tpu.memory_space<vmem>> -> memref<1x512x8xf32, #tpu.memory_space<vmem>>
        %dma_start3A_459 = tpu.memref_squeeze %dma_start3A_458 : memref<1x512x8xf32, #tpu.memory_space<vmem>> -> memref<512x8xf32, #tpu.memory_space<vmem>>
        %dma_start3A_460 = arith.constant 0 : i32
        %dma_start3A_461 = tpu.memref_slice %arg6[%dma_start3A_454, %dma_start3A_460] : memref<8x512xi32, #tpu.memory_space<vmem>> -> memref<1x512xi32, #tpu.memory_space<vmem>>
        %dma_start3A_462 = tpu.memref_squeeze %dma_start3A_461 : memref<1x512xi32, #tpu.memory_space<vmem>> -> memref<512xi32, #tpu.memory_space<vmem>>
        %dma_start3A_463 = arith.constant 0 : i32
        %dma_start3A_464 = arith.constant 0 : i32
        %dma_start3A_465 = tpu.memref_slice %arg2[%dma_start3A_463, %dma_start3A_464] : memref<100352x8xf32, #tpu.memory_space<hbm>> -> memref<100352x8xf32, #tpu.memory_space<hbm>>
        tpu.enqueue_indirect_dma source(%dma_start3A_465 : memref<100352x8xf32, #tpu.memory_space<hbm>>) target(%dma_start3A_459 : memref<512x8xf32, #tpu.memory_space<vmem>>) offsets(%dma_start3A_462 : memref<512xi32, #tpu.memory_space<vmem>>) semaphore(%arg11 : memref<!tpu.dma_semaphore, #tpu.memory_space<semaphore_mem>>)
        %dma_start3A_466 = arith.constant 1 : i32
        %dma_start3A_467 = arith.constant 1 : i32
        %dma_start3A_468 = arith.constant 0 : i32
        %dma_start3A_469 = arith.constant 0 : i32
        %dma_start3A_470 = tpu.memref_slice %arg8[%dma_start3A_467, %dma_start3A_468, %dma_start3A_469] : memref<4x512x8xf32, #tpu.memory_space<vmem>> -> memref<1x512x8xf32, #tpu.memory_space<vmem>>
        %dma_start3A_471 = tpu.memref_squeeze %dma_start3A_470 : memref<1x512x8xf32, #tpu.memory_space<vmem>> -> memref<512x8xf32, #tpu.memory_space<vmem>>
        %dma_start3A_472 = arith.constant 0 : i32
        %dma_start3A_473 = tpu.memref_slice %arg6[%dma_start3A_466, %dma_start3A_472] : memref<8x512xi32, #tpu.memory_space<vmem>> -> memref<1x512xi32, #tpu.memory_space<vmem>>
        %dma_start3A_474 = tpu.memref_squeeze %dma_start3A_473 : memref<1x512xi32, #tpu.memory_space<vmem>> -> memref<512xi32, #tpu.memory_space<vmem>>
        %dma_start3A_475 = arith.constant 0 : i32
        %dma_start3A_476 = arith.constant 0 : i32
        %dma_start3A_477 = tpu.memref_slice %arg2[%dma_start3A_475, %dma_start3A_476] : memref<100352x8xf32, #tpu.memory_space<hbm>> -> memref<100352x8xf32, #tpu.memory_space<hbm>>
        tpu.enqueue_indirect_dma source(%dma_start3A_477 : memref<100352x8xf32, #tpu.memory_space<hbm>>) target(%dma_start3A_471 : memref<512x8xf32, #tpu.memory_space<vmem>>) offsets(%dma_start3A_474 : memref<512xi32, #tpu.memory_space<vmem>>) semaphore(%arg11 : memref<!tpu.dma_semaphore, #tpu.memory_space<semaphore_mem>>)
        %dma_start3A_478 = arith.constant 2 : i32
        %dma_start3A_479 = arith.constant 2 : i32
        %dma_start3A_480 = arith.constant 0 : i32
        %dma_start3A_481 = arith.constant 0 : i32
        %dma_start3A_482 = tpu.memref_slice %arg8[%dma_start3A_479, %dma_start3A_480, %dma_start3A_481] : memref<4x512x8xf32, #tpu.memory_space<vmem>> -> memref<1x512x8xf32, #tpu.memory_space<vmem>>
        %dma_start3A_483 = tpu.memref_squeeze %dma_start3A_482 : memref<1x512x8xf32, #tpu.memory_space<vmem>> -> memref<512x8xf32, #tpu.memory_space<vmem>>
        %dma_start3A_484 = arith.constant 0 : i32
        %dma_start3A_485 = tpu.memref_slice %arg6[%dma_start3A_478, %dma_start3A_484] : memref<8x512xi32, #tpu.memory_space<vmem>> -> memref<1x512xi32, #tpu.memory_space<vmem>>
        %dma_start3A_486 = tpu.memref_squeeze %dma_start3A_485 : memref<1x512xi32, #tpu.memory_space<vmem>> -> memref<512xi32, #tpu.memory_space<vmem>>
        %dma_start3A_487 = arith.constant 0 : i32
        %dma_start3A_488 = arith.constant 0 : i32
        %dma_start3A_489 = tpu.memref_slice %arg2[%dma_start3A_487, %dma_start3A_488] : memref<100352x8xf32, #tpu.memory_space<hbm>> -> memref<100352x8xf32, #tpu.memory_space<hbm>>
        tpu.enqueue_indirect_dma source(%dma_start3A_489 : memref<100352x8xf32, #tpu.memory_space<hbm>>) target(%dma_start3A_483 : memref<512x8xf32, #tpu.memory_space<vmem>>) offsets(%dma_start3A_486 : memref<512xi32, #tpu.memory_space<vmem>>) semaphore(%arg11 : memref<!tpu.dma_semaphore, #tpu.memory_space<semaphore_mem>>)
        %dma_start3A_490 = arith.constant 3 : i32
        %dma_start3A_491 = arith.constant 3 : i32
        %dma_start3A_492 = arith.constant 0 : i32
        %dma_start3A_493 = arith.constant 0 : i32
        %dma_start3A_494 = tpu.memref_slice %arg8[%dma_start3A_491, %dma_start3A_492, %dma_start3A_493] : memref<4x512x8xf32, #tpu.memory_space<vmem>> -> memref<1x512x8xf32, #tpu.memory_space<vmem>>
        %dma_start3A_495 = tpu.memref_squeeze %dma_start3A_494 : memref<1x512x8xf32, #tpu.memory_space<vmem>> -> memref<512x8xf32, #tpu.memory_space<vmem>>
        %dma_start3A_496 = arith.constant 0 : i32
        %dma_start3A_497 = tpu.memref_slice %arg6[%dma_start3A_490, %dma_start3A_496] : memref<8x512xi32, #tpu.memory_space<vmem>> -> memref<1x512xi32, #tpu.memory_space<vmem>>
        %dma_start3A_498 = tpu.memref_squeeze %dma_start3A_497 : memref<1x512xi32, #tpu.memory_space<vmem>> -> memref<512xi32, #tpu.memory_space<vmem>>
        %dma_start3A_499 = arith.constant 0 : i32
        %dma_start3A_500 = arith.constant 0 : i32
        %dma_start3A_501 = tpu.memref_slice %arg2[%dma_start3A_499, %dma_start3A_500] : memref<100352x8xf32, #tpu.memory_space<hbm>> -> memref<100352x8xf32, #tpu.memory_space<hbm>>
        tpu.enqueue_indirect_dma source(%dma_start3A_501 : memref<100352x8xf32, #tpu.memory_space<hbm>>) target(%dma_start3A_495 : memref<512x8xf32, #tpu.memory_space<vmem>>) offsets(%dma_start3A_498 : memref<512xi32, #tpu.memory_space<vmem>>) semaphore(%arg11 : memref<!tpu.dma_semaphore, #tpu.memory_space<semaphore_mem>>)
      } else {
      }
      %dma_wait3A_303 = arith.constant 0 : i32
      %dma_wait3A_304 = arith.constant 0 : i32
      %dma_wait3A_305 = arith.constant 0 : i32
      %dma_wait3A_306 = arith.constant 0 : i32
      %dma_wait3A_307 = tpu.memref_slice %arg9[%dma_wait3A_304, %dma_wait3A_305, %dma_wait3A_306] : memref<4x512x8xf32, #tpu.memory_space<vmem>> -> memref<1x512x8xf32, #tpu.memory_space<vmem>>
      %dma_wait3A_308 = tpu.memref_squeeze %dma_wait3A_307 : memref<1x512x8xf32, #tpu.memory_space<vmem>> -> memref<512x8xf32, #tpu.memory_space<vmem>>
      %dma_wait3A_309 = arith.constant 0 : i32
      %dma_wait3A_310 = tpu.memref_slice %arg7[%dma_wait3A_303, %dma_wait3A_309] : memref<8x512xi32, #tpu.memory_space<vmem>> -> memref<1x512xi32, #tpu.memory_space<vmem>>
      %dma_wait3A_311 = tpu.memref_squeeze %dma_wait3A_310 : memref<1x512xi32, #tpu.memory_space<vmem>> -> memref<512xi32, #tpu.memory_space<vmem>>
      %dma_wait3A_312 = arith.constant 0 : i32
      %dma_wait3A_313 = arith.constant 0 : i32
      %dma_wait3A_314 = tpu.memref_slice %arg2[%dma_wait3A_312, %dma_wait3A_313] : memref<100352x8xf32, #tpu.memory_space<hbm>> -> memref<100352x8xf32, #tpu.memory_space<hbm>>
      tpu.wait_indirect_dma semaphore(%arg12 : memref<!tpu.dma_semaphore, #tpu.memory_space<semaphore_mem>>) src(%dma_wait3A_314 : memref<100352x8xf32, #tpu.memory_space<hbm>>) dst(%dma_wait3A_308 : memref<512x8xf32, #tpu.memory_space<vmem>>)
      %dma_wait3A_315 = arith.constant 1 : i32
      %dma_wait3A_316 = arith.constant 1 : i32
      %dma_wait3A_317 = arith.constant 0 : i32
      %dma_wait3A_318 = arith.constant 0 : i32
      %dma_wait3A_319 = tpu.memref_slice %arg9[%dma_wait3A_316, %dma_wait3A_317, %dma_wait3A_318] : memref<4x512x8xf32, #tpu.memory_space<vmem>> -> memref<1x512x8xf32, #tpu.memory_space<vmem>>
      %dma_wait3A_320 = tpu.memref_squeeze %dma_wait3A_319 : memref<1x512x8xf32, #tpu.memory_space<vmem>> -> memref<512x8xf32, #tpu.memory_space<vmem>>
      %dma_wait3A_321 = arith.constant 0 : i32
      %dma_wait3A_322 = tpu.memref_slice %arg7[%dma_wait3A_315, %dma_wait3A_321] : memref<8x512xi32, #tpu.memory_space<vmem>> -> memref<1x512xi32, #tpu.memory_space<vmem>>
      %dma_wait3A_323 = tpu.memref_squeeze %dma_wait3A_322 : memref<1x512xi32, #tpu.memory_space<vmem>> -> memref<512xi32, #tpu.memory_space<vmem>>
      %dma_wait3A_324 = arith.constant 0 : i32
      %dma_wait3A_325 = arith.constant 0 : i32
      %dma_wait3A_326 = tpu.memref_slice %arg2[%dma_wait3A_324, %dma_wait3A_325] : memref<100352x8xf32, #tpu.memory_space<hbm>> -> memref<100352x8xf32, #tpu.memory_space<hbm>>
      tpu.wait_indirect_dma semaphore(%arg12 : memref<!tpu.dma_semaphore, #tpu.memory_space<semaphore_mem>>) src(%dma_wait3A_326 : memref<100352x8xf32, #tpu.memory_space<hbm>>) dst(%dma_wait3A_320 : memref<512x8xf32, #tpu.memory_space<vmem>>)
      %dma_wait3A_327 = arith.constant 2 : i32
      %dma_wait3A_328 = arith.constant 2 : i32
      %dma_wait3A_329 = arith.constant 0 : i32
      %dma_wait3A_330 = arith.constant 0 : i32
      %dma_wait3A_331 = tpu.memref_slice %arg9[%dma_wait3A_328, %dma_wait3A_329, %dma_wait3A_330] : memref<4x512x8xf32, #tpu.memory_space<vmem>> -> memref<1x512x8xf32, #tpu.memory_space<vmem>>
      %dma_wait3A_332 = tpu.memref_squeeze %dma_wait3A_331 : memref<1x512x8xf32, #tpu.memory_space<vmem>> -> memref<512x8xf32, #tpu.memory_space<vmem>>
      %dma_wait3A_333 = arith.constant 0 : i32
      %dma_wait3A_334 = tpu.memref_slice %arg7[%dma_wait3A_327, %dma_wait3A_333] : memref<8x512xi32, #tpu.memory_space<vmem>> -> memref<1x512xi32, #tpu.memory_space<vmem>>
      %dma_wait3A_335 = tpu.memref_squeeze %dma_wait3A_334 : memref<1x512xi32, #tpu.memory_space<vmem>> -> memref<512xi32, #tpu.memory_space<vmem>>
      %dma_wait3A_336 = arith.constant 0 : i32
      %dma_wait3A_337 = arith.constant 0 : i32
      %dma_wait3A_338 = tpu.memref_slice %arg2[%dma_wait3A_336, %dma_wait3A_337] : memref<100352x8xf32, #tpu.memory_space<hbm>> -> memref<100352x8xf32, #tpu.memory_space<hbm>>
      tpu.wait_indirect_dma semaphore(%arg12 : memref<!tpu.dma_semaphore, #tpu.memory_space<semaphore_mem>>) src(%dma_wait3A_338 : memref<100352x8xf32, #tpu.memory_space<hbm>>) dst(%dma_wait3A_332 : memref<512x8xf32, #tpu.memory_space<vmem>>)
      %dma_wait3A_339 = arith.constant 3 : i32
      %dma_wait3A_340 = arith.constant 3 : i32
      %dma_wait3A_341 = arith.constant 0 : i32
      %dma_wait3A_342 = arith.constant 0 : i32
      %dma_wait3A_343 = tpu.memref_slice %arg9[%dma_wait3A_340, %dma_wait3A_341, %dma_wait3A_342] : memref<4x512x8xf32, #tpu.memory_space<vmem>> -> memref<1x512x8xf32, #tpu.memory_space<vmem>>
      %dma_wait3A_344 = tpu.memref_squeeze %dma_wait3A_343 : memref<1x512x8xf32, #tpu.memory_space<vmem>> -> memref<512x8xf32, #tpu.memory_space<vmem>>
      %dma_wait3A_345 = arith.constant 0 : i32
      %dma_wait3A_346 = tpu.memref_slice %arg7[%dma_wait3A_339, %dma_wait3A_345] : memref<8x512xi32, #tpu.memory_space<vmem>> -> memref<1x512xi32, #tpu.memory_space<vmem>>
      %dma_wait3A_347 = tpu.memref_squeeze %dma_wait3A_346 : memref<1x512xi32, #tpu.memory_space<vmem>> -> memref<512xi32, #tpu.memory_space<vmem>>
      %dma_wait3A_348 = arith.constant 0 : i32
      %dma_wait3A_349 = arith.constant 0 : i32
      %dma_wait3A_350 = tpu.memref_slice %arg2[%dma_wait3A_348, %dma_wait3A_349] : memref<100352x8xf32, #tpu.memory_space<hbm>> -> memref<100352x8xf32, #tpu.memory_space<hbm>>
      tpu.wait_indirect_dma semaphore(%arg12 : memref<!tpu.dma_semaphore, #tpu.memory_space<semaphore_mem>>) src(%dma_wait3A_350 : memref<100352x8xf32, #tpu.memory_space<hbm>>) dst(%dma_wait3A_344 : memref<512x8xf32, #tpu.memory_space<vmem>>)
      %dma_start3A_351 = arith.constant 0 : i32
      %dma_start3A_352 = arith.constant 4 : i32
      %dma_start3A_353 = arith.constant 0 : i32
      %dma_start3A_354 = arith.constant 0 : i32
      %dma_start3A_355 = tpu.memref_slice %arg9[%dma_start3A_351, %dma_start3A_353, %dma_start3A_354] : memref<4x512x8xf32, #tpu.memory_space<vmem>> -> memref<1x512x8xf32, #tpu.memory_space<vmem>>
      %dma_start3A_356 = tpu.memref_squeeze %dma_start3A_355 : memref<1x512x8xf32, #tpu.memory_space<vmem>> -> memref<512x8xf32, #tpu.memory_space<vmem>>
      %dma_start3A_357 = arith.constant 0 : i32
      %dma_start3A_358 = tpu.memref_slice %arg7[%dma_start3A_352, %dma_start3A_357] : memref<8x512xi32, #tpu.memory_space<vmem>> -> memref<1x512xi32, #tpu.memory_space<vmem>>
      %dma_start3A_359 = tpu.memref_squeeze %dma_start3A_358 : memref<1x512xi32, #tpu.memory_space<vmem>> -> memref<512xi32, #tpu.memory_space<vmem>>
      %dma_start3A_360 = arith.constant 0 : i32
      %dma_start3A_361 = arith.constant 0 : i32
      %dma_start3A_362 = tpu.memref_slice %arg5[%dma_start3A_360, %dma_start3A_361] : memref<100352x8xf32, #tpu.memory_space<vmem_shared>> -> memref<100352x8xf32, #tpu.memory_space<vmem_shared>>
      tpu.enqueue_indirect_dma source(%dma_start3A_356 : memref<512x8xf32, #tpu.memory_space<vmem>>) target(%dma_start3A_362 : memref<100352x8xf32, #tpu.memory_space<vmem_shared>>) offsets(%dma_start3A_359 : memref<512xi32, #tpu.memory_space<vmem>>) semaphore(%arg12 : memref<!tpu.dma_semaphore, #tpu.memory_space<semaphore_mem>>) {add = true}
      %dma_start3A_363 = arith.constant 1 : i32
      %dma_start3A_364 = arith.constant 5 : i32
      %dma_start3A_365 = arith.constant 0 : i32
      %dma_start3A_366 = arith.constant 0 : i32
      %dma_start3A_367 = tpu.memref_slice %arg9[%dma_start3A_363, %dma_start3A_365, %dma_start3A_366] : memref<4x512x8xf32, #tpu.memory_space<vmem>> -> memref<1x512x8xf32, #tpu.memory_space<vmem>>
      %dma_start3A_368 = tpu.memref_squeeze %dma_start3A_367 : memref<1x512x8xf32, #tpu.memory_space<vmem>> -> memref<512x8xf32, #tpu.memory_space<vmem>>
      %dma_start3A_369 = arith.constant 0 : i32
      %dma_start3A_370 = tpu.memref_slice %arg7[%dma_start3A_364, %dma_start3A_369] : memref<8x512xi32, #tpu.memory_space<vmem>> -> memref<1x512xi32, #tpu.memory_space<vmem>>
      %dma_start3A_371 = tpu.memref_squeeze %dma_start3A_370 : memref<1x512xi32, #tpu.memory_space<vmem>> -> memref<512xi32, #tpu.memory_space<vmem>>
      %dma_start3A_372 = arith.constant 0 : i32
      %dma_start3A_373 = arith.constant 0 : i32
      %dma_start3A_374 = tpu.memref_slice %arg5[%dma_start3A_372, %dma_start3A_373] : memref<100352x8xf32, #tpu.memory_space<vmem_shared>> -> memref<100352x8xf32, #tpu.memory_space<vmem_shared>>
      tpu.enqueue_indirect_dma source(%dma_start3A_368 : memref<512x8xf32, #tpu.memory_space<vmem>>) target(%dma_start3A_374 : memref<100352x8xf32, #tpu.memory_space<vmem_shared>>) offsets(%dma_start3A_371 : memref<512xi32, #tpu.memory_space<vmem>>) semaphore(%arg12 : memref<!tpu.dma_semaphore, #tpu.memory_space<semaphore_mem>>) {add = true}
      %dma_start3A_375 = arith.constant 2 : i32
      %dma_start3A_376 = arith.constant 6 : i32
      %dma_start3A_377 = arith.constant 0 : i32
      %dma_start3A_378 = arith.constant 0 : i32
      %dma_start3A_379 = tpu.memref_slice %arg9[%dma_start3A_375, %dma_start3A_377, %dma_start3A_378] : memref<4x512x8xf32, #tpu.memory_space<vmem>> -> memref<1x512x8xf32, #tpu.memory_space<vmem>>
      %dma_start3A_380 = tpu.memref_squeeze %dma_start3A_379 : memref<1x512x8xf32, #tpu.memory_space<vmem>> -> memref<512x8xf32, #tpu.memory_space<vmem>>
      %dma_start3A_381 = arith.constant 0 : i32
      %dma_start3A_382 = tpu.memref_slice %arg7[%dma_start3A_376, %dma_start3A_381] : memref<8x512xi32, #tpu.memory_space<vmem>> -> memref<1x512xi32, #tpu.memory_space<vmem>>
      %dma_start3A_383 = tpu.memref_squeeze %dma_start3A_382 : memref<1x512xi32, #tpu.memory_space<vmem>> -> memref<512xi32, #tpu.memory_space<vmem>>
      %dma_start3A_384 = arith.constant 0 : i32
      %dma_start3A_385 = arith.constant 0 : i32
      %dma_start3A_386 = tpu.memref_slice %arg5[%dma_start3A_384, %dma_start3A_385] : memref<100352x8xf32, #tpu.memory_space<vmem_shared>> -> memref<100352x8xf32, #tpu.memory_space<vmem_shared>>
      tpu.enqueue_indirect_dma source(%dma_start3A_380 : memref<512x8xf32, #tpu.memory_space<vmem>>) target(%dma_start3A_386 : memref<100352x8xf32, #tpu.memory_space<vmem_shared>>) offsets(%dma_start3A_383 : memref<512xi32, #tpu.memory_space<vmem>>) semaphore(%arg12 : memref<!tpu.dma_semaphore, #tpu.memory_space<semaphore_mem>>) {add = true}
      %dma_start3A_387 = arith.constant 3 : i32
      %dma_start3A_388 = arith.constant 7 : i32
      %dma_start3A_389 = arith.constant 0 : i32
      %dma_start3A_390 = arith.constant 0 : i32
      %dma_start3A_391 = tpu.memref_slice %arg9[%dma_start3A_387, %dma_start3A_389, %dma_start3A_390] : memref<4x512x8xf32, #tpu.memory_space<vmem>> -> memref<1x512x8xf32, #tpu.memory_space<vmem>>
      %dma_start3A_392 = tpu.memref_squeeze %dma_start3A_391 : memref<1x512x8xf32, #tpu.memory_space<vmem>> -> memref<512x8xf32, #tpu.memory_space<vmem>>
      %dma_start3A_393 = arith.constant 0 : i32
      %dma_start3A_394 = tpu.memref_slice %arg7[%dma_start3A_388, %dma_start3A_393] : memref<8x512xi32, #tpu.memory_space<vmem>> -> memref<1x512xi32, #tpu.memory_space<vmem>>
      %dma_start3A_395 = tpu.memref_squeeze %dma_start3A_394 : memref<1x512xi32, #tpu.memory_space<vmem>> -> memref<512xi32, #tpu.memory_space<vmem>>
      %dma_start3A_396 = arith.constant 0 : i32
      %dma_start3A_397 = arith.constant 0 : i32
      %dma_start3A_398 = tpu.memref_slice %arg5[%dma_start3A_396, %dma_start3A_397] : memref<100352x8xf32, #tpu.memory_space<vmem_shared>> -> memref<100352x8xf32, #tpu.memory_space<vmem_shared>>
      tpu.enqueue_indirect_dma source(%dma_start3A_392 : memref<512x8xf32, #tpu.memory_space<vmem>>) target(%dma_start3A_398 : memref<100352x8xf32, #tpu.memory_space<vmem_shared>>) offsets(%dma_start3A_395 : memref<512xi32, #tpu.memory_space<vmem>>) semaphore(%arg12 : memref<!tpu.dma_semaphore, #tpu.memory_space<semaphore_mem>>) {add = true}
      %dma_wait3A_399 = arith.constant 0 : i32
      %dma_wait3A_400 = arith.constant 4 : i32
      %dma_wait3A_401 = arith.constant 0 : i32
      %dma_wait3A_402 = arith.constant 0 : i32
      %dma_wait3A_403 = tpu.memref_slice %arg9[%dma_wait3A_399, %dma_wait3A_401, %dma_wait3A_402] : memref<4x512x8xf32, #tpu.memory_space<vmem>> -> memref<1x512x8xf32, #tpu.memory_space<vmem>>
      %dma_wait3A_404 = tpu.memref_squeeze %dma_wait3A_403 : memref<1x512x8xf32, #tpu.memory_space<vmem>> -> memref<512x8xf32, #tpu.memory_space<vmem>>
      %dma_wait3A_405 = arith.constant 0 : i32
      %dma_wait3A_406 = tpu.memref_slice %arg7[%dma_wait3A_400, %dma_wait3A_405] : memref<8x512xi32, #tpu.memory_space<vmem>> -> memref<1x512xi32, #tpu.memory_space<vmem>>
      %dma_wait3A_407 = tpu.memref_squeeze %dma_wait3A_406 : memref<1x512xi32, #tpu.memory_space<vmem>> -> memref<512xi32, #tpu.memory_space<vmem>>
      %dma_wait3A_408 = arith.constant 0 : i32
      %dma_wait3A_409 = arith.constant 0 : i32
      %dma_wait3A_410 = tpu.memref_slice %arg5[%dma_wait3A_408, %dma_wait3A_409] : memref<100352x8xf32, #tpu.memory_space<vmem_shared>> -> memref<100352x8xf32, #tpu.memory_space<vmem_shared>>
      tpu.wait_indirect_dma semaphore(%arg12 : memref<!tpu.dma_semaphore, #tpu.memory_space<semaphore_mem>>) src(%dma_wait3A_404 : memref<512x8xf32, #tpu.memory_space<vmem>>) dst(%dma_wait3A_410 : memref<100352x8xf32, #tpu.memory_space<vmem_shared>>)
      %dma_wait3A_411 = arith.constant 1 : i32
      %dma_wait3A_412 = arith.constant 5 : i32
      %dma_wait3A_413 = arith.constant 0 : i32
      %dma_wait3A_414 = arith.constant 0 : i32
      %dma_wait3A_415 = tpu.memref_slice %arg9[%dma_wait3A_411, %dma_wait3A_413, %dma_wait3A_414] : memref<4x512x8xf32, #tpu.memory_space<vmem>> -> memref<1x512x8xf32, #tpu.memory_space<vmem>>
      %dma_wait3A_416 = tpu.memref_squeeze %dma_wait3A_415 : memref<1x512x8xf32, #tpu.memory_space<vmem>> -> memref<512x8xf32, #tpu.memory_space<vmem>>
      %dma_wait3A_417 = arith.constant 0 : i32
      %dma_wait3A_418 = tpu.memref_slice %arg7[%dma_wait3A_412, %dma_wait3A_417] : memref<8x512xi32, #tpu.memory_space<vmem>> -> memref<1x512xi32, #tpu.memory_space<vmem>>
      %dma_wait3A_419 = tpu.memref_squeeze %dma_wait3A_418 : memref<1x512xi32, #tpu.memory_space<vmem>> -> memref<512xi32, #tpu.memory_space<vmem>>
      %dma_wait3A_420 = arith.constant 0 : i32
      %dma_wait3A_421 = arith.constant 0 : i32
      %dma_wait3A_422 = tpu.memref_slice %arg5[%dma_wait3A_420, %dma_wait3A_421] : memref<100352x8xf32, #tpu.memory_space<vmem_shared>> -> memref<100352x8xf32, #tpu.memory_space<vmem_shared>>
      tpu.wait_indirect_dma semaphore(%arg12 : memref<!tpu.dma_semaphore, #tpu.memory_space<semaphore_mem>>) src(%dma_wait3A_416 : memref<512x8xf32, #tpu.memory_space<vmem>>) dst(%dma_wait3A_422 : memref<100352x8xf32, #tpu.memory_space<vmem_shared>>)
      %dma_wait3A_423 = arith.constant 2 : i32
      %dma_wait3A_424 = arith.constant 6 : i32
      %dma_wait3A_425 = arith.constant 0 : i32
      %dma_wait3A_426 = arith.constant 0 : i32
      %dma_wait3A_427 = tpu.memref_slice %arg9[%dma_wait3A_423, %dma_wait3A_425, %dma_wait3A_426] : memref<4x512x8xf32, #tpu.memory_space<vmem>> -> memref<1x512x8xf32, #tpu.memory_space<vmem>>
      %dma_wait3A_428 = tpu.memref_squeeze %dma_wait3A_427 : memref<1x512x8xf32, #tpu.memory_space<vmem>> -> memref<512x8xf32, #tpu.memory_space<vmem>>
      %dma_wait3A_429 = arith.constant 0 : i32
      %dma_wait3A_430 = tpu.memref_slice %arg7[%dma_wait3A_424, %dma_wait3A_429] : memref<8x512xi32, #tpu.memory_space<vmem>> -> memref<1x512xi32, #tpu.memory_space<vmem>>
      %dma_wait3A_431 = tpu.memref_squeeze %dma_wait3A_430 : memref<1x512xi32, #tpu.memory_space<vmem>> -> memref<512xi32, #tpu.memory_space<vmem>>
      %dma_wait3A_432 = arith.constant 0 : i32
      %dma_wait3A_433 = arith.constant 0 : i32
      %dma_wait3A_434 = tpu.memref_slice %arg5[%dma_wait3A_432, %dma_wait3A_433] : memref<100352x8xf32, #tpu.memory_space<vmem_shared>> -> memref<100352x8xf32, #tpu.memory_space<vmem_shared>>
      tpu.wait_indirect_dma semaphore(%arg12 : memref<!tpu.dma_semaphore, #tpu.memory_space<semaphore_mem>>) src(%dma_wait3A_428 : memref<512x8xf32, #tpu.memory_space<vmem>>) dst(%dma_wait3A_434 : memref<100352x8xf32, #tpu.memory_space<vmem_shared>>)
      %dma_wait3A_435 = arith.constant 3 : i32
      %dma_wait3A_436 = arith.constant 7 : i32
      %dma_wait3A_437 = arith.constant 0 : i32
      %dma_wait3A_438 = arith.constant 0 : i32
      %dma_wait3A_439 = tpu.memref_slice %arg9[%dma_wait3A_435, %dma_wait3A_437, %dma_wait3A_438] : memref<4x512x8xf32, #tpu.memory_space<vmem>> -> memref<1x512x8xf32, #tpu.memory_space<vmem>>
      %dma_wait3A_440 = tpu.memref_squeeze %dma_wait3A_439 : memref<1x512x8xf32, #tpu.memory_space<vmem>> -> memref<512x8xf32, #tpu.memory_space<vmem>>
      %dma_wait3A_441 = arith.constant 0 : i32
      %dma_wait3A_442 = tpu.memref_slice %arg7[%dma_wait3A_436, %dma_wait3A_441] : memref<8x512xi32, #tpu.memory_space<vmem>> -> memref<1x512xi32, #tpu.memory_space<vmem>>
      %dma_wait3A_443 = tpu.memref_squeeze %dma_wait3A_442 : memref<1x512xi32, #tpu.memory_space<vmem>> -> memref<512xi32, #tpu.memory_space<vmem>>
      %dma_wait3A_444 = arith.constant 0 : i32
      %dma_wait3A_445 = arith.constant 0 : i32
      %dma_wait3A_446 = tpu.memref_slice %arg5[%dma_wait3A_444, %dma_wait3A_445] : memref<100352x8xf32, #tpu.memory_space<vmem_shared>> -> memref<100352x8xf32, #tpu.memory_space<vmem_shared>>
      tpu.wait_indirect_dma semaphore(%arg12 : memref<!tpu.dma_semaphore, #tpu.memory_space<semaphore_mem>>) src(%dma_wait3A_440 : memref<512x8xf32, #tpu.memory_space<vmem>>) dst(%dma_wait3A_446 : memref<100352x8xf32, #tpu.memory_space<vmem_shared>>)
    }
    %scan3A_75 = arith.constant 49 : i32
    %barrier3A_76 = arith.constant 0 : index
    tpu.barrier barrier_id(%barrier3A_76)
    %mul3A_77 = arith.constant 100352 : i32
    %mul3A_78 = arith.muli %arg0, %mul3A_77 : i32
    %add3A_79 = arith.addi %mul3A_78, %mul3A_2 : i32
    %add3A_80 = arith.constant 0 : i32
    %add3A_81 = arith.addi %mul3A_2, %add3A_80 : i32
    "tpu.region"() ({
      %run_scoped3A = tpu.sem_alloc : memref<!tpu.dma_semaphore, #tpu.memory_space<semaphore_mem>>
      %dma_start3A_96 = arith.constant 0 : i32
      %dma_start3A_97 = tpu.memref_slice %arg5[%add3A_81, %dma_start3A_96] : memref<100352x8xf32, #tpu.memory_space<vmem_shared>> -> memref<1568x8xf32, #tpu.memory_space<vmem_shared>>
      %dma_start3A_98 = arith.constant 0 : i32
      %dma_start3A_99 = tpu.memref_slice %arg5[%add3A_81, %dma_start3A_98] : memref<100352x8xf32, #tpu.memory_space<vmem_shared>> -> memref<1568x8xf32, #tpu.memory_space<vmem_shared>>
      tpu.enqueue_dma source(%dma_start3A_99 : memref<1568x8xf32, #tpu.memory_space<vmem_shared>>) target(%arg10 : memref<1568x8xf32, #tpu.memory_space<vmem>>) target_semaphore(%run_scoped3A : memref<!tpu.dma_semaphore, #tpu.memory_space<semaphore_mem>>)
      %dma_wait3A = arith.constant 0 : i32
      %dma_wait3A_100 = tpu.memref_slice %arg5[%add3A_81, %dma_wait3A] : memref<100352x8xf32, #tpu.memory_space<vmem_shared>> -> memref<1568x8xf32, #tpu.memory_space<vmem_shared>>
      %dma_wait3A_101 = arith.constant 0 : i32
      %dma_wait3A_102 = tpu.memref_slice %arg5[%add3A_81, %dma_wait3A_101] : memref<100352x8xf32, #tpu.memory_space<vmem_shared>> -> memref<1568x8xf32, #tpu.memory_space<vmem_shared>>
      tpu.wait_dma2 semaphore(%run_scoped3A : memref<!tpu.dma_semaphore, #tpu.memory_space<semaphore_mem>>) src(%dma_wait3A_102 : memref<1568x8xf32, #tpu.memory_space<vmem_shared>>) dst(%arg10 : memref<1568x8xf32, #tpu.memory_space<vmem>>)
      tpu.yield
    }) : () -> ()
    %add3A_82 = arith.constant 0 : i32
    %add3A_83 = arith.addi %add3A_79, %add3A_82 : i32
    "tpu.region"() ({
      %run_scoped3A = tpu.sem_alloc : memref<!tpu.dma_semaphore, #tpu.memory_space<semaphore_mem>>
      %dma_start3A_96 = arith.constant 0 : i32
      %dma_start3A_97 = tpu.memref_slice %arg4[%add3A_83, %dma_start3A_96] : memref<200704x8xf32, #tpu.memory_space<hbm>> -> memref<1568x8xf32, #tpu.memory_space<hbm>>
      %dma_start3A_98 = arith.constant 0 : i32
      %dma_start3A_99 = tpu.memref_slice %arg4[%add3A_83, %dma_start3A_98] : memref<200704x8xf32, #tpu.memory_space<hbm>> -> memref<1568x8xf32, #tpu.memory_space<hbm>>
      tpu.enqueue_dma source(%arg10 : memref<1568x8xf32, #tpu.memory_space<vmem>>) target(%dma_start3A_99 : memref<1568x8xf32, #tpu.memory_space<hbm>>) target_semaphore(%run_scoped3A : memref<!tpu.dma_semaphore, #tpu.memory_space<semaphore_mem>>)
      %dma_wait3A = arith.constant 0 : i32
      %dma_wait3A_100 = tpu.memref_slice %arg4[%add3A_83, %dma_wait3A] : memref<200704x8xf32, #tpu.memory_space<hbm>> -> memref<1568x8xf32, #tpu.memory_space<hbm>>
      %dma_wait3A_101 = arith.constant 0 : i32
      %dma_wait3A_102 = tpu.memref_slice %arg4[%add3A_83, %dma_wait3A_101] : memref<200704x8xf32, #tpu.memory_space<hbm>> -> memref<1568x8xf32, #tpu.memory_space<hbm>>
      tpu.wait_dma2 semaphore(%run_scoped3A : memref<!tpu.dma_semaphore, #tpu.memory_space<semaphore_mem>>) src(%arg10 : memref<1568x8xf32, #tpu.memory_space<vmem>>) dst(%dma_wait3A_102 : memref<1568x8xf32, #tpu.memory_space<hbm>>)
      tpu.yield
    }) : () -> ()
    %add3A_84 = arith.constant 1568 : i32
    %add3A_85 = arith.addi %mul3A_2, %add3A_84 : i32
    "tpu.region"() ({
      %run_scoped3A = tpu.sem_alloc : memref<!tpu.dma_semaphore, #tpu.memory_space<semaphore_mem>>
      %dma_start3A_96 = arith.constant 0 : i32
      %dma_start3A_97 = tpu.memref_slice %arg5[%add3A_85, %dma_start3A_96] : memref<100352x8xf32, #tpu.memory_space<vmem_shared>> -> memref<1568x8xf32, #tpu.memory_space<vmem_shared>>
      %dma_start3A_98 = arith.constant 0 : i32
      %dma_start3A_99 = tpu.memref_slice %arg5[%add3A_85, %dma_start3A_98] : memref<100352x8xf32, #tpu.memory_space<vmem_shared>> -> memref<1568x8xf32, #tpu.memory_space<vmem_shared>>
      tpu.enqueue_dma source(%dma_start3A_99 : memref<1568x8xf32, #tpu.memory_space<vmem_shared>>) target(%arg10 : memref<1568x8xf32, #tpu.memory_space<vmem>>) target_semaphore(%run_scoped3A : memref<!tpu.dma_semaphore, #tpu.memory_space<semaphore_mem>>)
      %dma_wait3A = arith.constant 0 : i32
      %dma_wait3A_100 = tpu.memref_slice %arg5[%add3A_85, %dma_wait3A] : memref<100352x8xf32, #tpu.memory_space<vmem_shared>> -> memref<1568x8xf32, #tpu.memory_space<vmem_shared>>
      %dma_wait3A_101 = arith.constant 0 : i32
      %dma_wait3A_102 = tpu.memref_slice %arg5[%add3A_85, %dma_wait3A_101] : memref<100352x8xf32, #tpu.memory_space<vmem_shared>> -> memref<1568x8xf32, #tpu.memory_space<vmem_shared>>
      tpu.wait_dma2 semaphore(%run_scoped3A : memref<!tpu.dma_semaphore, #tpu.memory_space<semaphore_mem>>) src(%dma_wait3A_102 : memref<1568x8xf32, #tpu.memory_space<vmem_shared>>) dst(%arg10 : memref<1568x8xf32, #tpu.memory_space<vmem>>)
      tpu.yield
    }) : () -> ()
    %add3A_86 = arith.constant 1568 : i32
    %add3A_87 = arith.addi %add3A_79, %add3A_86 : i32
    "tpu.region"() ({
      %run_scoped3A = tpu.sem_alloc : memref<!tpu.dma_semaphore, #tpu.memory_space<semaphore_mem>>
      %dma_start3A_96 = arith.constant 0 : i32
      %dma_start3A_97 = tpu.memref_slice %arg4[%add3A_87, %dma_start3A_96] : memref<200704x8xf32, #tpu.memory_space<hbm>> -> memref<1568x8xf32, #tpu.memory_space<hbm>>
      %dma_start3A_98 = arith.constant 0 : i32
      %dma_start3A_99 = tpu.memref_slice %arg4[%add3A_87, %dma_start3A_98] : memref<200704x8xf32, #tpu.memory_space<hbm>> -> memref<1568x8xf32, #tpu.memory_space<hbm>>
      tpu.enqueue_dma source(%arg10 : memref<1568x8xf32, #tpu.memory_space<vmem>>) target(%dma_start3A_99 : memref<1568x8xf32, #tpu.memory_space<hbm>>) target_semaphore(%run_scoped3A : memref<!tpu.dma_semaphore, #tpu.memory_space<semaphore_mem>>)
      %dma_wait3A = arith.constant 0 : i32
      %dma_wait3A_100 = tpu.memref_slice %arg4[%add3A_87, %dma_wait3A] : memref<200704x8xf32, #tpu.memory_space<hbm>> -> memref<1568x8xf32, #tpu.memory_space<hbm>>
      %dma_wait3A_101 = arith.constant 0 : i32
      %dma_wait3A_102 = tpu.memref_slice %arg4[%add3A_87, %dma_wait3A_101] : memref<200704x8xf32, #tpu.memory_space<hbm>> -> memref<1568x8xf32, #tpu.memory_space<hbm>>
      tpu.wait_dma2 semaphore(%run_scoped3A : memref<!tpu.dma_semaphore, #tpu.memory_space<semaphore_mem>>) src(%arg10 : memref<1568x8xf32, #tpu.memory_space<vmem>>) dst(%dma_wait3A_102 : memref<1568x8xf32, #tpu.memory_space<hbm>>)
      tpu.yield
    }) : () -> ()
    %add3A_88 = arith.constant 3136 : i32
    %add3A_89 = arith.addi %mul3A_2, %add3A_88 : i32
    "tpu.region"() ({
      %run_scoped3A = tpu.sem_alloc : memref<!tpu.dma_semaphore, #tpu.memory_space<semaphore_mem>>
      %dma_start3A_96 = arith.constant 0 : i32
      %dma_start3A_97 = tpu.memref_slice %arg5[%add3A_89, %dma_start3A_96] : memref<100352x8xf32, #tpu.memory_space<vmem_shared>> -> memref<1568x8xf32, #tpu.memory_space<vmem_shared>>
      %dma_start3A_98 = arith.constant 0 : i32
      %dma_start3A_99 = tpu.memref_slice %arg5[%add3A_89, %dma_start3A_98] : memref<100352x8xf32, #tpu.memory_space<vmem_shared>> -> memref<1568x8xf32, #tpu.memory_space<vmem_shared>>
      tpu.enqueue_dma source(%dma_start3A_99 : memref<1568x8xf32, #tpu.memory_space<vmem_shared>>) target(%arg10 : memref<1568x8xf32, #tpu.memory_space<vmem>>) target_semaphore(%run_scoped3A : memref<!tpu.dma_semaphore, #tpu.memory_space<semaphore_mem>>)
      %dma_wait3A = arith.constant 0 : i32
      %dma_wait3A_100 = tpu.memref_slice %arg5[%add3A_89, %dma_wait3A] : memref<100352x8xf32, #tpu.memory_space<vmem_shared>> -> memref<1568x8xf32, #tpu.memory_space<vmem_shared>>
      %dma_wait3A_101 = arith.constant 0 : i32
      %dma_wait3A_102 = tpu.memref_slice %arg5[%add3A_89, %dma_wait3A_101] : memref<100352x8xf32, #tpu.memory_space<vmem_shared>> -> memref<1568x8xf32, #tpu.memory_space<vmem_shared>>
      tpu.wait_dma2 semaphore(%run_scoped3A : memref<!tpu.dma_semaphore, #tpu.memory_space<semaphore_mem>>) src(%dma_wait3A_102 : memref<1568x8xf32, #tpu.memory_space<vmem_shared>>) dst(%arg10 : memref<1568x8xf32, #tpu.memory_space<vmem>>)
      tpu.yield
    }) : () -> ()
    %add3A_90 = arith.constant 3136 : i32
    %add3A_91 = arith.addi %add3A_79, %add3A_90 : i32
    "tpu.region"() ({
      %run_scoped3A = tpu.sem_alloc : memref<!tpu.dma_semaphore, #tpu.memory_space<semaphore_mem>>
      %dma_start3A_96 = arith.constant 0 : i32
      %dma_start3A_97 = tpu.memref_slice %arg4[%add3A_91, %dma_start3A_96] : memref<200704x8xf32, #tpu.memory_space<hbm>> -> memref<1568x8xf32, #tpu.memory_space<hbm>>
      %dma_start3A_98 = arith.constant 0 : i32
      %dma_start3A_99 = tpu.memref_slice %arg4[%add3A_91, %dma_start3A_98] : memref<200704x8xf32, #tpu.memory_space<hbm>> -> memref<1568x8xf32, #tpu.memory_space<hbm>>
      tpu.enqueue_dma source(%arg10 : memref<1568x8xf32, #tpu.memory_space<vmem>>) target(%dma_start3A_99 : memref<1568x8xf32, #tpu.memory_space<hbm>>) target_semaphore(%run_scoped3A : memref<!tpu.dma_semaphore, #tpu.memory_space<semaphore_mem>>)
      %dma_wait3A = arith.constant 0 : i32
      %dma_wait3A_100 = tpu.memref_slice %arg4[%add3A_91, %dma_wait3A] : memref<200704x8xf32, #tpu.memory_space<hbm>> -> memref<1568x8xf32, #tpu.memory_space<hbm>>
      %dma_wait3A_101 = arith.constant 0 : i32
      %dma_wait3A_102 = tpu.memref_slice %arg4[%add3A_91, %dma_wait3A_101] : memref<200704x8xf32, #tpu.memory_space<hbm>> -> memref<1568x8xf32, #tpu.memory_space<hbm>>
      tpu.wait_dma2 semaphore(%run_scoped3A : memref<!tpu.dma_semaphore, #tpu.memory_space<semaphore_mem>>) src(%arg10 : memref<1568x8xf32, #tpu.memory_space<vmem>>) dst(%dma_wait3A_102 : memref<1568x8xf32, #tpu.memory_space<hbm>>)
      tpu.yield
    }) : () -> ()
    %add3A_92 = arith.constant 4704 : i32
    %add3A_93 = arith.addi %mul3A_2, %add3A_92 : i32
    "tpu.region"() ({
      %run_scoped3A = tpu.sem_alloc : memref<!tpu.dma_semaphore, #tpu.memory_space<semaphore_mem>>
      %dma_start3A_96 = arith.constant 0 : i32
      %dma_start3A_97 = tpu.memref_slice %arg5[%add3A_93, %dma_start3A_96] : memref<100352x8xf32, #tpu.memory_space<vmem_shared>> -> memref<1568x8xf32, #tpu.memory_space<vmem_shared>>
      %dma_start3A_98 = arith.constant 0 : i32
      %dma_start3A_99 = tpu.memref_slice %arg5[%add3A_93, %dma_start3A_98] : memref<100352x8xf32, #tpu.memory_space<vmem_shared>> -> memref<1568x8xf32, #tpu.memory_space<vmem_shared>>
      tpu.enqueue_dma source(%dma_start3A_99 : memref<1568x8xf32, #tpu.memory_space<vmem_shared>>) target(%arg10 : memref<1568x8xf32, #tpu.memory_space<vmem>>) target_semaphore(%run_scoped3A : memref<!tpu.dma_semaphore, #tpu.memory_space<semaphore_mem>>)
      %dma_wait3A = arith.constant 0 : i32
      %dma_wait3A_100 = tpu.memref_slice %arg5[%add3A_93, %dma_wait3A] : memref<100352x8xf32, #tpu.memory_space<vmem_shared>> -> memref<1568x8xf32, #tpu.memory_space<vmem_shared>>
      %dma_wait3A_101 = arith.constant 0 : i32
      %dma_wait3A_102 = tpu.memref_slice %arg5[%add3A_93, %dma_wait3A_101] : memref<100352x8xf32, #tpu.memory_space<vmem_shared>> -> memref<1568x8xf32, #tpu.memory_space<vmem_shared>>
      tpu.wait_dma2 semaphore(%run_scoped3A : memref<!tpu.dma_semaphore, #tpu.memory_space<semaphore_mem>>) src(%dma_wait3A_102 : memref<1568x8xf32, #tpu.memory_space<vmem_shared>>) dst(%arg10 : memref<1568x8xf32, #tpu.memory_space<vmem>>)
      tpu.yield
    }) : () -> ()
    %add3A_94 = arith.constant 4704 : i32
    %add3A_95 = arith.addi %add3A_79, %add3A_94 : i32
    "tpu.region"() ({
      %run_scoped3A = tpu.sem_alloc : memref<!tpu.dma_semaphore, #tpu.memory_space<semaphore_mem>>
      %dma_start3A_96 = arith.constant 0 : i32
      %dma_start3A_97 = tpu.memref_slice %arg4[%add3A_95, %dma_start3A_96] : memref<200704x8xf32, #tpu.memory_space<hbm>> -> memref<1568x8xf32, #tpu.memory_space<hbm>>
      %dma_start3A_98 = arith.constant 0 : i32
      %dma_start3A_99 = tpu.memref_slice %arg4[%add3A_95, %dma_start3A_98] : memref<200704x8xf32, #tpu.memory_space<hbm>> -> memref<1568x8xf32, #tpu.memory_space<hbm>>
      tpu.enqueue_dma source(%arg10 : memref<1568x8xf32, #tpu.memory_space<vmem>>) target(%dma_start3A_99 : memref<1568x8xf32, #tpu.memory_space<hbm>>) target_semaphore(%run_scoped3A : memref<!tpu.dma_semaphore, #tpu.memory_space<semaphore_mem>>)
      %dma_wait3A = arith.constant 0 : i32
      %dma_wait3A_100 = tpu.memref_slice %arg4[%add3A_95, %dma_wait3A] : memref<200704x8xf32, #tpu.memory_space<hbm>> -> memref<1568x8xf32, #tpu.memory_space<hbm>>
      %dma_wait3A_101 = arith.constant 0 : i32
      %dma_wait3A_102 = tpu.memref_slice %arg4[%add3A_95, %dma_wait3A_101] : memref<200704x8xf32, #tpu.memory_space<hbm>> -> memref<1568x8xf32, #tpu.memory_space<hbm>>
      tpu.wait_dma2 semaphore(%run_scoped3A : memref<!tpu.dma_semaphore, #tpu.memory_space<semaphore_mem>>) src(%arg10 : memref<1568x8xf32, #tpu.memory_space<vmem>>) dst(%dma_wait3A_102 : memref<1568x8xf32, #tpu.memory_space<hbm>>)
      tpu.yield
    }) : () -> ()
    return
  }
}

#map = affine_map<(d0, d1) -> (0, 0)>
#map1 = affine_map<(d0, d1) -> (0, 0, 0)>
module attributes {stable_mosaic.version = 14 : i64} {
  func.func @_final_body(%arg0: i32, %arg1: i32, %arg2: memref<200704x8xf32, #tpu.memory_space<hbm>>, %arg3: memref<100352x8xf32, #tpu.memory_space<hbm>>, %arg4: memref<6272x16xf32, #tpu.memory_space<hbm>>, %arg5: memref<2x16xf32, #tpu.memory_space<hbm>>, %arg6: memref<2x6272x16xf32, #tpu.memory_space<hbm>>, %arg7: memref<3136x8xf32, #tpu.memory_space<vmem>>, %arg8: memref<3136x8xf32, #tpu.memory_space<vmem>>, %arg9: memref<3136x8xf32, #tpu.memory_space<vmem>>, %arg10: memref<196x16xf32, #tpu.memory_space<vmem>>, %arg11: memref<196x16xf32, #tpu.memory_space<vmem>>, %arg12: memref<196x16xf32, #tpu.memory_space<vmem>>, %arg13: memref<2x16xf32, #tpu.memory_space<vmem>>) attributes {dimension_semantics = [#tpu.dimension_semantics<core_parallel>, #tpu.dimension_semantics<subcore_parallel>], iteration_bounds = array<i64: 2, 16>, scalar_prefetch = 0 : i64, scratch_operands = 7 : i64, tpu.core_type = #tpu.core_type<sc_vector_subcore>, window_params = [{transform_indices = #map}, {transform_indices = #map}, {transform_indices = #map}, {transform_indices = #map}, {transform_indices = #map1}]} {
    %mul3A = arith.constant 16 : i32
    %mul3A_0 = arith.muli %arg0, %mul3A : i32
    %add3A = arith.addi %mul3A_0, %arg1 : i32
    %mul3A_1 = arith.constant 196 : i32
    %mul3A_2 = arith.muli %add3A, %mul3A_1 : i32
    %mul3A_3 = arith.constant 3136 : i32
    %mul3A_4 = arith.muli %add3A, %mul3A_3 : i32
    "tpu.region"() ({
      %run_scoped3A_15 = tpu.sem_alloc : memref<!tpu.dma_semaphore, #tpu.memory_space<semaphore_mem>>
      tpu.enqueue_dma source(%arg5 : memref<2x16xf32, #tpu.memory_space<hbm>>) target(%arg13 : memref<2x16xf32, #tpu.memory_space<vmem>>) target_semaphore(%run_scoped3A_15 : memref<!tpu.dma_semaphore, #tpu.memory_space<semaphore_mem>>)
      tpu.wait_dma2 semaphore(%run_scoped3A_15 : memref<!tpu.dma_semaphore, #tpu.memory_space<semaphore_mem>>) src(%arg5 : memref<2x16xf32, #tpu.memory_space<hbm>>) dst(%arg13 : memref<2x16xf32, #tpu.memory_space<vmem>>)
      tpu.yield
    }) : () -> ()
    "tpu.region"() ({
      %run_scoped3A_15 = tpu.sem_alloc : memref<!tpu.dma_semaphore, #tpu.memory_space<semaphore_mem>>
      %dma_start3A = arith.constant 0 : i32
      %dma_start3A_16 = tpu.memref_slice %arg2[%mul3A_4, %dma_start3A] : memref<200704x8xf32, #tpu.memory_space<hbm>> -> memref<3136x8xf32, #tpu.memory_space<hbm>>
      %dma_start3A_17 = arith.constant 0 : i32
      %dma_start3A_18 = tpu.memref_slice %arg2[%mul3A_4, %dma_start3A_17] : memref<200704x8xf32, #tpu.memory_space<hbm>> -> memref<3136x8xf32, #tpu.memory_space<hbm>>
      tpu.enqueue_dma source(%dma_start3A_18 : memref<3136x8xf32, #tpu.memory_space<hbm>>) target(%arg7 : memref<3136x8xf32, #tpu.memory_space<vmem>>) target_semaphore(%run_scoped3A_15 : memref<!tpu.dma_semaphore, #tpu.memory_space<semaphore_mem>>)
      %dma_wait3A = arith.constant 0 : i32
      %dma_wait3A_19 = tpu.memref_slice %arg2[%mul3A_4, %dma_wait3A] : memref<200704x8xf32, #tpu.memory_space<hbm>> -> memref<3136x8xf32, #tpu.memory_space<hbm>>
      %dma_wait3A_20 = arith.constant 0 : i32
      %dma_wait3A_21 = tpu.memref_slice %arg2[%mul3A_4, %dma_wait3A_20] : memref<200704x8xf32, #tpu.memory_space<hbm>> -> memref<3136x8xf32, #tpu.memory_space<hbm>>
      tpu.wait_dma2 semaphore(%run_scoped3A_15 : memref<!tpu.dma_semaphore, #tpu.memory_space<semaphore_mem>>) src(%dma_wait3A_21 : memref<3136x8xf32, #tpu.memory_space<hbm>>) dst(%arg7 : memref<3136x8xf32, #tpu.memory_space<vmem>>)
      tpu.yield
    }) : () -> ()
    %add3A_5 = arith.constant 100352 : i32
    %add3A_6 = arith.addi %add3A_5, %mul3A_4 : i32
    "tpu.region"() ({
      %run_scoped3A_15 = tpu.sem_alloc : memref<!tpu.dma_semaphore, #tpu.memory_space<semaphore_mem>>
      %dma_start3A = arith.constant 0 : i32
      %dma_start3A_16 = tpu.memref_slice %arg2[%add3A_6, %dma_start3A] : memref<200704x8xf32, #tpu.memory_space<hbm>> -> memref<3136x8xf32, #tpu.memory_space<hbm>>
      %dma_start3A_17 = arith.constant 0 : i32
      %dma_start3A_18 = tpu.memref_slice %arg2[%add3A_6, %dma_start3A_17] : memref<200704x8xf32, #tpu.memory_space<hbm>> -> memref<3136x8xf32, #tpu.memory_space<hbm>>
      tpu.enqueue_dma source(%dma_start3A_18 : memref<3136x8xf32, #tpu.memory_space<hbm>>) target(%arg8 : memref<3136x8xf32, #tpu.memory_space<vmem>>) target_semaphore(%run_scoped3A_15 : memref<!tpu.dma_semaphore, #tpu.memory_space<semaphore_mem>>)
      %dma_wait3A = arith.constant 0 : i32
      %dma_wait3A_19 = tpu.memref_slice %arg2[%add3A_6, %dma_wait3A] : memref<200704x8xf32, #tpu.memory_space<hbm>> -> memref<3136x8xf32, #tpu.memory_space<hbm>>
      %dma_wait3A_20 = arith.constant 0 : i32
      %dma_wait3A_21 = tpu.memref_slice %arg2[%add3A_6, %dma_wait3A_20] : memref<200704x8xf32, #tpu.memory_space<hbm>> -> memref<3136x8xf32, #tpu.memory_space<hbm>>
      tpu.wait_dma2 semaphore(%run_scoped3A_15 : memref<!tpu.dma_semaphore, #tpu.memory_space<semaphore_mem>>) src(%dma_wait3A_21 : memref<3136x8xf32, #tpu.memory_space<hbm>>) dst(%arg8 : memref<3136x8xf32, #tpu.memory_space<vmem>>)
      tpu.yield
    }) : () -> ()
    "tpu.region"() ({
      %run_scoped3A_15 = tpu.sem_alloc : memref<!tpu.dma_semaphore, #tpu.memory_space<semaphore_mem>>
      %dma_start3A = arith.constant 0 : i32
      %dma_start3A_16 = tpu.memref_slice %arg3[%mul3A_4, %dma_start3A] : memref<100352x8xf32, #tpu.memory_space<hbm>> -> memref<3136x8xf32, #tpu.memory_space<hbm>>
      %dma_start3A_17 = arith.constant 0 : i32
      %dma_start3A_18 = tpu.memref_slice %arg3[%mul3A_4, %dma_start3A_17] : memref<100352x8xf32, #tpu.memory_space<hbm>> -> memref<3136x8xf32, #tpu.memory_space<hbm>>
      tpu.enqueue_dma source(%dma_start3A_18 : memref<3136x8xf32, #tpu.memory_space<hbm>>) target(%arg9 : memref<3136x8xf32, #tpu.memory_space<vmem>>) target_semaphore(%run_scoped3A_15 : memref<!tpu.dma_semaphore, #tpu.memory_space<semaphore_mem>>)
      %dma_wait3A = arith.constant 0 : i32
      %dma_wait3A_19 = tpu.memref_slice %arg3[%mul3A_4, %dma_wait3A] : memref<100352x8xf32, #tpu.memory_space<hbm>> -> memref<3136x8xf32, #tpu.memory_space<hbm>>
      %dma_wait3A_20 = arith.constant 0 : i32
      %dma_wait3A_21 = tpu.memref_slice %arg3[%mul3A_4, %dma_wait3A_20] : memref<100352x8xf32, #tpu.memory_space<hbm>> -> memref<3136x8xf32, #tpu.memory_space<hbm>>
      tpu.wait_dma2 semaphore(%run_scoped3A_15 : memref<!tpu.dma_semaphore, #tpu.memory_space<semaphore_mem>>) src(%dma_wait3A_21 : memref<3136x8xf32, #tpu.memory_space<hbm>>) dst(%arg9 : memref<3136x8xf32, #tpu.memory_space<vmem>>)
      tpu.yield
    }) : () -> ()
    "tpu.region"() ({
      %run_scoped3A_15 = tpu.sem_alloc : memref<!tpu.dma_semaphore, #tpu.memory_space<semaphore_mem>>
      %dma_start3A = arith.constant 0 : i32
      %dma_start3A_16 = tpu.memref_slice %arg4[%mul3A_2, %dma_start3A] : memref<6272x16xf32, #tpu.memory_space<hbm>> -> memref<196x16xf32, #tpu.memory_space<hbm>>
      %dma_start3A_17 = arith.constant 0 : i32
      %dma_start3A_18 = tpu.memref_slice %arg4[%mul3A_2, %dma_start3A_17] : memref<6272x16xf32, #tpu.memory_space<hbm>> -> memref<196x16xf32, #tpu.memory_space<hbm>>
      tpu.enqueue_dma source(%dma_start3A_18 : memref<196x16xf32, #tpu.memory_space<hbm>>) target(%arg10 : memref<196x16xf32, #tpu.memory_space<vmem>>) target_semaphore(%run_scoped3A_15 : memref<!tpu.dma_semaphore, #tpu.memory_space<semaphore_mem>>)
      %dma_wait3A = arith.constant 0 : i32
      %dma_wait3A_19 = tpu.memref_slice %arg4[%mul3A_2, %dma_wait3A] : memref<6272x16xf32, #tpu.memory_space<hbm>> -> memref<196x16xf32, #tpu.memory_space<hbm>>
      %dma_wait3A_20 = arith.constant 0 : i32
      %dma_wait3A_21 = tpu.memref_slice %arg4[%mul3A_2, %dma_wait3A_20] : memref<6272x16xf32, #tpu.memory_space<hbm>> -> memref<196x16xf32, #tpu.memory_space<hbm>>
      tpu.wait_dma2 semaphore(%run_scoped3A_15 : memref<!tpu.dma_semaphore, #tpu.memory_space<semaphore_mem>>) src(%dma_wait3A_21 : memref<196x16xf32, #tpu.memory_space<hbm>>) dst(%arg10 : memref<196x16xf32, #tpu.memory_space<vmem>>)
      tpu.yield
    }) : () -> ()
    %get3A = arith.constant 1 : i32
    %get3A_7 = arith.index_cast %get3A : i32 to index
    %get3A_8 = arith.constant 0 : index
    %get3A_9 = tpu.vector_load %arg13[%get3A_7, %get3A_8] {strides = array<i32>} : memref<2x16xf32, #tpu.memory_space<vmem>>, vector<16xf32>,
    %iota3A = tpu.iota {dimensions = array<i32: 0>} : vector<16xi32>
    %scan3A = arith.constant 0 : i32
    %scan3A_10 = arith.constant 196 : i32
    %scan3A_11 = arith.addi %scan3A, %scan3A_10 : i32
    %scan3A_12 = arith.constant 1 : i32
    scf.for %scan3A_15 = %scan3A to %scan3A_11 step %scan3A_12  : i32 {
      %mul3A_16 = arith.constant 1 : i32
      %mul3A_17 = arith.muli %scan3A_15, %mul3A_16 : i32
      %add3A_18 = arith.constant 0 : i32
      %add3A_19 = arith.addi %add3A_18, %mul3A_17 : i32
      %get3A_20 = arith.index_cast %add3A_19 : i32 to index
      %get3A_21 = arith.constant 0 : index
      %get3A_22 = tpu.vector_load %arg10[%get3A_20, %get3A_21] {strides = array<i32>} : memref<196x16xf32, #tpu.memory_space<vmem>>, vector<16xf32>,
      %mul3A_23 = arith.constant 16 : i32
      %mul3A_24 = arith.muli %add3A_19, %mul3A_23 : i32
      %add3A_25 = vector.broadcast %mul3A_24 : i32 to vector<16xi32>
      %add3A_26 = arith.addi %iota3A, %add3A_25 : vector<16xi32>
      %broadcast_in_dim3A = arith.constant 0 : i32
      %broadcast_in_dim3A_27 = vector.broadcast %broadcast_in_dim3A : i32 to vector<16xi32>
      %gather3A = tpu.vector_load_idx %arg7[%add3A_26, %broadcast_in_dim3A_27] : memref<3136x8xf32, #tpu.memory_space<vmem>>[vector<16xi32>, vector<16xi32>], vector<16xf32>,
      %gather3A_28 = tpu.vector_load_idx %arg8[%add3A_26, %broadcast_in_dim3A_27] : memref<3136x8xf32, #tpu.memory_space<vmem>>[vector<16xi32>, vector<16xi32>], vector<16xf32>,
      %add3A_29 = arith.addf %gather3A, %gather3A_28 : vector<16xf32>
      %gather3A_30 = tpu.vector_load_idx %arg9[%add3A_26, %broadcast_in_dim3A_27] : memref<3136x8xf32, #tpu.memory_space<vmem>>[vector<16xi32>, vector<16xi32>], vector<16xf32>,
      %add3A_31 = arith.addf %add3A_29, %gather3A_30 : vector<16xf32>
      %mul3A_32 = arith.mulf %add3A_31, %get3A_22 : vector<16xf32>
      %slice3A = vector.extract_strided_slice %get3A_9 {offsets = [4], sizes = [1], strides = [1]} : vector<16xf32> to vector<1xf32>
      %squeeze3A = vector.extract %slice3A[0] : f32 from vector<1xf32>
      %add3A_33 = vector.broadcast %squeeze3A : f32 to vector<16xf32>
      %add3A_34 = arith.addf %mul3A_32, %add3A_33 : vector<16xf32>
      %swap3A = arith.index_cast %add3A_19 : i32 to index
      %swap3A_35 = arith.constant 0 : index
      %swap3A_36 = tpu.vector_load %arg11[%swap3A, %swap3A_35] {strides = array<i32>} : memref<196x16xf32, #tpu.memory_space<vmem>>, vector<16xf32>,
      tpu.vector_store %arg11[%swap3A, %swap3A_35], %add3A_34 {strides = array<i32>} : memref<196x16xf32, #tpu.memory_space<vmem>>, vector<16xf32>,
      %broadcast_in_dim3A_37 = arith.constant 1 : i32
      %broadcast_in_dim3A_38 = vector.broadcast %broadcast_in_dim3A_37 : i32 to vector<16xi32>
      %gather3A_39 = tpu.vector_load_idx %arg7[%add3A_26, %broadcast_in_dim3A_38] : memref<3136x8xf32, #tpu.memory_space<vmem>>[vector<16xi32>, vector<16xi32>], vector<16xf32>,
      %gather3A_40 = tpu.vector_load_idx %arg8[%add3A_26, %broadcast_in_dim3A_38] : memref<3136x8xf32, #tpu.memory_space<vmem>>[vector<16xi32>, vector<16xi32>], vector<16xf32>,
      %add3A_41 = arith.addf %gather3A_39, %gather3A_40 : vector<16xf32>
      %gather3A_42 = tpu.vector_load_idx %arg9[%add3A_26, %broadcast_in_dim3A_38] : memref<3136x8xf32, #tpu.memory_space<vmem>>[vector<16xi32>, vector<16xi32>], vector<16xf32>,
      %add3A_43 = arith.addf %add3A_41, %gather3A_42 : vector<16xf32>
      %mul3A_44 = arith.mulf %add3A_43, %get3A_22 : vector<16xf32>
      %slice3A_45 = vector.extract_strided_slice %get3A_9 {offsets = [5], sizes = [1], strides = [1]} : vector<16xf32> to vector<1xf32>
      %squeeze3A_46 = vector.extract %slice3A_45[0] : f32 from vector<1xf32>
      %add3A_47 = vector.broadcast %squeeze3A_46 : f32 to vector<16xf32>
      %add3A_48 = arith.addf %mul3A_44, %add3A_47 : vector<16xf32>
      %swap3A_49 = arith.index_cast %add3A_19 : i32 to index
      %swap3A_50 = arith.constant 0 : index
      %swap3A_51 = tpu.vector_load %arg12[%swap3A_49, %swap3A_50] {strides = array<i32>} : memref<196x16xf32, #tpu.memory_space<vmem>>, vector<16xf32>,
      tpu.vector_store %arg12[%swap3A_49, %swap3A_50], %add3A_48 {strides = array<i32>} : memref<196x16xf32, #tpu.memory_space<vmem>>, vector<16xf32>,
    }
    %scan3A_13 = arith.constant 196 : i32
    %run_scoped3A = arith.constant 0 : i32
    "tpu.region"() ({
      %run_scoped3A_15 = tpu.sem_alloc : memref<!tpu.dma_semaphore, #tpu.memory_space<semaphore_mem>>
      %dma_start3A = arith.constant 0 : i32
      %dma_start3A_16 = tpu.memref_slice %arg6[%run_scoped3A, %mul3A_2, %dma_start3A] : memref<2x6272x16xf32, #tpu.memory_space<hbm>> -> memref<1x196x16xf32, #tpu.memory_space<hbm>>
      %dma_start3A_17 = tpu.memref_squeeze %dma_start3A_16 : memref<1x196x16xf32, #tpu.memory_space<hbm>> -> memref<196x16xf32, #tpu.memory_space<hbm>>
      %dma_start3A_18 = arith.constant 0 : i32
      %dma_start3A_19 = tpu.memref_slice %arg6[%run_scoped3A, %mul3A_2, %dma_start3A_18] : memref<2x6272x16xf32, #tpu.memory_space<hbm>> -> memref<1x196x16xf32, #tpu.memory_space<hbm>>
      %dma_start3A_20 = tpu.memref_squeeze %dma_start3A_19 : memref<1x196x16xf32, #tpu.memory_space<hbm>> -> memref<196x16xf32, #tpu.memory_space<hbm>>
      tpu.enqueue_dma source(%arg11 : memref<196x16xf32, #tpu.memory_space<vmem>>) target(%dma_start3A_20 : memref<196x16xf32, #tpu.memory_space<hbm>>) target_semaphore(%run_scoped3A_15 : memref<!tpu.dma_semaphore, #tpu.memory_space<semaphore_mem>>)
      %dma_wait3A = arith.constant 0 : i32
      %dma_wait3A_21 = tpu.memref_slice %arg6[%run_scoped3A, %mul3A_2, %dma_wait3A] : memref<2x6272x16xf32, #tpu.memory_space<hbm>> -> memref<1x196x16xf32, #tpu.memory_space<hbm>>
      %dma_wait3A_22 = tpu.memref_squeeze %dma_wait3A_21 : memref<1x196x16xf32, #tpu.memory_space<hbm>> -> memref<196x16xf32, #tpu.memory_space<hbm>>
      %dma_wait3A_23 = arith.constant 0 : i32
      %dma_wait3A_24 = tpu.memref_slice %arg6[%run_scoped3A, %mul3A_2, %dma_wait3A_23] : memref<2x6272x16xf32, #tpu.memory_space<hbm>> -> memref<1x196x16xf32, #tpu.memory_space<hbm>>
      %dma_wait3A_25 = tpu.memref_squeeze %dma_wait3A_24 : memref<1x196x16xf32, #tpu.memory_space<hbm>> -> memref<196x16xf32, #tpu.memory_space<hbm>>
      tpu.wait_dma2 semaphore(%run_scoped3A_15 : memref<!tpu.dma_semaphore, #tpu.memory_space<semaphore_mem>>) src(%arg11 : memref<196x16xf32, #tpu.memory_space<vmem>>) dst(%dma_wait3A_25 : memref<196x16xf32, #tpu.memory_space<hbm>>)
      tpu.yield
    }) : () -> ()
    %run_scoped3A_14 = arith.constant 1 : i32
    "tpu.region"() ({
      %run_scoped3A_15 = tpu.sem_alloc : memref<!tpu.dma_semaphore, #tpu.memory_space<semaphore_mem>>
      %dma_start3A = arith.constant 0 : i32
      %dma_start3A_16 = tpu.memref_slice %arg6[%run_scoped3A_14, %mul3A_2, %dma_start3A] : memref<2x6272x16xf32, #tpu.memory_space<hbm>> -> memref<1x196x16xf32, #tpu.memory_space<hbm>>
      %dma_start3A_17 = tpu.memref_squeeze %dma_start3A_16 : memref<1x196x16xf32, #tpu.memory_space<hbm>> -> memref<196x16xf32, #tpu.memory_space<hbm>>
      %dma_start3A_18 = arith.constant 0 : i32
      %dma_start3A_19 = tpu.memref_slice %arg6[%run_scoped3A_14, %mul3A_2, %dma_start3A_18] : memref<2x6272x16xf32, #tpu.memory_space<hbm>> -> memref<1x196x16xf32, #tpu.memory_space<hbm>>
      %dma_start3A_20 = tpu.memref_squeeze %dma_start3A_19 : memref<1x196x16xf32, #tpu.memory_space<hbm>> -> memref<196x16xf32, #tpu.memory_space<hbm>>
      tpu.enqueue_dma source(%arg12 : memref<196x16xf32, #tpu.memory_space<vmem>>) target(%dma_start3A_20 : memref<196x16xf32, #tpu.memory_space<hbm>>) target_semaphore(%run_scoped3A_15 : memref<!tpu.dma_semaphore, #tpu.memory_space<semaphore_mem>>)
      %dma_wait3A = arith.constant 0 : i32
      %dma_wait3A_21 = tpu.memref_slice %arg6[%run_scoped3A_14, %mul3A_2, %dma_wait3A] : memref<2x6272x16xf32, #tpu.memory_space<hbm>> -> memref<1x196x16xf32, #tpu.memory_space<hbm>>
      %dma_wait3A_22 = tpu.memref_squeeze %dma_wait3A_21 : memref<1x196x16xf32, #tpu.memory_space<hbm>> -> memref<196x16xf32, #tpu.memory_space<hbm>>
      %dma_wait3A_23 = arith.constant 0 : i32
      %dma_wait3A_24 = tpu.memref_slice %arg6[%run_scoped3A_14, %mul3A_2, %dma_wait3A_23] : memref<2x6272x16xf32, #tpu.memory_space<hbm>> -> memref<1x196x16xf32, #tpu.memory_space<hbm>>
      %dma_wait3A_25 = tpu.memref_squeeze %dma_wait3A_24 : memref<1x196x16xf32, #tpu.memory_space<hbm>> -> memref<196x16xf32, #tpu.memory_space<hbm>>
      tpu.wait_dma2 semaphore(%run_scoped3A_15 : memref<!tpu.dma_semaphore, #tpu.memory_space<semaphore_mem>>) src(%arg12 : memref<196x16xf32, #tpu.memory_space<vmem>>) dst(%dma_wait3A_25 : memref<196x16xf32, #tpu.memory_space<hbm>>)
      tpu.yield
    }) : () -> ()
    return
  }
}

</mosaic_0001>

<sc_bundles>
// kernel: kernel.11.cloned.1.call-start
scs
__scs_entry_jumppad:
0x0: {  	(pc) =	sbr.rel $0x88, $3  }
0x1: {  	(tag) =	ssettag $0x0;
	lr =	simm.s32 $0x1  }
0x2: {  	[smem:$0x3F9B] =	sst lr;
	_ =	strace $0xD0000000  }
0x3: {  	_ = 	snop  }
0x4: {  	_ = 	snop  }
0x5: {  	_ = 	snop  }
0x6: {  	_ = 	snop  }
0x7: {  	_ = 	snop  }
__scs_overlays_trampoline_lowered:
0x8: {  	[smem:$0x3FAA] =	sst s0  }
0x9: {  	[smem:$0x3FAB] =	sst s1  }
0xa: {  	[smem:$0x3FAC] =	sst s2  }
0xb: {  	[smem:$0x3FAD] =	sst s3  }
0xc: {  	[smem:$0x3FAE] =	sst s4  }
0xd: {  	[smem:$0x3FAF] =	sst s5  }
0xe: {  	[smem:$0x3FB0] =	sst s6  }
0xf: {  	[smem:$0x3FB1] =	sst s7  }
0x10: {  	[smem:$0x3FB2] =	sst s8  }
0x11: {  	[smem:$0x3FB3] =	sst s9;
	s0 =	simm.s32 @!p0 $0x0  }
0x12: {  	s1 =	sld [smem:$0x3F99];
	s0 =	simm.s32 @p0 $0x1  }
0x13: {  	[smem:$0x3FB4] =	sst s0;
	s0 =	simm.s32 @!p1 $0x0  }
0x14: {  	s2 =	sld [smem:$0x3F98];
	s0 =	simm.s32 @p1 $0x1  }
0x15: {  	[smem:$0x3FB5] =	sst s0;
	s0 =	simm.s32 @!p2 $0x0  }
0x16: {  	s3 =	sld [smem:$0x3FDB];
	s0 =	simm.s32 @p2 $0x1  }
0x17: {  	s4 =	simm.s32 $0x1BF5;
	[smem:$0x3FB7] =	sst s0  }
0x18: {  	s0 =	sld [smem:$0x3F9A];
	_ =	swait.ge [sflag:s4], $0x0  }
0x19: {  	s7 =	sld [smem:$0x3F9B]  }
0x1a: {  	s8 =	sadd.s32 $0xFFFFE003, lr  }
0x1b: {  	s9 =	sadd.s32 $0xFFFFFEF7, lr;
	s5 =	simm.s32 $0xFFFFFFFF;
	p2 =	slt.u32 s8, $0xFFFFF086  }
0x1c: {  	p1 =	slt.u32 s9, $0xF7A;
	s5 =	simm.s32 @!p2 $0x0  }
0x1d: {  	s5 =	simm.s32 @p1 $0x1;
	p0 =	seq.s32 s7, s2  }
0x1e: {  	s7 =	smul.u32 @!p0 $0xF7A, s2;
	p2 =	seq.s32 @!p0 s5, $0x0  }
0x1f: {  	s9 =	smul.u32 $0xF7A, s1;
	s8 =	simm.s32 @!p0 $0x1BF5;
	p2 =	por !p2, p0  }
0x20: {  	[sflag:s8] =	ssyncset.s32 @!p0 $0xFFFFF086;
	s6 =	sadd.s32 @!p0 s3, s7;
	s7 =	simm.s32 @!p0 $0x108  }
0x21: {  	s3 =	sadd.s32 s3, s9;
	s6 =	sadd.s32 @!p0 $0x88, s6;
	s7 =	simm.s32 @p2 $0x1082  }
0x22: {  	[simem:s7], [sflag:s8] =	dma.local @!p0 [hbm:s6], $0xF7A  }
0x23: {  	s9 =	sor.u32 $0xD0000000, s2;
	s6 =	simm.s32 $0x108;
	_ =	swait.ge @!p0 [sflag:s8], $0x0  }
0x24: {  	s3 =	sadd.s32 $0x88, s3;
	s6 =	simm.s32 @!p1 $0x1082;
	[sflag:s4] =	ssyncset.s32 $0xFFFFF086  }
0x25: {  	[simem:s6], [sflag:s4] =	dma.local [hbm:s3], $0xF7A  }
0x26: {  	[smem:$0x3F9B] =	sst s1;
	(tag) =	ssettag s2;
	_ =	strace s9  }
0x27: {  	s1 =	sld [smem:$0x3FAB]  }
0x28: {  	s2 =	sld [smem:$0x3FAC]  }
0x29: {  	s4 =	sld [smem:$0x3FAE]  }
0x2a: {  	p0 =	seq.s32 s5, $0x0;
	s5 =	sld [smem:$0x3FAF]  }
0x2b: {  	s6 =	sld [smem:$0x3FB0]  }
0x2c: {  	s7 =	sld [smem:$0x3FB1]  }
0x2d: {  	s3 =	simm.s32 $0x108;
	s8 =	sld [smem:$0x3FB2]  }
0x2e: {  	s3 =	simm.s32 @!p0 $0x1082;
	s9 =	sld [smem:$0x3FB3]  }
0x2f: {  	lr =	sadd.s32 s0, s3;
	s0 =	sld [smem:$0x3FAA]  }
0x30: {  	s3 =	sld [smem:$0x3FAD]  }
0x31: {  	[smem:$0x3FB6] =	sst s10  }
0x32: {  	s10 =	sld [smem:$0x3FB4];
	_ =	sdelay $0x3  }
0x33: {  	p0 =	seq.s32 s10, $0x1;
	s10 =	sld [smem:$0x3FB6];
	_ =	sdelay $0x3  }
0x34: {  	[smem:$0x3FB6] =	sst s10  }
0x35: {  	s10 =	sld [smem:$0x3FB5];
	_ =	sdelay $0x3  }
0x36: {  	p1 =	seq.s32 s10, $0x1;
	s10 =	sld [smem:$0x3FB6];
	_ =	sdelay $0x3  }
0x37: {  	[smem:$0x3FB6] =	sst s10  }
0x38: {  	s10 =	sld [smem:$0x3FB7]  }
0x39: {  	_ = 	snop;
	(pc) =	sbr.ind lr, $3  }
0x3a: {  	_ = 	snop  }
0x3b: {  	_ = 	snop  }
0x3c: {  	p2 =	seq.s32 s10, $0x1;
	s10 =	sld [smem:$0x3FB6]  }
0x3d: {  	_ =	shalt  }
0x3e: {  	_ =	shalt  }
0x3f: {  	_ =	shalt  }
0x40: {  	_ =	shalt  }
0x41: {  	_ =	shalt  }
0x42: {  	_ =	shalt  }
0x43: {  	_ =	shalt  }
0x44: {  	_ =	shalt  }
0x45: {  	_ =	shalt  }
0x46: {  	_ =	shalt  }
0x47: {  	_ =	shalt  }
0x48: {  	_ =	shalt  }
0x49: {  	_ =	shalt  }
0x4a: {  	_ =	shalt  }
0x4b: {  	_ =	shalt  }
0x4c: {  	_ =	shalt  }
0x4d: {  	_ =	shalt  }
0x4e: {  	_ =	shalt  }
0x4f: {  	_ =	shalt  }
0x50: {  	_ =	shalt  }
0x51: {  	_ =	shalt  }
0x52: {  	_ =	shalt  }
0x53: {  	_ =	shalt  }
0x54: {  	_ =	shalt  }
0x55: {  	_ =	shalt  }
0x56: {  	_ =	shalt  }
0x57: {  	_ =	shalt  }
0x58: {  	_ =	shalt  }
0x59: {  	_ =	shalt  }
0x5a: {  	_ =	shalt  }
0x5b: {  	_ =	shalt  }
0x5c: {  	_ =	shalt  }
0x5d: {  	_ =	shalt  }
0x5e: {  	_ =	shalt  }
0x5f: {  	_ =	shalt  }
0x60: {  	_ =	shalt  }
0x61: {  	_ =	shalt  }
0x62: {  	_ =	shalt  }
0x63: {  	_ =	shalt  }
0x64: {  	_ =	shalt  }
0x65: {  	_ =	shalt  }
0x66: {  	_ =	shalt  }
0x67: {  	_ =	shalt  }
0x68: {  	_ =	shalt  }
0x69: {  	_ =	shalt  }
0x6a: {  	_ =	shalt  }
0x6b: {  	_ =	shalt  }
0x6c: {  	_ =	shalt  }
0x6d: {  	_ =	shalt  }
0x6e: {  	_ =	shalt  }
0x6f: {  	_ =	shalt  }
0x70: {  	_ =	shalt  }
0x71: {  	_ =	shalt  }
0x72: {  	_ =	shalt  }
0x73: {  	_ =	shalt  }
0x74: {  	_ =	shalt  }
0x75: {  	_ =	shalt  }
0x76: {  	_ =	shalt  }
0x77: {  	_ =	shalt  }
0x78: {  	_ =	shalt  }
0x79: {  	_ =	shalt  }
0x7a: {  	_ =	shalt  }
0x7b: {  	_ =	shalt  }
0x7c: {  	_ =	shalt  }
0x7d: {  	_ =	shalt  }
0x7e: {  	_ =	shalt  }
0x7f: {  	_ =	shalt  }
0x80: {  	_ =	shalt  }
0x81: {  	_ =	shalt  }
0x82: {  	_ =	shalt  }
0x83: {  	_ =	shalt  }
0x84: {  	_ =	shalt  }
0x85: {  	_ =	shalt  }
0x86: {  	_ =	shalt  }
0x87: {  	_ =	shalt  }
.Lfunc_end0:
.L_simem_size_0:
called_computation.2_lowered:
.L_overlay_start_0:
0x88: {  	s2 =	sld [smem:$0x3FD9]  }
0x89: {  	s3 =	sld [smem:$0x3FFE];
	_ =	sdelay $0x1  }
0x8a: {  	s1 =	srdreg.scid  }
0x8b: {  	s0 =	sand.u32 $0x1, s1  }
0x8c: {  	s17 =	sshll.u32 s0, $0xA;
	s2 =	sadd.s32 s3, s2  }
0x8d: {  	s2 =	sadd.s32 s2, s17  }
0x8e: {  	[smem:$0x3FC2] =	sst s2  }
0x8f: {  	_ = 	snop  }
0x90: {  	s18 =	sld [smem:$0x3FD0];
	(tm) =	ssettm $0x1  }
0x91: {  	s19 =	sld [smem:$0x3FFB];
	_ =	sdelay $0x3  }
0x92: {  	_ =	strace s19  }
0x93: {  	s2 =	sld [smem:$0x3FFC];
	_ =	sdelay $0x3  }
0x94: {  	_ =	strace s2  }
0x95: {  	s2 =	sld [smem:$0x3FFD];
	_ =	sdelay $0x3  }
0x96: {  	_ =	strace s2  }
0x97: {  	_ =	strace $0x8FFFFFFF  }
0x98: {  	s20 =	sld [smem:$0x3FDB];
	_ =	sdelay $0x1  }
0x99: {  	s4 =	simm.s32 $_scs_section_size  }
0x9a: {  	s5 =	simm.s32 $_size__tile_overlayer_lowered;
	s6 =	simm.s32 $_tile_overlayer_lowered  }
0x9b: {  	s7 =	simm.s32 $0x1BFF;
	s21 =	sshll.u32 s6, $0x1;
	s4 =	sadd.s32 s4, s20  }
0x9c: {  	s22 =	simm.s32 $0x0;
	s5 =	sshll.u32 s5, $0x1;
	s6 =	sadd.s32 s21, s4  }
0x9d: {  	[timem:s22], [sflag:s7] =	dma.local [hbm:s6], s5  }
0x9e: {  	_ =	swait.ge [sflag:s7], s5  }
0x9f: {  	s5 =	ssub.s32 $0x0, s5;
	[sflag:s7] =	ssyncset.done $0x0  }
0xa0: {  	[sflag:s7] =	ssyncadd.s32 s5;
	_ =	sdelay $0x1  }
0xa1: {  	s23 =	simm.s32 $0x1B8B  }
0xa2: {  	_ =	swait.ge [sflag:s23], $0x1  }
0xa3: {  	[sflag:s23] =	ssyncset.done $0x0  }
0xa4: {  	[sflag:s23] =	ssyncadd.s32 $0xFFFFFFFF  }
0xa5: {  	s5 =	sld [smem:$0x0]  }
0xa6: {  	s6 =	sand.u32 $0xFFFFFFFE, s1  }
0xa7: {  	p0 =	sne.s32 s1, s6  }
0xa8: {  	s6 =	sshll.u32 @p0 s6, $0xE  }
0xa9: {  	s6 =	sadd.s32 @p0 $0x11B8D, s6;
	s7 =	sshll.u32 @p0 s5, $0x11  }
0xaa: {  	s6 =	sor.u32 @p0 s7, s6  }
0xab: {  	[sflag:s6] =	ssyncadd.remote.s32 @p0 $0x1;
	_ =	sdelay $0x1  }
0xac: {  	s6 =	simm.s32 @p0 $0x1B8D  }
0xad: {  	_ =	swait.eq @p0 [sflag:s6], $0x1  }
0xae: {  	[sflag:s6] =	ssyncadd.s32 @p0 $0xFFFFFFFF  }
0xaf: {  	s7 =	sshll.u32 @!p0 s1, $0xE  }
0xb0: {  	s7 =	sor.u32 @!p0 $0x4000, s7;
	s6 =	simm.s32 @!p0 $0x1B8D  }
0xb1: {  	s5 =	sshll.u32 @!p0 s5, $0x11;
	s7 =	sadd.s32 @!p0 $0x11B8D, s7;
	_ =	swait.eq @!p0 [sflag:s6], $0x1  }
0xb2: {  	s5 =	sor.u32 @!p0 s5, s7;
	[sflag:s6] =	ssyncadd.s32 @!p0 $0xFFFFFFFF  }
0xb3: {  	s25 =	simm.s32 $0x1B8E;
	s24 =	sld [smem:$0x3FFE];
	[sflag:s5] =	ssyncadd.remote.s32 @!p0 $0x1  }
0xb4: {  	s26 =	simm.s32 $execute0_lowered;
	[smem:$0x3FD2] =	sst s25  }
0xb5: {  	s6 =	sshll.u32 s26, $0x1;
	_ =	strace $0x8000004C;
	[dreg:$0x1] =	wrdreg $0xFFFFFFFF  }
0xb6: {  	s28 =	simm.s32 $_size_execute0_lowered;
	s4 =	sadd.s32 s4, s6;
	[dreg:$0x0] =	wrdreg $0x0  }
0xb7: {  	s6 =	sshll.u32 s28, $0x1;
	[dreg:$0x2] =	wrdreg s4  }
0xb8: {  	[dreg:$0x3] =	wrdreg s6  }
0xb9: {  	[dreg:$0x4] =	wrdreg $0xC0  }
0xba: {  	_ =	task [dreg:s22], $0x5FFFF  }
0xbb: {  	[dreg:$0x1] =	wrdreg $0xFFFFFFFF  }
0xbc: {  	[dreg:$0x0] =	wrdreg $0x60  }
0xbd: {  	[dreg:$0x2] =	wrdreg s24  }
0xbe: {  	[dreg:$0x3] =	wrdreg s18  }
0xbf: {  	[dreg:$0x4] =	wrdreg $0xA  }
0xc0: {  	_ =	task.clear_ibuf [dreg:s22], $0x5FFFF;
	_ =	strace $0x9000004C  }
0xc1: {  	s29 =	simm.s32 $0xA;
	_ =	strace $0x8000004E  }
0xc2: {  	_ =	swait.ge [sflag:s29], $0x1  }
0xc3: {  	[sflag:s29] =	ssyncadd.s32 $0xFFFFFFFF  }
0xc4: {  	_ =	strace $0x9000004E  }
0xc5: {  	_ =	sfence  }
0xc6: {  	s30 =	sld [smem:$0x0];
	_ =	sdelay $0x2  }
0xc7: {  	s31 =	sshll.u32 s1, $0xD;
	s1 =	sshrl.u32 s1, $0x2  }
0xc8: {  	s4 =	sand.u32 $0x4000, s31;
	s1 =	sadd.s32 s1, s30  }
0xc9: {  	s0 =	sor.u32 s4, s0;
	s1 =	sshll.u32 s1, $0x11  }
0xca: {  	s0 =	sor.u32 s1, s0  }
0xcb: {  	s0 =	sadd.s32 $0x8F2B, s0  }
0xcc: {  	[sflag:s0] =	ssyncadd.remote.s32 $0x1  }
0xcd: {  	_ =	sfence.sel $0xFFFF  }
0xce: {  	[dreg:$0x0] =	wrdreg $0xFFFFFFFF;
	(pc) =	sbr.abs _section_cstart, $3  }
0xcf: {  	[dreg:$0x1] =	wrdreg $0xFFFFFFFF  }
0xd0: {  	_ =	task.clear_ibuf [dreg:s22], $0x2FFFF;
	_ =	strace $0x9FFFFFFF  }
0xd1: {  	(tm) =	ssettm $0x7FFFFFFF  }
tec
execute0_lowered:
.L_overlay_start_1:
0x0: {  	(tag) =	ssettag $0x1  }
0x1: {  	s0 =	srdreg.scid;
	s4 =	rddreg [dreg:$0x0]  }
0x2: {  	s6 =	rddreg [dreg:$0x1];
	s1 =	stileid.u32  }
0x3: {  	s2 =	simm.s32 $0x0;
	s13 =	simm.s32 $0xC40;
	s14 =	simm.s32 $0x1880  }
0x4: {  	s15 =	simm.s32 $0x24C0;
	s16 =	simm.s32 $0x3D40;
	s5 =	sand.u32 $0x1, s0  }
0x5: {  	s17 =	simm.s32 $0x3100;
	s0 =	rddreg [dreg:$0x2];
	s3 =	sshll.u32 s5, $0x4  }
0x6: {  	s18 =	simm.s32 $0x0;
	[smem:$0x7FF] =	sst s2;
	s3 =	sor.u32 s1, s3  }
0x7: {  	s9 =	sadd.s32 $0x18C200, s4;
	s5 =	ssub.s32 $0x2, s5;
	s7 =	smul.u32 $0xC40, s3  }
0x8: {  	_ =	strace $0x8000004D;
	s31 =	sshrl.u32 s5, $0x1;
	s8 =	smul.u32 $0x188, s3  }
0x9: {  	s3 =	sadd.s32 $0x7E00, s4;
	s12 =	ssub.s32 s5, s31;
	s10 =	sadd.s32 s7, s4  }
0xa: {  	s11 =	sadd.s32 s8, s4;
	s7 =	sshrl.u32 s7, $0x3;
	s5 =	sadd.s32 s6, s8  }
0xb: {  	vm0 =	vcmask $0x3F24;
	vm1 =	vcmask $0x1F04;
	s6 =	sadd.s32 s9, s8;
	s4 =	sadd.s32 $0x4C00, s11;
	s7 =	sadd.s32 s9, s7  }
0xc: {  	v0 =	vlaneseq.u32;
	v1 =	vimm.s32 $0x0;
	v3 =	vimm.f32 $0.0e+00;
	s8 =	sadd.s32 $0x20800, s11;
	s9 =	sadd.s32 $0x8000, s10;
	s10 =	smax.u32 s12, $0x1  }
0xd: {  	vm0 =	vmor vm1, vm0;
	v2 =	vand.u32 $0x7, v0;
	v4 =	vmul.u32 $0x8, v0;
	s11 =	simm.s32 $0x9F40;
	s12 =	simm.s32 $0x1;
	s7 =	sadd.s32 $0x3100, s7  }
.LBB2_1:
0xe: {  	[tilespmem:s11], [sflag:$0x1] =	stream.linear.gather [hbm4b:s3+s2], $0x20, $0x38;
	[tilespmem:$0x9F60] =	vst v63  }
0xf: {  	_ =	swait.ge [sflag:s12], $0x20  }
0x10: {  	[sflag:s12] =	ssyncset.done $0x0  }
0x11: {  	[sflag:s12] =	ssyncadd.s32 $0xFFFFFFE0  }
0x12: {  	[tilespmem:s2], [sflag:$0x1] =	stream.linear.gather [hbm4b:s4+s2], $0xC40, $0x38;
	[tilespmem:$0x9F60] =	vst v63  }
0x13: {  	_ =	swait.ge [sflag:s12], $0xC40  }
0x14: {  	[sflag:s12] =	ssyncset.done $0x0  }
0x15: {  	[sflag:s12] =	ssyncadd.s32 $0xFFFFF3C0  }
0x16: {  	[tilespmem:s13], [sflag:$0x1] =	stream.linear.gather [hbm4b:s5+s2], $0xC40, $0x38;
	[tilespmem:$0x9F60] =	vst v63  }
0x17: {  	v5 =	vmov s2;
	_ =	swait.ge [sflag:s12], $0xC40  }
0x18: {  	vm1 =	veq.s32 v5, v0;
	[sflag:s12] =	ssyncset.done $0x0  }
0x19: {  	vm1 =	vmand vm1, vm0;
	[sflag:s12] =	ssyncadd.s32 $0xFFFFF3C0  }
0x1a: {  	v5 =	vsel vm1, $0xFFFFFFFF, v1;
	[tilespmem:s14], [sflag:$0x1] =	stream.linear.gather [hbm4b:s6+s2], $0xC40, $0x38;
	[tilespmem:$0x9F60] =	vst v63  }
0x1b: {  	v5 =	vshll.u32 v5, $0x3;
	_ =	swait.ge [sflag:s12], $0xC40  }
0x1c: {  	s20 =	simm.s32 $0x10;
	v5 =	vadd.s32 s2, v5;
	[sflag:s12] =	ssyncset.done $0x0  }
0x1d: {  	v6 =	vmov s20;
	v5 =	vadd.s32 v0, v5;
	[sflag:s12] =	ssyncadd.s32 $0xFFFFF3C0  }
0x1e: {  	vm1 =	veq.s32 v6, v0;
	v5 =	vand.u32 $0xFFFFFFF8, v5;
	[tilespmem:s15], [sflag:$0x1] =	stream.linear.gather [hbm4b:s7+s2], $0xC40, $0x38;
	[tilespmem:$0x9F60] =	vst v63  }
0x1f: {  	vm1 =	vmand vm1, vm0;
	v5 =	vor.u32 v2, v5;
	_ =	swait.ge [sflag:s12], $0xC40  }
0x20: {  	v6 =	vsel vm1, $0xFFFFFFFF, v1;
	[sflag:s12] =	ssyncset.done $0x0  }
0x21: {  	v6 =	vshll.u32 v6, $0x3;
	[sflag:s12] =	ssyncadd.s32 $0xFFFFF3C0  }
0x22: {  	s19 =	simm.s32 $0x20;
	v6 =	vadd.s32 s20, v6;
	v12 =	vld [tilespmem:$0x9F40]  }
.LBB2_2:
0x23: {  	v7 =	vmov s19;
	p0 =	seq.s32 s19, $0x61F0;
	v6 =	vadd.s32 v0, v6;
	s20 =	smov.u32 s19;
	s19 =	sadd.s32 $0x10, s19  }
.Ltmp0:
0x24: {  	vm1 =	veq.s32 v7, v0;
	v6 =	vand.u32 $0xFFFFFFF8, v6;
	[tilespmem:v5+s16+$0x0] =	vst.idx.msk $0xffff, v3;
	(pc) =	sbr.rel @!p0 .LBB2_2-.Ltmp0, $4  }
0x25: {  	vm1 =	vmand vm1, vm0;
	v5 =	vor.u32 v2, v6  }
0x26: {  	v6 =	vsel vm1, $0xFFFFFFFF, v1  }
0x27: {  	v6 =	vshll.u32 v6, $0x3  }
0x28: {  	v6 =	vadd.s32 s20, v6  }
0x29: {  	v6 =	vadd.s32 v0, v6  }
0x2a: {  	v6 =	vand.u32 $0xFFFFFFF8, v6  }
0x2b: {  	v6 =	vor.u32 v2, v6;
	_ =	sdelay $0x3  }
0x2c: {  	[tilespmem:v5+s16+$0x0] =	vst.idx.msk $0xffff, v3  }
0x2d: {  	s20 =	simm.s32 $0x24C0;
	[tilespmem:v6+s16+$0x0] =	vst.idx.msk $0xffff, v3  }
0x2e: {  	s19 =	simm.s32 $0x1880;
	v13 =	vld [tilespmem:s20+$0x0]  }
0x2f: {  	v14 =	vld [tilespmem:s19+$0x0];
	_ =	sdelay $0x4  }
0x30: {  	v13 =	vadd.f32 v13, v14;
	_ =	sdelay $0x1  }
0x31: {  	v14 =	vshra.s32 v13, $0x1;
	v13 =	vmul.f32 $5.000000000e-01, v13  }
0x32: {  	v14 =	vsub.s32 $0x5F3759DF, v14  }
0x33: {  	v15 =	vmul.f32 v14, v13;
	_ =	sdelay $0x1  }
0x34: {  	v15 =	vmul.f32 v14, v15;
	_ =	sdelay $0x1  }
0x35: {  	v15 =	vsub.f32 $1.500000000e+00, v15;
	_ =	sdelay $0x1  }
0x36: {  	v14 =	vmul.f32 v14, v15;
	_ =	sdelay $0x1  }
0x37: {  	v15 =	vmul.f32 v14, v13;
	_ =	sdelay $0x1  }
0x38: {  	v15 =	vmul.f32 v15, v14;
	_ =	sdelay $0x1  }
0x39: {  	v15 =	vsub.f32 $1.500000000e+00, v15;
	_ =	sdelay $0x1  }
0x3a: {  	v14 =	vmul.f32 v15, v14;
	_ =	sdelay $0x1  }
0x3b: {  	v13 =	vmul.f32 v14, v13;
	_ =	sdelay $0x1  }
0x3c: {  	v13 =	vmul.f32 v13, v14;
	_ =	sdelay $0x1  }
0x3d: {  	v13 =	vsub.f32 $1.500000000e+00, v13;
	_ =	sdelay $0x1  }
0x3e: {  	v13 =	vmul.f32 v13, v14  }
0x3f: {  	s21 =	simm.s32 $0x3100  }
0x40: {  	s22 =	simm.s32 $0x0;
	[tilespmem:s21+$0x0] =	vst v13  }
0x41: {  	s23 =	simm.s32 $0xC40;
	v14 =	vld [tilespmem:s22+$0x0]  }
0x42: {  	v15 =	vld [tilespmem:s23+$0x0]  }
0x43: {  	v5 =	vbroadcast v12, $0x0;
	v7 =	vbroadcast v12, $0x1  }
0x44: {  	v8 =	vbroadcast v12, $0x5;
	v9 =	vbroadcast v12, $0x2  }
0x45: {  	v10 =	vbroadcast v12, $0x6;
	v6 =	vbroadcast v12, $0x4  }
0x46: {  	v11 =	vbroadcast v12, $0x3;
	v16 =	vmov s22;
	v12 =	vbroadcast v12, $0x7  }
0x47: {  	v16 =	vshll.u32 v16, $0x3;
	v17 =	vmul.f32 v14, v5;
	v18 =	vmul.f32 v15, v6  }
0x48: {  	v20 =	vor.u32 v4, v16;
	v16 =	vmul.f32 v14, v7;
	v19 =	vmul.f32 v15, v8  }
0x49: {  	v21 =	vmul.f32 v14, v9;
	v22 =	vmul.f32 v15, v10;
	v17 =	vadd.f32 v18, v17  }
0x4a: {  	v18 =	vmul.f32 v15, v12;
	v15 =	vadd.f32 v19, v16;
	v16 =	vor.u32 $0x1, v20  }
0x4b: {  	v19 =	vmul.f32 v14, v11;
	v21 =	vadd.f32 v22, v21;
	v14 =	vor.u32 $0x2, v20  }
0x4c: {  	v23 =	vmul.f32 v13, v17;
	v17 =	vmul.f32 v13, v15;
	v15 =	vor.u32 $0x3, v20  }
0x4d: {  	v19 =	vadd.f32 v18, v19  }
0x4e: {  	s24 =	simm.s32 $0xC50;
	s22 =	simm.s32 $0x10;
	s23 =	simm.s32 $0x10;
	v18 =	vmul.f32 v13, v21;
	[tilespmem:v20+s16+$0x0] =	vst.idx.msk $0xffff, v23  }
.LBB2_4:
0x4f: {  	[tilespmem:v16+s16+$0x0] =	vst.idx.msk $0xffff, v17;
	v13 =	vmul.f32 v13, v19;
	s19 =	sadd.s32 $0x10, s19;
	s20 =	sadd.s32 $0x10, s20;
	s21 =	sadd.s32 $0x10, s21  }
0x50: {  	p0 =	sne.s32 s22, $0xC30;
	s25 =	smov.u32 s22;
	s22 =	sadd.s32 $0x10, s22;
	[tilespmem:v14+s16+$0x0] =	vst.idx.msk $0xffff, v18  }
0x51: {  	[tilespmem:v15+s16+$0x0] =	vst.idx.msk $0xffff, v13  }
0x52: {  	v13 =	vld [tilespmem:s20+$0x0]  }
0x53: {  	v14 =	vld [tilespmem:s19+$0x0];
	_ =	sdelay $0x4  }
0x54: {  	v13 =	vadd.f32 v13, v14;
	_ =	sdelay $0x1  }
0x55: {  	v14 =	vshra.s32 v13, $0x1;
	v13 =	vmul.f32 $5.000000000e-01, v13  }
0x56: {  	v14 =	vsub.s32 $0x5F3759DF, v14  }
0x57: {  	v15 =	vmul.f32 v14, v13;
	_ =	sdelay $0x1  }
0x58: {  	v15 =	vmul.f32 v14, v15;
	_ =	sdelay $0x1  }
0x59: {  	v15 =	vsub.f32 $1.500000000e+00, v15;
	_ =	sdelay $0x1  }
0x5a: {  	v14 =	vmul.f32 v14, v15;
	_ =	sdelay $0x1  }
0x5b: {  	v15 =	vmul.f32 v14, v13;
	_ =	sdelay $0x1  }
0x5c: {  	v15 =	vmul.f32 v15, v14;
	_ =	sdelay $0x1  }
0x5d: {  	v15 =	vsub.f32 $1.500000000e+00, v15;
	_ =	sdelay $0x1  }
0x5e: {  	v14 =	vmul.f32 v15, v14;
	_ =	sdelay $0x1  }
0x5f: {  	v13 =	vmul.f32 v14, v13;
	_ =	sdelay $0x1  }
0x60: {  	v13 =	vmul.f32 v13, v14;
	_ =	sdelay $0x1  }
0x61: {  	v13 =	vsub.f32 $1.500000000e+00, v13;
	_ =	sdelay $0x1  }
0x62: {  	v13 =	vmul.f32 v13, v14;
	_ =	sdelay $0x1  }
0x63: {  	[tilespmem:s21+$0x0] =	vst v13  }
0x64: {  	v15 =	vld [tilespmem:s23+$0x0]  }
0x65: {  	v17 =	vld [tilespmem:s24+$0x0];
	_ =	sdelay $0x2  }
0x66: {  	v14 =	vmov s25  }
0x67: {  	v14 =	vshll.u32 v14, $0x3;
	v16 =	vmul.f32 v15, v5;
	v18 =	vmul.f32 v15, v9  }
0x68: {  	v20 =	vor.u32 v4, v14;
	v21 =	vmul.f32 v15, v7;
	v19 =	vmul.f32 v17, v6  }
0x69: {  	v14 =	vor.u32 $0x2, v20;
	v22 =	vmul.f32 v17, v8;
	v23 =	vmul.f32 v17, v10  }
.Ltmp1:
0x6a: {  	v24 =	vmul.f32 v17, v12;
	v19 =	vadd.f32 v19, v16;
	v16 =	vor.u32 $0x1, v20;
	(pc) =	sbr.rel @p0 .LBB2_4-.Ltmp1, $4  }
0x6b: {  	v17 =	vadd.f32 v22, v21;
	v21 =	vmul.f32 v15, v11;
	v15 =	vor.u32 $0x3, v20  }
0x6c: {  	v18 =	vadd.f32 v23, v18;
	v22 =	vmul.f32 v13, v19  }
0x6d: {  	v17 =	vmul.f32 v13, v17;
	v19 =	vadd.f32 v24, v21  }
0x6e: {  	s23 =	sadd.s32 $0x10, s23;
	s24 =	sadd.s32 $0x10, s24;
	v18 =	vmul.f32 v13, v18;
	[tilespmem:v20+s16+$0x0] =	vst.idx.msk $0xffff, v22  }
0x6f: {  	_ =	sdelay $0x3  }
0x70: {  	[tilespmem:v16+s16+$0x0] =	vst.idx.msk $0xffff, v17;
	v5 =	vmul.f32 v13, v19  }
0x71: {  	[tilespmem:v14+s16+$0x0] =	vst.idx.msk $0xffff, v18  }
0x72: {  	[tilespmem:v15+s16+$0x0] =	vst.idx.msk $0xffff, v5  }
0x73: {  	[hbm4b:s8+s2] =	stream.linear.scatter [tilespmem:s17], [sflag:$0x1], $0xC40, $0x38;
	[tilespmem:$0x9F60] =	vst v63  }
0x74: {  	s18 =	sadd.s32 $0x1, s18;
	_ =	swait.ge [sflag:s12], $0xC40  }
0x75: {  	p0 =	sne.s32 s18, s10;
	[sflag:s12] =	ssyncset.done $0x0  }
.Ltmp2:
0x76: {  	[sflag:s12] =	ssyncadd.s32 $0xFFFFF3C0;
	(pc) =	sbr.rel @p0 .LBB2_1-.Ltmp2, $4  }
0x77: {  	[hbm4b:s9+s2] =	stream.linear.scatter [tilespmem:s16], [sflag:$0x1], $0x6200, $0x38;
	[tilespmem:$0x9F60] =	vst v63  }
0x78: {  	_ =	swait.ge [sflag:s12], $0x6200  }
0x79: {  	[sflag:s12] =	ssyncset.done $0x0  }
0x7a: {  	[sflag:s12] =	ssyncadd.s32 $0xFFFF9E00  }
0x7b: {  	_ =	sfence.sel $0x180000  }
0x7c: {  	[bflag:$0x0] =	sbarrier.arrive $0xFFFF  }
0x7d: {  	p0 =	sne.s32 s1, $0x0;
	_ =	strace $0x9000004D  }
0x7e: {  	s0 =	sadd.s32 @!p0 $0x100000, s0;
	[bflag:$0x2] =	sbarrier.arrive $0xFFFF  }
0x7f: {  	[sflag:s0] =	ssyncadd.tile.s32 @!p0 $0x1;
	_ =	shalt  }
.Lfunc_end2:
_tile_overlayer_lowered:
.L_overlay_start_2:
0x80: {  	(tag) =	ssettag $0x2  }
0x81: {  	s0 =	rddreg [dreg:$0x0];
	s2 =	stileid.u32  }
0x82: {  	s1 =	rddreg [dreg:$0x1];
	p0 =	sne.s32 s2, $0x0  }
0x83: {  	s3 =	rddreg [dreg:$0x2];
	[bflag:$0x3] =	sbarrier.arrive $0xFFFF;
	s2 =	simm.s32 @!p0 $0x1C01  }
0x84: {  	[timem:s3], [sflag:s2] =	dma.local @!p0 [hbm:s0], s1  }
0x85: {  	s0 =	simm.s32 @!p0 $0x1  }
0x86: {  	_ =	swait.ge @!p0 [sflag:s0], s1  }
0x87: {  	s1 =	ssub.s32 @!p0 $0x0, s1;
	[sflag:s0] =	ssyncset.done @!p0 $0x0  }
0x88: {  	[sflag:s0] =	ssyncadd.s32 @!p0 s1  }
0x89: {  	[bflag:$0x3] =	sbarrier.arrive $0xFFFF  }
0x8a: {  	_ =	shalt  }

// kernel: kernel.14.cloned.1.call-start
scs
__scs_entry_jumppad:
0x0: {  	(pc) =	sbr.rel $0x88, $3  }
0x1: {  	(tag) =	ssettag $0x0;
	lr =	simm.s32 $0x1  }
0x2: {  	[smem:$0x3F9B] =	sst lr;
	_ =	strace $0xD0000000  }
0x3: {  	_ = 	snop  }
0x4: {  	_ = 	snop  }
0x5: {  	_ = 	snop  }
0x6: {  	_ = 	snop  }
0x7: {  	_ = 	snop  }
__scs_overlays_trampoline_lowered:
0x8: {  	[smem:$0x3FAA] =	sst s0  }
0x9: {  	[smem:$0x3FAB] =	sst s1  }
0xa: {  	[smem:$0x3FAC] =	sst s2  }
0xb: {  	[smem:$0x3FAD] =	sst s3  }
0xc: {  	[smem:$0x3FAE] =	sst s4  }
0xd: {  	[smem:$0x3FAF] =	sst s5  }
0xe: {  	[smem:$0x3FB0] =	sst s6  }
0xf: {  	[smem:$0x3FB1] =	sst s7  }
0x10: {  	[smem:$0x3FB2] =	sst s8  }
0x11: {  	[smem:$0x3FB3] =	sst s9;
	s0 =	simm.s32 @!p0 $0x0  }
0x12: {  	s1 =	sld [smem:$0x3F99];
	s0 =	simm.s32 @p0 $0x1  }
0x13: {  	[smem:$0x3FB4] =	sst s0;
	s0 =	simm.s32 @!p1 $0x0  }
0x14: {  	s2 =	sld [smem:$0x3F98];
	s0 =	simm.s32 @p1 $0x1  }
0x15: {  	[smem:$0x3FB5] =	sst s0;
	s0 =	simm.s32 @!p2 $0x0  }
0x16: {  	s3 =	sld [smem:$0x3FDB];
	s0 =	simm.s32 @p2 $0x1  }
0x17: {  	s4 =	simm.s32 $0x1BF5;
	[smem:$0x3FB7] =	sst s0  }
0x18: {  	s0 =	sld [smem:$0x3F9A];
	_ =	swait.ge [sflag:s4], $0x0  }
0x19: {  	s7 =	sld [smem:$0x3F9B]  }
0x1a: {  	s8 =	sadd.s32 $0xFFFFE003, lr  }
0x1b: {  	s9 =	sadd.s32 $0xFFFFFEF7, lr;
	s5 =	simm.s32 $0xFFFFFFFF;
	p2 =	slt.u32 s8, $0xFFFFF086  }
0x1c: {  	p1 =	slt.u32 s9, $0xF7A;
	s5 =	simm.s32 @!p2 $0x0  }
0x1d: {  	s5 =	simm.s32 @p1 $0x1;
	p0 =	seq.s32 s7, s2  }
0x1e: {  	s7 =	smul.u32 @!p0 $0xF7A, s2;
	p2 =	seq.s32 @!p0 s5, $0x0  }
0x1f: {  	s9 =	smul.u32 $0xF7A, s1;
	s8 =	simm.s32 @!p0 $0x1BF5;
	p2 =	por !p2, p0  }
0x20: {  	[sflag:s8] =	ssyncset.s32 @!p0 $0xFFFFF086;
	s6 =	sadd.s32 @!p0 s3, s7;
	s7 =	simm.s32 @!p0 $0x108  }
0x21: {  	s3 =	sadd.s32 s3, s9;
	s6 =	sadd.s32 @!p0 $0x88, s6;
	s7 =	simm.s32 @p2 $0x1082  }
0x22: {  	[simem:s7], [sflag:s8] =	dma.local @!p0 [hbm:s6], $0xF7A  }
0x23: {  	s9 =	sor.u32 $0xD0000000, s2;
	s6 =	simm.s32 $0x108;
	_ =	swait.ge @!p0 [sflag:s8], $0x0  }
0x24: {  	s3 =	sadd.s32 $0x88, s3;
	s6 =	simm.s32 @!p1 $0x1082;
	[sflag:s4] =	ssyncset.s32 $0xFFFFF086  }
0x25: {  	[simem:s6], [sflag:s4] =	dma.local [hbm:s3], $0xF7A  }
0x26: {  	[smem:$0x3F9B] =	sst s1;
	(tag) =	ssettag s2;
	_ =	strace s9  }
0x27: {  	s1 =	sld [smem:$0x3FAB]  }
0x28: {  	s2 =	sld [smem:$0x3FAC]  }
0x29: {  	s4 =	sld [smem:$0x3FAE]  }
0x2a: {  	p0 =	seq.s32 s5, $0x0;
	s5 =	sld [smem:$0x3FAF]  }
0x2b: {  	s6 =	sld [smem:$0x3FB0]  }
0x2c: {  	s7 =	sld [smem:$0x3FB1]  }
0x2d: {  	s3 =	simm.s32 $0x108;
	s8 =	sld [smem:$0x3FB2]  }
0x2e: {  	s3 =	simm.s32 @!p0 $0x1082;
	s9 =	sld [smem:$0x3FB3]  }
0x2f: {  	lr =	sadd.s32 s0, s3;
	s0 =	sld [smem:$0x3FAA]  }
0x30: {  	s3 =	sld [smem:$0x3FAD]  }
0x31: {  	[smem:$0x3FB6] =	sst s10  }
0x32: {  	s10 =	sld [smem:$0x3FB4];
	_ =	sdelay $0x3  }
0x33: {  	p0 =	seq.s32 s10, $0x1;
	s10 =	sld [smem:$0x3FB6];
	_ =	sdelay $0x3  }
0x34: {  	[smem:$0x3FB6] =	sst s10  }
0x35: {  	s10 =	sld [smem:$0x3FB5];
	_ =	sdelay $0x3  }
0x36: {  	p1 =	seq.s32 s10, $0x1;
	s10 =	sld [smem:$0x3FB6];
	_ =	sdelay $0x3  }
0x37: {  	[smem:$0x3FB6] =	sst s10  }
0x38: {  	s10 =	sld [smem:$0x3FB7]  }
0x39: {  	_ = 	snop;
	(pc) =	sbr.ind lr, $3  }
0x3a: {  	_ = 	snop  }
0x3b: {  	_ = 	snop  }
0x3c: {  	p2 =	seq.s32 s10, $0x1;
	s10 =	sld [smem:$0x3FB6]  }
0x3d: {  	_ =	shalt  }
0x3e: {  	_ =	shalt  }
0x3f: {  	_ =	shalt  }
0x40: {  	_ =	shalt  }
0x41: {  	_ =	shalt  }
0x42: {  	_ =	shalt  }
0x43: {  	_ =	shalt  }
0x44: {  	_ =	shalt  }
0x45: {  	_ =	shalt  }
0x46: {  	_ =	shalt  }
0x47: {  	_ =	shalt  }
0x48: {  	_ =	shalt  }
0x49: {  	_ =	shalt  }
0x4a: {  	_ =	shalt  }
0x4b: {  	_ =	shalt  }
0x4c: {  	_ =	shalt  }
0x4d: {  	_ =	shalt  }
0x4e: {  	_ =	shalt  }
0x4f: {  	_ =	shalt  }
0x50: {  	_ =	shalt  }
0x51: {  	_ =	shalt  }
0x52: {  	_ =	shalt  }
0x53: {  	_ =	shalt  }
0x54: {  	_ =	shalt  }
0x55: {  	_ =	shalt  }
0x56: {  	_ =	shalt  }
0x57: {  	_ =	shalt  }
0x58: {  	_ =	shalt  }
0x59: {  	_ =	shalt  }
0x5a: {  	_ =	shalt  }
0x5b: {  	_ =	shalt  }
0x5c: {  	_ =	shalt  }
0x5d: {  	_ =	shalt  }
0x5e: {  	_ =	shalt  }
0x5f: {  	_ =	shalt  }
0x60: {  	_ =	shalt  }
0x61: {  	_ =	shalt  }
0x62: {  	_ =	shalt  }
0x63: {  	_ =	shalt  }
0x64: {  	_ =	shalt  }
0x65: {  	_ =	shalt  }
0x66: {  	_ =	shalt  }
0x67: {  	_ =	shalt  }
0x68: {  	_ =	shalt  }
0x69: {  	_ =	shalt  }
0x6a: {  	_ =	shalt  }
0x6b: {  	_ =	shalt  }
0x6c: {  	_ =	shalt  }
0x6d: {  	_ =	shalt  }
0x6e: {  	_ =	shalt  }
0x6f: {  	_ =	shalt  }
0x70: {  	_ =	shalt  }
0x71: {  	_ =	shalt  }
0x72: {  	_ =	shalt  }
0x73: {  	_ =	shalt  }
0x74: {  	_ =	shalt  }
0x75: {  	_ =	shalt  }
0x76: {  	_ =	shalt  }
0x77: {  	_ =	shalt  }
0x78: {  	_ =	shalt  }
0x79: {  	_ =	shalt  }
0x7a: {  	_ =	shalt  }
0x7b: {  	_ =	shalt  }
0x7c: {  	_ =	shalt  }
0x7d: {  	_ =	shalt  }
0x7e: {  	_ =	shalt  }
0x7f: {  	_ =	shalt  }
0x80: {  	_ =	shalt  }
0x81: {  	_ =	shalt  }
0x82: {  	_ =	shalt  }
0x83: {  	_ =	shalt  }
0x84: {  	_ =	shalt  }
0x85: {  	_ =	shalt  }
0x86: {  	_ =	shalt  }
0x87: {  	_ =	shalt  }
.Lfunc_end0:
.L_simem_size_0:
called_computation.3_lowered:
.L_overlay_start_0:
0x88: {  	s2 =	sld [smem:$0x3FD9]  }
0x89: {  	s3 =	sld [smem:$0x3FFE];
	_ =	sdelay $0x1  }
0x8a: {  	s1 =	srdreg.scid  }
0x8b: {  	s0 =	sand.u32 $0x1, s1  }
0x8c: {  	s16 =	sshll.u32 s0, $0xA;
	s2 =	sadd.s32 s3, s2  }
0x8d: {  	s2 =	sadd.s32 s2, s16  }
0x8e: {  	[smem:$0x3FC2] =	sst s2  }
0x8f: {  	_ = 	snop  }
0x90: {  	(tm) =	ssettm $0x1  }
0x91: {  	s17 =	sld [smem:$0x3FFB];
	_ =	sdelay $0x3  }
0x92: {  	_ =	strace s17  }
0x93: {  	s2 =	sld [smem:$0x3FFC];
	_ =	sdelay $0x3  }
0x94: {  	_ =	strace s2  }
0x95: {  	s2 =	sld [smem:$0x3FFD];
	_ =	sdelay $0x3  }
0x96: {  	_ =	strace s2  }
0x97: {  	_ =	strace $0x8FFFFFFF  }
0x98: {  	s18 =	sld [smem:$0x3FDB];
	_ =	sdelay $0x1  }
0x99: {  	s19 =	simm.s32 $_scs_section_size  }
0x9a: {  	s4 =	simm.s32 $_size__tile_overlayer_lowered;
	s5 =	simm.s32 $_tile_overlayer_lowered  }
0x9b: {  	s22 =	simm.s32 $0x1BFF;
	s21 =	sshll.u32 s5, $0x1;
	s2 =	sadd.s32 s19, s18  }
0x9c: {  	s6 =	simm.s32 $0x0;
	s20 =	sshll.u32 s4, $0x1;
	s4 =	sadd.s32 s21, s2  }
0x9d: {  	[timem:s6], [sflag:s22] =	dma.local [hbm:s4], s20  }
0x9e: {  	_ =	swait.ge [sflag:s22], s20  }
0x9f: {  	s3 =	ssub.s32 $0x0, s20;
	[sflag:s22] =	ssyncset.done $0x0  }
0xa0: {  	[sflag:s22] =	ssyncadd.s32 s3;
	_ =	sdelay $0x1  }
0xa1: {  	s23 =	simm.s32 $0x1B8B  }
0xa2: {  	_ =	swait.ge [sflag:s23], $0x1  }
0xa3: {  	[sflag:s23] =	ssyncset.done $0x0  }
0xa4: {  	s25 =	simm.s32 $0x1B8E;
	s24 =	sld [smem:$0x3FFE];
	[sflag:s23] =	ssyncadd.s32 $0xFFFFFFFF  }
0xa5: {  	s26 =	simm.s32 $execute0_lowered;
	[smem:$0x3FD2] =	sst s25  }
0xa6: {  	s4 =	sshll.u32 s26, $0x1;
	_ =	strace $0x8000004F;
	[dreg:$0x1] =	wrdreg $0xFFFFFFFF  }
0xa7: {  	s28 =	simm.s32 $_size_execute0_lowered;
	s2 =	sadd.s32 s2, s4;
	[dreg:$0x0] =	wrdreg $0x0  }
0xa8: {  	s4 =	sshll.u32 s28, $0x1;
	[dreg:$0x2] =	wrdreg s2  }
0xa9: {  	[dreg:$0x3] =	wrdreg s4  }
0xaa: {  	[dreg:$0x4] =	wrdreg $0xC0  }
0xab: {  	_ =	task [dreg:s6], $0x5FFFF  }
0xac: {  	[dreg:$0x1] =	wrdreg $0xFFFFFFFF  }
0xad: {  	[dreg:$0x0] =	wrdreg $0x60  }
0xae: {  	[dreg:$0x2] =	wrdreg s24  }
0xaf: {  	[dreg:$0x3] =	wrdreg $0x0  }
0xb0: {  	[dreg:$0x4] =	wrdreg $0x9  }
0xb1: {  	_ =	task.clear_ibuf [dreg:s6], $0x5FFFF;
	_ =	strace $0x9000004F  }
0xb2: {  	s29 =	simm.s32 $0x9;
	_ =	strace $0x80000051  }
0xb3: {  	_ =	swait.ge [sflag:s29], $0x1  }
0xb4: {  	[sflag:s29] =	ssyncadd.s32 $0xFFFFFFFF  }
0xb5: {  	_ =	strace $0x90000051  }
0xb6: {  	_ =	sfence  }
0xb7: {  	s30 =	sld [smem:$0x0];
	_ =	sdelay $0x2  }
0xb8: {  	s31 =	sshll.u32 s1, $0xD;
	s1 =	sshrl.u32 s1, $0x2  }
0xb9: {  	s3 =	sand.u32 $0x4000, s31;
	s1 =	sadd.s32 s1, s30  }
0xba: {  	s0 =	sor.u32 s3, s0;
	s1 =	sshll.u32 s1, $0x11  }
0xbb: {  	s0 =	sor.u32 s1, s0  }
0xbc: {  	s0 =	sadd.s32 $0x8F2B, s0  }
0xbd: {  	[sflag:s0] =	ssyncadd.remote.s32 $0x1  }
0xbe: {  	_ =	sfence.sel $0xFFFF  }
0xbf: {  	[dreg:$0x0] =	wrdreg $0xFFFFFFFF;
	(pc) =	sbr.abs _section_cstart, $3  }
0xc0: {  	[dreg:$0x1] =	wrdreg $0xFFFFFFFF  }
0xc1: {  	_ =	task.clear_ibuf [dreg:s6], $0x2FFFF;
	_ =	strace $0x9FFFFFFF  }
0xc2: {  	(tm) =	ssettm $0x7FFFFFFF  }
0xc3: {  	_ =	shalt  }
tec
execute0_lowered:
.L_overlay_start_1:
0x0: {  	(tag) =	ssettag $0x1  }
0x1: {  	s0 =	rddreg [dreg:$0x0]  }
0x2: {  	s2 =	rddreg [dreg:$0x1]  }
0x3: {  	s1 =	srdreg.scid;
	s12 =	stileid.u32  }
0x4: {  	s3 =	simm.s32 $0x0;
	s18 =	simm.s32 $0xD600;
	s19 =	simm.s32 $0xD800  }
0x5: {  	s20 =	simm.s32 $0xDA00;
	s21 =	simm.s32 $0xCC00;
	s22 =	simm.s32 $0xCE00  }
0x6: {  	s23 =	simm.s32 $0xD000;
	s24 =	simm.s32 $0xD200;
	s28 =	simm.s32 $0x12400  }
0x7: {  	s29 =	simm.s32 $0x13400;
	s30 =	simm.s32 $0x14400;
	s31 =	simm.s32 $0x15400  }
0x8: {  	s1 =	sand.u32 $0x1, s1;
	s5 =	smul.u32 $0x1880, s12;
	[smem:$0x7FF] =	sst s3  }
0x9: {  	s25 =	smul.u32 $0x31000, s12;
	_ =	strace $0x80000050;
	[dreg:$0x5] =	wrdreg s18  }
0xa: {  	s4 =	sadd.s32 $0x8000, s0;
	s10 =	smul.u32 $0x62, s12;
	[dreg:$0x6] =	wrdreg s19  }
0xb: {  	s9 =	sadd.s32 $0x31A400, s0;
	s6 =	smul.u32 $0x18800, s1;
	[dreg:$0x7] =	wrdreg s20  }
0xc: {  	s26 =	ssub.s32 $0x2, s1;
	s7 =	smul.u32 $0x620, s1;
	[dreg:$0x8] =	wrdreg s21  }
0xd: {  	s1 =	sshll.u32 s1, $0x4;
	s18 =	simm.s32 $0x200;
	[dreg:$0x9] =	wrdreg s22  }
0xe: {  	s19 =	simm.s32 $0xE400;
	s21 =	simm.s32 $0xF400;
	[dreg:$0xa] =	wrdreg s23  }
0xf: {  	s23 =	simm.s32 $0x10400;
	[dreg:$0xb] =	wrdreg s24;
	s20 =	simm.s32 $0xE000  }
0x10: {  	s22 =	simm.s32 $0xE200;
	s24 =	simm.s32 $0x0;
	s8 =	sshrl.u32 s26, $0x1  }
0x11: {  	s1 =	sor.u32 s12, s1;
	s5 =	sadd.s32 s5, s6;
	s11 =	ssub.s32 s26, s8  }
0x12: {  	s8 =	sshrl.u32 s25, $0x2;
	s1 =	smul.u32 $0xC400, s1;
	s10 =	sadd.s32 s10, s7  }
0x13: {  	s25 =	simm.s32 $0xDC00;
	s26 =	simm.s32 $0xDE00;
	s0 =	sadd.s32 s5, s0  }
0x14: {  	s5 =	sadd.s32 s8, s2;
	s10 =	sshll.u32 s10, $0x9;
	[dreg:$0xc] =	wrdreg s25  }
0x15: {  	s17 =	smax.u32 s11, $0x1;
	[dreg:$0xd] =	wrdreg s26;
	s25 =	simm.s32 $0x11400  }
0x16: {  	s26 =	simm.s32 $0xD400;
	s1 =	sadd.s32 s9, s1;
	[dreg:$0x13] =	wrdreg s17  }
0x17: {  	s6 =	sadd.s32 $0x3100, s5;
	s13 =	sadd.s32 $0x23A00, s0;
	[dreg:$0xe] =	wrdreg s1  }
0x18: {  	s7 =	sadd.s32 $0x6200, s5;
	s14 =	sadd.s32 $0x24020, s0;
	[dreg:$0xf] =	wrdreg s13  }
0x19: {  	s8 =	sadd.s32 $0x9300, s5;
	s16 =	sadd.s32 $0x24640, s0;
	[dreg:$0x10] =	wrdreg s14  }
0x1a: {  	s12 =	sadd.s32 s10, s9;
	s0 =	sadd.s32 $0x24C60, s0;
	[dreg:$0x11] =	wrdreg s16  }
0x1b: {  	vm0 =	vcmask $0x3F24;
	s15 =	sadd.s32 $0x400, s12;
	s1 =	sadd.s32 $0x200, s12;
	[dreg:$0x12] =	wrdreg s0  }
0x1c: {  	vm1 =	vcmask $0x1F04;
	v0 =	vlaneseq.u32;
	v1 =	vimm.s32 $0x0;
	s16 =	simm.s32 $0x3;
	s0 =	simm.s32 $0x1;
	[dreg:$0x3] =	wrdreg s15  }
0x1d: {  	v3 =	vimm.f32 $0.0e+00;
	vm0 =	vmor vm1, vm0;
	v2 =	vand.u32 $0x7, v0;
	[dreg:$0x4] =	wrdreg s1;
	s15 =	simm.s32 $0x16400;
	s1 =	simm.s32 $0x2  }
.LBB2_1:
0x1e: {  	v4 =	vmov s3  }
0x1f: {  	vm1 =	veq.s32 v4, v0  }
0x20: {  	vm1 =	vmand vm1, vm0  }
0x21: {  	v4 =	vsel vm1, $0xFFFFFFFF, v1  }
0x22: {  	v4 =	vshll.u32 v4, $0x3  }
0x23: {  	s10 =	simm.s32 $0x10;
	v4 =	vadd.s32 s3, v4  }
0x24: {  	v5 =	vmov s10;
	v4 =	vadd.s32 v0, v4  }
0x25: {  	vm1 =	veq.s32 v5, v0;
	v4 =	vand.u32 $0xFFFFFFF8, v4  }
0x26: {  	vm1 =	vmand vm1, vm0;
	v4 =	vor.u32 v2, v4  }
0x27: {  	v5 =	vsel vm1, $0xFFFFFFFF, v1  }
0x28: {  	v5 =	vshll.u32 v5, $0x3  }
0x29: {  	s9 =	simm.s32 $0x20;
	v5 =	vadd.s32 s10, v5  }
.LBB2_2:
0x2a: {  	v6 =	vmov s9;
	p0 =	sne.s32 s9, $0x30F0;
	v5 =	vadd.s32 v0, v5;
	s10 =	smov.u32 s9;
	s9 =	sadd.s32 $0x10, s9  }
.Ltmp0:
0x2b: {  	vm1 =	veq.s32 v6, v0;
	v5 =	vand.u32 $0xFFFFFFF8, v5;
	[tilespmem:v4+s15+$0x0] =	vst.idx.msk $0xffff, v3;
	(pc) =	sbr.rel @p0 .LBB2_2-.Ltmp0, $4  }
0x2c: {  	vm1 =	vmand vm1, vm0;
	v4 =	vor.u32 v2, v5  }
0x2d: {  	v5 =	vsel vm1, $0xFFFFFFFF, v1  }
0x2e: {  	v5 =	vshll.u32 v5, $0x3  }
0x2f: {  	v5 =	vadd.s32 s10, v5  }
0x30: {  	v5 =	vadd.s32 v0, v5  }
0x31: {  	v5 =	vand.u32 $0xFFFFFFF8, v5  }
0x32: {  	v5 =	vor.u32 v2, v5;
	_ =	sdelay $0x3  }
0x33: {  	[tilespmem:v4+s15+$0x0] =	vst.idx.msk $0xffff, v3  }
0x34: {  	[tilespmem:v5+s15+$0x0] =	vst.idx.msk $0xffff, v3  }
0x35: {  	[spmem:s5] =	stream.linear.scatter [tilespmem:s15], [sflag:$0x3], $0x3100, $0x38;
	[tilespmem:$0x19500] =	vst v63  }
0x36: {  	_ =	swait.ge [sflag:s16], $0x3100  }
0x37: {  	[sflag:s16] =	ssyncset.done $0x0  }
0x38: {  	[sflag:s16] =	ssyncadd.s32 $0xFFFFCF00  }
0x39: {  	[spmem:s6] =	stream.linear.scatter [tilespmem:s15], [sflag:$0x3], $0x3100, $0x38;
	[tilespmem:$0x19500] =	vst v63  }
0x3a: {  	_ =	swait.ge [sflag:s16], $0x3100  }
0x3b: {  	[sflag:s16] =	ssyncset.done $0x0  }
0x3c: {  	[sflag:s16] =	ssyncadd.s32 $0xFFFFCF00  }
0x3d: {  	[spmem:s7] =	stream.linear.scatter [tilespmem:s15], [sflag:$0x3], $0x3100, $0x38;
	[tilespmem:$0x19500] =	vst v63  }
0x3e: {  	_ =	swait.ge [sflag:s16], $0x3100  }
0x3f: {  	[sflag:s16] =	ssyncset.done $0x0  }
0x40: {  	[sflag:s16] =	ssyncadd.s32 $0xFFFFCF00  }
0x41: {  	[spmem:s8] =	stream.linear.scatter [tilespmem:s15], [sflag:$0x3], $0x3100, $0x38;
	[tilespmem:$0x19500] =	vst v63  }
0x42: {  	_ =	swait.ge [sflag:s16], $0x3100  }
0x43: {  	[sflag:s16] =	ssyncset.done $0x0  }
0x44: {  	[sflag:s16] =	ssyncadd.s32 $0xFFFFCF00  }
0x45: {  	[bflag:$0x0] =	sbarrier.arrive $0xFFFF  }
0x46: {  	s9 =	simm.s32 $0x0;
	s11 =	simm.s32 $0xC400;
	s10 =	rddreg [dreg:$0xe]  }
0x47: {  	[tilespmem:s11], [sflag:$0x3] =	stream.linear.gather [hbm4b:s10+s9], $0x1000, $0x38;
	[tilespmem:$0x19500] =	vst v63  }
0x48: {  	_ =	swait.ge [sflag:s16], $0x1000  }
0x49: {  	[sflag:s16] =	ssyncset.done $0x0  }
0x4a: {  	[sflag:s16] =	ssyncadd.s32 $0xFFFFF000  }
0x4b: {  	[tilespmem:s19], [sflag:$0x1] =	stream.indirect.gather [hbm4b:s4+s18], $0x8, s11, s18, $0xb8;
	[tilespmem:$0x19500] =	vst v63  }
0x4c: {  	s17 =	simm.s32 $0xC600  }
0x4d: {  	[tilespmem:s21], [sflag:$0x1] =	stream.indirect.gather [hbm4b:s4+s18], $0x8, s17, s18, $0xb8;
	[tilespmem:$0x19500] =	vst v63  }
0x4e: {  	s10 =	simm.s32 $0xC800  }
0x4f: {  	[tilespmem:s23], [sflag:$0x1] =	stream.indirect.gather [hbm4b:s4+s18], $0x8, s10, s18, $0xb8;
	[tilespmem:$0x19500] =	vst v63  }
0x50: {  	s12 =	simm.s32 $0xCA00;
	s11 =	rddreg [dreg:$0x4]  }
0x51: {  	[tilespmem:s25], [sflag:$0x1] =	stream.indirect.gather [hbm4b:s4+s18], $0x8, s12, s18, $0xb8;
	[tilespmem:$0x19500] =	vst v63  }
0x52: {  	s9 =	sadd.s32 $0x0, s11  }
0x53: {  	[tilespmem:s26], [sflag:$0x3] =	stream.linear.gather [hbm4b:s9+s3], $0x1000, $0x38;
	[tilespmem:$0x19500] =	vst v63  }
0x54: {  	_ =	swait.ge [sflag:s16], $0x1000  }
0x55: {  	[sflag:s16] =	ssyncset.done $0x0  }
0x56: {  	[sflag:s16] =	ssyncadd.s32 $0xFFFFF000  }
0x57: {  	[tilespmem:s28], [sflag:$0x2] =	stream.indirect.gather [hbm4b:s4+s18], $0x8, s26, s18, $0xb8;
	[tilespmem:$0x19500] =	vst v63  }
0x58: {  	s13 =	rddreg [dreg:$0x5]  }
0x59: {  	[tilespmem:s29], [sflag:$0x2] =	stream.indirect.gather [hbm4b:s4+s18], $0x8, s13, s18, $0xb8;
	[tilespmem:$0x19500] =	vst v63  }
0x5a: {  	s14 =	rddreg [dreg:$0x6]  }
0x5b: {  	[tilespmem:s30], [sflag:$0x2] =	stream.indirect.gather [hbm4b:s4+s18], $0x8, s14, s18, $0xb8;
	[tilespmem:$0x19500] =	vst v63  }
0x5c: {  	s17 =	rddreg [dreg:$0x7]  }
0x5d: {  	[tilespmem:s31], [sflag:$0x2] =	stream.indirect.gather [hbm4b:s4+s18], $0x8, s17, s18, $0xb8;
	[tilespmem:$0x19500] =	vst v63  }
0x5e: {  	_ =	swait.ge [sflag:s0], $0x1000  }
0x5f: {  	[sflag:s0] =	ssyncset.done $0x0  }
0x60: {  	[sflag:s0] =	ssyncadd.s32 $0xFFFFF000  }
0x61: {  	_ =	swait.ge [sflag:s0], $0x1000  }
0x62: {  	[sflag:s0] =	ssyncset.done $0x0  }
0x63: {  	[sflag:s0] =	ssyncadd.s32 $0xFFFFF000  }
0x64: {  	_ =	swait.ge [sflag:s0], $0x1000  }
0x65: {  	[sflag:s0] =	ssyncset.done $0x0  }
0x66: {  	[sflag:s0] =	ssyncadd.s32 $0xFFFFF000  }
0x67: {  	_ =	swait.ge [sflag:s0], $0x1000  }
0x68: {  	[sflag:s0] =	ssyncset.done $0x0  }
0x69: {  	s10 =	rddreg [dreg:$0x8];
	[sflag:s0] =	ssyncadd.s32 $0xFFFFF000  }
0x6a: {  	[spmem:s2] =	stream.indirect.scatter.add.f32 [tilespmem:s19], [sflag:$0x1], $0x8, s10, s18, $0xb8;
	[tilespmem:$0x19500] =	vst v63  }
0x6b: {  	s11 =	rddreg [dreg:$0x9]  }
0x6c: {  	[spmem:s2] =	stream.indirect.scatter.add.f32 [tilespmem:s21], [sflag:$0x1], $0x8, s11, s18, $0xb8;
	[tilespmem:$0x19500] =	vst v63  }
0x6d: {  	s12 =	rddreg [dreg:$0xa]  }
0x6e: {  	[spmem:s2] =	stream.indirect.scatter.add.f32 [tilespmem:s23], [sflag:$0x1], $0x8, s12, s18, $0xb8;
	[tilespmem:$0x19500] =	vst v63  }
0x6f: {  	s13 =	rddreg [dreg:$0xb]  }
0x70: {  	[spmem:s2] =	stream.indirect.scatter.add.f32 [tilespmem:s25], [sflag:$0x1], $0x8, s13, s18, $0xb8;
	[tilespmem:$0x19500] =	vst v63  }
0x71: {  	_ =	swait.ge [sflag:s0], $0x1000  }
0x72: {  	[sflag:s0] =	ssyncset.done $0x0  }
0x73: {  	[sflag:s0] =	ssyncadd.s32 $0xFFFFF000  }
0x74: {  	_ =	swait.ge [sflag:s0], $0x1000  }
0x75: {  	[sflag:s0] =	ssyncset.done $0x0  }
0x76: {  	[sflag:s0] =	ssyncadd.s32 $0xFFFFF000  }
0x77: {  	_ =	swait.ge [sflag:s0], $0x1000  }
0x78: {  	[sflag:s0] =	ssyncset.done $0x0  }
0x79: {  	[sflag:s0] =	ssyncadd.s32 $0xFFFFF000  }
0x7a: {  	p0 =	por $0x0, $0x0;
	_ =	swait.ge [sflag:s0], $0x1000  }
0x7b: {  	s10 =	simm.s32 @!p0 $0x0;
	s9 =	rddreg [dreg:$0x3];
	[sflag:s0] =	ssyncset.done $0x0  }
0x7c: {  	s11 =	simm.s32 @!p0 $0xC400;
	[sflag:s0] =	ssyncadd.s32 $0xFFFFF000;
	s9 =	sadd.s32 @!p0 $0x0, s9  }
0x7d: {  	[tilespmem:s11], [sflag:$0x3] =	stream.linear.gather @!p0 [hbm4b:s9+s10], $0x1000, $0x38;
	[tilespmem:$0x19500] =	vst v63  }
0x7e: {  	s9 =	simm.s32 @!p0 $0x3  }
0x7f: {  	_ =	swait.ge @!p0 [sflag:s9], $0x1000  }
0x80: {  	[sflag:s9] =	ssyncset.done @!p0 $0x0  }
0x81: {  	s10 =	simm.s32 @!p0 $0x200;
	[sflag:s9] =	ssyncadd.s32 @!p0 $0xFFFFF000;
	s9 =	simm.s32 @!p0 $0xE400  }
0x82: {  	[tilespmem:s9], [sflag:$0x1] =	stream.indirect.gather @!p0 [hbm4b:s4+s10], $0x8, s11, s10, $0xb8;
	[tilespmem:$0x19500] =	vst v63  }
0x83: {  	s9 =	simm.s32 @!p0 $0xC600;
	s11 =	simm.s32 @!p0 $0xF400  }
0x84: {  	[tilespmem:s11], [sflag:$0x1] =	stream.indirect.gather @!p0 [hbm4b:s4+s10], $0x8, s9, s10, $0xb8;
	[tilespmem:$0x19500] =	vst v63  }
0x85: {  	s9 =	simm.s32 @!p0 $0xC800;
	s11 =	simm.s32 @!p0 $0x10400  }
0x86: {  	[tilespmem:s11], [sflag:$0x1] =	stream.indirect.gather @!p0 [hbm4b:s4+s10], $0x8, s9, s10, $0xb8;
	[tilespmem:$0x19500] =	vst v63  }
0x87: {  	s9 =	simm.s32 @!p0 $0xCA00;
	s11 =	simm.s32 @!p0 $0x11400  }
0x88: {  	[tilespmem:s11], [sflag:$0x1] =	stream.indirect.gather @!p0 [hbm4b:s4+s10], $0x8, s9, s10, $0xb8;
	[tilespmem:$0x19500] =	vst v63  }
0x89: {  	_ =	swait.ge [sflag:s1], $0x1000  }
0x8a: {  	[sflag:s1] =	ssyncset.done $0x0  }
0x8b: {  	[sflag:s1] =	ssyncadd.s32 $0xFFFFF000  }
0x8c: {  	_ =	swait.ge [sflag:s1], $0x1000  }
0x8d: {  	[sflag:s1] =	ssyncset.done $0x0  }
0x8e: {  	[sflag:s1] =	ssyncadd.s32 $0xFFFFF000  }
0x8f: {  	_ =	swait.ge [sflag:s1], $0x1000  }
0x90: {  	[sflag:s1] =	ssyncset.done $0x0  }
0x91: {  	[sflag:s1] =	ssyncadd.s32 $0xFFFFF000  }
0x92: {  	_ =	swait.ge [sflag:s1], $0x1000  }
0x93: {  	[sflag:s1] =	ssyncset.done $0x0  }
0x94: {  	s14 =	rddreg [dreg:$0xc];
	[sflag:s1] =	ssyncadd.s32 $0xFFFFF000  }
0x95: {  	[spmem:s2] =	stream.indirect.scatter.add.f32 [tilespmem:s28], [sflag:$0x2], $0x8, s14, s18, $0xb8;
	[tilespmem:$0x19500] =	vst v63  }
0x96: {  	s17 =	rddreg [dreg:$0xd]  }
0x97: {  	[spmem:s2] =	stream.indirect.scatter.add.f32 [tilespmem:s29], [sflag:$0x2], $0x8, s17, s18, $0xb8;
	[tilespmem:$0x19500] =	vst v63  }
0x98: {  	_ = 	snop  }
0x99: {  	[spmem:s2] =	stream.indirect.scatter.add.f32 [tilespmem:s30], [sflag:$0x2], $0x8, s20, s18, $0xb8;
	[tilespmem:$0x19500] =	vst v63  }
0x9a: {  	_ = 	snop  }
0x9b: {  	[spmem:s2] =	stream.indirect.scatter.add.f32 [tilespmem:s31], [sflag:$0x2], $0x8, s22, s18, $0xb8;
	[tilespmem:$0x19500] =	vst v63  }
0x9c: {  	_ =	swait.ge [sflag:s1], $0x1000  }
0x9d: {  	[sflag:s1] =	ssyncset.done $0x0  }
0x9e: {  	[sflag:s1] =	ssyncadd.s32 $0xFFFFF000  }
0x9f: {  	_ =	swait.ge [sflag:s1], $0x1000  }
0xa0: {  	[sflag:s1] =	ssyncset.done $0x0  }
0xa1: {  	[sflag:s1] =	ssyncadd.s32 $0xFFFFF000  }
0xa2: {  	_ =	swait.ge [sflag:s1], $0x1000  }
0xa3: {  	[sflag:s1] =	ssyncset.done $0x0  }
0xa4: {  	[sflag:s1] =	ssyncadd.s32 $0xFFFFF000  }
0xa5: {  	s9 =	simm.s32 $0x400;
	s10 =	simm.s32 $0x800;
	_ =	swait.ge [sflag:s1], $0x1000  }
.LBB2_4:
0xa6: {  	s12 =	rddreg [dreg:$0x4];
	[sflag:s1] =	ssyncset.done $0x0  }
0xa7: {  	[sflag:s1] =	ssyncadd.s32 $0xFFFFF000;
	s12 =	sadd.s32 s9, s12  }
0xa8: {  	[tilespmem:s26], [sflag:$0x3] =	stream.linear.gather [hbm4b:s12+s3], $0x1000, $0x38;
	[tilespmem:$0x19500] =	vst v63  }
0xa9: {  	_ =	swait.ge [sflag:s16], $0x1000  }
0xaa: {  	[sflag:s16] =	ssyncset.done $0x0  }
0xab: {  	[sflag:s16] =	ssyncadd.s32 $0xFFFFF000  }
0xac: {  	[tilespmem:s28], [sflag:$0x2] =	stream.indirect.gather [hbm4b:s4+s18], $0x8, s26, s18, $0xb8;
	[tilespmem:$0x19500] =	vst v63  }
0xad: {  	s13 =	rddreg [dreg:$0x5]  }
0xae: {  	[tilespmem:s29], [sflag:$0x2] =	stream.indirect.gather [hbm4b:s4+s18], $0x8, s13, s18, $0xb8;
	[tilespmem:$0x19500] =	vst v63  }
0xaf: {  	s17 =	rddreg [dreg:$0x6]  }
0xb0: {  	[tilespmem:s30], [sflag:$0x2] =	stream.indirect.gather [hbm4b:s4+s18], $0x8, s17, s18, $0xb8;
	[tilespmem:$0x19500] =	vst v63  }
0xb1: {  	s14 =	rddreg [dreg:$0x7]  }
0xb2: {  	[tilespmem:s31], [sflag:$0x2] =	stream.indirect.gather [hbm4b:s4+s18], $0x8, s14, s18, $0xb8;
	[tilespmem:$0x19500] =	vst v63  }
0xb3: {  	_ =	swait.ge [sflag:s0], $0x1000  }
0xb4: {  	[sflag:s0] =	ssyncset.done $0x0  }
0xb5: {  	[sflag:s0] =	ssyncadd.s32 $0xFFFFF000  }
0xb6: {  	_ =	swait.ge [sflag:s0], $0x1000  }
0xb7: {  	[sflag:s0] =	ssyncset.done $0x0  }
0xb8: {  	[sflag:s0] =	ssyncadd.s32 $0xFFFFF000  }
0xb9: {  	_ =	swait.ge [sflag:s0], $0x1000  }
0xba: {  	[sflag:s0] =	ssyncset.done $0x0  }
0xbb: {  	[sflag:s0] =	ssyncadd.s32 $0xFFFFF000  }
0xbc: {  	_ =	swait.ge [sflag:s0], $0x1000  }
0xbd: {  	[sflag:s0] =	ssyncset.done $0x0  }
0xbe: {  	s17 =	rddreg [dreg:$0x8];
	[sflag:s0] =	ssyncadd.s32 $0xFFFFF000  }
0xbf: {  	[spmem:s2] =	stream.indirect.scatter.add.f32 [tilespmem:s19], [sflag:$0x1], $0x8, s17, s18, $0xb8;
	[tilespmem:$0x19500] =	vst v63  }
0xc0: {  	s13 =	rddreg [dreg:$0x9]  }
0xc1: {  	[spmem:s2] =	stream.indirect.scatter.add.f32 [tilespmem:s21], [sflag:$0x1], $0x8, s13, s18, $0xb8;
	[tilespmem:$0x19500] =	vst v63  }
0xc2: {  	s14 =	rddreg [dreg:$0xa]  }
0xc3: {  	[spmem:s2] =	stream.indirect.scatter.add.f32 [tilespmem:s23], [sflag:$0x1], $0x8, s14, s18, $0xb8;
	[tilespmem:$0x19500] =	vst v63  }
0xc4: {  	s13 =	rddreg [dreg:$0xb]  }
0xc5: {  	[spmem:s2] =	stream.indirect.scatter.add.f32 [tilespmem:s25], [sflag:$0x1], $0x8, s13, s18, $0xb8;
	[tilespmem:$0x19500] =	vst v63  }
0xc6: {  	_ =	swait.ge [sflag:s0], $0x1000  }
0xc7: {  	[sflag:s0] =	ssyncset.done $0x0  }
0xc8: {  	[sflag:s0] =	ssyncadd.s32 $0xFFFFF000  }
0xc9: {  	_ =	swait.ge [sflag:s0], $0x1000  }
0xca: {  	[sflag:s0] =	ssyncset.done $0x0  }
0xcb: {  	[sflag:s0] =	ssyncadd.s32 $0xFFFFF000  }
0xcc: {  	_ =	swait.ge [sflag:s0], $0x1000  }
0xcd: {  	[sflag:s0] =	ssyncset.done $0x0  }
0xce: {  	p1 =	seq.s32 s9, $0xC000;
	[sflag:s0] =	ssyncadd.s32 $0xFFFFF000  }
0xcf: {  	s17 =	simm.s32 @!p1 $0x0;
	_ =	swait.ge [sflag:s0], $0x1000  }
0xd0: {  	s13 =	simm.s32 @!p1 $0x3;
	s12 =	rddreg [dreg:$0x3];
	[sflag:s0] =	ssyncset.done $0x0  }
0xd1: {  	[sflag:s0] =	ssyncadd.s32 $0xFFFFF000;
	s9 =	sadd.s32 @!p1 s9, s12;
	s12 =	simm.s32 @!p1 $0xC400  }
0xd2: {  	[tilespmem:s12], [sflag:$0x3] =	stream.linear.gather @!p1 [hbm4b:s9+s17], $0x1000, $0x38;
	[tilespmem:$0x19500] =	vst v63  }
0xd3: {  	s11 =	smov.u32 s10;
	_ =	swait.ge @!p1 [sflag:s13], $0x1000  }
0xd4: {  	s9 =	smov.u32 s11;
	[sflag:s13] =	ssyncset.done @!p1 $0x0  }
0xd5: {  	s11 =	simm.s32 @!p1 $0x200;
	s17 =	simm.s32 @!p1 $0xE400;
	[sflag:s13] =	ssyncadd.s32 @!p1 $0xFFFFF000  }
0xd6: {  	[tilespmem:s17], [sflag:$0x1] =	stream.indirect.gather @!p1 [hbm4b:s4+s11], $0x8, s12, s11, $0xb8;
	[tilespmem:$0x19500] =	vst v63  }
0xd7: {  	s14 =	simm.s32 @!p1 $0xF400;
	s13 =	simm.s32 @!p1 $0xC600  }
0xd8: {  	[tilespmem:s14], [sflag:$0x1] =	stream.indirect.gather @!p1 [hbm4b:s4+s11], $0x8, s13, s11, $0xb8;
	[tilespmem:$0x19500] =	vst v63  }
0xd9: {  	s12 =	simm.s32 @!p1 $0xC800;
	s17 =	simm.s32 @!p1 $0x10400  }
0xda: {  	[tilespmem:s17], [sflag:$0x1] =	stream.indirect.gather @!p1 [hbm4b:s4+s11], $0x8, s12, s11, $0xb8;
	[tilespmem:$0x19500] =	vst v63  }
0xdb: {  	s13 =	simm.s32 @!p1 $0xCA00;
	s14 =	simm.s32 @!p1 $0x11400  }
0xdc: {  	[tilespmem:s14], [sflag:$0x1] =	stream.indirect.gather @!p1 [hbm4b:s4+s11], $0x8, s13, s11, $0xb8;
	[tilespmem:$0x19500] =	vst v63  }
0xdd: {  	_ =	swait.ge [sflag:s1], $0x1000  }
0xde: {  	[sflag:s1] =	ssyncset.done $0x0  }
0xdf: {  	[sflag:s1] =	ssyncadd.s32 $0xFFFFF000  }
0xe0: {  	_ =	swait.ge [sflag:s1], $0x1000  }
0xe1: {  	[sflag:s1] =	ssyncset.done $0x0  }
0xe2: {  	[sflag:s1] =	ssyncadd.s32 $0xFFFFF000  }
0xe3: {  	_ =	swait.ge [sflag:s1], $0x1000  }
0xe4: {  	[sflag:s1] =	ssyncset.done $0x0  }
0xe5: {  	[sflag:s1] =	ssyncadd.s32 $0xFFFFF000  }
0xe6: {  	_ =	swait.ge [sflag:s1], $0x1000  }
0xe7: {  	[sflag:s1] =	ssyncset.done $0x0  }
0xe8: {  	s14 =	rddreg [dreg:$0xc];
	[sflag:s1] =	ssyncadd.s32 $0xFFFFF000  }
0xe9: {  	[spmem:s2] =	stream.indirect.scatter.add.f32 [tilespmem:s28], [sflag:$0x2], $0x8, s14, s18, $0xb8;
	[tilespmem:$0x19500] =	vst v63  }
0xea: {  	s17 =	rddreg [dreg:$0xd]  }
0xeb: {  	[spmem:s2] =	stream.indirect.scatter.add.f32 [tilespmem:s29], [sflag:$0x2], $0x8, s17, s18, $0xb8;
	[tilespmem:$0x19500] =	vst v63  }
0xec: {  	_ = 	snop  }
0xed: {  	[spmem:s2] =	stream.indirect.scatter.add.f32 [tilespmem:s30], [sflag:$0x2], $0x8, s20, s18, $0xb8;
	[tilespmem:$0x19500] =	vst v63  }
0xee: {  	_ = 	snop  }
0xef: {  	[spmem:s2] =	stream.indirect.scatter.add.f32 [tilespmem:s31], [sflag:$0x2], $0x8, s22, s18, $0xb8;
	[tilespmem:$0x19500] =	vst v63  }
0xf0: {  	_ =	swait.ge [sflag:s1], $0x1000  }
0xf1: {  	[sflag:s1] =	ssyncset.done $0x0  }
0xf2: {  	[sflag:s1] =	ssyncadd.s32 $0xFFFFF000  }
0xf3: {  	s10 =	sadd.s32 $0x400, s10;
	_ =	swait.ge [sflag:s1], $0x1000  }
0xf4: {  	p0 =	sne.s32 s10, $0xC400;
	[sflag:s1] =	ssyncset.done $0x0  }
.Ltmp1:
0xf5: {  	[sflag:s1] =	ssyncadd.s32 $0xFFFFF000;
	(pc) =	sbr.rel @p0 .LBB2_4-.Ltmp1, $4  }
0xf6: {  	_ =	swait.ge [sflag:s1], $0x1000  }
0xf7: {  	[sflag:s1] =	ssyncset.done $0x0  }
0xf8: {  	[sflag:s1] =	ssyncadd.s32 $0xFFFFF000  }
0xf9: {  	_ =	swait.ge [sflag:s1], $0x1000  }
0xfa: {  	s10 =	rddreg [dreg:$0x4];
	[sflag:s1] =	ssyncset.done $0x0  }
0xfb: {  	[sflag:s1] =	ssyncadd.s32 $0xFFFFF000;
	s10 =	sadd.s32 s9, s10  }
0xfc: {  	[tilespmem:s26], [sflag:$0x3] =	stream.linear.gather [hbm4b:s10+s3], $0x1000, $0x38;
	[tilespmem:$0x19500] =	vst v63  }
0xfd: {  	_ =	swait.ge [sflag:s16], $0x1000  }
0xfe: {  	[sflag:s16] =	ssyncset.done $0x0  }
0xff: {  	[sflag:s16] =	ssyncadd.s32 $0xFFFFF000  }
0x100: {  	[tilespmem:s28], [sflag:$0x2] =	stream.indirect.gather [hbm4b:s4+s18], $0x8, s26, s18, $0xb8;
	[tilespmem:$0x19500] =	vst v63  }
0x101: {  	s12 =	rddreg [dreg:$0x5]  }
0x102: {  	[tilespmem:s29], [sflag:$0x2] =	stream.indirect.gather [hbm4b:s4+s18], $0x8, s12, s18, $0xb8;
	[tilespmem:$0x19500] =	vst v63  }
0x103: {  	s11 =	rddreg [dreg:$0x6]  }
0x104: {  	[tilespmem:s30], [sflag:$0x2] =	stream.indirect.gather [hbm4b:s4+s18], $0x8, s11, s18, $0xb8;
	[tilespmem:$0x19500] =	vst v63  }
0x105: {  	s13 =	rddreg [dreg:$0x7]  }
0x106: {  	[tilespmem:s31], [sflag:$0x2] =	stream.indirect.gather [hbm4b:s4+s18], $0x8, s13, s18, $0xb8;
	[tilespmem:$0x19500] =	vst v63  }
0x107: {  	_ =	swait.ge [sflag:s0], $0x1000  }
0x108: {  	[sflag:s0] =	ssyncset.done $0x0  }
0x109: {  	[sflag:s0] =	ssyncadd.s32 $0xFFFFF000  }
0x10a: {  	_ =	swait.ge [sflag:s0], $0x1000  }
0x10b: {  	[sflag:s0] =	ssyncset.done $0x0  }
0x10c: {  	[sflag:s0] =	ssyncadd.s32 $0xFFFFF000  }
0x10d: {  	_ =	swait.ge [sflag:s0], $0x1000  }
0x10e: {  	[sflag:s0] =	ssyncset.done $0x0  }
0x10f: {  	[sflag:s0] =	ssyncadd.s32 $0xFFFFF000  }
0x110: {  	_ =	swait.ge [sflag:s0], $0x1000  }
0x111: {  	[sflag:s0] =	ssyncset.done $0x0  }
0x112: {  	s14 =	rddreg [dreg:$0x8];
	[sflag:s0] =	ssyncadd.s32 $0xFFFFF000  }
0x113: {  	[spmem:s2] =	stream.indirect.scatter.add.f32 [tilespmem:s19], [sflag:$0x1], $0x8, s14, s18, $0xb8;
	[tilespmem:$0x19500] =	vst v63  }
0x114: {  	s17 =	rddreg [dreg:$0x9]  }
0x115: {  	[spmem:s2] =	stream.indirect.scatter.add.f32 [tilespmem:s21], [sflag:$0x1], $0x8, s17, s18, $0xb8;
	[tilespmem:$0x19500] =	vst v63  }
0x116: {  	s12 =	rddreg [dreg:$0xa]  }
0x117: {  	[spmem:s2] =	stream.indirect.scatter.add.f32 [tilespmem:s23], [sflag:$0x1], $0x8, s12, s18, $0xb8;
	[tilespmem:$0x19500] =	vst v63  }
0x118: {  	s13 =	rddreg [dreg:$0xb]  }
0x119: {  	[spmem:s2] =	stream.indirect.scatter.add.f32 [tilespmem:s25], [sflag:$0x1], $0x8, s13, s18, $0xb8;
	[tilespmem:$0x19500] =	vst v63  }
0x11a: {  	_ =	swait.ge [sflag:s0], $0x1000  }
0x11b: {  	[sflag:s0] =	ssyncset.done $0x0  }
0x11c: {  	[sflag:s0] =	ssyncadd.s32 $0xFFFFF000  }
0x11d: {  	_ =	swait.ge [sflag:s0], $0x1000  }
0x11e: {  	[sflag:s0] =	ssyncset.done $0x0  }
0x11f: {  	[sflag:s0] =	ssyncadd.s32 $0xFFFFF000  }
0x120: {  	_ =	swait.ge [sflag:s0], $0x1000  }
0x121: {  	[sflag:s0] =	ssyncset.done $0x0  }
0x122: {  	[sflag:s0] =	ssyncadd.s32 $0xFFFFF000  }
0x123: {  	p0 =	seq.s32 s9, $0xC000;
	_ =	swait.ge [sflag:s0], $0x1000  }
0x124: {  	s11 =	simm.s32 @!p0 $0x0;
	s10 =	rddreg [dreg:$0x3];
	[sflag:s0] =	ssyncset.done $0x0  }
0x125: {  	[sflag:s0] =	ssyncadd.s32 $0xFFFFF000;
	s9 =	sadd.s32 @!p0 s9, s10;
	s10 =	simm.s32 @!p0 $0xC400  }
0x126: {  	[tilespmem:s10], [sflag:$0x3] =	stream.linear.gather @!p0 [hbm4b:s9+s11], $0x1000, $0x38;
	[tilespmem:$0x19500] =	vst v63  }
0x127: {  	s9 =	simm.s32 @!p0 $0x3  }
0x128: {  	_ =	swait.ge @!p0 [sflag:s9], $0x1000  }
0x129: {  	[sflag:s9] =	ssyncset.done @!p0 $0x0  }
0x12a: {  	s11 =	simm.s32 @!p0 $0x200;
	[sflag:s9] =	ssyncadd.s32 @!p0 $0xFFFFF000;
	s9 =	simm.s32 @!p0 $0xE400  }
0x12b: {  	[tilespmem:s9], [sflag:$0x1] =	stream.indirect.gather @!p0 [hbm4b:s4+s11], $0x8, s10, s11, $0xb8;
	[tilespmem:$0x19500] =	vst v63  }
0x12c: {  	s9 =	simm.s32 @!p0 $0xC600;
	s10 =	simm.s32 @!p0 $0xF400  }
0x12d: {  	[tilespmem:s10], [sflag:$0x1] =	stream.indirect.gather @!p0 [hbm4b:s4+s11], $0x8, s9, s11, $0xb8;
	[tilespmem:$0x19500] =	vst v63  }
0x12e: {  	s9 =	simm.s32 @!p0 $0xC800;
	s10 =	simm.s32 @!p0 $0x10400  }
0x12f: {  	[tilespmem:s10], [sflag:$0x1] =	stream.indirect.gather @!p0 [hbm4b:s4+s11], $0x8, s9, s11, $0xb8;
	[tilespmem:$0x19500] =	vst v63  }
0x130: {  	s9 =	simm.s32 @!p0 $0xCA00;
	s10 =	simm.s32 @!p0 $0x11400  }
0x131: {  	[tilespmem:s10], [sflag:$0x1] =	stream.indirect.gather @!p0 [hbm4b:s4+s11], $0x8, s9, s11, $0xb8;
	[tilespmem:$0x19500] =	vst v63  }
0x132: {  	_ =	swait.ge [sflag:s1], $0x1000  }
0x133: {  	[sflag:s1] =	ssyncset.done $0x0  }
0x134: {  	[sflag:s1] =	ssyncadd.s32 $0xFFFFF000  }
0x135: {  	_ =	swait.ge [sflag:s1], $0x1000  }
0x136: {  	[sflag:s1] =	ssyncset.done $0x0  }
0x137: {  	[sflag:s1] =	ssyncadd.s32 $0xFFFFF000  }
0x138: {  	_ =	swait.ge [sflag:s1], $0x1000  }
0x139: {  	[sflag:s1] =	ssyncset.done $0x0  }
0x13a: {  	[sflag:s1] =	ssyncadd.s32 $0xFFFFF000  }
0x13b: {  	_ =	swait.ge [sflag:s1], $0x1000  }
0x13c: {  	[sflag:s1] =	ssyncset.done $0x0  }
0x13d: {  	s14 =	rddreg [dreg:$0xc];
	[sflag:s1] =	ssyncadd.s32 $0xFFFFF000  }
0x13e: {  	[spmem:s2] =	stream.indirect.scatter.add.f32 [tilespmem:s28], [sflag:$0x2], $0x8, s14, s18, $0xb8;
	[tilespmem:$0x19500] =	vst v63  }
0x13f: {  	s17 =	rddreg [dreg:$0xd]  }
0x140: {  	[spmem:s2] =	stream.indirect.scatter.add.f32 [tilespmem:s29], [sflag:$0x2], $0x8, s17, s18, $0xb8;
	[tilespmem:$0x19500] =	vst v63  }
0x141: {  	_ = 	snop  }
0x142: {  	[spmem:s2] =	stream.indirect.scatter.add.f32 [tilespmem:s30], [sflag:$0x2], $0x8, s20, s18, $0xb8;
	[tilespmem:$0x19500] =	vst v63  }
0x143: {  	_ = 	snop  }
0x144: {  	[spmem:s2] =	stream.indirect.scatter.add.f32 [tilespmem:s31], [sflag:$0x2], $0x8, s22, s18, $0xb8;
	[tilespmem:$0x19500] =	vst v63  }
0x145: {  	_ =	swait.ge [sflag:s1], $0x1000  }
0x146: {  	[sflag:s1] =	ssyncset.done $0x0  }
0x147: {  	[sflag:s1] =	ssyncadd.s32 $0xFFFFF000  }
0x148: {  	_ =	swait.ge [sflag:s1], $0x1000  }
0x149: {  	[sflag:s1] =	ssyncset.done $0x0  }
0x14a: {  	[sflag:s1] =	ssyncadd.s32 $0xFFFFF000  }
0x14b: {  	_ =	swait.ge [sflag:s1], $0x1000  }
0x14c: {  	[sflag:s1] =	ssyncset.done $0x0  }
0x14d: {  	[sflag:s1] =	ssyncadd.s32 $0xFFFFF000  }
0x14e: {  	_ =	swait.ge [sflag:s1], $0x1000  }
0x14f: {  	[sflag:s1] =	ssyncset.done $0x0  }
0x150: {  	[sflag:s1] =	ssyncadd.s32 $0xFFFFF000  }
0x151: {  	[bflag:$0x0] =	sbarrier.arrive $0xFFFF  }
0x152: {  	[tilespmem:s15], [sflag:$0x3] =	stream.linear.gather [spmem:s5], $0x3100, $0x38;
	[tilespmem:$0x19500] =	vst v63  }
0x153: {  	_ =	swait.ge [sflag:s16], $0x3100  }
0x154: {  	[sflag:s16] =	ssyncset.done $0x0  }
0x155: {  	s11 =	rddreg [dreg:$0xf];
	[sflag:s16] =	ssyncadd.s32 $0xFFFFCF00  }
0x156: {  	[hbm4b:s11+s3] =	stream.linear.scatter [tilespmem:s15], [sflag:$0x3], $0x3100, $0x38;
	[tilespmem:$0x19500] =	vst v63  }
0x157: {  	_ =	swait.ge [sflag:s16], $0x3100  }
0x158: {  	[sflag:s16] =	ssyncset.done $0x0  }
0x159: {  	[sflag:s16] =	ssyncadd.s32 $0xFFFFCF00  }
0x15a: {  	[tilespmem:s15], [sflag:$0x3] =	stream.linear.gather [spmem:s6], $0x3100, $0x38;
	[tilespmem:$0x19500] =	vst v63  }
0x15b: {  	_ =	swait.ge [sflag:s16], $0x3100  }
0x15c: {  	[sflag:s16] =	ssyncset.done $0x0  }
0x15d: {  	s12 =	rddreg [dreg:$0x10];
	[sflag:s16] =	ssyncadd.s32 $0xFFFFCF00  }
0x15e: {  	[hbm4b:s12+s3] =	stream.linear.scatter [tilespmem:s15], [sflag:$0x3], $0x3100, $0x38;
	[tilespmem:$0x19500] =	vst v63  }
0x15f: {  	_ =	swait.ge [sflag:s16], $0x3100  }
0x160: {  	[sflag:s16] =	ssyncset.done $0x0  }
0x161: {  	[sflag:s16] =	ssyncadd.s32 $0xFFFFCF00  }
0x162: {  	[tilespmem:s15], [sflag:$0x3] =	stream.linear.gather [spmem:s7], $0x3100, $0x38;
	[tilespmem:$0x19500] =	vst v63  }
0x163: {  	_ =	swait.ge [sflag:s16], $0x3100  }
0x164: {  	[sflag:s16] =	ssyncset.done $0x0  }
0x165: {  	s13 =	rddreg [dreg:$0x11];
	[sflag:s16] =	ssyncadd.s32 $0xFFFFCF00  }
0x166: {  	[hbm4b:s13+s3] =	stream.linear.scatter [tilespmem:s15], [sflag:$0x3], $0x3100, $0x38;
	[tilespmem:$0x19500] =	vst v63  }
0x167: {  	_ =	swait.ge [sflag:s16], $0x3100  }
0x168: {  	[sflag:s16] =	ssyncset.done $0x0  }
0x169: {  	[sflag:s16] =	ssyncadd.s32 $0xFFFFCF00  }
0x16a: {  	[tilespmem:s15], [sflag:$0x3] =	stream.linear.gather [spmem:s8], $0x3100, $0x38;
	[tilespmem:$0x19500] =	vst v63  }
0x16b: {  	_ =	swait.ge [sflag:s16], $0x3100  }
0x16c: {  	[sflag:s16] =	ssyncset.done $0x0  }
0x16d: {  	s14 =	rddreg [dreg:$0x12];
	[sflag:s16] =	ssyncadd.s32 $0xFFFFCF00  }
0x16e: {  	[hbm4b:s14+s3] =	stream.linear.scatter [tilespmem:s15], [sflag:$0x3], $0x3100, $0x38;
	[tilespmem:$0x19500] =	vst v63  }
0x16f: {  	_ =	swait.ge [sflag:s16], $0x3100  }
0x170: {  	s24 =	sadd.s32 $0x1, s24;
	s17 =	rddreg [dreg:$0x13]  }
0x171: {  	p0 =	sne.s32 s24, s17  }
.Ltmp2:
0x172: {  	_ = 	snop;
	(pc) =	sbr.rel @p0 .LBB2_1-.Ltmp2, $3  }
0x173: {  	_ =	sdelay $0x1  }
0x174: {  	[sflag:s16] =	ssyncset.done $0x0  }
0x175: {  	[sflag:s16] =	ssyncadd.s32 $0xFFFFCF00  }
0x176: {  	_ =	sfence.sel $0x180000  }
0x177: {  	[bflag:$0x0] =	sbarrier.arrive $0xFFFF  }
0x178: {  	_ =	strace $0x90000050  }
0x179: {  	s0 =	stileid.u32;
	[bflag:$0x2] =	sbarrier.arrive $0xFFFF  }
0x17a: {  	p0 =	sne.s32 s0, $0x0;
	s0 =	rddreg [dreg:$0x2]  }
0x17b: {  	s0 =	sadd.s32 @!p0 $0x100000, s0  }
0x17c: {  	[sflag:s0] =	ssyncadd.tile.s32 @!p0 $0x1;
	_ =	shalt  }
.Lfunc_end2:
_tile_overlayer_lowered:
.L_overlay_start_2:
0x17d: {  	(tag) =	ssettag $0x2  }
0x17e: {  	s0 =	rddreg [dreg:$0x0];
	s2 =	stileid.u32  }
0x17f: {  	s1 =	rddreg [dreg:$0x1];
	p0 =	sne.s32 s2, $0x0  }
0x180: {  	s3 =	rddreg [dreg:$0x2];
	[bflag:$0x3] =	sbarrier.arrive $0xFFFF;
	s2 =	simm.s32 @!p0 $0x1C03  }
0x181: {  	[timem:s3], [sflag:s2] =	dma.local @!p0 [hbm:s0], s1  }
0x182: {  	s0 =	simm.s32 @!p0 $0x3  }
0x183: {  	_ =	swait.ge @!p0 [sflag:s0], s1  }
0x184: {  	s1 =	ssub.s32 @!p0 $0x0, s1;
	[sflag:s0] =	ssyncset.done @!p0 $0x0  }
0x185: {  	[sflag:s0] =	ssyncadd.s32 @!p0 s1  }
0x186: {  	[bflag:$0x3] =	sbarrier.arrive $0xFFFF  }
0x187: {  	_ =	shalt  }

// kernel: kernel.17.cloned.1.call-start
scs
__scs_entry_jumppad:
0x0: {  	(pc) =	sbr.rel $0x88, $3  }
0x1: {  	(tag) =	ssettag $0x0;
	lr =	simm.s32 $0x1  }
0x2: {  	[smem:$0x3F9B] =	sst lr;
	_ =	strace $0xD0000000  }
0x3: {  	_ = 	snop  }
0x4: {  	_ = 	snop  }
0x5: {  	_ = 	snop  }
0x6: {  	_ = 	snop  }
0x7: {  	_ = 	snop  }
__scs_overlays_trampoline_lowered:
0x8: {  	[smem:$0x3FAA] =	sst s0  }
0x9: {  	[smem:$0x3FAB] =	sst s1  }
0xa: {  	[smem:$0x3FAC] =	sst s2  }
0xb: {  	[smem:$0x3FAD] =	sst s3  }
0xc: {  	[smem:$0x3FAE] =	sst s4  }
0xd: {  	[smem:$0x3FAF] =	sst s5  }
0xe: {  	[smem:$0x3FB0] =	sst s6  }
0xf: {  	[smem:$0x3FB1] =	sst s7  }
0x10: {  	[smem:$0x3FB2] =	sst s8  }
0x11: {  	[smem:$0x3FB3] =	sst s9;
	s0 =	simm.s32 @!p0 $0x0  }
0x12: {  	s1 =	sld [smem:$0x3F99];
	s0 =	simm.s32 @p0 $0x1  }
0x13: {  	[smem:$0x3FB4] =	sst s0;
	s0 =	simm.s32 @!p1 $0x0  }
0x14: {  	s2 =	sld [smem:$0x3F98];
	s0 =	simm.s32 @p1 $0x1  }
0x15: {  	[smem:$0x3FB5] =	sst s0;
	s0 =	simm.s32 @!p2 $0x0  }
0x16: {  	s3 =	sld [smem:$0x3FDB];
	s0 =	simm.s32 @p2 $0x1  }
0x17: {  	s4 =	simm.s32 $0x1BF5;
	[smem:$0x3FB7] =	sst s0  }
0x18: {  	s0 =	sld [smem:$0x3F9A];
	_ =	swait.ge [sflag:s4], $0x0  }
0x19: {  	s7 =	sld [smem:$0x3F9B]  }
0x1a: {  	s8 =	sadd.s32 $0xFFFFE003, lr  }
0x1b: {  	s9 =	sadd.s32 $0xFFFFFEF7, lr;
	s5 =	simm.s32 $0xFFFFFFFF;
	p2 =	slt.u32 s8, $0xFFFFF086  }
0x1c: {  	p1 =	slt.u32 s9, $0xF7A;
	s5 =	simm.s32 @!p2 $0x0  }
0x1d: {  	s5 =	simm.s32 @p1 $0x1;
	p0 =	seq.s32 s7, s2  }
0x1e: {  	s7 =	smul.u32 @!p0 $0xF7A, s2;
	p2 =	seq.s32 @!p0 s5, $0x0  }
0x1f: {  	s9 =	smul.u32 $0xF7A, s1;
	s8 =	simm.s32 @!p0 $0x1BF5;
	p2 =	por !p2, p0  }
0x20: {  	[sflag:s8] =	ssyncset.s32 @!p0 $0xFFFFF086;
	s6 =	sadd.s32 @!p0 s3, s7;
	s7 =	simm.s32 @!p0 $0x108  }
0x21: {  	s3 =	sadd.s32 s3, s9;
	s6 =	sadd.s32 @!p0 $0x88, s6;
	s7 =	simm.s32 @p2 $0x1082  }
0x22: {  	[simem:s7], [sflag:s8] =	dma.local @!p0 [hbm:s6], $0xF7A  }
0x23: {  	s9 =	sor.u32 $0xD0000000, s2;
	s6 =	simm.s32 $0x108;
	_ =	swait.ge @!p0 [sflag:s8], $0x0  }
0x24: {  	s3 =	sadd.s32 $0x88, s3;
	s6 =	simm.s32 @!p1 $0x1082;
	[sflag:s4] =	ssyncset.s32 $0xFFFFF086  }
0x25: {  	[simem:s6], [sflag:s4] =	dma.local [hbm:s3], $0xF7A  }
0x26: {  	[smem:$0x3F9B] =	sst s1;
	(tag) =	ssettag s2;
	_ =	strace s9  }
0x27: {  	s1 =	sld [smem:$0x3FAB]  }
0x28: {  	s2 =	sld [smem:$0x3FAC]  }
0x29: {  	s4 =	sld [smem:$0x3FAE]  }
0x2a: {  	p0 =	seq.s32 s5, $0x0;
	s5 =	sld [smem:$0x3FAF]  }
0x2b: {  	s6 =	sld [smem:$0x3FB0]  }
0x2c: {  	s7 =	sld [smem:$0x3FB1]  }
0x2d: {  	s3 =	simm.s32 $0x108;
	s8 =	sld [smem:$0x3FB2]  }
0x2e: {  	s3 =	simm.s32 @!p0 $0x1082;
	s9 =	sld [smem:$0x3FB3]  }
0x2f: {  	lr =	sadd.s32 s0, s3;
	s0 =	sld [smem:$0x3FAA]  }
0x30: {  	s3 =	sld [smem:$0x3FAD]  }
0x31: {  	[smem:$0x3FB6] =	sst s10  }
0x32: {  	s10 =	sld [smem:$0x3FB4];
	_ =	sdelay $0x3  }
0x33: {  	p0 =	seq.s32 s10, $0x1;
	s10 =	sld [smem:$0x3FB6];
	_ =	sdelay $0x3  }
0x34: {  	[smem:$0x3FB6] =	sst s10  }
0x35: {  	s10 =	sld [smem:$0x3FB5];
	_ =	sdelay $0x3  }
0x36: {  	p1 =	seq.s32 s10, $0x1;
	s10 =	sld [smem:$0x3FB6];
	_ =	sdelay $0x3  }
0x37: {  	[smem:$0x3FB6] =	sst s10  }
0x38: {  	s10 =	sld [smem:$0x3FB7]  }
0x39: {  	_ = 	snop;
	(pc) =	sbr.ind lr, $3  }
0x3a: {  	_ = 	snop  }
0x3b: {  	_ = 	snop  }
0x3c: {  	p2 =	seq.s32 s10, $0x1;
	s10 =	sld [smem:$0x3FB6]  }
0x3d: {  	_ =	shalt  }
0x3e: {  	_ =	shalt  }
0x3f: {  	_ =	shalt  }
0x40: {  	_ =	shalt  }
0x41: {  	_ =	shalt  }
0x42: {  	_ =	shalt  }
0x43: {  	_ =	shalt  }
0x44: {  	_ =	shalt  }
0x45: {  	_ =	shalt  }
0x46: {  	_ =	shalt  }
0x47: {  	_ =	shalt  }
0x48: {  	_ =	shalt  }
0x49: {  	_ =	shalt  }
0x4a: {  	_ =	shalt  }
0x4b: {  	_ =	shalt  }
0x4c: {  	_ =	shalt  }
0x4d: {  	_ =	shalt  }
0x4e: {  	_ =	shalt  }
0x4f: {  	_ =	shalt  }
0x50: {  	_ =	shalt  }
0x51: {  	_ =	shalt  }
0x52: {  	_ =	shalt  }
0x53: {  	_ =	shalt  }
0x54: {  	_ =	shalt  }
0x55: {  	_ =	shalt  }
0x56: {  	_ =	shalt  }
0x57: {  	_ =	shalt  }
0x58: {  	_ =	shalt  }
0x59: {  	_ =	shalt  }
0x5a: {  	_ =	shalt  }
0x5b: {  	_ =	shalt  }
0x5c: {  	_ =	shalt  }
0x5d: {  	_ =	shalt  }
0x5e: {  	_ =	shalt  }
0x5f: {  	_ =	shalt  }
0x60: {  	_ =	shalt  }
0x61: {  	_ =	shalt  }
0x62: {  	_ =	shalt  }
0x63: {  	_ =	shalt  }
0x64: {  	_ =	shalt  }
0x65: {  	_ =	shalt  }
0x66: {  	_ =	shalt  }
0x67: {  	_ =	shalt  }
0x68: {  	_ =	shalt  }
0x69: {  	_ =	shalt  }
0x6a: {  	_ =	shalt  }
0x6b: {  	_ =	shalt  }
0x6c: {  	_ =	shalt  }
0x6d: {  	_ =	shalt  }
0x6e: {  	_ =	shalt  }
0x6f: {  	_ =	shalt  }
0x70: {  	_ =	shalt  }
0x71: {  	_ =	shalt  }
0x72: {  	_ =	shalt  }
0x73: {  	_ =	shalt  }
0x74: {  	_ =	shalt  }
0x75: {  	_ =	shalt  }
0x76: {  	_ =	shalt  }
0x77: {  	_ =	shalt  }
0x78: {  	_ =	shalt  }
0x79: {  	_ =	shalt  }
0x7a: {  	_ =	shalt  }
0x7b: {  	_ =	shalt  }
0x7c: {  	_ =	shalt  }
0x7d: {  	_ =	shalt  }
0x7e: {  	_ =	shalt  }
0x7f: {  	_ =	shalt  }
0x80: {  	_ =	shalt  }
0x81: {  	_ =	shalt  }
0x82: {  	_ =	shalt  }
0x83: {  	_ =	shalt  }
0x84: {  	_ =	shalt  }
0x85: {  	_ =	shalt  }
0x86: {  	_ =	shalt  }
0x87: {  	_ =	shalt  }
.Lfunc_end0:
.L_simem_size_0:
called_computation.4_lowered:
.L_overlay_start_0:
0x88: {  	s2 =	sld [smem:$0x3FD9]  }
0x89: {  	s3 =	sld [smem:$0x3FFE];
	_ =	sdelay $0x1  }
0x8a: {  	s1 =	srdreg.scid  }
0x8b: {  	s0 =	sand.u32 $0x1, s1  }
0x8c: {  	s17 =	sshll.u32 s0, $0xA;
	s2 =	sadd.s32 s3, s2  }
0x8d: {  	s2 =	sadd.s32 s2, s17  }
0x8e: {  	[smem:$0x3FC2] =	sst s2  }
0x8f: {  	_ = 	snop  }
0x90: {  	s2 =	sld [smem:$0x3FD0];
	(tm) =	ssettm $0x1  }
0x91: {  	s18 =	sld [smem:$0x3FFB];
	_ =	sdelay $0x3  }
0x92: {  	_ =	strace s18  }
0x93: {  	s3 =	sld [smem:$0x3FFC];
	_ =	sdelay $0x3  }
0x94: {  	_ =	strace s3  }
0x95: {  	s3 =	sld [smem:$0x3FFD];
	_ =	sdelay $0x3  }
0x96: {  	_ =	strace s3  }
0x97: {  	_ =	strace $0x8FFFFFFF  }
0x98: {  	s19 =	sld [smem:$0x3FDB];
	_ =	sdelay $0x1  }
0x99: {  	s4 =	simm.s32 $_scs_section_size  }
0x9a: {  	s5 =	simm.s32 $_size__tile_overlayer_lowered;
	s6 =	simm.s32 $_tile_overlayer_lowered  }
0x9b: {  	s22 =	simm.s32 $0x1BFF;
	s21 =	sshll.u32 s6, $0x1;
	s3 =	sadd.s32 s4, s19  }
0x9c: {  	s7 =	simm.s32 $0x0;
	s20 =	sshll.u32 s5, $0x1;
	s5 =	sadd.s32 s21, s3  }
0x9d: {  	[timem:s7], [sflag:s22] =	dma.local [hbm:s5], s20  }
0x9e: {  	_ =	swait.ge [sflag:s22], s20  }
0x9f: {  	s4 =	ssub.s32 $0x0, s20;
	[sflag:s22] =	ssyncset.done $0x0  }
0xa0: {  	[sflag:s22] =	ssyncadd.s32 s4;
	_ =	sdelay $0x1  }
0xa1: {  	s23 =	simm.s32 $0x1B8B  }
0xa2: {  	_ =	swait.ge [sflag:s23], $0x1  }
0xa3: {  	[sflag:s23] =	ssyncset.done $0x0  }
0xa4: {  	s25 =	simm.s32 $0x1B8E;
	s24 =	sld [smem:$0x3FFE];
	[sflag:s23] =	ssyncadd.s32 $0xFFFFFFFF  }
0xa5: {  	s26 =	simm.s32 $execute0_lowered;
	[smem:$0x3FD2] =	sst s25  }
0xa6: {  	s5 =	sshll.u32 s26, $0x1;
	_ =	strace $0x80000052;
	[dreg:$0x1] =	wrdreg $0xFFFFFFFF  }
0xa7: {  	s28 =	simm.s32 $_size_execute0_lowered;
	s3 =	sadd.s32 s3, s5;
	[dreg:$0x0] =	wrdreg $0x0  }
0xa8: {  	s5 =	sshll.u32 s28, $0x1;
	[dreg:$0x2] =	wrdreg s3  }
0xa9: {  	[dreg:$0x3] =	wrdreg s5  }
0xaa: {  	[dreg:$0x4] =	wrdreg $0xC0  }
0xab: {  	_ =	task [dreg:s7], $0x5FFFF  }
0xac: {  	[dreg:$0x1] =	wrdreg $0xFFFFFFFF  }
0xad: {  	[dreg:$0x0] =	wrdreg $0x60  }
0xae: {  	[dreg:$0x2] =	wrdreg s24  }
0xaf: {  	[dreg:$0x3] =	wrdreg s2  }
0xb0: {  	[dreg:$0x4] =	wrdreg $0x9  }
0xb1: {  	_ =	task.clear_ibuf [dreg:s7], $0x5FFFF;
	_ =	strace $0x90000052  }
0xb2: {  	s29 =	simm.s32 $0x9;
	_ =	strace $0x80000054  }
0xb3: {  	_ =	swait.ge [sflag:s29], $0x1  }
0xb4: {  	[sflag:s29] =	ssyncadd.s32 $0xFFFFFFFF  }
0xb5: {  	_ =	strace $0x90000054  }
0xb6: {  	_ =	sfence  }
0xb7: {  	s30 =	sld [smem:$0x0];
	_ =	sdelay $0x2  }
0xb8: {  	s31 =	sshll.u32 s1, $0xD;
	s1 =	sshrl.u32 s1, $0x2  }
0xb9: {  	s3 =	sand.u32 $0x4000, s31;
	s1 =	sadd.s32 s1, s30  }
0xba: {  	s0 =	sor.u32 s3, s0;
	s1 =	sshll.u32 s1, $0x11  }
0xbb: {  	s0 =	sor.u32 s1, s0  }
0xbc: {  	s0 =	sadd.s32 $0x8F2B, s0  }
0xbd: {  	[sflag:s0] =	ssyncadd.remote.s32 $0x1  }
0xbe: {  	_ =	sfence.sel $0xFFFF  }
0xbf: {  	[dreg:$0x0] =	wrdreg $0xFFFFFFFF;
	(pc) =	sbr.abs _section_cstart, $3  }
0xc0: {  	[dreg:$0x1] =	wrdreg $0xFFFFFFFF  }
0xc1: {  	_ =	task.clear_ibuf [dreg:s7], $0x2FFFF;
	_ =	strace $0x9FFFFFFF  }
0xc2: {  	(tm) =	ssettm $0x7FFFFFFF  }
0xc3: {  	_ =	shalt  }
tec
execute0_lowered:
.L_overlay_start_1:
0x0: {  	(tag) =	ssettag $0x1  }
0x1: {  	s0 =	srdreg.scid;
	s4 =	rddreg [dreg:$0x0]  }
0x2: {  	s5 =	rddreg [dreg:$0x1];
	s2 =	simm.s32 $0x0;
	s14 =	simm.s32 $0x1880  }
0x3: {  	s15 =	simm.s32 $0x24C0;
	s16 =	simm.s32 $0x86C0;
	s3 =	sand.u32 $0x1, s0  }
0x4: {  	s17 =	simm.s32 $0xE8C0;
	s0 =	stileid.u32;
	s1 =	sshll.u32 s3, $0x4  }
0x5: {  	s18 =	simm.s32 $0x0;
	[smem:$0x7FF] =	sst s2;
	s6 =	sor.u32 s0, s1  }
0x6: {  	s10 =	sadd.s32 $0x23A00, s4;
	s11 =	ssub.s32 $0x2, s3;
	s7 =	smul.u32 $0x188, s6  }
0x7: {  	s3 =	sadd.s32 $0x7E00, s4;
	s1 =	rddreg [dreg:$0x2];
	s9 =	smul.u32 $0xC40, s6  }
0x8: {  	_ =	strace $0x80000053;
	s30 =	sshrl.u32 s11, $0x1;
	s6 =	smul.u32 $0x6200, s6  }
0x9: {  	s11 =	ssub.s32 s11, s30;
	s8 =	sadd.s32 s7, s4;
	s12 =	sadd.s32 s9, s4  }
0xa: {  	s13 =	sshrl.u32 s6, $0x3;
	s5 =	sadd.s32 s5, s7;
	s7 =	sadd.s32 s10, s9  }
0xb: {  	vm0 =	vcmask $0x3F24;
	vm1 =	vcmask $0x1F04;
	s4 =	sadd.s32 $0x4C00, s8;
	s6 =	sadd.s32 $0x20800, s8;
	s31 =	sadd.s32 s10, s13  }
0xc: {  	v0 =	vlaneseq.u32;
	v1 =	vimm.s32 $0x0;
	v3 =	vimm.f32 $0.0e+00;
	s9 =	sadd.s32 $0x8000, s12;
	s10 =	smax.u32 s11, $0x1;
	s11 =	simm.s32 $0x14AC0  }
0xd: {  	vm0 =	vmor vm1, vm0;
	v2 =	vand.u32 $0x7, v0;
	v4 =	vmul.u32 $0x8, v0;
	s12 =	simm.s32 $0x1;
	s13 =	simm.s32 $0xC40;
	s8 =	sadd.s32 $0x18800, s31  }
.LBB2_1:
0xe: {  	[tilespmem:s11], [sflag:$0x1] =	stream.linear.gather [hbm4b:s3+s2], $0x20, $0x38;
	[tilespmem:$0x14AE0] =	vst v63  }
0xf: {  	_ =	swait.ge [sflag:s12], $0x20  }
0x10: {  	[sflag:s12] =	ssyncset.done $0x0  }
0x11: {  	[sflag:s12] =	ssyncadd.s32 $0xFFFFFFE0  }
0x12: {  	[tilespmem:s2], [sflag:$0x1] =	stream.linear.gather [hbm4b:s4+s2], $0xC40, $0x38;
	[tilespmem:$0x14AE0] =	vst v63  }
0x13: {  	_ =	swait.ge [sflag:s12], $0xC40  }
0x14: {  	[sflag:s12] =	ssyncset.done $0x0  }
0x15: {  	[sflag:s12] =	ssyncadd.s32 $0xFFFFF3C0  }
0x16: {  	[tilespmem:s13], [sflag:$0x1] =	stream.linear.gather [hbm4b:s5+s2], $0xC40, $0x38;
	[tilespmem:$0x14AE0] =	vst v63  }
0x17: {  	_ =	swait.ge [sflag:s12], $0xC40  }
0x18: {  	[sflag:s12] =	ssyncset.done $0x0  }
0x19: {  	[sflag:s12] =	ssyncadd.s32 $0xFFFFF3C0  }
0x1a: {  	[tilespmem:s14], [sflag:$0x1] =	stream.linear.gather [hbm4b:s6+s2], $0xC40, $0x38;
	[tilespmem:$0x14AE0] =	vst v63  }
0x1b: {  	_ =	swait.ge [sflag:s12], $0xC40  }
0x1c: {  	v5 =	vmov s2;
	[sflag:s12] =	ssyncset.done $0x0  }
0x1d: {  	vm1 =	veq.s32 v5, v0;
	[sflag:s12] =	ssyncadd.s32 $0xFFFFF3C0  }
0x1e: {  	vm1 =	vmand vm1, vm0;
	[tilespmem:s15], [sflag:$0x1] =	stream.linear.gather [hbm4b:s7+s2], $0x6200, $0x38;
	[tilespmem:$0x14AE0] =	vst v63  }
0x1f: {  	v5 =	vsel vm1, $0xFFFFFFFF, v1;
	_ =	swait.ge [sflag:s12], $0x6200  }
0x20: {  	v5 =	vshll.u32 v5, $0x3;
	[sflag:s12] =	ssyncset.done $0x0  }
0x21: {  	s20 =	simm.s32 $0x10;
	v5 =	vadd.s32 s2, v5;
	[sflag:s12] =	ssyncadd.s32 $0xFFFF9E00  }
0x22: {  	v6 =	vmov s20;
	v5 =	vadd.s32 v0, v5;
	[tilespmem:s16], [sflag:$0x1] =	stream.linear.gather [hbm4b:s8+s2], $0x6200, $0x38;
	[tilespmem:$0x14AE0] =	vst v63  }
0x23: {  	vm1 =	veq.s32 v6, v0;
	v5 =	vand.u32 $0xFFFFFFF8, v5;
	_ =	swait.ge [sflag:s12], $0x6200  }
0x24: {  	vm1 =	vmand vm1, vm0;
	v5 =	vor.u32 v2, v5;
	[sflag:s12] =	ssyncset.done $0x0  }
0x25: {  	v6 =	vsel vm1, $0xFFFFFFFF, v1;
	[sflag:s12] =	ssyncadd.s32 $0xFFFF9E00  }
0x26: {  	v6 =	vshll.u32 v6, $0x3;
	v8 =	vld [tilespmem:$0x14AC0]  }
0x27: {  	s19 =	simm.s32 $0x20;
	v6 =	vadd.s32 s20, v6;
	v7 =	vld [tilespmem:$0x14AD0]  }
.LBB2_2:
0x28: {  	v9 =	vmov s19;
	p0 =	seq.s32 s19, $0x61F0;
	v6 =	vadd.s32 v0, v6;
	s20 =	smov.u32 s19;
	s19 =	sadd.s32 $0x10, s19  }
.Ltmp0:
0x29: {  	vm1 =	veq.s32 v9, v0;
	v6 =	vand.u32 $0xFFFFFFF8, v6;
	[tilespmem:v5+s17+$0x0] =	vst.idx.msk $0xffff, v3;
	(pc) =	sbr.rel @!p0 .LBB2_2-.Ltmp0, $4  }
0x2a: {  	vm1 =	vmand vm1, vm0;
	v5 =	vor.u32 v2, v6  }
0x2b: {  	v6 =	vsel vm1, $0xFFFFFFFF, v1  }
0x2c: {  	v6 =	vshll.u32 v6, $0x3  }
0x2d: {  	v6 =	vadd.s32 s20, v6  }
0x2e: {  	v6 =	vadd.s32 v0, v6  }
0x2f: {  	v6 =	vand.u32 $0xFFFFFFF8, v6  }
0x30: {  	s20 =	simm.s32 $0x0;
	v6 =	vor.u32 v2, v6  }
0x31: {  	v25 =	vmov s20  }
0x32: {  	v25 =	vshll.u32 v25, $0x3  }
0x33: {  	v26 =	vor.u32 v4, v25  }
0x34: {  	[tilespmem:v5+s17+$0x0] =	vst.idx.msk $0xffff, v3  }
0x35: {  	v18 =	vbroadcast v8, $0x0;
	s21 =	simm.s32 $0xC40;
	[tilespmem:v6+s17+$0x0] =	vst.idx.msk $0xffff, v3  }
0x36: {  	v19 =	vbroadcast v8, $0x4;
	v14 =	vbroadcast v7, $0x0;
	v28 =	vor.u32 $0x1, v26;
	v25 =	vld [tilespmem:s21+$0x0]  }
0x37: {  	v11 =	vbroadcast v8, $0x8;
	v12 =	vbroadcast v8, $0x9;
	v27 =	vld [tilespmem:s20+$0x0]  }
0x38: {  	v20 =	vbroadcast v8, $0x1;
	v21 =	vbroadcast v8, $0x5;
	v30 =	vor.u32 $0x2, v26;
	v31 =	vld.idx.msk [tilespmem:v26+s16+$0x0], $0xffff  }
0x39: {  	v15 =	vbroadcast v7, $0x1;
	v9 =	vbroadcast v8, $0xA;
	s19 =	simm.s32 $0x1880;
	v32 =	vld.idx.msk [tilespmem:v26+s15+$0x0], $0xffff  }
0x3a: {  	v10 =	vbroadcast v8, $0xB;
	v17 =	vbroadcast v8, $0x2;
	v33 =	vor.u32 $0x3, v26;
	v34 =	vld [tilespmem:s19+$0x0]  }
0x3b: {  	v24 =	vbroadcast v8, $0x6;
	v16 =	vbroadcast v7, $0x2;
	v29 =	vld.idx.msk [tilespmem:v28+s16+$0x0], $0xffff  }
0x3c: {  	v35 =	vld.idx.msk [tilespmem:v28+s15+$0x0], $0xffff;
	v36 =	vmul.f32 v27, v18;
	v37 =	vmul.f32 v25, v19  }
0x3d: {  	v5 =	vbroadcast v8, $0xC;
	v22 =	vbroadcast v8, $0x3;
	v38 =	vld.idx.msk [tilespmem:v30+s16+$0x0], $0xffff  }
0x3e: {  	v30 =	vld.idx.msk [tilespmem:v30+s15+$0x0], $0xffff;
	v52 =	vmul.f32 v27, v20;
	v39 =	vmul.f32 v25, v21;
	v36 =	vadd.f32 v37, v36  }
0x3f: {  	v23 =	vbroadcast v8, $0x7;
	v40 =	vld.idx.msk [tilespmem:v33+s16+$0x0], $0xffff;
	v31 =	vadd.f32 v31, v32;
	v53 =	vmul.f32 v25, v24  }
0x40: {  	v33 =	vld.idx.msk [tilespmem:v33+s15+$0x0], $0xffff;
	v54 =	vmul.f32 v27, v17;
	v37 =	vadd.f32 v39, v52;
	v36 =	vmul.f32 v36, v34  }
0x41: {  	v27 =	vmul.f32 v27, v22;
	v25 =	vmul.f32 v25, v23;
	v29 =	vadd.f32 v29, v35  }
0x42: {  	v32 =	vadd.f32 v53, v54;
	v55 =	vmul.f32 v37, v34;
	v31 =	vadd.f32 v36, v31  }
0x43: {  	v13 =	vbroadcast v7, $0x3;
	v30 =	vadd.f32 v38, v30;
	v25 =	vadd.f32 v25, v27  }
0x44: {  	v56 =	vmul.f32 v32, v34;
	v29 =	vadd.f32 v29, v55;
	v27 =	vmul.f32 v31, v34  }
0x45: {  	v7 =	vbroadcast v8, $0xE;
	v57 =	vadd.f32 v40, v33;
	v25 =	vmul.f32 v25, v34  }
0x46: {  	v30 =	vadd.f32 v30, v56;
	v29 =	vmul.f32 v29, v34;
	v27 =	vadd.f32 v27, v14  }
0x47: {  	v6 =	vbroadcast v8, $0xD;
	v8 =	vbroadcast v8, $0xF;
	v25 =	vadd.f32 v57, v25  }
0x48: {  	v30 =	vmul.f32 v30, v34;
	v29 =	vadd.f32 v29, v15;
	v27 =	vmax.f32 v27, $0.0e+00  }
0x49: {  	v58 =	vmul.f32 v27, v11;
	v27 =	vmul.f32 v27, v12  }
0x4a: {  	v25 =	vmul.f32 v25, v34;
	v30 =	vadd.f32 v30, v16;
	v29 =	vmax.f32 v29, $0.0e+00  }
0x4b: {  	v59 =	vmul.f32 v29, v9;
	v29 =	vmul.f32 v29, v10;
	v27 =	vadd.f32 $0.0e+00, v27  }
0x4c: {  	v25 =	vadd.f32 v25, v13;
	v30 =	vmax.f32 v30, $0.0e+00;
	v31 =	vadd.f32 $0.0e+00, v58  }
0x4d: {  	v60 =	vmul.f32 v30, v5;
	v30 =	vmul.f32 v30, v6;
	v27 =	vadd.f32 v29, v27  }
0x4e: {  	v25 =	vmax.f32 v25, $0.0e+00;
	v31 =	vadd.f32 v59, v31  }
0x4f: {  	s22 =	simm.s32 $0x10;
	v61 =	vmul.f32 v25, v7;
	v25 =	vmul.f32 v25, v8;
	v27 =	vadd.f32 v30, v27  }
0x50: {  	v62 =	vmov s22;
	v29 =	vadd.f32 v60, v31  }
0x51: {  	v27 =	vadd.f32 v25, v27;
	v25 =	vshll.u32 v62, $0x3  }
0x52: {  	v29 =	vadd.f32 v61, v29;
	v25 =	vor.u32 v4, v25  }
0x53: {  	v63 =	vmul.f32 v27, v34;
	v27 =	vor.u32 $0x1, v25  }
0x54: {  	v29 =	vmul.f32 v29, v34;
	_ =	sdelay $0x1  }
0x55: {  	[tilespmem:v26+s17+$0x0] =	vst.idx.msk $0xffff, v29  }
0x56: {  	s22 =	simm.s32 $0x20;
	v26 =	vmov v27;
	[tilespmem:v28+s17+$0x0] =	vst.idx.msk $0xffff, v63  }
.LBB2_4:
0x57: {  	p0 =	sne.s32 s22, $0xC30;
	v27 =	vld.idx.msk [tilespmem:v27+s16+$0x0], $0xffff;
	s21 =	sadd.s32 $0x10, s21  }
0x58: {  	s20 =	sadd.s32 $0x10, s20;
	v28 =	vld [tilespmem:s21+$0x0]  }
0x59: {  	v30 =	vor.u32 $0x2, v25;
	v29 =	vld [tilespmem:s20+$0x0]  }
0x5a: {  	v31 =	vld.idx.msk [tilespmem:v25+s16+$0x0], $0xffff  }
0x5b: {  	v33 =	vor.u32 $0x3, v25;
	v32 =	vld.idx.msk [tilespmem:v25+s15+$0x0], $0xffff  }
0x5c: {  	s19 =	sadd.s32 $0x10, s19;
	v34 =	vld.idx.msk [tilespmem:v26+s15+$0x0], $0xffff  }
0x5d: {  	v35 =	vld [tilespmem:s19+$0x0]  }
0x5e: {  	v37 =	vmul.f32 v28, v19;
	v36 =	vmul.f32 v29, v18;
	v38 =	vld.idx.msk [tilespmem:v30+s16+$0x0], $0xffff  }
0x5f: {  	v30 =	vld.idx.msk [tilespmem:v30+s15+$0x0], $0xffff  }
0x60: {  	v39 =	vmul.f32 v28, v21;
	v36 =	vadd.f32 v37, v36;
	v37 =	vmul.f32 v29, v20;
	v40 =	vld.idx.msk [tilespmem:v33+s16+$0x0], $0xffff  }
0x61: {  	v31 =	vadd.f32 v31, v32;
	v32 =	vmul.f32 v28, v24;
	v33 =	vld.idx.msk [tilespmem:v33+s15+$0x0], $0xffff  }
0x62: {  	v36 =	vmul.f32 v36, v35;
	v37 =	vadd.f32 v39, v37;
	v39 =	vmul.f32 v29, v17  }
0x63: {  	v28 =	vmul.f32 v28, v23;
	v27 =	vadd.f32 v27, v34;
	v29 =	vmul.f32 v29, v22  }
0x64: {  	v31 =	vadd.f32 v36, v31;
	v34 =	vmul.f32 v37, v35;
	v32 =	vadd.f32 v32, v39  }
0x65: {  	v30 =	vadd.f32 v38, v30;
	v28 =	vadd.f32 v28, v29  }
0x66: {  	v29 =	vmul.f32 v31, v35;
	v27 =	vadd.f32 v27, v34;
	v31 =	vmul.f32 v32, v35  }
0x67: {  	v32 =	vadd.f32 v40, v33;
	v28 =	vmul.f32 v28, v35  }
0x68: {  	v29 =	vadd.f32 v29, v14;
	v27 =	vmul.f32 v27, v35;
	v30 =	vadd.f32 v30, v31  }
0x69: {  	v28 =	vadd.f32 v32, v28  }
0x6a: {  	v29 =	vmax.f32 v29, $0.0e+00;
	v27 =	vadd.f32 v27, v15;
	v30 =	vmul.f32 v30, v35  }
0x6b: {  	v31 =	vmul.f32 v29, v11;
	v29 =	vmul.f32 v29, v12  }
0x6c: {  	v28 =	vmul.f32 v28, v35;
	v27 =	vmax.f32 v27, $0.0e+00;
	v30 =	vadd.f32 v30, v16  }
0x6d: {  	v31 =	vadd.f32 $0.0e+00, v31;
	v32 =	vmul.f32 v27, v9;
	v27 =	vmul.f32 v27, v10  }
0x6e: {  	v28 =	vadd.f32 v28, v13;
	v29 =	vadd.f32 $0.0e+00, v29;
	v30 =	vmax.f32 v30, $0.0e+00  }
0x6f: {  	v31 =	vadd.f32 v32, v31;
	v32 =	vmul.f32 v30, v5;
	v30 =	vmul.f32 v30, v6  }
0x70: {  	v33 =	vmov s22;
	v28 =	vmax.f32 v28, $0.0e+00;
	v27 =	vadd.f32 v27, v29  }
0x71: {  	v29 =	vadd.f32 v32, v31;
	v31 =	vmul.f32 v28, v7;
	v28 =	vmul.f32 v28, v8  }
0x72: {  	v32 =	vshll.u32 v33, $0x3;
	v30 =	vadd.f32 v30, v27  }
0x73: {  	v32 =	vor.u32 v4, v32;
	v29 =	vadd.f32 v31, v29  }
.Ltmp1:
0x74: {  	v27 =	vor.u32 $0x1, v32;
	v28 =	vadd.f32 v28, v30;
	(pc) =	sbr.rel @p0 .LBB2_4-.Ltmp1, $4  }
0x75: {  	v29 =	vmul.f32 v29, v35  }
0x76: {  	v28 =	vmul.f32 v28, v35  }
0x77: {  	[tilespmem:v25+s17+$0x0] =	vst.idx.msk $0xffff, v29;
	v25 =	vmov v32  }
0x78: {  	s22 =	sadd.s32 $0x10, s22;
	[tilespmem:v26+s17+$0x0] =	vst.idx.msk $0xffff, v28;
	v26 =	vmov v27  }
0x79: {  	_ = 	snop  }
0x7a: {  	s21 =	sadd.s32 $0x10, s21  }
0x7b: {  	s20 =	sadd.s32 $0x10, s20;
	v28 =	vld [tilespmem:s21+$0x0]  }
0x7c: {  	v29 =	vld [tilespmem:s20+$0x0]  }
0x7d: {  	v27 =	vld.idx.msk [tilespmem:v27+s16+$0x0], $0xffff;
	v30 =	vor.u32 $0x2, v25  }
0x7e: {  	v31 =	vld.idx.msk [tilespmem:v25+s16+$0x0], $0xffff  }
0x7f: {  	v32 =	vld.idx.msk [tilespmem:v25+s15+$0x0], $0xffff;
	v33 =	vor.u32 $0x3, v25;
	s19 =	sadd.s32 $0x10, s19  }
0x80: {  	v34 =	vld [tilespmem:s19+$0x0]  }
0x81: {  	v35 =	vld.idx.msk [tilespmem:v26+s15+$0x0], $0xffff;
	v18 =	vmul.f32 v29, v18;
	v19 =	vmul.f32 v28, v19  }
0x82: {  	v36 =	vld.idx.msk [tilespmem:v30+s16+$0x0], $0xffff  }
0x83: {  	v30 =	vld.idx.msk [tilespmem:v30+s15+$0x0], $0xffff;
	v49 =	vmul.f32 v29, v20;
	v50 =	vmul.f32 v28, v21;
	v18 =	vadd.f32 v19, v18  }
0x84: {  	v51 =	vld.idx.msk [tilespmem:v33+s16+$0x0], $0xffff;
	v31 =	vadd.f32 v31, v32;
	v24 =	vmul.f32 v28, v24  }
0x85: {  	v52 =	vld.idx.msk [tilespmem:v33+s15+$0x0], $0xffff;
	v17 =	vmul.f32 v29, v17;
	v19 =	vadd.f32 v50, v49;
	v18 =	vmul.f32 v18, v34  }
0x86: {  	v53 =	vadd.f32 v27, v35;
	v22 =	vmul.f32 v29, v22;
	v23 =	vmul.f32 v28, v23  }
0x87: {  	v17 =	vadd.f32 v24, v17;
	v19 =	vmul.f32 v19, v34;
	v18 =	vadd.f32 v18, v31  }
0x88: {  	v22 =	vadd.f32 v23, v22;
	v54 =	vadd.f32 v36, v30  }
0x89: {  	v17 =	vmul.f32 v17, v34;
	v19 =	vadd.f32 v53, v19;
	v18 =	vmul.f32 v18, v34  }
0x8a: {  	v55 =	vadd.f32 v51, v52;
	v56 =	vmul.f32 v22, v34  }
0x8b: {  	v17 =	vadd.f32 v54, v17;
	v57 =	vmul.f32 v19, v34;
	v14 =	vadd.f32 v18, v14  }
0x8c: {  	v58 =	vadd.f32 v55, v56  }
0x8d: {  	v17 =	vmul.f32 v17, v34;
	v15 =	vadd.f32 v57, v15;
	v14 =	vmax.f32 v14, $0.0e+00  }
0x8e: {  	v61 =	vmul.f32 v58, v34;
	v11 =	vmul.f32 v14, v11  }
0x8f: {  	v60 =	vadd.f32 v17, v16;
	v59 =	vmax.f32 v15, $0.0e+00;
	v12 =	vmul.f32 v14, v12  }
0x90: {  	v13 =	vadd.f32 v61, v13;
	v9 =	vmul.f32 v59, v9;
	v11 =	vadd.f32 $0.0e+00, v11  }
0x91: {  	v62 =	vmax.f32 v60, $0.0e+00;
	v10 =	vmul.f32 v59, v10;
	v12 =	vadd.f32 $0.0e+00, v12  }
0x92: {  	v5 =	vmul.f32 v62, v5;
	v9 =	vadd.f32 v9, v11  }
0x93: {  	v63 =	vmax.f32 v13, $0.0e+00;
	v6 =	vmul.f32 v62, v6;
	v10 =	vadd.f32 v10, v12  }
0x94: {  	v7 =	vmul.f32 v63, v7;
	v5 =	vadd.f32 v5, v9  }
0x95: {  	v8 =	vmul.f32 v63, v8;
	v6 =	vadd.f32 v6, v10  }
0x96: {  	v5 =	vadd.f32 v7, v5  }
0x97: {  	v6 =	vadd.f32 v8, v6  }
0x98: {  	v5 =	vmul.f32 v5, v34  }
0x99: {  	s18 =	sadd.s32 $0x1, s18;
	v6 =	vmul.f32 v6, v34  }
0x9a: {  	p0 =	sne.s32 s18, s10;
	[tilespmem:v25+s17+$0x0] =	vst.idx.msk $0xffff, v5  }
.Ltmp2:
0x9b: {  	[tilespmem:v26+s17+$0x0] =	vst.idx.msk $0xffff, v6;
	(pc) =	sbr.rel @p0 .LBB2_1-.Ltmp2, $4  }
0x9c: {  	[hbm4b:s9+s2] =	stream.linear.scatter [tilespmem:s17], [sflag:$0x1], $0x6200, $0x38;
	[tilespmem:$0x14AE0] =	vst v63  }
0x9d: {  	_ =	swait.ge [sflag:s12], $0x6200  }
0x9e: {  	[sflag:s12] =	ssyncset.done $0x0  }
0x9f: {  	[sflag:s12] =	ssyncadd.s32 $0xFFFF9E00  }
0xa0: {  	_ =	sfence.sel $0x180000  }
0xa1: {  	[bflag:$0x0] =	sbarrier.arrive $0xFFFF  }
0xa2: {  	p0 =	sne.s32 s0, $0x0;
	_ =	strace $0x90000053  }
0xa3: {  	s0 =	sadd.s32 @!p0 $0x100000, s1;
	[bflag:$0x2] =	sbarrier.arrive $0xFFFF  }
0xa4: {  	[sflag:s0] =	ssyncadd.tile.s32 @!p0 $0x1;
	_ =	shalt  }
.Lfunc_end2:
_tile_overlayer_lowered:
.L_overlay_start_2:
0xa5: {  	(tag) =	ssettag $0x2  }
0xa6: {  	s0 =	rddreg [dreg:$0x0];
	s2 =	stileid.u32  }
0xa7: {  	s1 =	rddreg [dreg:$0x1];
	p0 =	sne.s32 s2, $0x0  }
0xa8: {  	s3 =	rddreg [dreg:$0x2];
	[bflag:$0x3] =	sbarrier.arrive $0xFFFF;
	s2 =	simm.s32 @!p0 $0x1C01  }
0xa9: {  	[timem:s3], [sflag:s2] =	dma.local @!p0 [hbm:s0], s1  }
0xaa: {  	s0 =	simm.s32 @!p0 $0x1  }
0xab: {  	_ =	swait.ge @!p0 [sflag:s0], s1  }
0xac: {  	s1 =	ssub.s32 @!p0 $0x0, s1;
	[sflag:s0] =	ssyncset.done @!p0 $0x0  }
0xad: {  	[sflag:s0] =	ssyncadd.s32 @!p0 s1  }
0xae: {  	[bflag:$0x3] =	sbarrier.arrive $0xFFFF  }
0xaf: {  	_ =	shalt  }

// kernel: kernel.20.cloned.1.call-start
scs
__scs_entry_jumppad:
0x0: {  	(pc) =	sbr.rel $0x88, $3  }
0x1: {  	(tag) =	ssettag $0x0;
	lr =	simm.s32 $0x1  }
0x2: {  	[smem:$0x3F9B] =	sst lr;
	_ =	strace $0xD0000000  }
0x3: {  	_ = 	snop  }
0x4: {  	_ = 	snop  }
0x5: {  	_ = 	snop  }
0x6: {  	_ = 	snop  }
0x7: {  	_ = 	snop  }
__scs_overlays_trampoline_lowered:
0x8: {  	[smem:$0x3FAA] =	sst s0  }
0x9: {  	[smem:$0x3FAB] =	sst s1  }
0xa: {  	[smem:$0x3FAC] =	sst s2  }
0xb: {  	[smem:$0x3FAD] =	sst s3  }
0xc: {  	[smem:$0x3FAE] =	sst s4  }
0xd: {  	[smem:$0x3FAF] =	sst s5  }
0xe: {  	[smem:$0x3FB0] =	sst s6  }
0xf: {  	[smem:$0x3FB1] =	sst s7  }
0x10: {  	[smem:$0x3FB2] =	sst s8  }
0x11: {  	[smem:$0x3FB3] =	sst s9;
	s0 =	simm.s32 @!p0 $0x0  }
0x12: {  	s1 =	sld [smem:$0x3F99];
	s0 =	simm.s32 @p0 $0x1  }
0x13: {  	[smem:$0x3FB4] =	sst s0;
	s0 =	simm.s32 @!p1 $0x0  }
0x14: {  	s2 =	sld [smem:$0x3F98];
	s0 =	simm.s32 @p1 $0x1  }
0x15: {  	[smem:$0x3FB5] =	sst s0;
	s0 =	simm.s32 @!p2 $0x0  }
0x16: {  	s3 =	sld [smem:$0x3FDB];
	s0 =	simm.s32 @p2 $0x1  }
0x17: {  	s4 =	simm.s32 $0x1BF5;
	[smem:$0x3FB7] =	sst s0  }
0x18: {  	s0 =	sld [smem:$0x3F9A];
	_ =	swait.ge [sflag:s4], $0x0  }
0x19: {  	s7 =	sld [smem:$0x3F9B]  }
0x1a: {  	s8 =	sadd.s32 $0xFFFFE003, lr  }
0x1b: {  	s9 =	sadd.s32 $0xFFFFFEF7, lr;
	s5 =	simm.s32 $0xFFFFFFFF;
	p2 =	slt.u32 s8, $0xFFFFF086  }
0x1c: {  	p1 =	slt.u32 s9, $0xF7A;
	s5 =	simm.s32 @!p2 $0x0  }
0x1d: {  	s5 =	simm.s32 @p1 $0x1;
	p0 =	seq.s32 s7, s2  }
0x1e: {  	s7 =	smul.u32 @!p0 $0xF7A, s2;
	p2 =	seq.s32 @!p0 s5, $0x0  }
0x1f: {  	s9 =	smul.u32 $0xF7A, s1;
	s8 =	simm.s32 @!p0 $0x1BF5;
	p2 =	por !p2, p0  }
0x20: {  	[sflag:s8] =	ssyncset.s32 @!p0 $0xFFFFF086;
	s6 =	sadd.s32 @!p0 s3, s7;
	s7 =	simm.s32 @!p0 $0x108  }
0x21: {  	s3 =	sadd.s32 s3, s9;
	s6 =	sadd.s32 @!p0 $0x88, s6;
	s7 =	simm.s32 @p2 $0x1082  }
0x22: {  	[simem:s7], [sflag:s8] =	dma.local @!p0 [hbm:s6], $0xF7A  }
0x23: {  	s9 =	sor.u32 $0xD0000000, s2;
	s6 =	simm.s32 $0x108;
	_ =	swait.ge @!p0 [sflag:s8], $0x0  }
0x24: {  	s3 =	sadd.s32 $0x88, s3;
	s6 =	simm.s32 @!p1 $0x1082;
	[sflag:s4] =	ssyncset.s32 $0xFFFFF086  }
0x25: {  	[simem:s6], [sflag:s4] =	dma.local [hbm:s3], $0xF7A  }
0x26: {  	[smem:$0x3F9B] =	sst s1;
	(tag) =	ssettag s2;
	_ =	strace s9  }
0x27: {  	s1 =	sld [smem:$0x3FAB]  }
0x28: {  	s2 =	sld [smem:$0x3FAC]  }
0x29: {  	s4 =	sld [smem:$0x3FAE]  }
0x2a: {  	p0 =	seq.s32 s5, $0x0;
	s5 =	sld [smem:$0x3FAF]  }
0x2b: {  	s6 =	sld [smem:$0x3FB0]  }
0x2c: {  	s7 =	sld [smem:$0x3FB1]  }
0x2d: {  	s3 =	simm.s32 $0x108;
	s8 =	sld [smem:$0x3FB2]  }
0x2e: {  	s3 =	simm.s32 @!p0 $0x1082;
	s9 =	sld [smem:$0x3FB3]  }
0x2f: {  	lr =	sadd.s32 s0, s3;
	s0 =	sld [smem:$0x3FAA]  }
0x30: {  	s3 =	sld [smem:$0x3FAD]  }
0x31: {  	[smem:$0x3FB6] =	sst s10  }
0x32: {  	s10 =	sld [smem:$0x3FB4];
	_ =	sdelay $0x3  }
0x33: {  	p0 =	seq.s32 s10, $0x1;
	s10 =	sld [smem:$0x3FB6];
	_ =	sdelay $0x3  }
0x34: {  	[smem:$0x3FB6] =	sst s10  }
0x35: {  	s10 =	sld [smem:$0x3FB5];
	_ =	sdelay $0x3  }
0x36: {  	p1 =	seq.s32 s10, $0x1;
	s10 =	sld [smem:$0x3FB6];
	_ =	sdelay $0x3  }
0x37: {  	[smem:$0x3FB6] =	sst s10  }
0x38: {  	s10 =	sld [smem:$0x3FB7]  }
0x39: {  	_ = 	snop;
	(pc) =	sbr.ind lr, $3  }
0x3a: {  	_ = 	snop  }
0x3b: {  	_ = 	snop  }
0x3c: {  	p2 =	seq.s32 s10, $0x1;
	s10 =	sld [smem:$0x3FB6]  }
0x3d: {  	_ =	shalt  }
0x3e: {  	_ =	shalt  }
0x3f: {  	_ =	shalt  }
0x40: {  	_ =	shalt  }
0x41: {  	_ =	shalt  }
0x42: {  	_ =	shalt  }
0x43: {  	_ =	shalt  }
0x44: {  	_ =	shalt  }
0x45: {  	_ =	shalt  }
0x46: {  	_ =	shalt  }
0x47: {  	_ =	shalt  }
0x48: {  	_ =	shalt  }
0x49: {  	_ =	shalt  }
0x4a: {  	_ =	shalt  }
0x4b: {  	_ =	shalt  }
0x4c: {  	_ =	shalt  }
0x4d: {  	_ =	shalt  }
0x4e: {  	_ =	shalt  }
0x4f: {  	_ =	shalt  }
0x50: {  	_ =	shalt  }
0x51: {  	_ =	shalt  }
0x52: {  	_ =	shalt  }
0x53: {  	_ =	shalt  }
0x54: {  	_ =	shalt  }
0x55: {  	_ =	shalt  }
0x56: {  	_ =	shalt  }
0x57: {  	_ =	shalt  }
0x58: {  	_ =	shalt  }
0x59: {  	_ =	shalt  }
0x5a: {  	_ =	shalt  }
0x5b: {  	_ =	shalt  }
0x5c: {  	_ =	shalt  }
0x5d: {  	_ =	shalt  }
0x5e: {  	_ =	shalt  }
0x5f: {  	_ =	shalt  }
0x60: {  	_ =	shalt  }
0x61: {  	_ =	shalt  }
0x62: {  	_ =	shalt  }
0x63: {  	_ =	shalt  }
0x64: {  	_ =	shalt  }
0x65: {  	_ =	shalt  }
0x66: {  	_ =	shalt  }
0x67: {  	_ =	shalt  }
0x68: {  	_ =	shalt  }
0x69: {  	_ =	shalt  }
0x6a: {  	_ =	shalt  }
0x6b: {  	_ =	shalt  }
0x6c: {  	_ =	shalt  }
0x6d: {  	_ =	shalt  }
0x6e: {  	_ =	shalt  }
0x6f: {  	_ =	shalt  }
0x70: {  	_ =	shalt  }
0x71: {  	_ =	shalt  }
0x72: {  	_ =	shalt  }
0x73: {  	_ =	shalt  }
0x74: {  	_ =	shalt  }
0x75: {  	_ =	shalt  }
0x76: {  	_ =	shalt  }
0x77: {  	_ =	shalt  }
0x78: {  	_ =	shalt  }
0x79: {  	_ =	shalt  }
0x7a: {  	_ =	shalt  }
0x7b: {  	_ =	shalt  }
0x7c: {  	_ =	shalt  }
0x7d: {  	_ =	shalt  }
0x7e: {  	_ =	shalt  }
0x7f: {  	_ =	shalt  }
0x80: {  	_ =	shalt  }
0x81: {  	_ =	shalt  }
0x82: {  	_ =	shalt  }
0x83: {  	_ =	shalt  }
0x84: {  	_ =	shalt  }
0x85: {  	_ =	shalt  }
0x86: {  	_ =	shalt  }
0x87: {  	_ =	shalt  }
.Lfunc_end0:
.L_simem_size_0:
called_computation.5_lowered:
.L_overlay_start_0:
0x88: {  	s2 =	sld [smem:$0x3FD9]  }
0x89: {  	s3 =	sld [smem:$0x3FFE];
	_ =	sdelay $0x1  }
0x8a: {  	s1 =	srdreg.scid  }
0x8b: {  	s0 =	sand.u32 $0x1, s1  }
0x8c: {  	s16 =	sshll.u32 s0, $0xA;
	s2 =	sadd.s32 s3, s2  }
0x8d: {  	s2 =	sadd.s32 s2, s16  }
0x8e: {  	[smem:$0x3FC2] =	sst s2  }
0x8f: {  	_ = 	snop  }
0x90: {  	(tm) =	ssettm $0x1  }
0x91: {  	s17 =	sld [smem:$0x3FFB];
	_ =	sdelay $0x3  }
0x92: {  	_ =	strace s17  }
0x93: {  	s2 =	sld [smem:$0x3FFC];
	_ =	sdelay $0x3  }
0x94: {  	_ =	strace s2  }
0x95: {  	s2 =	sld [smem:$0x3FFD];
	_ =	sdelay $0x3  }
0x96: {  	_ =	strace s2  }
0x97: {  	_ =	strace $0x8FFFFFFF  }
0x98: {  	s18 =	sld [smem:$0x3FDB];
	_ =	sdelay $0x1  }
0x99: {  	s19 =	simm.s32 $_scs_section_size  }
0x9a: {  	s4 =	simm.s32 $_size__tile_overlayer_lowered;
	s5 =	simm.s32 $_tile_overlayer_lowered  }
0x9b: {  	s22 =	simm.s32 $0x1BFF;
	s21 =	sshll.u32 s5, $0x1;
	s2 =	sadd.s32 s19, s18  }
0x9c: {  	s6 =	simm.s32 $0x0;
	s20 =	sshll.u32 s4, $0x1;
	s4 =	sadd.s32 s21, s2  }
0x9d: {  	[timem:s6], [sflag:s22] =	dma.local [hbm:s4], s20  }
0x9e: {  	_ =	swait.ge [sflag:s22], s20  }
0x9f: {  	s3 =	ssub.s32 $0x0, s20;
	[sflag:s22] =	ssyncset.done $0x0  }
0xa0: {  	[sflag:s22] =	ssyncadd.s32 s3;
	_ =	sdelay $0x1  }
0xa1: {  	s23 =	simm.s32 $0x1B8B  }
0xa2: {  	_ =	swait.ge [sflag:s23], $0x1  }
0xa3: {  	[sflag:s23] =	ssyncset.done $0x0  }
0xa4: {  	s25 =	simm.s32 $0x1B8E;
	s24 =	sld [smem:$0x3FFE];
	[sflag:s23] =	ssyncadd.s32 $0xFFFFFFFF  }
0xa5: {  	s26 =	simm.s32 $execute0_lowered;
	[smem:$0x3FD2] =	sst s25  }
0xa6: {  	s4 =	sshll.u32 s26, $0x1;
	_ =	strace $0x80000055;
	[dreg:$0x1] =	wrdreg $0xFFFFFFFF  }
0xa7: {  	s28 =	simm.s32 $_size_execute0_lowered;
	s2 =	sadd.s32 s2, s4;
	[dreg:$0x0] =	wrdreg $0x0  }
0xa8: {  	s4 =	sshll.u32 s28, $0x1;
	[dreg:$0x2] =	wrdreg s2  }
0xa9: {  	[dreg:$0x3] =	wrdreg s4  }
0xaa: {  	[dreg:$0x4] =	wrdreg $0xC0  }
0xab: {  	_ =	task [dreg:s6], $0x5FFFF  }
0xac: {  	[dreg:$0x1] =	wrdreg $0xFFFFFFFF  }
0xad: {  	[dreg:$0x0] =	wrdreg $0x60  }
0xae: {  	[dreg:$0x2] =	wrdreg s24  }
0xaf: {  	[dreg:$0x3] =	wrdreg $0x0  }
0xb0: {  	[dreg:$0x4] =	wrdreg $0x9  }
0xb1: {  	_ =	task.clear_ibuf [dreg:s6], $0x5FFFF;
	_ =	strace $0x90000055  }
0xb2: {  	s29 =	simm.s32 $0x9;
	_ =	strace $0x80000057  }
0xb3: {  	_ =	swait.ge [sflag:s29], $0x1  }
0xb4: {  	[sflag:s29] =	ssyncadd.s32 $0xFFFFFFFF  }
0xb5: {  	_ =	strace $0x90000057  }
0xb6: {  	_ =	sfence  }
0xb7: {  	s30 =	sld [smem:$0x0];
	_ =	sdelay $0x2  }
0xb8: {  	s31 =	sshll.u32 s1, $0xD;
	s1 =	sshrl.u32 s1, $0x2  }
0xb9: {  	s3 =	sand.u32 $0x4000, s31;
	s1 =	sadd.s32 s1, s30  }
0xba: {  	s0 =	sor.u32 s3, s0;
	s1 =	sshll.u32 s1, $0x11  }
0xbb: {  	s0 =	sor.u32 s1, s0  }
0xbc: {  	s0 =	sadd.s32 $0x8F2B, s0  }
0xbd: {  	[sflag:s0] =	ssyncadd.remote.s32 $0x1  }
0xbe: {  	_ =	sfence.sel $0xFFFF  }
0xbf: {  	[dreg:$0x0] =	wrdreg $0xFFFFFFFF;
	(pc) =	sbr.abs _section_cstart, $3  }
0xc0: {  	[dreg:$0x1] =	wrdreg $0xFFFFFFFF  }
0xc1: {  	_ =	task.clear_ibuf [dreg:s6], $0x2FFFF;
	_ =	strace $0x9FFFFFFF  }
0xc2: {  	(tm) =	ssettm $0x7FFFFFFF  }
0xc3: {  	_ =	shalt  }
tec
execute0_lowered:
.L_overlay_start_1:
0x0: {  	(tag) =	ssettag $0x1  }
0x1: {  	s0 =	rddreg [dreg:$0x0]  }
0x2: {  	s2 =	rddreg [dreg:$0x1]  }
0x3: {  	s1 =	srdreg.scid;
	s12 =	stileid.u32  }
0x4: {  	s3 =	simm.s32 $0x0;
	s18 =	simm.s32 $0xD600;
	s19 =	simm.s32 $0xD800  }
0x5: {  	s20 =	simm.s32 $0xDA00;
	s21 =	simm.s32 $0xCC00;
	s22 =	simm.s32 $0xCE00  }
0x6: {  	s23 =	simm.s32 $0xD000;
	s24 =	simm.s32 $0xD200;
	s28 =	simm.s32 $0x12400  }
0x7: {  	s29 =	simm.s32 $0x13400;
	s30 =	simm.s32 $0x14400;
	s31 =	simm.s32 $0x15400  }
0x8: {  	s1 =	sand.u32 $0x1, s1;
	s5 =	smul.u32 $0x1880, s12;
	[smem:$0x7FF] =	sst s3  }
0x9: {  	s25 =	smul.u32 $0x31000, s12;
	_ =	strace $0x80000056;
	[dreg:$0x5] =	wrdreg s18  }
0xa: {  	s4 =	sadd.s32 $0x8000, s0;
	s10 =	smul.u32 $0x62, s12;
	[dreg:$0x6] =	wrdreg s19  }
0xb: {  	s9 =	sadd.s32 $0x31A400, s0;
	s6 =	smul.u32 $0x18800, s1;
	[dreg:$0x7] =	wrdreg s20  }
0xc: {  	s26 =	ssub.s32 $0x2, s1;
	s7 =	smul.u32 $0x620, s1;
	[dreg:$0x8] =	wrdreg s21  }
0xd: {  	s1 =	sshll.u32 s1, $0x4;
	s18 =	simm.s32 $0x200;
	[dreg:$0x9] =	wrdreg s22  }
0xe: {  	s19 =	simm.s32 $0xE400;
	s21 =	simm.s32 $0xF400;
	[dreg:$0xa] =	wrdreg s23  }
0xf: {  	s23 =	simm.s32 $0x10400;
	[dreg:$0xb] =	wrdreg s24;
	s20 =	simm.s32 $0xE000  }
0x10: {  	s22 =	simm.s32 $0xE200;
	s24 =	simm.s32 $0x0;
	s8 =	sshrl.u32 s26, $0x1  }
0x11: {  	s1 =	sor.u32 s12, s1;
	s5 =	sadd.s32 s5, s6;
	s11 =	ssub.s32 s26, s8  }
0x12: {  	s8 =	sshrl.u32 s25, $0x2;
	s1 =	smul.u32 $0xC400, s1;
	s10 =	sadd.s32 s10, s7  }
0x13: {  	s25 =	simm.s32 $0xDC00;
	s26 =	simm.s32 $0xDE00;
	s0 =	sadd.s32 s5, s0  }
0x14: {  	s5 =	sadd.s32 s8, s2;
	s10 =	sshll.u32 s10, $0x9;
	[dreg:$0xc] =	wrdreg s25  }
0x15: {  	s17 =	smax.u32 s11, $0x1;
	[dreg:$0xd] =	wrdreg s26;
	s25 =	simm.s32 $0x11400  }
0x16: {  	s26 =	simm.s32 $0xD400;
	s1 =	sadd.s32 s9, s1;
	[dreg:$0x13] =	wrdreg s17  }
0x17: {  	s6 =	sadd.s32 $0x3100, s5;
	s13 =	sadd.s32 $0x23A00, s0;
	[dreg:$0xe] =	wrdreg s1  }
0x18: {  	s7 =	sadd.s32 $0x6200, s5;
	s14 =	sadd.s32 $0x24020, s0;
	[dreg:$0xf] =	wrdreg s13  }
0x19: {  	s8 =	sadd.s32 $0x9300, s5;
	s16 =	sadd.s32 $0x24640, s0;
	[dreg:$0x10] =	wrdreg s14  }
0x1a: {  	s12 =	sadd.s32 s10, s9;
	s0 =	sadd.s32 $0x24C60, s0;
	[dreg:$0x11] =	wrdreg s16  }
0x1b: {  	vm0 =	vcmask $0x3F24;
	s15 =	sadd.s32 $0x400, s12;
	s1 =	sadd.s32 $0x200, s12;
	[dreg:$0x12] =	wrdreg s0  }
0x1c: {  	vm1 =	vcmask $0x1F04;
	v0 =	vlaneseq.u32;
	v1 =	vimm.s32 $0x0;
	s16 =	simm.s32 $0x3;
	s0 =	simm.s32 $0x1;
	[dreg:$0x3] =	wrdreg s15  }
0x1d: {  	v3 =	vimm.f32 $0.0e+00;
	vm0 =	vmor vm1, vm0;
	v2 =	vand.u32 $0x7, v0;
	[dreg:$0x4] =	wrdreg s1;
	s15 =	simm.s32 $0x16400;
	s1 =	simm.s32 $0x2  }
.LBB2_1:
0x1e: {  	v4 =	vmov s3  }
0x1f: {  	vm1 =	veq.s32 v4, v0  }
0x20: {  	vm1 =	vmand vm1, vm0  }
0x21: {  	v4 =	vsel vm1, $0xFFFFFFFF, v1  }
0x22: {  	v4 =	vshll.u32 v4, $0x3  }
0x23: {  	s10 =	simm.s32 $0x10;
	v4 =	vadd.s32 s3, v4  }
0x24: {  	v5 =	vmov s10;
	v4 =	vadd.s32 v0, v4  }
0x25: {  	vm1 =	veq.s32 v5, v0;
	v4 =	vand.u32 $0xFFFFFFF8, v4  }
0x26: {  	vm1 =	vmand vm1, vm0;
	v4 =	vor.u32 v2, v4  }
0x27: {  	v5 =	vsel vm1, $0xFFFFFFFF, v1  }
0x28: {  	v5 =	vshll.u32 v5, $0x3  }
0x29: {  	s9 =	simm.s32 $0x20;
	v5 =	vadd.s32 s10, v5  }
.LBB2_2:
0x2a: {  	v6 =	vmov s9;
	p0 =	sne.s32 s9, $0x30F0;
	v5 =	vadd.s32 v0, v5;
	s10 =	smov.u32 s9;
	s9 =	sadd.s32 $0x10, s9  }
.Ltmp0:
0x2b: {  	vm1 =	veq.s32 v6, v0;
	v5 =	vand.u32 $0xFFFFFFF8, v5;
	[tilespmem:v4+s15+$0x0] =	vst.idx.msk $0xffff, v3;
	(pc) =	sbr.rel @p0 .LBB2_2-.Ltmp0, $4  }
0x2c: {  	vm1 =	vmand vm1, vm0;
	v4 =	vor.u32 v2, v5  }
0x2d: {  	v5 =	vsel vm1, $0xFFFFFFFF, v1  }
0x2e: {  	v5 =	vshll.u32 v5, $0x3  }
0x2f: {  	v5 =	vadd.s32 s10, v5  }
0x30: {  	v5 =	vadd.s32 v0, v5  }
0x31: {  	v5 =	vand.u32 $0xFFFFFFF8, v5  }
0x32: {  	v5 =	vor.u32 v2, v5;
	_ =	sdelay $0x3  }
0x33: {  	[tilespmem:v4+s15+$0x0] =	vst.idx.msk $0xffff, v3  }
0x34: {  	[tilespmem:v5+s15+$0x0] =	vst.idx.msk $0xffff, v3  }
0x35: {  	[spmem:s5] =	stream.linear.scatter [tilespmem:s15], [sflag:$0x3], $0x3100, $0x38;
	[tilespmem:$0x19500] =	vst v63  }
0x36: {  	_ =	swait.ge [sflag:s16], $0x3100  }
0x37: {  	[sflag:s16] =	ssyncset.done $0x0  }
0x38: {  	[sflag:s16] =	ssyncadd.s32 $0xFFFFCF00  }
0x39: {  	[spmem:s6] =	stream.linear.scatter [tilespmem:s15], [sflag:$0x3], $0x3100, $0x38;
	[tilespmem:$0x19500] =	vst v63  }
0x3a: {  	_ =	swait.ge [sflag:s16], $0x3100  }
0x3b: {  	[sflag:s16] =	ssyncset.done $0x0  }
0x3c: {  	[sflag:s16] =	ssyncadd.s32 $0xFFFFCF00  }
0x3d: {  	[spmem:s7] =	stream.linear.scatter [tilespmem:s15], [sflag:$0x3], $0x3100, $0x38;
	[tilespmem:$0x19500] =	vst v63  }
0x3e: {  	_ =	swait.ge [sflag:s16], $0x3100  }
0x3f: {  	[sflag:s16] =	ssyncset.done $0x0  }
0x40: {  	[sflag:s16] =	ssyncadd.s32 $0xFFFFCF00  }
0x41: {  	[spmem:s8] =	stream.linear.scatter [tilespmem:s15], [sflag:$0x3], $0x3100, $0x38;
	[tilespmem:$0x19500] =	vst v63  }
0x42: {  	_ =	swait.ge [sflag:s16], $0x3100  }
0x43: {  	[sflag:s16] =	ssyncset.done $0x0  }
0x44: {  	[sflag:s16] =	ssyncadd.s32 $0xFFFFCF00  }
0x45: {  	[bflag:$0x0] =	sbarrier.arrive $0xFFFF  }
0x46: {  	s9 =	simm.s32 $0x0;
	s11 =	simm.s32 $0xC400;
	s10 =	rddreg [dreg:$0xe]  }
0x47: {  	[tilespmem:s11], [sflag:$0x3] =	stream.linear.gather [hbm4b:s10+s9], $0x1000, $0x38;
	[tilespmem:$0x19500] =	vst v63  }
0x48: {  	_ =	swait.ge [sflag:s16], $0x1000  }
0x49: {  	[sflag:s16] =	ssyncset.done $0x0  }
0x4a: {  	[sflag:s16] =	ssyncadd.s32 $0xFFFFF000  }
0x4b: {  	[tilespmem:s19], [sflag:$0x1] =	stream.indirect.gather [hbm4b:s4+s18], $0x8, s11, s18, $0xb8;
	[tilespmem:$0x19500] =	vst v63  }
0x4c: {  	s17 =	simm.s32 $0xC600  }
0x4d: {  	[tilespmem:s21], [sflag:$0x1] =	stream.indirect.gather [hbm4b:s4+s18], $0x8, s17, s18, $0xb8;
	[tilespmem:$0x19500] =	vst v63  }
0x4e: {  	s10 =	simm.s32 $0xC800  }
0x4f: {  	[tilespmem:s23], [sflag:$0x1] =	stream.indirect.gather [hbm4b:s4+s18], $0x8, s10, s18, $0xb8;
	[tilespmem:$0x19500] =	vst v63  }
0x50: {  	s12 =	simm.s32 $0xCA00;
	s11 =	rddreg [dreg:$0x4]  }
0x51: {  	[tilespmem:s25], [sflag:$0x1] =	stream.indirect.gather [hbm4b:s4+s18], $0x8, s12, s18, $0xb8;
	[tilespmem:$0x19500] =	vst v63  }
0x52: {  	s9 =	sadd.s32 $0x0, s11  }
0x53: {  	[tilespmem:s26], [sflag:$0x3] =	stream.linear.gather [hbm4b:s9+s3], $0x1000, $0x38;
	[tilespmem:$0x19500] =	vst v63  }
0x54: {  	_ =	swait.ge [sflag:s16], $0x1000  }
0x55: {  	[sflag:s16] =	ssyncset.done $0x0  }
0x56: {  	[sflag:s16] =	ssyncadd.s32 $0xFFFFF000  }
0x57: {  	[tilespmem:s28], [sflag:$0x2] =	stream.indirect.gather [hbm4b:s4+s18], $0x8, s26, s18, $0xb8;
	[tilespmem:$0x19500] =	vst v63  }
0x58: {  	s13 =	rddreg [dreg:$0x5]  }
0x59: {  	[tilespmem:s29], [sflag:$0x2] =	stream.indirect.gather [hbm4b:s4+s18], $0x8, s13, s18, $0xb8;
	[tilespmem:$0x19500] =	vst v63  }
0x5a: {  	s14 =	rddreg [dreg:$0x6]  }
0x5b: {  	[tilespmem:s30], [sflag:$0x2] =	stream.indirect.gather [hbm4b:s4+s18], $0x8, s14, s18, $0xb8;
	[tilespmem:$0x19500] =	vst v63  }
0x5c: {  	s17 =	rddreg [dreg:$0x7]  }
0x5d: {  	[tilespmem:s31], [sflag:$0x2] =	stream.indirect.gather [hbm4b:s4+s18], $0x8, s17, s18, $0xb8;
	[tilespmem:$0x19500] =	vst v63  }
0x5e: {  	_ =	swait.ge [sflag:s0], $0x1000  }
0x5f: {  	[sflag:s0] =	ssyncset.done $0x0  }
0x60: {  	[sflag:s0] =	ssyncadd.s32 $0xFFFFF000  }
0x61: {  	_ =	swait.ge [sflag:s0], $0x1000  }
0x62: {  	[sflag:s0] =	ssyncset.done $0x0  }
0x63: {  	[sflag:s0] =	ssyncadd.s32 $0xFFFFF000  }
0x64: {  	_ =	swait.ge [sflag:s0], $0x1000  }
0x65: {  	[sflag:s0] =	ssyncset.done $0x0  }
0x66: {  	[sflag:s0] =	ssyncadd.s32 $0xFFFFF000  }
0x67: {  	_ =	swait.ge [sflag:s0], $0x1000  }
0x68: {  	[sflag:s0] =	ssyncset.done $0x0  }
0x69: {  	s10 =	rddreg [dreg:$0x8];
	[sflag:s0] =	ssyncadd.s32 $0xFFFFF000  }
0x6a: {  	[spmem:s2] =	stream.indirect.scatter.add.f32 [tilespmem:s19], [sflag:$0x1], $0x8, s10, s18, $0xb8;
	[tilespmem:$0x19500] =	vst v63  }
0x6b: {  	s11 =	rddreg [dreg:$0x9]  }
0x6c: {  	[spmem:s2] =	stream.indirect.scatter.add.f32 [tilespmem:s21], [sflag:$0x1], $0x8, s11, s18, $0xb8;
	[tilespmem:$0x19500] =	vst v63  }
0x6d: {  	s12 =	rddreg [dreg:$0xa]  }
0x6e: {  	[spmem:s2] =	stream.indirect.scatter.add.f32 [tilespmem:s23], [sflag:$0x1], $0x8, s12, s18, $0xb8;
	[tilespmem:$0x19500] =	vst v63  }
0x6f: {  	s13 =	rddreg [dreg:$0xb]  }
0x70: {  	[spmem:s2] =	stream.indirect.scatter.add.f32 [tilespmem:s25], [sflag:$0x1], $0x8, s13, s18, $0xb8;
	[tilespmem:$0x19500] =	vst v63  }
0x71: {  	_ =	swait.ge [sflag:s0], $0x1000  }
0x72: {  	[sflag:s0] =	ssyncset.done $0x0  }
0x73: {  	[sflag:s0] =	ssyncadd.s32 $0xFFFFF000  }
0x74: {  	_ =	swait.ge [sflag:s0], $0x1000  }
0x75: {  	[sflag:s0] =	ssyncset.done $0x0  }
0x76: {  	[sflag:s0] =	ssyncadd.s32 $0xFFFFF000  }
0x77: {  	_ =	swait.ge [sflag:s0], $0x1000  }
0x78: {  	[sflag:s0] =	ssyncset.done $0x0  }
0x79: {  	[sflag:s0] =	ssyncadd.s32 $0xFFFFF000  }
0x7a: {  	p0 =	por $0x0, $0x0;
	_ =	swait.ge [sflag:s0], $0x1000  }
0x7b: {  	s10 =	simm.s32 @!p0 $0x0;
	s9 =	rddreg [dreg:$0x3];
	[sflag:s0] =	ssyncset.done $0x0  }
0x7c: {  	s11 =	simm.s32 @!p0 $0xC400;
	[sflag:s0] =	ssyncadd.s32 $0xFFFFF000;
	s9 =	sadd.s32 @!p0 $0x0, s9  }
0x7d: {  	[tilespmem:s11], [sflag:$0x3] =	stream.linear.gather @!p0 [hbm4b:s9+s10], $0x1000, $0x38;
	[tilespmem:$0x19500] =	vst v63  }
0x7e: {  	s9 =	simm.s32 @!p0 $0x3  }
0x7f: {  	_ =	swait.ge @!p0 [sflag:s9], $0x1000  }
0x80: {  	[sflag:s9] =	ssyncset.done @!p0 $0x0  }
0x81: {  	s10 =	simm.s32 @!p0 $0x200;
	[sflag:s9] =	ssyncadd.s32 @!p0 $0xFFFFF000;
	s9 =	simm.s32 @!p0 $0xE400  }
0x82: {  	[tilespmem:s9], [sflag:$0x1] =	stream.indirect.gather @!p0 [hbm4b:s4+s10], $0x8, s11, s10, $0xb8;
	[tilespmem:$0x19500] =	vst v63  }
0x83: {  	s9 =	simm.s32 @!p0 $0xC600;
	s11 =	simm.s32 @!p0 $0xF400  }
0x84: {  	[tilespmem:s11], [sflag:$0x1] =	stream.indirect.gather @!p0 [hbm4b:s4+s10], $0x8, s9, s10, $0xb8;
	[tilespmem:$0x19500] =	vst v63  }
0x85: {  	s9 =	simm.s32 @!p0 $0xC800;
	s11 =	simm.s32 @!p0 $0x10400  }
0x86: {  	[tilespmem:s11], [sflag:$0x1] =	stream.indirect.gather @!p0 [hbm4b:s4+s10], $0x8, s9, s10, $0xb8;
	[tilespmem:$0x19500] =	vst v63  }
0x87: {  	s9 =	simm.s32 @!p0 $0xCA00;
	s11 =	simm.s32 @!p0 $0x11400  }
0x88: {  	[tilespmem:s11], [sflag:$0x1] =	stream.indirect.gather @!p0 [hbm4b:s4+s10], $0x8, s9, s10, $0xb8;
	[tilespmem:$0x19500] =	vst v63  }
0x89: {  	_ =	swait.ge [sflag:s1], $0x1000  }
0x8a: {  	[sflag:s1] =	ssyncset.done $0x0  }
0x8b: {  	[sflag:s1] =	ssyncadd.s32 $0xFFFFF000  }
0x8c: {  	_ =	swait.ge [sflag:s1], $0x1000  }
0x8d: {  	[sflag:s1] =	ssyncset.done $0x0  }
0x8e: {  	[sflag:s1] =	ssyncadd.s32 $0xFFFFF000  }
0x8f: {  	_ =	swait.ge [sflag:s1], $0x1000  }
0x90: {  	[sflag:s1] =	ssyncset.done $0x0  }
0x91: {  	[sflag:s1] =	ssyncadd.s32 $0xFFFFF000  }
0x92: {  	_ =	swait.ge [sflag:s1], $0x1000  }
0x93: {  	[sflag:s1] =	ssyncset.done $0x0  }
0x94: {  	s14 =	rddreg [dreg:$0xc];
	[sflag:s1] =	ssyncadd.s32 $0xFFFFF000  }
0x95: {  	[spmem:s2] =	stream.indirect.scatter.add.f32 [tilespmem:s28], [sflag:$0x2], $0x8, s14, s18, $0xb8;
	[tilespmem:$0x19500] =	vst v63  }
0x96: {  	s17 =	rddreg [dreg:$0xd]  }
0x97: {  	[spmem:s2] =	stream.indirect.scatter.add.f32 [tilespmem:s29], [sflag:$0x2], $0x8, s17, s18, $0xb8;
	[tilespmem:$0x19500] =	vst v63  }
0x98: {  	_ = 	snop  }
0x99: {  	[spmem:s2] =	stream.indirect.scatter.add.f32 [tilespmem:s30], [sflag:$0x2], $0x8, s20, s18, $0xb8;
	[tilespmem:$0x19500] =	vst v63  }
0x9a: {  	_ = 	snop  }
0x9b: {  	[spmem:s2] =	stream.indirect.scatter.add.f32 [tilespmem:s31], [sflag:$0x2], $0x8, s22, s18, $0xb8;
	[tilespmem:$0x19500] =	vst v63  }
0x9c: {  	_ =	swait.ge [sflag:s1], $0x1000  }
0x9d: {  	[sflag:s1] =	ssyncset.done $0x0  }
0x9e: {  	[sflag:s1] =	ssyncadd.s32 $0xFFFFF000  }
0x9f: {  	_ =	swait.ge [sflag:s1], $0x1000  }
0xa0: {  	[sflag:s1] =	ssyncset.done $0x0  }
0xa1: {  	[sflag:s1] =	ssyncadd.s32 $0xFFFFF000  }
0xa2: {  	_ =	swait.ge [sflag:s1], $0x1000  }
0xa3: {  	[sflag:s1] =	ssyncset.done $0x0  }
0xa4: {  	[sflag:s1] =	ssyncadd.s32 $0xFFFFF000  }
0xa5: {  	s9 =	simm.s32 $0x400;
	s10 =	simm.s32 $0x800;
	_ =	swait.ge [sflag:s1], $0x1000  }
.LBB2_4:
0xa6: {  	s12 =	rddreg [dreg:$0x4];
	[sflag:s1] =	ssyncset.done $0x0  }
0xa7: {  	[sflag:s1] =	ssyncadd.s32 $0xFFFFF000;
	s12 =	sadd.s32 s9, s12  }
0xa8: {  	[tilespmem:s26], [sflag:$0x3] =	stream.linear.gather [hbm4b:s12+s3], $0x1000, $0x38;
	[tilespmem:$0x19500] =	vst v63  }
0xa9: {  	_ =	swait.ge [sflag:s16], $0x1000  }
0xaa: {  	[sflag:s16] =	ssyncset.done $0x0  }
0xab: {  	[sflag:s16] =	ssyncadd.s32 $0xFFFFF000  }
0xac: {  	[tilespmem:s28], [sflag:$0x2] =	stream.indirect.gather [hbm4b:s4+s18], $0x8, s26, s18, $0xb8;
	[tilespmem:$0x19500] =	vst v63  }
0xad: {  	s13 =	rddreg [dreg:$0x5]  }
0xae: {  	[tilespmem:s29], [sflag:$0x2] =	stream.indirect.gather [hbm4b:s4+s18], $0x8, s13, s18, $0xb8;
	[tilespmem:$0x19500] =	vst v63  }
0xaf: {  	s17 =	rddreg [dreg:$0x6]  }
0xb0: {  	[tilespmem:s30], [sflag:$0x2] =	stream.indirect.gather [hbm4b:s4+s18], $0x8, s17, s18, $0xb8;
	[tilespmem:$0x19500] =	vst v63  }
0xb1: {  	s14 =	rddreg [dreg:$0x7]  }
0xb2: {  	[tilespmem:s31], [sflag:$0x2] =	stream.indirect.gather [hbm4b:s4+s18], $0x8, s14, s18, $0xb8;
	[tilespmem:$0x19500] =	vst v63  }
0xb3: {  	_ =	swait.ge [sflag:s0], $0x1000  }
0xb4: {  	[sflag:s0] =	ssyncset.done $0x0  }
0xb5: {  	[sflag:s0] =	ssyncadd.s32 $0xFFFFF000  }
0xb6: {  	_ =	swait.ge [sflag:s0], $0x1000  }
0xb7: {  	[sflag:s0] =	ssyncset.done $0x0  }
0xb8: {  	[sflag:s0] =	ssyncadd.s32 $0xFFFFF000  }
0xb9: {  	_ =	swait.ge [sflag:s0], $0x1000  }
0xba: {  	[sflag:s0] =	ssyncset.done $0x0  }
0xbb: {  	[sflag:s0] =	ssyncadd.s32 $0xFFFFF000  }
0xbc: {  	_ =	swait.ge [sflag:s0], $0x1000  }
0xbd: {  	[sflag:s0] =	ssyncset.done $0x0  }
0xbe: {  	s17 =	rddreg [dreg:$0x8];
	[sflag:s0] =	ssyncadd.s32 $0xFFFFF000  }
0xbf: {  	[spmem:s2] =	stream.indirect.scatter.add.f32 [tilespmem:s19], [sflag:$0x1], $0x8, s17, s18, $0xb8;
	[tilespmem:$0x19500] =	vst v63  }
0xc0: {  	s13 =	rddreg [dreg:$0x9]  }
0xc1: {  	[spmem:s2] =	stream.indirect.scatter.add.f32 [tilespmem:s21], [sflag:$0x1], $0x8, s13, s18, $0xb8;
	[tilespmem:$0x19500] =	vst v63  }
0xc2: {  	s14 =	rddreg [dreg:$0xa]  }
0xc3: {  	[spmem:s2] =	stream.indirect.scatter.add.f32 [tilespmem:s23], [sflag:$0x1], $0x8, s14, s18, $0xb8;
	[tilespmem:$0x19500] =	vst v63  }
0xc4: {  	s13 =	rddreg [dreg:$0xb]  }
0xc5: {  	[spmem:s2] =	stream.indirect.scatter.add.f32 [tilespmem:s25], [sflag:$0x1], $0x8, s13, s18, $0xb8;
	[tilespmem:$0x19500] =	vst v63  }
0xc6: {  	_ =	swait.ge [sflag:s0], $0x1000  }
0xc7: {  	[sflag:s0] =	ssyncset.done $0x0  }
0xc8: {  	[sflag:s0] =	ssyncadd.s32 $0xFFFFF000  }
0xc9: {  	_ =	swait.ge [sflag:s0], $0x1000  }
0xca: {  	[sflag:s0] =	ssyncset.done $0x0  }
0xcb: {  	[sflag:s0] =	ssyncadd.s32 $0xFFFFF000  }
0xcc: {  	_ =	swait.ge [sflag:s0], $0x1000  }
0xcd: {  	[sflag:s0] =	ssyncset.done $0x0  }
0xce: {  	p1 =	seq.s32 s9, $0xC000;
	[sflag:s0] =	ssyncadd.s32 $0xFFFFF000  }
0xcf: {  	s17 =	simm.s32 @!p1 $0x0;
	_ =	swait.ge [sflag:s0], $0x1000  }
0xd0: {  	s13 =	simm.s32 @!p1 $0x3;
	s12 =	rddreg [dreg:$0x3];
	[sflag:s0] =	ssyncset.done $0x0  }
0xd1: {  	[sflag:s0] =	ssyncadd.s32 $0xFFFFF000;
	s9 =	sadd.s32 @!p1 s9, s12;
	s12 =	simm.s32 @!p1 $0xC400  }
0xd2: {  	[tilespmem:s12], [sflag:$0x3] =	stream.linear.gather @!p1 [hbm4b:s9+s17], $0x1000, $0x38;
	[tilespmem:$0x19500] =	vst v63  }
0xd3: {  	s11 =	smov.u32 s10;
	_ =	swait.ge @!p1 [sflag:s13], $0x1000  }
0xd4: {  	s9 =	smov.u32 s11;
	[sflag:s13] =	ssyncset.done @!p1 $0x0  }
0xd5: {  	s11 =	simm.s32 @!p1 $0x200;
	s17 =	simm.s32 @!p1 $0xE400;
	[sflag:s13] =	ssyncadd.s32 @!p1 $0xFFFFF000  }
0xd6: {  	[tilespmem:s17], [sflag:$0x1] =	stream.indirect.gather @!p1 [hbm4b:s4+s11], $0x8, s12, s11, $0xb8;
	[tilespmem:$0x19500] =	vst v63  }
0xd7: {  	s14 =	simm.s32 @!p1 $0xF400;
	s13 =	simm.s32 @!p1 $0xC600  }
0xd8: {  	[tilespmem:s14], [sflag:$0x1] =	stream.indirect.gather @!p1 [hbm4b:s4+s11], $0x8, s13, s11, $0xb8;
	[tilespmem:$0x19500] =	vst v63  }
0xd9: {  	s12 =	simm.s32 @!p1 $0xC800;
	s17 =	simm.s32 @!p1 $0x10400  }
0xda: {  	[tilespmem:s17], [sflag:$0x1] =	stream.indirect.gather @!p1 [hbm4b:s4+s11], $0x8, s12, s11, $0xb8;
	[tilespmem:$0x19500] =	vst v63  }
0xdb: {  	s13 =	simm.s32 @!p1 $0xCA00;
	s14 =	simm.s32 @!p1 $0x11400  }
0xdc: {  	[tilespmem:s14], [sflag:$0x1] =	stream.indirect.gather @!p1 [hbm4b:s4+s11], $0x8, s13, s11, $0xb8;
	[tilespmem:$0x19500] =	vst v63  }
0xdd: {  	_ =	swait.ge [sflag:s1], $0x1000  }
0xde: {  	[sflag:s1] =	ssyncset.done $0x0  }
0xdf: {  	[sflag:s1] =	ssyncadd.s32 $0xFFFFF000  }
0xe0: {  	_ =	swait.ge [sflag:s1], $0x1000  }
0xe1: {  	[sflag:s1] =	ssyncset.done $0x0  }
0xe2: {  	[sflag:s1] =	ssyncadd.s32 $0xFFFFF000  }
0xe3: {  	_ =	swait.ge [sflag:s1], $0x1000  }
0xe4: {  	[sflag:s1] =	ssyncset.done $0x0  }
0xe5: {  	[sflag:s1] =	ssyncadd.s32 $0xFFFFF000  }
0xe6: {  	_ =	swait.ge [sflag:s1], $0x1000  }
0xe7: {  	[sflag:s1] =	ssyncset.done $0x0  }
0xe8: {  	s14 =	rddreg [dreg:$0xc];
	[sflag:s1] =	ssyncadd.s32 $0xFFFFF000  }
0xe9: {  	[spmem:s2] =	stream.indirect.scatter.add.f32 [tilespmem:s28], [sflag:$0x2], $0x8, s14, s18, $0xb8;
	[tilespmem:$0x19500] =	vst v63  }
0xea: {  	s17 =	rddreg [dreg:$0xd]  }
0xeb: {  	[spmem:s2] =	stream.indirect.scatter.add.f32 [tilespmem:s29], [sflag:$0x2], $0x8, s17, s18, $0xb8;
	[tilespmem:$0x19500] =	vst v63  }
0xec: {  	_ = 	snop  }
0xed: {  	[spmem:s2] =	stream.indirect.scatter.add.f32 [tilespmem:s30], [sflag:$0x2], $0x8, s20, s18, $0xb8;
	[tilespmem:$0x19500] =	vst v63  }
0xee: {  	_ = 	snop  }
0xef: {  	[spmem:s2] =	stream.indirect.scatter.add.f32 [tilespmem:s31], [sflag:$0x2], $0x8, s22, s18, $0xb8;
	[tilespmem:$0x19500] =	vst v63  }
0xf0: {  	_ =	swait.ge [sflag:s1], $0x1000  }
0xf1: {  	[sflag:s1] =	ssyncset.done $0x0  }
0xf2: {  	[sflag:s1] =	ssyncadd.s32 $0xFFFFF000  }
0xf3: {  	s10 =	sadd.s32 $0x400, s10;
	_ =	swait.ge [sflag:s1], $0x1000  }
0xf4: {  	p0 =	sne.s32 s10, $0xC400;
	[sflag:s1] =	ssyncset.done $0x0  }
.Ltmp1:
0xf5: {  	[sflag:s1] =	ssyncadd.s32 $0xFFFFF000;
	(pc) =	sbr.rel @p0 .LBB2_4-.Ltmp1, $4  }
0xf6: {  	_ =	swait.ge [sflag:s1], $0x1000  }
0xf7: {  	[sflag:s1] =	ssyncset.done $0x0  }
0xf8: {  	[sflag:s1] =	ssyncadd.s32 $0xFFFFF000  }
0xf9: {  	_ =	swait.ge [sflag:s1], $0x1000  }
0xfa: {  	s10 =	rddreg [dreg:$0x4];
	[sflag:s1] =	ssyncset.done $0x0  }
0xfb: {  	[sflag:s1] =	ssyncadd.s32 $0xFFFFF000;
	s10 =	sadd.s32 s9, s10  }
0xfc: {  	[tilespmem:s26], [sflag:$0x3] =	stream.linear.gather [hbm4b:s10+s3], $0x1000, $0x38;
	[tilespmem:$0x19500] =	vst v63  }
0xfd: {  	_ =	swait.ge [sflag:s16], $0x1000  }
0xfe: {  	[sflag:s16] =	ssyncset.done $0x0  }
0xff: {  	[sflag:s16] =	ssyncadd.s32 $0xFFFFF000  }
0x100: {  	[tilespmem:s28], [sflag:$0x2] =	stream.indirect.gather [hbm4b:s4+s18], $0x8, s26, s18, $0xb8;
	[tilespmem:$0x19500] =	vst v63  }
0x101: {  	s12 =	rddreg [dreg:$0x5]  }
0x102: {  	[tilespmem:s29], [sflag:$0x2] =	stream.indirect.gather [hbm4b:s4+s18], $0x8, s12, s18, $0xb8;
	[tilespmem:$0x19500] =	vst v63  }
0x103: {  	s11 =	rddreg [dreg:$0x6]  }
0x104: {  	[tilespmem:s30], [sflag:$0x2] =	stream.indirect.gather [hbm4b:s4+s18], $0x8, s11, s18, $0xb8;
	[tilespmem:$0x19500] =	vst v63  }
0x105: {  	s13 =	rddreg [dreg:$0x7]  }
0x106: {  	[tilespmem:s31], [sflag:$0x2] =	stream.indirect.gather [hbm4b:s4+s18], $0x8, s13, s18, $0xb8;
	[tilespmem:$0x19500] =	vst v63  }
0x107: {  	_ =	swait.ge [sflag:s0], $0x1000  }
0x108: {  	[sflag:s0] =	ssyncset.done $0x0  }
0x109: {  	[sflag:s0] =	ssyncadd.s32 $0xFFFFF000  }
0x10a: {  	_ =	swait.ge [sflag:s0], $0x1000  }
0x10b: {  	[sflag:s0] =	ssyncset.done $0x0  }
0x10c: {  	[sflag:s0] =	ssyncadd.s32 $0xFFFFF000  }
0x10d: {  	_ =	swait.ge [sflag:s0], $0x1000  }
0x10e: {  	[sflag:s0] =	ssyncset.done $0x0  }
0x10f: {  	[sflag:s0] =	ssyncadd.s32 $0xFFFFF000  }
0x110: {  	_ =	swait.ge [sflag:s0], $0x1000  }
0x111: {  	[sflag:s0] =	ssyncset.done $0x0  }
0x112: {  	s14 =	rddreg [dreg:$0x8];
	[sflag:s0] =	ssyncadd.s32 $0xFFFFF000  }
0x113: {  	[spmem:s2] =	stream.indirect.scatter.add.f32 [tilespmem:s19], [sflag:$0x1], $0x8, s14, s18, $0xb8;
	[tilespmem:$0x19500] =	vst v63  }
0x114: {  	s17 =	rddreg [dreg:$0x9]  }
0x115: {  	[spmem:s2] =	stream.indirect.scatter.add.f32 [tilespmem:s21], [sflag:$0x1], $0x8, s17, s18, $0xb8;
	[tilespmem:$0x19500] =	vst v63  }
0x116: {  	s12 =	rddreg [dreg:$0xa]  }
0x117: {  	[spmem:s2] =	stream.indirect.scatter.add.f32 [tilespmem:s23], [sflag:$0x1], $0x8, s12, s18, $0xb8;
	[tilespmem:$0x19500] =	vst v63  }
0x118: {  	s13 =	rddreg [dreg:$0xb]  }
0x119: {  	[spmem:s2] =	stream.indirect.scatter.add.f32 [tilespmem:s25], [sflag:$0x1], $0x8, s13, s18, $0xb8;
	[tilespmem:$0x19500] =	vst v63  }
0x11a: {  	_ =	swait.ge [sflag:s0], $0x1000  }
0x11b: {  	[sflag:s0] =	ssyncset.done $0x0  }
0x11c: {  	[sflag:s0] =	ssyncadd.s32 $0xFFFFF000  }
0x11d: {  	_ =	swait.ge [sflag:s0], $0x1000  }
0x11e: {  	[sflag:s0] =	ssyncset.done $0x0  }
0x11f: {  	[sflag:s0] =	ssyncadd.s32 $0xFFFFF000  }
0x120: {  	_ =	swait.ge [sflag:s0], $0x1000  }
0x121: {  	[sflag:s0] =	ssyncset.done $0x0  }
0x122: {  	[sflag:s0] =	ssyncadd.s32 $0xFFFFF000  }
0x123: {  	p0 =	seq.s32 s9, $0xC000;
	_ =	swait.ge [sflag:s0], $0x1000  }
0x124: {  	s11 =	simm.s32 @!p0 $0x0;
	s10 =	rddreg [dreg:$0x3];
	[sflag:s0] =	ssyncset.done $0x0  }
0x125: {  	[sflag:s0] =	ssyncadd.s32 $0xFFFFF000;
	s9 =	sadd.s32 @!p0 s9, s10;
	s10 =	simm.s32 @!p0 $0xC400  }
0x126: {  	[tilespmem:s10], [sflag:$0x3] =	stream.linear.gather @!p0 [hbm4b:s9+s11], $0x1000, $0x38;
	[tilespmem:$0x19500] =	vst v63  }
0x127: {  	s9 =	simm.s32 @!p0 $0x3  }
0x128: {  	_ =	swait.ge @!p0 [sflag:s9], $0x1000  }
0x129: {  	[sflag:s9] =	ssyncset.done @!p0 $0x0  }
0x12a: {  	s11 =	simm.s32 @!p0 $0x200;
	[sflag:s9] =	ssyncadd.s32 @!p0 $0xFFFFF000;
	s9 =	simm.s32 @!p0 $0xE400  }
0x12b: {  	[tilespmem:s9], [sflag:$0x1] =	stream.indirect.gather @!p0 [hbm4b:s4+s11], $0x8, s10, s11, $0xb8;
	[tilespmem:$0x19500] =	vst v63  }
0x12c: {  	s9 =	simm.s32 @!p0 $0xC600;
	s10 =	simm.s32 @!p0 $0xF400  }
0x12d: {  	[tilespmem:s10], [sflag:$0x1] =	stream.indirect.gather @!p0 [hbm4b:s4+s11], $0x8, s9, s11, $0xb8;
	[tilespmem:$0x19500] =	vst v63  }
0x12e: {  	s9 =	simm.s32 @!p0 $0xC800;
	s10 =	simm.s32 @!p0 $0x10400  }
0x12f: {  	[tilespmem:s10], [sflag:$0x1] =	stream.indirect.gather @!p0 [hbm4b:s4+s11], $0x8, s9, s11, $0xb8;
	[tilespmem:$0x19500] =	vst v63  }
0x130: {  	s9 =	simm.s32 @!p0 $0xCA00;
	s10 =	simm.s32 @!p0 $0x11400  }
0x131: {  	[tilespmem:s10], [sflag:$0x1] =	stream.indirect.gather @!p0 [hbm4b:s4+s11], $0x8, s9, s11, $0xb8;
	[tilespmem:$0x19500] =	vst v63  }
0x132: {  	_ =	swait.ge [sflag:s1], $0x1000  }
0x133: {  	[sflag:s1] =	ssyncset.done $0x0  }
0x134: {  	[sflag:s1] =	ssyncadd.s32 $0xFFFFF000  }
0x135: {  	_ =	swait.ge [sflag:s1], $0x1000  }
0x136: {  	[sflag:s1] =	ssyncset.done $0x0  }
0x137: {  	[sflag:s1] =	ssyncadd.s32 $0xFFFFF000  }
0x138: {  	_ =	swait.ge [sflag:s1], $0x1000  }
0x139: {  	[sflag:s1] =	ssyncset.done $0x0  }
0x13a: {  	[sflag:s1] =	ssyncadd.s32 $0xFFFFF000  }
0x13b: {  	_ =	swait.ge [sflag:s1], $0x1000  }
0x13c: {  	[sflag:s1] =	ssyncset.done $0x0  }
0x13d: {  	s14 =	rddreg [dreg:$0xc];
	[sflag:s1] =	ssyncadd.s32 $0xFFFFF000  }
0x13e: {  	[spmem:s2] =	stream.indirect.scatter.add.f32 [tilespmem:s28], [sflag:$0x2], $0x8, s14, s18, $0xb8;
	[tilespmem:$0x19500] =	vst v63  }
0x13f: {  	s17 =	rddreg [dreg:$0xd]  }
0x140: {  	[spmem:s2] =	stream.indirect.scatter.add.f32 [tilespmem:s29], [sflag:$0x2], $0x8, s17, s18, $0xb8;
	[tilespmem:$0x19500] =	vst v63  }
0x141: {  	_ = 	snop  }
0x142: {  	[spmem:s2] =	stream.indirect.scatter.add.f32 [tilespmem:s30], [sflag:$0x2], $0x8, s20, s18, $0xb8;
	[tilespmem:$0x19500] =	vst v63  }
0x143: {  	_ = 	snop  }
0x144: {  	[spmem:s2] =	stream.indirect.scatter.add.f32 [tilespmem:s31], [sflag:$0x2], $0x8, s22, s18, $0xb8;
	[tilespmem:$0x19500] =	vst v63  }
0x145: {  	_ =	swait.ge [sflag:s1], $0x1000  }
0x146: {  	[sflag:s1] =	ssyncset.done $0x0  }
0x147: {  	[sflag:s1] =	ssyncadd.s32 $0xFFFFF000  }
0x148: {  	_ =	swait.ge [sflag:s1], $0x1000  }
0x149: {  	[sflag:s1] =	ssyncset.done $0x0  }
0x14a: {  	[sflag:s1] =	ssyncadd.s32 $0xFFFFF000  }
0x14b: {  	_ =	swait.ge [sflag:s1], $0x1000  }
0x14c: {  	[sflag:s1] =	ssyncset.done $0x0  }
0x14d: {  	[sflag:s1] =	ssyncadd.s32 $0xFFFFF000  }
0x14e: {  	_ =	swait.ge [sflag:s1], $0x1000  }
0x14f: {  	[sflag:s1] =	ssyncset.done $0x0  }
0x150: {  	[sflag:s1] =	ssyncadd.s32 $0xFFFFF000  }
0x151: {  	[bflag:$0x0] =	sbarrier.arrive $0xFFFF  }
0x152: {  	[tilespmem:s15], [sflag:$0x3] =	stream.linear.gather [spmem:s5], $0x3100, $0x38;
	[tilespmem:$0x19500] =	vst v63  }
0x153: {  	_ =	swait.ge [sflag:s16], $0x3100  }
0x154: {  	[sflag:s16] =	ssyncset.done $0x0  }
0x155: {  	s11 =	rddreg [dreg:$0xf];
	[sflag:s16] =	ssyncadd.s32 $0xFFFFCF00  }
0x156: {  	[hbm4b:s11+s3] =	stream.linear.scatter [tilespmem:s15], [sflag:$0x3], $0x3100, $0x38;
	[tilespmem:$0x19500] =	vst v63  }
0x157: {  	_ =	swait.ge [sflag:s16], $0x3100  }
0x158: {  	[sflag:s16] =	ssyncset.done $0x0  }
0x159: {  	[sflag:s16] =	ssyncadd.s32 $0xFFFFCF00  }
0x15a: {  	[tilespmem:s15], [sflag:$0x3] =	stream.linear.gather [spmem:s6], $0x3100, $0x38;
	[tilespmem:$0x19500] =	vst v63  }
0x15b: {  	_ =	swait.ge [sflag:s16], $0x3100  }
0x15c: {  	[sflag:s16] =	ssyncset.done $0x0  }
0x15d: {  	s12 =	rddreg [dreg:$0x10];
	[sflag:s16] =	ssyncadd.s32 $0xFFFFCF00  }
0x15e: {  	[hbm4b:s12+s3] =	stream.linear.scatter [tilespmem:s15], [sflag:$0x3], $0x3100, $0x38;
	[tilespmem:$0x19500] =	vst v63  }
0x15f: {  	_ =	swait.ge [sflag:s16], $0x3100  }
0x160: {  	[sflag:s16] =	ssyncset.done $0x0  }
0x161: {  	[sflag:s16] =	ssyncadd.s32 $0xFFFFCF00  }
0x162: {  	[tilespmem:s15], [sflag:$0x3] =	stream.linear.gather [spmem:s7], $0x3100, $0x38;
	[tilespmem:$0x19500] =	vst v63  }
0x163: {  	_ =	swait.ge [sflag:s16], $0x3100  }
0x164: {  	[sflag:s16] =	ssyncset.done $0x0  }
0x165: {  	s13 =	rddreg [dreg:$0x11];
	[sflag:s16] =	ssyncadd.s32 $0xFFFFCF00  }
0x166: {  	[hbm4b:s13+s3] =	stream.linear.scatter [tilespmem:s15], [sflag:$0x3], $0x3100, $0x38;
	[tilespmem:$0x19500] =	vst v63  }
0x167: {  	_ =	swait.ge [sflag:s16], $0x3100  }
0x168: {  	[sflag:s16] =	ssyncset.done $0x0  }
0x169: {  	[sflag:s16] =	ssyncadd.s32 $0xFFFFCF00  }
0x16a: {  	[tilespmem:s15], [sflag:$0x3] =	stream.linear.gather [spmem:s8], $0x3100, $0x38;
	[tilespmem:$0x19500] =	vst v63  }
0x16b: {  	_ =	swait.ge [sflag:s16], $0x3100  }
0x16c: {  	[sflag:s16] =	ssyncset.done $0x0  }
0x16d: {  	s14 =	rddreg [dreg:$0x12];
	[sflag:s16] =	ssyncadd.s32 $0xFFFFCF00  }
0x16e: {  	[hbm4b:s14+s3] =	stream.linear.scatter [tilespmem:s15], [sflag:$0x3], $0x3100, $0x38;
	[tilespmem:$0x19500] =	vst v63  }
0x16f: {  	_ =	swait.ge [sflag:s16], $0x3100  }
0x170: {  	s24 =	sadd.s32 $0x1, s24;
	s17 =	rddreg [dreg:$0x13]  }
0x171: {  	p0 =	sne.s32 s24, s17  }
.Ltmp2:
0x172: {  	_ = 	snop;
	(pc) =	sbr.rel @p0 .LBB2_1-.Ltmp2, $3  }
0x173: {  	_ =	sdelay $0x1  }
0x174: {  	[sflag:s16] =	ssyncset.done $0x0  }
0x175: {  	[sflag:s16] =	ssyncadd.s32 $0xFFFFCF00  }
0x176: {  	_ =	sfence.sel $0x180000  }
0x177: {  	[bflag:$0x0] =	sbarrier.arrive $0xFFFF  }
0x178: {  	_ =	strace $0x90000056  }
0x179: {  	s0 =	stileid.u32;
	[bflag:$0x2] =	sbarrier.arrive $0xFFFF  }
0x17a: {  	p0 =	sne.s32 s0, $0x0;
	s0 =	rddreg [dreg:$0x2]  }
0x17b: {  	s0 =	sadd.s32 @!p0 $0x100000, s0  }
0x17c: {  	[sflag:s0] =	ssyncadd.tile.s32 @!p0 $0x1;
	_ =	shalt  }
.Lfunc_end2:
_tile_overlayer_lowered:
.L_overlay_start_2:
0x17d: {  	(tag) =	ssettag $0x2  }
0x17e: {  	s0 =	rddreg [dreg:$0x0];
	s2 =	stileid.u32  }
0x17f: {  	s1 =	rddreg [dreg:$0x1];
	p0 =	sne.s32 s2, $0x0  }
0x180: {  	s3 =	rddreg [dreg:$0x2];
	[bflag:$0x3] =	sbarrier.arrive $0xFFFF;
	s2 =	simm.s32 @!p0 $0x1C03  }
0x181: {  	[timem:s3], [sflag:s2] =	dma.local @!p0 [hbm:s0], s1  }
0x182: {  	s0 =	simm.s32 @!p0 $0x3  }
0x183: {  	_ =	swait.ge @!p0 [sflag:s0], s1  }
0x184: {  	s1 =	ssub.s32 @!p0 $0x0, s1;
	[sflag:s0] =	ssyncset.done @!p0 $0x0  }
0x185: {  	[sflag:s0] =	ssyncadd.s32 @!p0 s1  }
0x186: {  	[bflag:$0x3] =	sbarrier.arrive $0xFFFF  }
0x187: {  	_ =	shalt  }

// kernel: kernel.23.cloned.1.call-start
scs
__scs_entry_jumppad:
0x0: {  	(pc) =	sbr.rel $0x88, $3  }
0x1: {  	(tag) =	ssettag $0x0;
	lr =	simm.s32 $0x1  }
0x2: {  	[smem:$0x3F9B] =	sst lr;
	_ =	strace $0xD0000000  }
0x3: {  	_ = 	snop  }
0x4: {  	_ = 	snop  }
0x5: {  	_ = 	snop  }
0x6: {  	_ = 	snop  }
0x7: {  	_ = 	snop  }
__scs_overlays_trampoline_lowered:
0x8: {  	[smem:$0x3FAA] =	sst s0  }
0x9: {  	[smem:$0x3FAB] =	sst s1  }
0xa: {  	[smem:$0x3FAC] =	sst s2  }
0xb: {  	[smem:$0x3FAD] =	sst s3  }
0xc: {  	[smem:$0x3FAE] =	sst s4  }
0xd: {  	[smem:$0x3FAF] =	sst s5  }
0xe: {  	[smem:$0x3FB0] =	sst s6  }
0xf: {  	[smem:$0x3FB1] =	sst s7  }
0x10: {  	[smem:$0x3FB2] =	sst s8  }
0x11: {  	[smem:$0x3FB3] =	sst s9;
	s0 =	simm.s32 @!p0 $0x0  }
0x12: {  	s1 =	sld [smem:$0x3F99];
	s0 =	simm.s32 @p0 $0x1  }
0x13: {  	[smem:$0x3FB4] =	sst s0;
	s0 =	simm.s32 @!p1 $0x0  }
0x14: {  	s2 =	sld [smem:$0x3F98];
	s0 =	simm.s32 @p1 $0x1  }
0x15: {  	[smem:$0x3FB5] =	sst s0;
	s0 =	simm.s32 @!p2 $0x0  }
0x16: {  	s3 =	sld [smem:$0x3FDB];
	s0 =	simm.s32 @p2 $0x1  }
0x17: {  	s4 =	simm.s32 $0x1BF5;
	[smem:$0x3FB7] =	sst s0  }
0x18: {  	s0 =	sld [smem:$0x3F9A];
	_ =	swait.ge [sflag:s4], $0x0  }
0x19: {  	s7 =	sld [smem:$0x3F9B]  }
0x1a: {  	s8 =	sadd.s32 $0xFFFFE003, lr  }
0x1b: {  	s9 =	sadd.s32 $0xFFFFFEF7, lr;
	s5 =	simm.s32 $0xFFFFFFFF;
	p2 =	slt.u32 s8, $0xFFFFF086  }
0x1c: {  	p1 =	slt.u32 s9, $0xF7A;
	s5 =	simm.s32 @!p2 $0x0  }
0x1d: {  	s5 =	simm.s32 @p1 $0x1;
	p0 =	seq.s32 s7, s2  }
0x1e: {  	s7 =	smul.u32 @!p0 $0xF7A, s2;
	p2 =	seq.s32 @!p0 s5, $0x0  }
0x1f: {  	s9 =	smul.u32 $0xF7A, s1;
	s8 =	simm.s32 @!p0 $0x1BF5;
	p2 =	por !p2, p0  }
0x20: {  	[sflag:s8] =	ssyncset.s32 @!p0 $0xFFFFF086;
	s6 =	sadd.s32 @!p0 s3, s7;
	s7 =	simm.s32 @!p0 $0x108  }
0x21: {  	s3 =	sadd.s32 s3, s9;
	s6 =	sadd.s32 @!p0 $0x88, s6;
	s7 =	simm.s32 @p2 $0x1082  }
0x22: {  	[simem:s7], [sflag:s8] =	dma.local @!p0 [hbm:s6], $0xF7A  }
0x23: {  	s9 =	sor.u32 $0xD0000000, s2;
	s6 =	simm.s32 $0x108;
	_ =	swait.ge @!p0 [sflag:s8], $0x0  }
0x24: {  	s3 =	sadd.s32 $0x88, s3;
	s6 =	simm.s32 @!p1 $0x1082;
	[sflag:s4] =	ssyncset.s32 $0xFFFFF086  }
0x25: {  	[simem:s6], [sflag:s4] =	dma.local [hbm:s3], $0xF7A  }
0x26: {  	[smem:$0x3F9B] =	sst s1;
	(tag) =	ssettag s2;
	_ =	strace s9  }
0x27: {  	s1 =	sld [smem:$0x3FAB]  }
0x28: {  	s2 =	sld [smem:$0x3FAC]  }
0x29: {  	s4 =	sld [smem:$0x3FAE]  }
0x2a: {  	p0 =	seq.s32 s5, $0x0;
	s5 =	sld [smem:$0x3FAF]  }
0x2b: {  	s6 =	sld [smem:$0x3FB0]  }
0x2c: {  	s7 =	sld [smem:$0x3FB1]  }
0x2d: {  	s3 =	simm.s32 $0x108;
	s8 =	sld [smem:$0x3FB2]  }
0x2e: {  	s3 =	simm.s32 @!p0 $0x1082;
	s9 =	sld [smem:$0x3FB3]  }
0x2f: {  	lr =	sadd.s32 s0, s3;
	s0 =	sld [smem:$0x3FAA]  }
0x30: {  	s3 =	sld [smem:$0x3FAD]  }
0x31: {  	[smem:$0x3FB6] =	sst s10  }
0x32: {  	s10 =	sld [smem:$0x3FB4];
	_ =	sdelay $0x3  }
0x33: {  	p0 =	seq.s32 s10, $0x1;
	s10 =	sld [smem:$0x3FB6];
	_ =	sdelay $0x3  }
0x34: {  	[smem:$0x3FB6] =	sst s10  }
0x35: {  	s10 =	sld [smem:$0x3FB5];
	_ =	sdelay $0x3  }
0x36: {  	p1 =	seq.s32 s10, $0x1;
	s10 =	sld [smem:$0x3FB6];
	_ =	sdelay $0x3  }
0x37: {  	[smem:$0x3FB6] =	sst s10  }
0x38: {  	s10 =	sld [smem:$0x3FB7]  }
0x39: {  	_ = 	snop;
	(pc) =	sbr.ind lr, $3  }
0x3a: {  	_ = 	snop  }
0x3b: {  	_ = 	snop  }
0x3c: {  	p2 =	seq.s32 s10, $0x1;
	s10 =	sld [smem:$0x3FB6]  }
0x3d: {  	_ =	shalt  }
0x3e: {  	_ =	shalt  }
0x3f: {  	_ =	shalt  }
0x40: {  	_ =	shalt  }
0x41: {  	_ =	shalt  }
0x42: {  	_ =	shalt  }
0x43: {  	_ =	shalt  }
0x44: {  	_ =	shalt  }
0x45: {  	_ =	shalt  }
0x46: {  	_ =	shalt  }
0x47: {  	_ =	shalt  }
0x48: {  	_ =	shalt  }
0x49: {  	_ =	shalt  }
0x4a: {  	_ =	shalt  }
0x4b: {  	_ =	shalt  }
0x4c: {  	_ =	shalt  }
0x4d: {  	_ =	shalt  }
0x4e: {  	_ =	shalt  }
0x4f: {  	_ =	shalt  }
0x50: {  	_ =	shalt  }
0x51: {  	_ =	shalt  }
0x52: {  	_ =	shalt  }
0x53: {  	_ =	shalt  }
0x54: {  	_ =	shalt  }
0x55: {  	_ =	shalt  }
0x56: {  	_ =	shalt  }
0x57: {  	_ =	shalt  }
0x58: {  	_ =	shalt  }
0x59: {  	_ =	shalt  }
0x5a: {  	_ =	shalt  }
0x5b: {  	_ =	shalt  }
0x5c: {  	_ =	shalt  }
0x5d: {  	_ =	shalt  }
0x5e: {  	_ =	shalt  }
0x5f: {  	_ =	shalt  }
0x60: {  	_ =	shalt  }
0x61: {  	_ =	shalt  }
0x62: {  	_ =	shalt  }
0x63: {  	_ =	shalt  }
0x64: {  	_ =	shalt  }
0x65: {  	_ =	shalt  }
0x66: {  	_ =	shalt  }
0x67: {  	_ =	shalt  }
0x68: {  	_ =	shalt  }
0x69: {  	_ =	shalt  }
0x6a: {  	_ =	shalt  }
0x6b: {  	_ =	shalt  }
0x6c: {  	_ =	shalt  }
0x6d: {  	_ =	shalt  }
0x6e: {  	_ =	shalt  }
0x6f: {  	_ =	shalt  }
0x70: {  	_ =	shalt  }
0x71: {  	_ =	shalt  }
0x72: {  	_ =	shalt  }
0x73: {  	_ =	shalt  }
0x74: {  	_ =	shalt  }
0x75: {  	_ =	shalt  }
0x76: {  	_ =	shalt  }
0x77: {  	_ =	shalt  }
0x78: {  	_ =	shalt  }
0x79: {  	_ =	shalt  }
0x7a: {  	_ =	shalt  }
0x7b: {  	_ =	shalt  }
0x7c: {  	_ =	shalt  }
0x7d: {  	_ =	shalt  }
0x7e: {  	_ =	shalt  }
0x7f: {  	_ =	shalt  }
0x80: {  	_ =	shalt  }
0x81: {  	_ =	shalt  }
0x82: {  	_ =	shalt  }
0x83: {  	_ =	shalt  }
0x84: {  	_ =	shalt  }
0x85: {  	_ =	shalt  }
0x86: {  	_ =	shalt  }
0x87: {  	_ =	shalt  }
.Lfunc_end0:
.L_simem_size_0:
called_computation.6_lowered:
.L_overlay_start_0:
0x88: {  	s2 =	sld [smem:$0x3FD9]  }
0x89: {  	s3 =	sld [smem:$0x3FFE];
	_ =	sdelay $0x1  }
0x8a: {  	s1 =	srdreg.scid  }
0x8b: {  	s0 =	sand.u32 $0x1, s1  }
0x8c: {  	s16 =	sshll.u32 s0, $0xA;
	s2 =	sadd.s32 s3, s2  }
0x8d: {  	s2 =	sadd.s32 s2, s16  }
0x8e: {  	[smem:$0x3FC2] =	sst s2  }
0x8f: {  	_ = 	snop  }
0x90: {  	(tm) =	ssettm $0x1  }
0x91: {  	s17 =	sld [smem:$0x3FFB];
	_ =	sdelay $0x3  }
0x92: {  	_ =	strace s17  }
0x93: {  	s2 =	sld [smem:$0x3FFC];
	_ =	sdelay $0x3  }
0x94: {  	_ =	strace s2  }
0x95: {  	s2 =	sld [smem:$0x3FFD];
	_ =	sdelay $0x3  }
0x96: {  	_ =	strace s2  }
0x97: {  	_ =	strace $0x8FFFFFFF  }
0x98: {  	s18 =	sld [smem:$0x3FDB];
	_ =	sdelay $0x1  }
0x99: {  	s19 =	simm.s32 $_scs_section_size  }
0x9a: {  	s4 =	simm.s32 $_size__tile_overlayer_lowered;
	s5 =	simm.s32 $_tile_overlayer_lowered  }
0x9b: {  	s22 =	simm.s32 $0x1BFF;
	s21 =	sshll.u32 s5, $0x1;
	s2 =	sadd.s32 s19, s18  }
0x9c: {  	s6 =	simm.s32 $0x0;
	s20 =	sshll.u32 s4, $0x1;
	s4 =	sadd.s32 s21, s2  }
0x9d: {  	[timem:s6], [sflag:s22] =	dma.local [hbm:s4], s20  }
0x9e: {  	_ =	swait.ge [sflag:s22], s20  }
0x9f: {  	s3 =	ssub.s32 $0x0, s20;
	[sflag:s22] =	ssyncset.done $0x0  }
0xa0: {  	[sflag:s22] =	ssyncadd.s32 s3;
	_ =	sdelay $0x1  }
0xa1: {  	s23 =	simm.s32 $0x1B8B  }
0xa2: {  	_ =	swait.ge [sflag:s23], $0x1  }
0xa3: {  	[sflag:s23] =	ssyncset.done $0x0  }
0xa4: {  	s25 =	simm.s32 $0x1B8E;
	s24 =	sld [smem:$0x3FFE];
	[sflag:s23] =	ssyncadd.s32 $0xFFFFFFFF  }
0xa5: {  	s26 =	simm.s32 $execute0_lowered;
	[smem:$0x3FD2] =	sst s25  }
0xa6: {  	s4 =	sshll.u32 s26, $0x1;
	_ =	strace $0x80000058;
	[dreg:$0x1] =	wrdreg $0xFFFFFFFF  }
0xa7: {  	s28 =	simm.s32 $_size_execute0_lowered;
	s2 =	sadd.s32 s2, s4;
	[dreg:$0x0] =	wrdreg $0x0  }
0xa8: {  	s4 =	sshll.u32 s28, $0x1;
	[dreg:$0x2] =	wrdreg s2  }
0xa9: {  	[dreg:$0x3] =	wrdreg s4  }
0xaa: {  	[dreg:$0x4] =	wrdreg $0xC0  }
0xab: {  	_ =	task [dreg:s6], $0x5FFFF  }
0xac: {  	[dreg:$0x1] =	wrdreg $0xFFFFFFFF  }
0xad: {  	[dreg:$0x0] =	wrdreg $0x60  }
0xae: {  	[dreg:$0x2] =	wrdreg s24  }
0xaf: {  	[dreg:$0x3] =	wrdreg $0x9  }
0xb0: {  	_ =	task.clear_ibuf [dreg:s6], $0x4FFFF;
	_ =	strace $0x90000058  }
0xb1: {  	s29 =	simm.s32 $0x9;
	_ =	strace $0x8000005A  }
0xb2: {  	_ =	swait.ge [sflag:s29], $0x1  }
0xb3: {  	[sflag:s29] =	ssyncadd.s32 $0xFFFFFFFF  }
0xb4: {  	_ =	strace $0x9000005A  }
0xb5: {  	_ =	sfence  }
0xb6: {  	s30 =	sld [smem:$0x0];
	_ =	sdelay $0x2  }
0xb7: {  	s31 =	sshll.u32 s1, $0xD;
	s1 =	sshrl.u32 s1, $0x2  }
0xb8: {  	s3 =	sand.u32 $0x4000, s31;
	s1 =	sadd.s32 s1, s30  }
0xb9: {  	s0 =	sor.u32 s3, s0;
	s1 =	sshll.u32 s1, $0x11  }
0xba: {  	s0 =	sor.u32 s1, s0  }
0xbb: {  	s0 =	sadd.s32 $0x8F2B, s0  }
0xbc: {  	[sflag:s0] =	ssyncadd.remote.s32 $0x1  }
0xbd: {  	_ =	sfence.sel $0xFFFF  }
0xbe: {  	[dreg:$0x0] =	wrdreg $0xFFFFFFFF;
	(pc) =	sbr.abs _section_cstart, $3  }
0xbf: {  	[dreg:$0x1] =	wrdreg $0xFFFFFFFF  }
0xc0: {  	_ =	task.clear_ibuf [dreg:s6], $0x2FFFF;
	_ =	strace $0x9FFFFFFF  }
0xc1: {  	(tm) =	ssettm $0x7FFFFFFF  }
tec
execute0_lowered:
.L_overlay_start_1:
0x0: {  	(tag) =	ssettag $0x1  }
0x1: {  	s0 =	srdreg.scid  }
0x2: {  	s5 =	rddreg [dreg:$0x0];
	s1 =	stileid.u32  }
0x3: {  	s2 =	simm.s32 $0x0;
	s12 =	simm.s32 $0x1;
	s13 =	simm.s32 $0x6200  }
0x4: {  	s14 =	simm.s32 $0xC400;
	s15 =	simm.s32 $0x13240;
	s4 =	sand.u32 $0x1, s0  }
0x5: {  	s16 =	simm.s32 $0x13E80;
	s0 =	rddreg [dreg:$0x1];
	s3 =	sshll.u32 s4, $0x4  }
0x6: {  	s17 =	simm.s32 $0x0;
	[smem:$0x7FF] =	sst s2;
	s3 =	sor.u32 s1, s3  }
0x7: {  	s8 =	sadd.s32 $0x23A00, s5;
	s4 =	ssub.s32 $0x2, s4;
	s6 =	smul.u32 $0xC40, s3  }
0x8: {  	_ =	strace $0x80000059;
	s31 =	sshrl.u32 s4, $0x1;
	s7 =	smul.u32 $0x6200, s3  }
0x9: {  	s3 =	sadd.s32 $0x7E00, s5;
	s11 =	ssub.s32 s4, s31;
	s9 =	sadd.s32 s6, s5  }
0xa: {  	s10 =	sshrl.u32 s6, $0x3;
	s7 =	sshrl.u32 s7, $0x3;
	s4 =	sadd.s32 s8, s6  }
0xb: {  	s10 =	sadd.s32 s10, s5;
	s7 =	sadd.s32 s8, s7;
	s6 =	sadd.s32 $0x8000, s9  }
0xc: {  	v0 =	vlaneseq.u32;
	s5 =	sadd.s32 $0x18800, s7;
	s7 =	sadd.s32 $0x20800, s10;
	s8 =	sadd.s32 $0x54A00, s10  }
0xd: {  	v0 =	vmul.u32 $0x8, v0;
	s9 =	sadd.s32 $0x57B00, s10;
	s10 =	smax.u32 s11, $0x1;
	s11 =	simm.s32 $0x14AC0  }
.LBB2_1:
0xe: {  	[tilespmem:s11], [sflag:$0x1] =	stream.linear.gather [hbm4b:s3+s2], $0x20, $0x38;
	[tilespmem:$0x14AE0] =	vst v63  }
0xf: {  	_ =	swait.ge [sflag:s12], $0x20  }
0x10: {  	[sflag:s12] =	ssyncset.done $0x0  }
0x11: {  	[sflag:s12] =	ssyncadd.s32 $0xFFFFFFE0  }
0x12: {  	[tilespmem:s2], [sflag:$0x1] =	stream.linear.gather [hbm4b:s4+s2], $0x6200, $0x38;
	[tilespmem:$0x14AE0] =	vst v63  }
0x13: {  	_ =	swait.ge [sflag:s12], $0x6200  }
0x14: {  	[sflag:s12] =	ssyncset.done $0x0  }
0x15: {  	[sflag:s12] =	ssyncadd.s32 $0xFFFF9E00  }
0x16: {  	[tilespmem:s13], [sflag:$0x1] =	stream.linear.gather [hbm4b:s5+s2], $0x6200, $0x38;
	[tilespmem:$0x14AE0] =	vst v63  }
0x17: {  	_ =	swait.ge [sflag:s12], $0x6200  }
0x18: {  	[sflag:s12] =	ssyncset.done $0x0  }
0x19: {  	[sflag:s12] =	ssyncadd.s32 $0xFFFF9E00  }
0x1a: {  	[tilespmem:s14], [sflag:$0x1] =	stream.linear.gather [hbm4b:s6+s2], $0x6200, $0x38;
	[tilespmem:$0x14AE0] =	vst v63  }
0x1b: {  	v1 =	vmov s2;
	_ =	swait.ge [sflag:s12], $0x6200  }
0x1c: {  	v1 =	vshll.u32 v1, $0x3;
	[sflag:s12] =	ssyncset.done $0x0  }
0x1d: {  	s18 =	simm.s32 $0x12600;
	v2 =	vor.u32 v0, v1;
	[sflag:s12] =	ssyncadd.s32 $0xFFFF9E00  }
0x1e: {  	[tilespmem:s18], [sflag:$0x1] =	stream.linear.gather [hbm4b:s7+s2], $0xC40, $0x38;
	[tilespmem:$0x14AE0] =	vst v63  }
0x1f: {  	_ =	swait.ge [sflag:s12], $0xC40  }
0x20: {  	[sflag:s12] =	ssyncset.done $0x0  }
0x21: {  	[sflag:s12] =	ssyncadd.s32 $0xFFFFF3C0  }
0x22: {  	v1 =	vld.idx.msk [tilespmem:v2+s2+$0x0], $0xffff  }
0x23: {  	v3 =	vld.idx.msk [tilespmem:v2+s13+$0x0], $0xffff;
	_ =	sdelay $0x1  }
0x24: {  	v4 =	vld.idx.msk [tilespmem:v2+s14+$0x0], $0xffff  }
0x25: {  	v5 =	vld [tilespmem:$0x14AD0]  }
0x26: {  	v6 =	vld [tilespmem:s18+$0x0]  }
0x27: {  	v1 =	vadd.f32 v3, v1;
	_ =	sdelay $0x1  }
0x28: {  	v3 =	vadd.f32 v4, v1;
	_ =	sdelay $0x1  }
0x29: {  	v2 =	vor.u32 $0x1, v2;
	v1 =	vbroadcast v5, $0x4;
	v3 =	vmul.f32 v3, v6;
	_ =	sdelay $0x1  }
0x2a: {  	v3 =	vadd.f32 v3, v1;
	_ =	sdelay $0x1  }
0x2b: {  	[tilespmem:s15+$0x0] =	vst v3  }
0x2c: {  	v3 =	vld.idx.msk [tilespmem:v2+s2+$0x0], $0xffff  }
0x2d: {  	v4 =	vld.idx.msk [tilespmem:v2+s13+$0x0], $0xffff;
	_ =	sdelay $0x1  }
0x2e: {  	v2 =	vld.idx.msk [tilespmem:v2+s14+$0x0], $0xffff;
	_ =	sdelay $0x2  }
0x2f: {  	v3 =	vadd.f32 v4, v3  }
0x30: {  	s19 =	simm.s32 $0x10  }
0x31: {  	v4 =	vmov s19;
	v7 =	vadd.f32 v2, v3  }
0x32: {  	s22 =	simm.s32 $0x20;
	v3 =	vshll.u32 v4, $0x3  }
0x33: {  	s20 =	simm.s32 $0x13240;
	s21 =	simm.s32 $0x13E80;
	s19 =	simm.s32 $0x13E90;
	v2 =	vbroadcast v5, $0x5;
	v3 =	vor.u32 v0, v3;
	v4 =	vmul.f32 v7, v6  }
.LBB2_2:
0x34: {  	s18 =	sadd.s32 $0x10, s18  }
0x35: {  	s20 =	sadd.s32 $0x10, s20;
	s23 =	smov.u32 s22;
	s24 =	sadd.s32 $0x10, s22  }
0x36: {  	p0 =	sne.s32 s22, $0xC30;
	v4 =	vadd.f32 v4, v2;
	_ =	sdelay $0x1  }
0x37: {  	[tilespmem:s21+$0x0] =	vst v4;
	s21 =	smov.u32 s19  }
0x38: {  	v4 =	vld.idx.msk [tilespmem:v3+s2+$0x0], $0xffff  }
0x39: {  	v5 =	vld.idx.msk [tilespmem:v3+s13+$0x0], $0xffff;
	_ =	sdelay $0x1  }
0x3a: {  	v6 =	vld.idx.msk [tilespmem:v3+s14+$0x0], $0xffff;
	_ =	sdelay $0x2  }
0x3b: {  	v7 =	vld [tilespmem:s18+$0x0]  }
0x3c: {  	v4 =	vadd.f32 v5, v4;
	_ =	sdelay $0x1  }
0x3d: {  	v4 =	vadd.f32 v6, v4;
	_ =	sdelay $0x1  }
0x3e: {  	v3 =	vor.u32 $0x1, v3;
	v4 =	vmul.f32 v4, v7;
	_ =	sdelay $0x1  }
0x3f: {  	v4 =	vadd.f32 v4, v1;
	_ =	sdelay $0x1  }
0x40: {  	[tilespmem:s20+$0x0] =	vst v4  }
0x41: {  	v4 =	vld.idx.msk [tilespmem:v3+s2+$0x0], $0xffff  }
0x42: {  	v5 =	vld.idx.msk [tilespmem:v3+s13+$0x0], $0xffff;
	_ =	sdelay $0x1  }
0x43: {  	v3 =	vld.idx.msk [tilespmem:v3+s14+$0x0], $0xffff;
	_ =	sdelay $0x3  }
.Ltmp0:
0x44: {  	v4 =	vadd.f32 v5, v4;
	(pc) =	sbr.rel @p0 .LBB2_2-.Ltmp0, $4  }
0x45: {  	v5 =	vmov s23  }
0x46: {  	v5 =	vshll.u32 v5, $0x3;
	v4 =	vadd.f32 v3, v4  }
0x47: {  	v3 =	vor.u32 v0, v5  }
0x48: {  	s22 =	smov.u32 s24;
	s19 =	sadd.s32 $0x10, s19;
	v4 =	vmul.f32 v4, v7  }
0x49: {  	_ = 	snop  }
0x4a: {  	v4 =	vadd.f32 v4, v2;
	_ =	sdelay $0x1  }
0x4b: {  	[tilespmem:s21+$0x0] =	vst v4  }
0x4c: {  	v4 =	vld.idx.msk [tilespmem:v3+s2+$0x0], $0xffff  }
0x4d: {  	v5 =	vld.idx.msk [tilespmem:v3+s13+$0x0], $0xffff;
	_ =	sdelay $0x1  }
0x4e: {  	v6 =	vld.idx.msk [tilespmem:v3+s14+$0x0], $0xffff  }
0x4f: {  	s18 =	sadd.s32 $0x10, s18  }
0x50: {  	v7 =	vld [tilespmem:s18+$0x0]  }
0x51: {  	v4 =	vadd.f32 v5, v4;
	_ =	sdelay $0x1  }
0x52: {  	v4 =	vadd.f32 v6, v4;
	_ =	sdelay $0x1  }
0x53: {  	v3 =	vor.u32 $0x1, v3;
	v4 =	vmul.f32 v4, v7;
	_ =	sdelay $0x1  }
0x54: {  	v1 =	vadd.f32 v4, v1  }
0x55: {  	s31 =	sadd.s32 $0x10, s20  }
0x56: {  	[tilespmem:s31+$0x0] =	vst v1  }
0x57: {  	v1 =	vld.idx.msk [tilespmem:v3+s2+$0x0], $0xffff  }
0x58: {  	v63 =	vld.idx.msk [tilespmem:v3+s13+$0x0], $0xffff;
	_ =	sdelay $0x1  }
0x59: {  	v3 =	vld.idx.msk [tilespmem:v3+s14+$0x0], $0xffff;
	_ =	sdelay $0x2  }
0x5a: {  	v1 =	vadd.f32 v63, v1;
	_ =	sdelay $0x1  }
0x5b: {  	v1 =	vadd.f32 v3, v1;
	_ =	sdelay $0x1  }
0x5c: {  	v1 =	vmul.f32 v1, v7;
	_ =	sdelay $0x1  }
0x5d: {  	v1 =	vadd.f32 v1, v2;
	_ =	sdelay $0x1  }
0x5e: {  	[tilespmem:s19+$0x0] =	vst v1  }
0x5f: {  	[hbm4b:s8+s2] =	stream.linear.scatter [tilespmem:s15], [sflag:$0x1], $0xC40, $0x38;
	[tilespmem:$0x14AE0] =	vst v63  }
0x60: {  	s17 =	sadd.s32 $0x1, s17;
	_ =	swait.ge [sflag:s12], $0xC40  }
0x61: {  	p0 =	sne.s32 s17, s10;
	[sflag:s12] =	ssyncset.done $0x0  }
.Ltmp1:
0x62: {  	[sflag:s12] =	ssyncadd.s32 $0xFFFFF3C0;
	(pc) =	sbr.rel @p0 .LBB2_1-.Ltmp1, $4  }
0x63: {  	[hbm4b:s9+s2] =	stream.linear.scatter [tilespmem:s16], [sflag:$0x1], $0xC40, $0x38;
	[tilespmem:$0x14AE0] =	vst v63  }
0x64: {  	_ =	swait.ge [sflag:s12], $0xC40  }
0x65: {  	[sflag:s12] =	ssyncset.done $0x0  }
0x66: {  	[sflag:s12] =	ssyncadd.s32 $0xFFFFF3C0  }
0x67: {  	_ =	sfence.sel $0x180000  }
0x68: {  	[bflag:$0x0] =	sbarrier.arrive $0xFFFF  }
0x69: {  	p0 =	sne.s32 s1, $0x0;
	_ =	strace $0x90000059  }
0x6a: {  	s0 =	sadd.s32 @!p0 $0x100000, s0;
	[bflag:$0x2] =	sbarrier.arrive $0xFFFF  }
0x6b: {  	[sflag:s0] =	ssyncadd.tile.s32 @!p0 $0x1;
	_ =	shalt  }
.Lfunc_end2:
_tile_overlayer_lowered:
.L_overlay_start_2:
0x6c: {  	(tag) =	ssettag $0x2  }
0x6d: {  	s0 =	rddreg [dreg:$0x0];
	s2 =	stileid.u32  }
0x6e: {  	s1 =	rddreg [dreg:$0x1];
	p0 =	sne.s32 s2, $0x0  }
0x6f: {  	s3 =	rddreg [dreg:$0x2];
	[bflag:$0x3] =	sbarrier.arrive $0xFFFF;
	s2 =	simm.s32 @!p0 $0x1C01  }
0x70: {  	[timem:s3], [sflag:s2] =	dma.local @!p0 [hbm:s0], s1  }
0x71: {  	s0 =	simm.s32 @!p0 $0x1  }
0x72: {  	_ =	swait.ge @!p0 [sflag:s0], s1  }
0x73: {  	s1 =	ssub.s32 @!p0 $0x0, s1;
	[sflag:s0] =	ssyncset.done @!p0 $0x0  }
0x74: {  	[sflag:s0] =	ssyncadd.s32 @!p0 s1  }
0x75: {  	[bflag:$0x3] =	sbarrier.arrive $0xFFFF  }
0x76: {  	_ =	shalt  }

// kernel: kernel.8.cloned.1.call-start
scs
__scs_entry_jumppad:
0x0: {  	(pc) =	sbr.rel $0x88, $3  }
0x1: {  	(tag) =	ssettag $0x0;
	lr =	simm.s32 $0x1  }
0x2: {  	[smem:$0x3F9B] =	sst lr;
	_ =	strace $0xD0000000  }
0x3: {  	_ = 	snop  }
0x4: {  	_ = 	snop  }
0x5: {  	_ = 	snop  }
0x6: {  	_ = 	snop  }
0x7: {  	_ = 	snop  }
__scs_overlays_trampoline_lowered:
0x8: {  	[smem:$0x3FAA] =	sst s0  }
0x9: {  	[smem:$0x3FAB] =	sst s1  }
0xa: {  	[smem:$0x3FAC] =	sst s2  }
0xb: {  	[smem:$0x3FAD] =	sst s3  }
0xc: {  	[smem:$0x3FAE] =	sst s4  }
0xd: {  	[smem:$0x3FAF] =	sst s5  }
0xe: {  	[smem:$0x3FB0] =	sst s6  }
0xf: {  	[smem:$0x3FB1] =	sst s7  }
0x10: {  	[smem:$0x3FB2] =	sst s8  }
0x11: {  	[smem:$0x3FB3] =	sst s9;
	s0 =	simm.s32 @!p0 $0x0  }
0x12: {  	s1 =	sld [smem:$0x3F99];
	s0 =	simm.s32 @p0 $0x1  }
0x13: {  	[smem:$0x3FB4] =	sst s0;
	s0 =	simm.s32 @!p1 $0x0  }
0x14: {  	s2 =	sld [smem:$0x3F98];
	s0 =	simm.s32 @p1 $0x1  }
0x15: {  	[smem:$0x3FB5] =	sst s0;
	s0 =	simm.s32 @!p2 $0x0  }
0x16: {  	s3 =	sld [smem:$0x3FDB];
	s0 =	simm.s32 @p2 $0x1  }
0x17: {  	s4 =	simm.s32 $0x1BF5;
	[smem:$0x3FB7] =	sst s0  }
0x18: {  	s0 =	sld [smem:$0x3F9A];
	_ =	swait.ge [sflag:s4], $0x0  }
0x19: {  	s7 =	sld [smem:$0x3F9B]  }
0x1a: {  	s8 =	sadd.s32 $0xFFFFE003, lr  }
0x1b: {  	s9 =	sadd.s32 $0xFFFFFEF7, lr;
	s5 =	simm.s32 $0xFFFFFFFF;
	p2 =	slt.u32 s8, $0xFFFFF086  }
0x1c: {  	p1 =	slt.u32 s9, $0xF7A;
	s5 =	simm.s32 @!p2 $0x0  }
0x1d: {  	s5 =	simm.s32 @p1 $0x1;
	p0 =	seq.s32 s7, s2  }
0x1e: {  	s7 =	smul.u32 @!p0 $0xF7A, s2;
	p2 =	seq.s32 @!p0 s5, $0x0  }
0x1f: {  	s9 =	smul.u32 $0xF7A, s1;
	s8 =	simm.s32 @!p0 $0x1BF5;
	p2 =	por !p2, p0  }
0x20: {  	[sflag:s8] =	ssyncset.s32 @!p0 $0xFFFFF086;
	s6 =	sadd.s32 @!p0 s3, s7;
	s7 =	simm.s32 @!p0 $0x108  }
0x21: {  	s3 =	sadd.s32 s3, s9;
	s6 =	sadd.s32 @!p0 $0x88, s6;
	s7 =	simm.s32 @p2 $0x1082  }
0x22: {  	[simem:s7], [sflag:s8] =	dma.local @!p0 [hbm:s6], $0xF7A  }
0x23: {  	s9 =	sor.u32 $0xD0000000, s2;
	s6 =	simm.s32 $0x108;
	_ =	swait.ge @!p0 [sflag:s8], $0x0  }
0x24: {  	s3 =	sadd.s32 $0x88, s3;
	s6 =	simm.s32 @!p1 $0x1082;
	[sflag:s4] =	ssyncset.s32 $0xFFFFF086  }
0x25: {  	[simem:s6], [sflag:s4] =	dma.local [hbm:s3], $0xF7A  }
0x26: {  	[smem:$0x3F9B] =	sst s1;
	(tag) =	ssettag s2;
	_ =	strace s9  }
0x27: {  	s1 =	sld [smem:$0x3FAB]  }
0x28: {  	s2 =	sld [smem:$0x3FAC]  }
0x29: {  	s4 =	sld [smem:$0x3FAE]  }
0x2a: {  	p0 =	seq.s32 s5, $0x0;
	s5 =	sld [smem:$0x3FAF]  }
0x2b: {  	s6 =	sld [smem:$0x3FB0]  }
0x2c: {  	s7 =	sld [smem:$0x3FB1]  }
0x2d: {  	s3 =	simm.s32 $0x108;
	s8 =	sld [smem:$0x3FB2]  }
0x2e: {  	s3 =	simm.s32 @!p0 $0x1082;
	s9 =	sld [smem:$0x3FB3]  }
0x2f: {  	lr =	sadd.s32 s0, s3;
	s0 =	sld [smem:$0x3FAA]  }
0x30: {  	s3 =	sld [smem:$0x3FAD]  }
0x31: {  	[smem:$0x3FB6] =	sst s10  }
0x32: {  	s10 =	sld [smem:$0x3FB4];
	_ =	sdelay $0x3  }
0x33: {  	p0 =	seq.s32 s10, $0x1;
	s10 =	sld [smem:$0x3FB6];
	_ =	sdelay $0x3  }
0x34: {  	[smem:$0x3FB6] =	sst s10  }
0x35: {  	s10 =	sld [smem:$0x3FB5];
	_ =	sdelay $0x3  }
0x36: {  	p1 =	seq.s32 s10, $0x1;
	s10 =	sld [smem:$0x3FB6];
	_ =	sdelay $0x3  }
0x37: {  	[smem:$0x3FB6] =	sst s10  }
0x38: {  	s10 =	sld [smem:$0x3FB7]  }
0x39: {  	_ = 	snop;
	(pc) =	sbr.ind lr, $3  }
0x3a: {  	_ = 	snop  }
0x3b: {  	_ = 	snop  }
0x3c: {  	p2 =	seq.s32 s10, $0x1;
	s10 =	sld [smem:$0x3FB6]  }
0x3d: {  	_ =	shalt  }
0x3e: {  	_ =	shalt  }
0x3f: {  	_ =	shalt  }
0x40: {  	_ =	shalt  }
0x41: {  	_ =	shalt  }
0x42: {  	_ =	shalt  }
0x43: {  	_ =	shalt  }
0x44: {  	_ =	shalt  }
0x45: {  	_ =	shalt  }
0x46: {  	_ =	shalt  }
0x47: {  	_ =	shalt  }
0x48: {  	_ =	shalt  }
0x49: {  	_ =	shalt  }
0x4a: {  	_ =	shalt  }
0x4b: {  	_ =	shalt  }
0x4c: {  	_ =	shalt  }
0x4d: {  	_ =	shalt  }
0x4e: {  	_ =	shalt  }
0x4f: {  	_ =	shalt  }
0x50: {  	_ =	shalt  }
0x51: {  	_ =	shalt  }
0x52: {  	_ =	shalt  }
0x53: {  	_ =	shalt  }
0x54: {  	_ =	shalt  }
0x55: {  	_ =	shalt  }
0x56: {  	_ =	shalt  }
0x57: {  	_ =	shalt  }
0x58: {  	_ =	shalt  }
0x59: {  	_ =	shalt  }
0x5a: {  	_ =	shalt  }
0x5b: {  	_ =	shalt  }
0x5c: {  	_ =	shalt  }
0x5d: {  	_ =	shalt  }
0x5e: {  	_ =	shalt  }
0x5f: {  	_ =	shalt  }
0x60: {  	_ =	shalt  }
0x61: {  	_ =	shalt  }
0x62: {  	_ =	shalt  }
0x63: {  	_ =	shalt  }
0x64: {  	_ =	shalt  }
0x65: {  	_ =	shalt  }
0x66: {  	_ =	shalt  }
0x67: {  	_ =	shalt  }
0x68: {  	_ =	shalt  }
0x69: {  	_ =	shalt  }
0x6a: {  	_ =	shalt  }
0x6b: {  	_ =	shalt  }
0x6c: {  	_ =	shalt  }
0x6d: {  	_ =	shalt  }
0x6e: {  	_ =	shalt  }
0x6f: {  	_ =	shalt  }
0x70: {  	_ =	shalt  }
0x71: {  	_ =	shalt  }
0x72: {  	_ =	shalt  }
0x73: {  	_ =	shalt  }
0x74: {  	_ =	shalt  }
0x75: {  	_ =	shalt  }
0x76: {  	_ =	shalt  }
0x77: {  	_ =	shalt  }
0x78: {  	_ =	shalt  }
0x79: {  	_ =	shalt  }
0x7a: {  	_ =	shalt  }
0x7b: {  	_ =	shalt  }
0x7c: {  	_ =	shalt  }
0x7d: {  	_ =	shalt  }
0x7e: {  	_ =	shalt  }
0x7f: {  	_ =	shalt  }
0x80: {  	_ =	shalt  }
0x81: {  	_ =	shalt  }
0x82: {  	_ =	shalt  }
0x83: {  	_ =	shalt  }
0x84: {  	_ =	shalt  }
0x85: {  	_ =	shalt  }
0x86: {  	_ =	shalt  }
0x87: {  	_ =	shalt  }
.Lfunc_end0:
.L_simem_size_0:
called_computation.1_lowered:
.L_overlay_start_0:
0x88: {  	s2 =	sld [smem:$0x3FD9]  }
0x89: {  	s3 =	sld [smem:$0x3FFE];
	_ =	sdelay $0x1  }
0x8a: {  	s1 =	srdreg.scid  }
0x8b: {  	s0 =	sand.u32 $0x1, s1  }
0x8c: {  	s16 =	sshll.u32 s0, $0xA;
	s2 =	sadd.s32 s3, s2  }
0x8d: {  	s2 =	sadd.s32 s2, s16  }
0x8e: {  	[smem:$0x3FC2] =	sst s2  }
0x8f: {  	_ = 	snop  }
0x90: {  	(tm) =	ssettm $0x1  }
0x91: {  	s17 =	sld [smem:$0x3FFB];
	_ =	sdelay $0x3  }
0x92: {  	_ =	strace s17  }
0x93: {  	s2 =	sld [smem:$0x3FFC];
	_ =	sdelay $0x3  }
0x94: {  	_ =	strace s2  }
0x95: {  	s2 =	sld [smem:$0x3FFD];
	_ =	sdelay $0x3  }
0x96: {  	_ =	strace s2  }
0x97: {  	_ =	strace $0x8FFFFFFF  }
0x98: {  	s18 =	sld [smem:$0x3FDB];
	_ =	sdelay $0x1  }
0x99: {  	s19 =	simm.s32 $_scs_section_size  }
0x9a: {  	s4 =	simm.s32 $_size__tile_overlayer_lowered;
	s5 =	simm.s32 $_tile_overlayer_lowered  }
0x9b: {  	s22 =	simm.s32 $0x1BFF;
	s21 =	sshll.u32 s5, $0x1;
	s2 =	sadd.s32 s19, s18  }
0x9c: {  	s6 =	simm.s32 $0x0;
	s20 =	sshll.u32 s4, $0x1;
	s4 =	sadd.s32 s21, s2  }
0x9d: {  	[timem:s6], [sflag:s22] =	dma.local [hbm:s4], s20  }
0x9e: {  	_ =	swait.ge [sflag:s22], s20  }
0x9f: {  	s3 =	ssub.s32 $0x0, s20;
	[sflag:s22] =	ssyncset.done $0x0  }
0xa0: {  	[sflag:s22] =	ssyncadd.s32 s3;
	_ =	sdelay $0x1  }
0xa1: {  	s23 =	simm.s32 $0x1B8B  }
0xa2: {  	_ =	swait.ge [sflag:s23], $0x1  }
0xa3: {  	[sflag:s23] =	ssyncset.done $0x0  }
0xa4: {  	s25 =	simm.s32 $0x1B8E;
	s24 =	sld [smem:$0x3FFE];
	[sflag:s23] =	ssyncadd.s32 $0xFFFFFFFF  }
0xa5: {  	s26 =	simm.s32 $execute0_lowered;
	[smem:$0x3FD2] =	sst s25  }
0xa6: {  	s4 =	sshll.u32 s26, $0x1;
	_ =	strace $0x80000046;
	[dreg:$0x1] =	wrdreg $0xFFFFFFFF  }
0xa7: {  	s28 =	simm.s32 $_size_execute0_lowered;
	s2 =	sadd.s32 s2, s4;
	[dreg:$0x0] =	wrdreg $0x0  }
0xa8: {  	s4 =	sshll.u32 s28, $0x1;
	[dreg:$0x2] =	wrdreg s2  }
0xa9: {  	[dreg:$0x3] =	wrdreg s4  }
0xaa: {  	[dreg:$0x4] =	wrdreg $0xC0  }
0xab: {  	_ =	task [dreg:s6], $0x5FFFF  }
0xac: {  	[dreg:$0x1] =	wrdreg $0xFFFFFFFF  }
0xad: {  	[dreg:$0x0] =	wrdreg $0x60  }
0xae: {  	[dreg:$0x2] =	wrdreg s24  }
0xaf: {  	[dreg:$0x3] =	wrdreg $0x0  }
0xb0: {  	[dreg:$0x4] =	wrdreg $0xA  }
0xb1: {  	_ =	task.clear_ibuf [dreg:s6], $0x5FFFF;
	_ =	strace $0x90000046  }
0xb2: {  	s29 =	simm.s32 $0xA;
	_ =	strace $0x80000048  }
0xb3: {  	_ =	swait.ge [sflag:s29], $0x1  }
0xb4: {  	[sflag:s29] =	ssyncadd.s32 $0xFFFFFFFF  }
0xb5: {  	_ =	strace $0x90000048  }
0xb6: {  	_ =	sfence  }
0xb7: {  	s30 =	sld [smem:$0x0];
	_ =	sdelay $0x2  }
0xb8: {  	s31 =	sshll.u32 s1, $0xD;
	s1 =	sshrl.u32 s1, $0x2  }
0xb9: {  	s3 =	sand.u32 $0x4000, s31;
	s1 =	sadd.s32 s1, s30  }
0xba: {  	s0 =	sor.u32 s3, s0;
	s1 =	sshll.u32 s1, $0x11  }
0xbb: {  	s0 =	sor.u32 s1, s0  }
0xbc: {  	s0 =	sadd.s32 $0x8F2B, s0  }
0xbd: {  	[sflag:s0] =	ssyncadd.remote.s32 $0x1  }
0xbe: {  	_ =	sfence.sel $0xFFFF  }
0xbf: {  	[dreg:$0x0] =	wrdreg $0xFFFFFFFF;
	(pc) =	sbr.abs _section_cstart, $3  }
0xc0: {  	[dreg:$0x1] =	wrdreg $0xFFFFFFFF  }
0xc1: {  	_ =	task.clear_ibuf [dreg:s6], $0x2FFFF;
	_ =	strace $0x9FFFFFFF  }
0xc2: {  	(tm) =	ssettm $0x7FFFFFFF  }
0xc3: {  	_ =	shalt  }
tec
execute0_lowered:
.L_overlay_start_1:
0x0: {  	(tag) =	ssettag $0x1  }
0x1: {  	s0 =	rddreg [dreg:$0x0]  }
0x2: {  	s1 =	rddreg [dreg:$0x1];
	s2 =	srdreg.scid  }
0x3: {  	s3 =	simm.s32 $0x0;
	s11 =	stileid.u32;
	s19 =	simm.f32 $1.000000000e+00  }
0x4: {  	s16 =	simm.s32 $0xC400;
	s17 =	simm.s32 $0xE400;
	s18 =	simm.s32 $0x2  }
0x5: {  	s20 =	simm.s32 $0x200;
	s21 =	simm.s32 $0xD600;
	s22 =	simm.s32 $0xD800  }
0x6: {  	s28 =	simm.s32 $0xE000;
	s29 =	simm.s32 $0xE200;
	s5 =	smul.u32 $0x188, s11  }
0x7: {  	s31 =	simm.s32 $0x0;
	s2 =	sand.u32 $0x1, s2;
	s7 =	smul.u32 $0x31000, s11  }
0x8: {  	[smem:$0x7FF] =	sst s3;
	s13 =	sadd.s32 $0xC8200, s0;
	s15 =	smul.u32 $0x6200, s11  }
0x9: {  	s4 =	smul.u32 $0x1880, s2;
	_ =	strace $0x80000047;
	s23 =	ssub.s32 $0x2, s2  }
0xa: {  	s24 =	sshll.u32 s2, $0x4;
	p0 =	seq.s32 s2, $0x0;
	s2 =	smul.u32 $0x62000, s2  }
0xb: {  	s6 =	sshrl.u32 s23, $0x1;
	s25 =	sshrl.u32 s7, $0x2;
	s26 =	sor.u32 s11, s24  }
0xc: {  	s19 =	simm.s32 @!p0 $0x0;
	s24 =	simm.s32 $0xDC00;
	s4 =	sadd.s32 s5, s4  }
0xd: {  	s14 =	ssub.s32 s23, s6;
	s9 =	smul.u32 $0x6200, s26;
	s30 =	sadd.s32 s2, s13  }
0xe: {  	v0 =	vmov s19;
	s19 =	simm.s32 $0xD400;
	s23 =	simm.s32 $0xDA00;
	s4 =	sshll.u32 s4, $0x1  }
0xf: {  	s26 =	simm.s32 $0xDE00;
	s15 =	sadd.s32 s15, s30;
	s0 =	sadd.s32 s4, s0  }
0x10: {  	s4 =	sadd.s32 s25, s1;
	s9 =	sadd.s32 s13, s9;
	s13 =	smax.u32 s14, $0x1  }
0x11: {  	v1 =	vlaneseq.u32;
	vm0 =	vcmask $0x3F24;
	vm1 =	vcmask $0x1F04;
	s5 =	sadd.s32 $0x3100, s4;
	s6 =	sadd.s32 $0x6200, s4;
	s8 =	sadd.s32 $0x18C200, s0  }
0x12: {  	v2 =	vimm.s32 $0x0;
	v4 =	vimm.f32 $0.0e+00;
	v6 =	vimm.f32 $1.000000000e+00;
	s25 =	simm.s32 $0x1;
	s10 =	sadd.s32 $0x18C2C4, s0;
	s11 =	sadd.s32 $0x18C388, s0  }
0x13: {  	vm0 =	vmor vm1, vm0;
	v3 =	vand.u32 $0x7, v1;
	v5 =	vmul.u32 $0x8, v1;
	s7 =	sadd.s32 $0x9300, s4;
	s12 =	sadd.s32 $0x18C44C, s0;
	s14 =	sadd.s32 $0x6100, s9  }
.LBB2_1:
0x14: {  	v7 =	vmov s3  }
0x15: {  	vm1 =	veq.s32 v7, v1  }
0x16: {  	vm1 =	vmand vm1, vm0  }
0x17: {  	v7 =	vsel vm1, $0xFFFFFFFF, v2  }
0x18: {  	v7 =	vshll.u32 v7, $0x3  }
0x19: {  	s2 =	simm.s32 $0x10;
	v7 =	vadd.s32 s3, v7  }
0x1a: {  	v8 =	vmov s2;
	v7 =	vadd.s32 v1, v7  }
0x1b: {  	vm1 =	veq.s32 v8, v1;
	v7 =	vand.u32 $0xFFFFFFF8, v7  }
0x1c: {  	vm1 =	vmand vm1, vm0;
	v7 =	vor.u32 v3, v7  }
0x1d: {  	v8 =	vsel vm1, $0xFFFFFFFF, v2  }
0x1e: {  	v8 =	vshll.u32 v8, $0x3  }
0x1f: {  	s0 =	simm.s32 $0x20;
	v8 =	vadd.s32 s2, v8  }
.LBB2_2:
0x20: {  	v9 =	vmov s0;
	p0 =	sne.s32 s0, $0xFF0;
	v8 =	vadd.s32 v1, v8;
	s2 =	smov.u32 s0;
	s0 =	sadd.s32 $0x10, s0  }
.Ltmp0:
0x21: {  	vm1 =	veq.s32 v9, v1;
	v8 =	vand.u32 $0xFFFFFFF8, v8;
	[tilespmem:v7+s16+$0x0] =	vst.idx.msk $0xffff, v4;
	(pc) =	sbr.rel @p0 .LBB2_2-.Ltmp0, $4  }
0x22: {  	vm1 =	vmand vm1, vm0;
	v7 =	vor.u32 v3, v8  }
0x23: {  	v8 =	vsel vm1, $0xFFFFFFFF, v2  }
0x24: {  	v8 =	vshll.u32 v8, $0x3  }
0x25: {  	v8 =	vadd.s32 s2, v8  }
0x26: {  	v8 =	vadd.s32 v1, v8  }
0x27: {  	v8 =	vand.u32 $0xFFFFFFF8, v8  }
0x28: {  	v9 =	vor.u32 v3, v8;
	_ =	sdelay $0x1  }
0x29: {  	s0 =	simm.s32 $0x0  }
0x2a: {  	v8 =	vmov s0  }
0x2b: {  	[tilespmem:v7+s16+$0x0] =	vst.idx.msk $0xffff, v4;
	v7 =	vshll.u32 v8, $0x3  }
0x2c: {  	s2 =	simm.s32 $0x10;
	v7 =	vor.u32 v5, v7;
	[tilespmem:v9+s16+$0x0] =	vst.idx.msk $0xffff, v4  }
.LBB2_4:
0x2d: {  	p0 =	sne.s32 s2, $0x1F0  }
.Ltmp1:
0x2e: {  	_ = 	snop;
	(pc) =	sbr.rel @p0 .LBB2_4-.Ltmp1, $4  }
0x2f: {  	_ = 	snop  }
0x30: {  	v9 =	vmov s2;
	s2 =	sadd.s32 $0x10, s2  }
0x31: {  	v9 =	vshll.u32 v9, $0x3;
	[tilespmem:v7+s16+$0x0] =	vst.idx.msk $0xffff, v6  }
0x32: {  	v7 =	vor.u32 v5, v9  }
0x33: {  	vm1 =	veq.s32 v8, v1  }
0x34: {  	vm1 =	vmand vm1, vm0  }
0x35: {  	v8 =	vsel vm1, $0xFFFFFFFF, v2  }
0x36: {  	v8 =	vshll.u32 v8, $0x3  }
0x37: {  	s2 =	simm.s32 $0x10;
	v8 =	vadd.s32 s0, v8  }
0x38: {  	v9 =	vmov s2;
	v8 =	vadd.s32 v1, v8  }
0x39: {  	vm1 =	veq.s32 v9, v1;
	v8 =	vand.u32 $0xFFFFFFF8, v8  }
0x3a: {  	[tilespmem:v7+s16+$0x0] =	vst.idx.msk $0xffff, v6;
	vm1 =	vmand vm1, vm0;
	v7 =	vor.u32 v3, v8  }
0x3b: {  	v9 =	vsel vm1, $0xFFFFFFFF, v2  }
0x3c: {  	v9 =	vshll.u32 v9, $0x3  }
0x3d: {  	s0 =	simm.s32 $0x20;
	v8 =	vadd.s32 s2, v9  }
.LBB2_6:
0x3e: {  	v9 =	vmov s0;
	p0 =	sne.s32 s0, $0x30F0;
	v8 =	vadd.s32 v1, v8;
	s2 =	smov.u32 s0;
	s0 =	sadd.s32 $0x10, s0  }
.Ltmp2:
0x3f: {  	vm1 =	veq.s32 v9, v1;
	v8 =	vand.u32 $0xFFFFFFF8, v8;
	[tilespmem:v7+s17+$0x0] =	vst.idx.msk $0xffff, v4;
	(pc) =	sbr.rel @p0 .LBB2_6-.Ltmp2, $4  }
0x40: {  	vm1 =	vmand vm1, vm0;
	v7 =	vor.u32 v3, v8  }
0x41: {  	v8 =	vsel vm1, $0xFFFFFFFF, v2  }
0x42: {  	v8 =	vshll.u32 v8, $0x3  }
0x43: {  	v8 =	vadd.s32 s2, v8  }
0x44: {  	v8 =	vadd.s32 v1, v8  }
0x45: {  	v8 =	vand.u32 $0xFFFFFFF8, v8  }
0x46: {  	v8 =	vor.u32 v3, v8;
	_ =	sdelay $0x1  }
0x47: {  	s0 =	simm.s32 $0x0  }
0x48: {  	v9 =	vmov s0  }
0x49: {  	[tilespmem:v7+s17+$0x0] =	vst.idx.msk $0xffff, v4;
	v7 =	vshll.u32 v9, $0x3  }
0x4a: {  	s0 =	simm.s32 $0x10;
	v7 =	vor.u32 v5, v7;
	[tilespmem:v8+s17+$0x0] =	vst.idx.msk $0xffff, v4  }
.LBB2_8:
0x4b: {  	p0 =	sne.s32 s0, $0x610  }
.Ltmp3:
0x4c: {  	_ = 	snop;
	(pc) =	sbr.rel @p0 .LBB2_8-.Ltmp3, $4  }
0x4d: {  	_ = 	snop  }
0x4e: {  	v8 =	vmov s0;
	s0 =	sadd.s32 $0x10, s0  }
0x4f: {  	v8 =	vshll.u32 v8, $0x3;
	[tilespmem:v7+s17+$0x0] =	vst.idx.msk $0xffff, v0  }
0x50: {  	v7 =	vor.u32 v5, v8  }
0x51: {  	_ =	sdelay $0x3  }
0x52: {  	[tilespmem:v7+s17+$0x0] =	vst.idx.msk $0xffff, v0  }
0x53: {  	[spmem:s4] =	stream.linear.scatter [tilespmem:s17], [sflag:$0x2], $0x3100, $0x38;
	[tilespmem:$0x11B20] =	vst v63  }
0x54: {  	_ =	swait.ge [sflag:s18], $0x3100  }
0x55: {  	[sflag:s18] =	ssyncset.done $0x0  }
0x56: {  	[sflag:s18] =	ssyncadd.s32 $0xFFFFCF00  }
0x57: {  	[spmem:s5] =	stream.linear.scatter [tilespmem:s17], [sflag:$0x2], $0x3100, $0x38;
	[tilespmem:$0x11B20] =	vst v63  }
0x58: {  	_ =	swait.ge [sflag:s18], $0x3100  }
0x59: {  	[sflag:s18] =	ssyncset.done $0x0  }
0x5a: {  	[sflag:s18] =	ssyncadd.s32 $0xFFFFCF00  }
0x5b: {  	[spmem:s6] =	stream.linear.scatter [tilespmem:s17], [sflag:$0x2], $0x3100, $0x38;
	[tilespmem:$0x11B20] =	vst v63  }
0x5c: {  	_ =	swait.ge [sflag:s18], $0x3100  }
0x5d: {  	[sflag:s18] =	ssyncset.done $0x0  }
0x5e: {  	[sflag:s18] =	ssyncadd.s32 $0xFFFFCF00  }
0x5f: {  	[spmem:s7] =	stream.linear.scatter [tilespmem:s17], [sflag:$0x2], $0x3100, $0x38;
	[tilespmem:$0x11B20] =	vst v63  }
0x60: {  	_ =	swait.ge [sflag:s18], $0x3100  }
0x61: {  	[sflag:s18] =	ssyncset.done $0x0  }
0x62: {  	[sflag:s18] =	ssyncadd.s32 $0xFFFFCF00  }
0x63: {  	[bflag:$0x0] =	sbarrier.arrive $0xFFFF  }
0x64: {  	[tilespmem:s19], [sflag:$0x2] =	stream.linear.gather [hbm4b:s9+s3], $0x800, $0x38;
	[tilespmem:$0x11B20] =	vst v63  }
0x65: {  	_ =	swait.ge [sflag:s18], $0x800  }
0x66: {  	[sflag:s18] =	ssyncset.done $0x0  }
0x67: {  	[sflag:s18] =	ssyncadd.s32 $0xFFFFF800  }
0x68: {  	[spmem:s1] =	stream.indirect.scatter.add.f32 [tilespmem:s16], [sflag:$0x1], $0x8, s19, s20, $0xb8;
	[tilespmem:$0x11B20] =	vst v63  }
0x69: {  	_ = 	snop  }
0x6a: {  	[spmem:s1] =	stream.indirect.scatter.add.f32 [tilespmem:s16], [sflag:$0x1], $0x8, s21, s20, $0xb8;
	[tilespmem:$0x11B20] =	vst v63  }
0x6b: {  	_ = 	snop  }
0x6c: {  	[spmem:s1] =	stream.indirect.scatter.add.f32 [tilespmem:s16], [sflag:$0x1], $0x8, s22, s20, $0xb8;
	[tilespmem:$0x11B20] =	vst v63  }
0x6d: {  	s0 =	sadd.s32 $0xFFFFA000, s15  }
0x6e: {  	[spmem:s1] =	stream.indirect.scatter.add.f32 [tilespmem:s16], [sflag:$0x1], $0x8, s23, s20, $0xb8;
	[tilespmem:$0x11B20] =	vst v63  }
0x6f: {  	s2 =	sadd.s32 $0x6100, s0  }
0x70: {  	[tilespmem:s24], [sflag:$0x2] =	stream.linear.gather [hbm4b:s2+s3], $0x800, $0x38;
	[tilespmem:$0x11B20] =	vst v63  }
0x71: {  	_ =	swait.ge [sflag:s18], $0x800  }
0x72: {  	[sflag:s18] =	ssyncset.done $0x0  }
0x73: {  	[sflag:s18] =	ssyncadd.s32 $0xFFFFF800  }
0x74: {  	_ =	swait.ge [sflag:s25], $0x1000  }
0x75: {  	[sflag:s25] =	ssyncset.done $0x0  }
0x76: {  	[sflag:s25] =	ssyncadd.s32 $0xFFFFF000  }
0x77: {  	_ =	swait.ge [sflag:s25], $0x1000  }
0x78: {  	[sflag:s25] =	ssyncset.done $0x0  }
0x79: {  	[sflag:s25] =	ssyncadd.s32 $0xFFFFF000  }
0x7a: {  	_ =	swait.ge [sflag:s25], $0x1000  }
0x7b: {  	[sflag:s25] =	ssyncset.done $0x0  }
0x7c: {  	[sflag:s25] =	ssyncadd.s32 $0xFFFFF000  }
0x7d: {  	_ =	swait.ge [sflag:s25], $0x1000  }
0x7e: {  	[sflag:s25] =	ssyncset.done $0x0  }
0x7f: {  	[sflag:s25] =	ssyncadd.s32 $0xFFFFF000  }
0x80: {  	[spmem:s1] =	stream.indirect.scatter.add.f32 [tilespmem:s16], [sflag:$0x1], $0x8, s24, s20, $0xb8;
	[tilespmem:$0x11B20] =	vst v63  }
0x81: {  	_ = 	snop  }
0x82: {  	[spmem:s1] =	stream.indirect.scatter.add.f32 [tilespmem:s16], [sflag:$0x1], $0x8, s26, s20, $0xb8;
	[tilespmem:$0x11B20] =	vst v63  }
0x83: {  	_ = 	snop  }
0x84: {  	[spmem:s1] =	stream.indirect.scatter.add.f32 [tilespmem:s16], [sflag:$0x1], $0x8, s28, s20, $0xb8;
	[tilespmem:$0x11B20] =	vst v63  }
0x85: {  	_ = 	snop  }
0x86: {  	[spmem:s1] =	stream.indirect.scatter.add.f32 [tilespmem:s16], [sflag:$0x1], $0x8, s29, s20, $0xb8;
	[tilespmem:$0x11B20] =	vst v63  }
0x87: {  	s0 =	sadd.s32 $0x6200, s0  }
0x88: {  	[tilespmem:s19], [sflag:$0x2] =	stream.linear.gather [hbm4b:s0+s3], $0x800, $0x38;
	[tilespmem:$0x11B20] =	vst v63  }
0x89: {  	_ =	swait.ge [sflag:s18], $0x800  }
0x8a: {  	[sflag:s18] =	ssyncset.done $0x0  }
0x8b: {  	[sflag:s18] =	ssyncadd.s32 $0xFFFFF800  }
0x8c: {  	_ =	swait.ge [sflag:s25], $0x1000  }
0x8d: {  	[sflag:s25] =	ssyncset.done $0x0  }
0x8e: {  	[sflag:s25] =	ssyncadd.s32 $0xFFFFF000  }
0x8f: {  	_ =	swait.ge [sflag:s25], $0x1000  }
0x90: {  	[sflag:s25] =	ssyncset.done $0x0  }
0x91: {  	[sflag:s25] =	ssyncadd.s32 $0xFFFFF000  }
0x92: {  	_ =	swait.ge [sflag:s25], $0x1000  }
0x93: {  	[sflag:s25] =	ssyncset.done $0x0  }
0x94: {  	[sflag:s25] =	ssyncadd.s32 $0xFFFFF000  }
0x95: {  	_ =	swait.ge [sflag:s25], $0x1000  }
0x96: {  	s0 =	simm.s32 $0xFFFFA200;
	[sflag:s25] =	ssyncset.done $0x0  }
.LBB2_10:
0x97: {  	p0 =	sne.s32 s0, $0xFFFFFE00  }
0x98: {  	[sflag:s25] =	ssyncadd.s32 $0xFFFFF000;
	s2 =	smov.u32 s0;
	s0 =	sadd.s32 $0x200, s0  }
0x99: {  	[spmem:s1] =	stream.indirect.scatter.add.f32 [tilespmem:s16], [sflag:$0x1], $0x8, s19, s20, $0xb8;
	[tilespmem:$0x11B20] =	vst v63  }
0x9a: {  	_ = 	snop  }
0x9b: {  	[spmem:s1] =	stream.indirect.scatter.add.f32 [tilespmem:s16], [sflag:$0x1], $0x8, s21, s20, $0xb8;
	[tilespmem:$0x11B20] =	vst v63  }
0x9c: {  	_ = 	snop  }
0x9d: {  	[spmem:s1] =	stream.indirect.scatter.add.f32 [tilespmem:s16], [sflag:$0x1], $0x8, s22, s20, $0xb8;
	[tilespmem:$0x11B20] =	vst v63  }
0x9e: {  	s2 =	sadd.s32 s2, s15  }
0x9f: {  	[spmem:s1] =	stream.indirect.scatter.add.f32 [tilespmem:s16], [sflag:$0x1], $0x8, s23, s20, $0xb8;
	[tilespmem:$0x11B20] =	vst v63  }
0xa0: {  	s30 =	sadd.s32 $0x6100, s2  }
0xa1: {  	[tilespmem:s24], [sflag:$0x2] =	stream.linear.gather [hbm4b:s30+s3], $0x800, $0x38;
	[tilespmem:$0x11B20] =	vst v63  }
0xa2: {  	_ =	swait.ge [sflag:s18], $0x800  }
0xa3: {  	[sflag:s18] =	ssyncset.done $0x0  }
0xa4: {  	[sflag:s18] =	ssyncadd.s32 $0xFFFFF800  }
0xa5: {  	_ =	swait.ge [sflag:s25], $0x1000  }
0xa6: {  	[sflag:s25] =	ssyncset.done $0x0  }
0xa7: {  	[sflag:s25] =	ssyncadd.s32 $0xFFFFF000  }
0xa8: {  	_ =	swait.ge [sflag:s25], $0x1000  }
0xa9: {  	[sflag:s25] =	ssyncset.done $0x0  }
0xaa: {  	[sflag:s25] =	ssyncadd.s32 $0xFFFFF000  }
0xab: {  	_ =	swait.ge [sflag:s25], $0x1000  }
0xac: {  	[sflag:s25] =	ssyncset.done $0x0  }
0xad: {  	[sflag:s25] =	ssyncadd.s32 $0xFFFFF000  }
0xae: {  	_ =	swait.ge [sflag:s25], $0x1000  }
0xaf: {  	[sflag:s25] =	ssyncset.done $0x0  }
0xb0: {  	[sflag:s25] =	ssyncadd.s32 $0xFFFFF000  }
0xb1: {  	[spmem:s1] =	stream.indirect.scatter.add.f32 [tilespmem:s16], [sflag:$0x1], $0x8, s24, s20, $0xb8;
	[tilespmem:$0x11B20] =	vst v63  }
0xb2: {  	_ = 	snop  }
0xb3: {  	[spmem:s1] =	stream.indirect.scatter.add.f32 [tilespmem:s16], [sflag:$0x1], $0x8, s26, s20, $0xb8;
	[tilespmem:$0x11B20] =	vst v63  }
0xb4: {  	_ = 	snop  }
0xb5: {  	[spmem:s1] =	stream.indirect.scatter.add.f32 [tilespmem:s16], [sflag:$0x1], $0x8, s28, s20, $0xb8;
	[tilespmem:$0x11B20] =	vst v63  }
0xb6: {  	_ = 	snop  }
0xb7: {  	[spmem:s1] =	stream.indirect.scatter.add.f32 [tilespmem:s16], [sflag:$0x1], $0x8, s29, s20, $0xb8;
	[tilespmem:$0x11B20] =	vst v63  }
0xb8: {  	s2 =	sadd.s32 $0x6200, s2  }
0xb9: {  	[tilespmem:s19], [sflag:$0x2] =	stream.linear.gather [hbm4b:s2+s3], $0x800, $0x38;
	[tilespmem:$0x11B20] =	vst v63  }
0xba: {  	_ =	swait.ge [sflag:s18], $0x800  }
0xbb: {  	[sflag:s18] =	ssyncset.done $0x0  }
0xbc: {  	[sflag:s18] =	ssyncadd.s32 $0xFFFFF800  }
0xbd: {  	_ =	swait.ge [sflag:s25], $0x1000  }
0xbe: {  	[sflag:s25] =	ssyncset.done $0x0  }
0xbf: {  	[sflag:s25] =	ssyncadd.s32 $0xFFFFF000  }
0xc0: {  	_ =	swait.ge [sflag:s25], $0x1000  }
0xc1: {  	[sflag:s25] =	ssyncset.done $0x0  }
0xc2: {  	[sflag:s25] =	ssyncadd.s32 $0xFFFFF000  }
.Ltmp4:
0xc3: {  	_ =	swait.ge [sflag:s25], $0x1000;
	(pc) =	sbr.rel @p0 .LBB2_10-.Ltmp4, $4  }
0xc4: {  	[sflag:s25] =	ssyncset.done $0x0  }
0xc5: {  	[sflag:s25] =	ssyncadd.s32 $0xFFFFF000  }
0xc6: {  	_ =	swait.ge [sflag:s25], $0x1000  }
0xc7: {  	[sflag:s25] =	ssyncset.done $0x0  }
0xc8: {  	[sflag:s25] =	ssyncadd.s32 $0xFFFFF000  }
0xc9: {  	[spmem:s1] =	stream.indirect.scatter.add.f32 [tilespmem:s16], [sflag:$0x1], $0x8, s19, s20, $0xb8;
	[tilespmem:$0x11B20] =	vst v63  }
0xca: {  	_ = 	snop  }
0xcb: {  	[spmem:s1] =	stream.indirect.scatter.add.f32 [tilespmem:s16], [sflag:$0x1], $0x8, s21, s20, $0xb8;
	[tilespmem:$0x11B20] =	vst v63  }
0xcc: {  	_ = 	snop  }
0xcd: {  	[spmem:s1] =	stream.indirect.scatter.add.f32 [tilespmem:s16], [sflag:$0x1], $0x8, s22, s20, $0xb8;
	[tilespmem:$0x11B20] =	vst v63  }
0xce: {  	_ = 	snop  }
0xcf: {  	[spmem:s1] =	stream.indirect.scatter.add.f32 [tilespmem:s16], [sflag:$0x1], $0x8, s23, s20, $0xb8;
	[tilespmem:$0x11B20] =	vst v63  }
0xd0: {  	s0 =	simm.s32 $0x0  }
0xd1: {  	[tilespmem:s24], [sflag:$0x2] =	stream.linear.gather [hbm4b:s14+s0], $0x800, $0x38;
	[tilespmem:$0x11B20] =	vst v63  }
0xd2: {  	_ =	swait.ge [sflag:s18], $0x800  }
0xd3: {  	[sflag:s18] =	ssyncset.done $0x0  }
0xd4: {  	[sflag:s18] =	ssyncadd.s32 $0xFFFFF800  }
0xd5: {  	_ =	swait.ge [sflag:s25], $0x1000  }
0xd6: {  	[sflag:s25] =	ssyncset.done $0x0  }
0xd7: {  	[sflag:s25] =	ssyncadd.s32 $0xFFFFF000  }
0xd8: {  	_ =	swait.ge [sflag:s25], $0x1000  }
0xd9: {  	[sflag:s25] =	ssyncset.done $0x0  }
0xda: {  	[sflag:s25] =	ssyncadd.s32 $0xFFFFF000  }
0xdb: {  	_ =	swait.ge [sflag:s25], $0x1000  }
0xdc: {  	[sflag:s25] =	ssyncset.done $0x0  }
0xdd: {  	[sflag:s25] =	ssyncadd.s32 $0xFFFFF000  }
0xde: {  	_ =	swait.ge [sflag:s25], $0x1000  }
0xdf: {  	[sflag:s25] =	ssyncset.done $0x0  }
0xe0: {  	[sflag:s25] =	ssyncadd.s32 $0xFFFFF000  }
0xe1: {  	[spmem:s1] =	stream.indirect.scatter.add.f32 [tilespmem:s16], [sflag:$0x1], $0x8, s24, s20, $0xb8;
	[tilespmem:$0x11B20] =	vst v63  }
0xe2: {  	_ = 	snop  }
0xe3: {  	[spmem:s1] =	stream.indirect.scatter.add.f32 [tilespmem:s16], [sflag:$0x1], $0x8, s26, s20, $0xb8;
	[tilespmem:$0x11B20] =	vst v63  }
0xe4: {  	_ = 	snop  }
0xe5: {  	[spmem:s1] =	stream.indirect.scatter.add.f32 [tilespmem:s16], [sflag:$0x1], $0x8, s28, s20, $0xb8;
	[tilespmem:$0x11B20] =	vst v63  }
0xe6: {  	_ = 	snop  }
0xe7: {  	[spmem:s1] =	stream.indirect.scatter.add.f32 [tilespmem:s16], [sflag:$0x1], $0x8, s29, s20, $0xb8;
	[tilespmem:$0x11B20] =	vst v63  }
0xe8: {  	_ =	swait.ge [sflag:s25], $0x1000  }
0xe9: {  	[sflag:s25] =	ssyncset.done $0x0  }
0xea: {  	[sflag:s25] =	ssyncadd.s32 $0xFFFFF000  }
0xeb: {  	_ =	swait.ge [sflag:s25], $0x1000  }
0xec: {  	[sflag:s25] =	ssyncset.done $0x0  }
0xed: {  	[sflag:s25] =	ssyncadd.s32 $0xFFFFF000  }
0xee: {  	_ =	swait.ge [sflag:s25], $0x1000  }
0xef: {  	[sflag:s25] =	ssyncset.done $0x0  }
0xf0: {  	[sflag:s25] =	ssyncadd.s32 $0xFFFFF000  }
0xf1: {  	_ =	swait.ge [sflag:s25], $0x1000  }
0xf2: {  	v7 =	vmov s0;
	[sflag:s25] =	ssyncset.done $0x0  }
0xf3: {  	v7 =	vshll.u32 v7, $0x3;
	[sflag:s25] =	ssyncadd.s32 $0xFFFFF000  }
0xf4: {  	v7 =	vor.u32 v5, v7;
	[bflag:$0x0] =	sbarrier.arrive $0xFFFF  }
0xf5: {  	[tilespmem:s17], [sflag:$0x2] =	stream.linear.gather [spmem:s4], $0x3100, $0x38;
	[tilespmem:$0x11B20] =	vst v63  }
0xf6: {  	_ =	swait.ge [sflag:s18], $0x3100  }
0xf7: {  	s30 =	simm.s32 $0x10;
	[sflag:s18] =	ssyncset.done $0x0  }
0xf8: {  	v8 =	vmov s30;
	[sflag:s18] =	ssyncadd.s32 $0xFFFFCF00  }
0xf9: {  	v8 =	vshll.u32 v8, $0x3;
	v7 =	vld.idx.msk [tilespmem:v7+s17+$0x0], $0xffff  }
0xfa: {  	v9 =	vor.u32 v5, v8;
	_ =	sdelay $0x2  }
0xfb: {  	s0 =	simm.s32 $0x11500  }
0xfc: {  	s2 =	simm.s32 $0x20;
	[tilespmem:s0+$0x0] =	vst v7  }
0xfd: {  	v8 =	vmov s2;
	s2 =	simm.s32 $0x30;
	v7 =	vld.idx.msk [tilespmem:v9+s17+$0x0], $0xffff  }
.LBB2_12:
0xfe: {  	p0 =	sne.s32 s2, $0x610;
	v8 =	vshll.u32 v8, $0x3  }
0xff: {  	v9 =	vor.u32 v5, v8  }
.Ltmp5:
0x100: {  	(pc) =	sbr.rel @p0 .LBB2_12-.Ltmp5, $4  }
0x101: {  	_ = 	snop  }
0x102: {  	s0 =	sadd.s32 $0x10, s0  }
0x103: {  	[tilespmem:s0+$0x0] =	vst v7  }
0x104: {  	v8 =	vmov s2;
	s2 =	sadd.s32 $0x10, s2;
	v7 =	vld.idx.msk [tilespmem:v9+s17+$0x0], $0xffff  }
0x105: {  	v8 =	vshll.u32 v8, $0x3  }
0x106: {  	v8 =	vor.u32 v5, v8;
	_ =	sdelay $0x2  }
0x107: {  	s0 =	sadd.s32 $0x10, s0  }
0x108: {  	[tilespmem:s0+$0x0] =	vst v7  }
0x109: {  	v7 =	vld.idx.msk [tilespmem:v8+s17+$0x0], $0xffff;
	_ =	sdelay $0x3  }
0x10a: {  	s0 =	sadd.s32 $0x10, s0  }
0x10b: {  	s2 =	simm.s32 $0x0;
	[tilespmem:s0+$0x0] =	vst v7;
	s0 =	simm.s32 $0x11500  }
0x10c: {  	[hbm4b:s8+s2] =	stream.linear.scatter [tilespmem:s0], [sflag:$0x2], $0x620, $0x38;
	[tilespmem:$0x11B20] =	vst v63  }
0x10d: {  	v7 =	vmov s2;
	_ =	swait.ge [sflag:s18], $0x620  }
0x10e: {  	v7 =	vshll.u32 v7, $0x3;
	[sflag:s18] =	ssyncset.done $0x0  }
0x10f: {  	v7 =	vor.u32 v5, v7;
	[sflag:s18] =	ssyncadd.s32 $0xFFFFF9E0  }
0x110: {  	[tilespmem:s17], [sflag:$0x2] =	stream.linear.gather [spmem:s5], $0x3100, $0x38;
	[tilespmem:$0x11B20] =	vst v63  }
0x111: {  	_ =	swait.ge [sflag:s18], $0x3100  }
0x112: {  	s30 =	simm.s32 $0x10;
	[sflag:s18] =	ssyncset.done $0x0  }
0x113: {  	v8 =	vmov s30;
	[sflag:s18] =	ssyncadd.s32 $0xFFFFCF00  }
0x114: {  	v8 =	vshll.u32 v8, $0x3;
	v7 =	vld.idx.msk [tilespmem:v7+s17+$0x0], $0xffff  }
0x115: {  	v9 =	vor.u32 v5, v8;
	_ =	sdelay $0x3  }
0x116: {  	s30 =	simm.s32 $0x20;
	[tilespmem:s0+$0x0] =	vst v7  }
0x117: {  	v8 =	vmov s30;
	s2 =	simm.s32 $0x30;
	v7 =	vld.idx.msk [tilespmem:v9+s17+$0x0], $0xffff  }
.LBB2_14:
0x118: {  	p0 =	sne.s32 s2, $0x610;
	v8 =	vshll.u32 v8, $0x3  }
0x119: {  	v9 =	vor.u32 v5, v8  }
.Ltmp6:
0x11a: {  	(pc) =	sbr.rel @p0 .LBB2_14-.Ltmp6, $4  }
0x11b: {  	_ = 	snop  }
0x11c: {  	s0 =	sadd.s32 $0x10, s0  }
0x11d: {  	[tilespmem:s0+$0x0] =	vst v7  }
0x11e: {  	v8 =	vmov s2;
	s2 =	sadd.s32 $0x10, s2;
	v7 =	vld.idx.msk [tilespmem:v9+s17+$0x0], $0xffff  }
0x11f: {  	v8 =	vshll.u32 v8, $0x3  }
0x120: {  	v8 =	vor.u32 v5, v8;
	_ =	sdelay $0x2  }
0x121: {  	s0 =	sadd.s32 $0x10, s0  }
0x122: {  	[tilespmem:s0+$0x0] =	vst v7  }
0x123: {  	v7 =	vld.idx.msk [tilespmem:v8+s17+$0x0], $0xffff;
	_ =	sdelay $0x3  }
0x124: {  	s0 =	sadd.s32 $0x10, s0  }
0x125: {  	s2 =	simm.s32 $0x0;
	[tilespmem:s0+$0x0] =	vst v7;
	s0 =	simm.s32 $0x11500  }
0x126: {  	[hbm4b:s10+s2] =	stream.linear.scatter [tilespmem:s0], [sflag:$0x2], $0x620, $0x38;
	[tilespmem:$0x11B20] =	vst v63  }
0x127: {  	v7 =	vmov s2;
	_ =	swait.ge [sflag:s18], $0x620  }
0x128: {  	v7 =	vshll.u32 v7, $0x3;
	[sflag:s18] =	ssyncset.done $0x0  }
0x129: {  	v7 =	vor.u32 v5, v7;
	[sflag:s18] =	ssyncadd.s32 $0xFFFFF9E0  }
0x12a: {  	[tilespmem:s17], [sflag:$0x2] =	stream.linear.gather [spmem:s6], $0x3100, $0x38;
	[tilespmem:$0x11B20] =	vst v63  }
0x12b: {  	_ =	swait.ge [sflag:s18], $0x3100  }
0x12c: {  	s30 =	simm.s32 $0x10;
	[sflag:s18] =	ssyncset.done $0x0  }
0x12d: {  	v8 =	vmov s30;
	[sflag:s18] =	ssyncadd.s32 $0xFFFFCF00  }
0x12e: {  	v8 =	vshll.u32 v8, $0x3;
	v7 =	vld.idx.msk [tilespmem:v7+s17+$0x0], $0xffff  }
0x12f: {  	v9 =	vor.u32 v5, v8;
	_ =	sdelay $0x3  }
0x130: {  	s30 =	simm.s32 $0x20;
	[tilespmem:s0+$0x0] =	vst v7  }
0x131: {  	v8 =	vmov s30;
	s2 =	simm.s32 $0x30;
	v7 =	vld.idx.msk [tilespmem:v9+s17+$0x0], $0xffff  }
.LBB2_16:
0x132: {  	p0 =	sne.s32 s2, $0x610;
	v8 =	vshll.u32 v8, $0x3  }
0x133: {  	v9 =	vor.u32 v5, v8  }
.Ltmp7:
0x134: {  	(pc) =	sbr.rel @p0 .LBB2_16-.Ltmp7, $4  }
0x135: {  	_ = 	snop  }
0x136: {  	s0 =	sadd.s32 $0x10, s0  }
0x137: {  	[tilespmem:s0+$0x0] =	vst v7  }
0x138: {  	v8 =	vmov s2;
	s2 =	sadd.s32 $0x10, s2;
	v7 =	vld.idx.msk [tilespmem:v9+s17+$0x0], $0xffff  }
0x139: {  	v8 =	vshll.u32 v8, $0x3  }
0x13a: {  	v8 =	vor.u32 v5, v8;
	_ =	sdelay $0x2  }
0x13b: {  	s0 =	sadd.s32 $0x10, s0  }
0x13c: {  	[tilespmem:s0+$0x0] =	vst v7  }
0x13d: {  	v7 =	vld.idx.msk [tilespmem:v8+s17+$0x0], $0xffff;
	_ =	sdelay $0x3  }
0x13e: {  	s0 =	sadd.s32 $0x10, s0  }
0x13f: {  	s2 =	simm.s32 $0x0;
	[tilespmem:s0+$0x0] =	vst v7;
	s0 =	simm.s32 $0x11500  }
0x140: {  	[hbm4b:s11+s2] =	stream.linear.scatter [tilespmem:s0], [sflag:$0x2], $0x620, $0x38;
	[tilespmem:$0x11B20] =	vst v63  }
0x141: {  	v7 =	vmov s2;
	_ =	swait.ge [sflag:s18], $0x620  }
0x142: {  	v7 =	vshll.u32 v7, $0x3;
	[sflag:s18] =	ssyncset.done $0x0  }
0x143: {  	v7 =	vor.u32 v5, v7;
	[sflag:s18] =	ssyncadd.s32 $0xFFFFF9E0  }
0x144: {  	[tilespmem:s17], [sflag:$0x2] =	stream.linear.gather [spmem:s7], $0x3100, $0x38;
	[tilespmem:$0x11B20] =	vst v63  }
0x145: {  	_ =	swait.ge [sflag:s18], $0x3100  }
0x146: {  	s30 =	simm.s32 $0x10;
	[sflag:s18] =	ssyncset.done $0x0  }
0x147: {  	v8 =	vmov s30;
	[sflag:s18] =	ssyncadd.s32 $0xFFFFCF00  }
0x148: {  	v8 =	vshll.u32 v8, $0x3;
	v7 =	vld.idx.msk [tilespmem:v7+s17+$0x0], $0xffff  }
0x149: {  	v9 =	vor.u32 v5, v8;
	_ =	sdelay $0x3  }
0x14a: {  	s30 =	simm.s32 $0x20;
	[tilespmem:s0+$0x0] =	vst v7  }
0x14b: {  	v8 =	vmov s30;
	s2 =	simm.s32 $0x30;
	v7 =	vld.idx.msk [tilespmem:v9+s17+$0x0], $0xffff  }
.LBB2_18:
0x14c: {  	p0 =	sne.s32 s2, $0x610;
	v8 =	vshll.u32 v8, $0x3  }
0x14d: {  	v9 =	vor.u32 v5, v8  }
.Ltmp8:
0x14e: {  	(pc) =	sbr.rel @p0 .LBB2_18-.Ltmp8, $4  }
0x14f: {  	_ = 	snop  }
0x150: {  	s0 =	sadd.s32 $0x10, s0  }
0x151: {  	[tilespmem:s0+$0x0] =	vst v7  }
0x152: {  	v8 =	vmov s2;
	s2 =	sadd.s32 $0x10, s2;
	v7 =	vld.idx.msk [tilespmem:v9+s17+$0x0], $0xffff  }
0x153: {  	v8 =	vshll.u32 v8, $0x3  }
0x154: {  	v8 =	vor.u32 v5, v8;
	_ =	sdelay $0x2  }
0x155: {  	s0 =	sadd.s32 $0x10, s0  }
0x156: {  	[tilespmem:s0+$0x0] =	vst v7  }
0x157: {  	v7 =	vld.idx.msk [tilespmem:v8+s17+$0x0], $0xffff;
	_ =	sdelay $0x2  }
0x158: {  	s31 =	sadd.s32 $0x1, s31  }
0x159: {  	p0 =	sne.s32 s31, s13;
	s0 =	sadd.s32 $0x10, s0  }
.Ltmp9:
0x15a: {  	s30 =	simm.s32 $0x11500;
	[tilespmem:s0+$0x0] =	vst v7;
	(pc) =	sbr.rel @p0 .LBB2_1-.Ltmp9, $4  }
0x15b: {  	[hbm4b:s12+s3] =	stream.linear.scatter [tilespmem:s30], [sflag:$0x2], $0x620, $0x38;
	[tilespmem:$0x11B20] =	vst v63  }
0x15c: {  	_ =	swait.ge [sflag:s18], $0x620  }
0x15d: {  	[sflag:s18] =	ssyncset.done $0x0  }
0x15e: {  	[sflag:s18] =	ssyncadd.s32 $0xFFFFF9E0  }
0x15f: {  	_ =	sfence.sel $0x180000  }
0x160: {  	[bflag:$0x0] =	sbarrier.arrive $0xFFFF  }
0x161: {  	_ =	strace $0x90000047  }
0x162: {  	s0 =	stileid.u32;
	[bflag:$0x2] =	sbarrier.arrive $0xFFFF  }
0x163: {  	p0 =	sne.s32 s0, $0x0;
	s0 =	rddreg [dreg:$0x2]  }
0x164: {  	s0 =	sadd.s32 @!p0 $0x100000, s0  }
0x165: {  	[sflag:s0] =	ssyncadd.tile.s32 @!p0 $0x1;
	_ =	shalt  }
.Lfunc_end2:
_tile_overlayer_lowered:
.L_overlay_start_2:
0x166: {  	(tag) =	ssettag $0x2  }
0x167: {  	s0 =	rddreg [dreg:$0x0];
	s2 =	stileid.u32  }
0x168: {  	s1 =	rddreg [dreg:$0x1];
	p0 =	sne.s32 s2, $0x0  }
0x169: {  	s3 =	rddreg [dreg:$0x2];
	[bflag:$0x3] =	sbarrier.arrive $0xFFFF;
	s2 =	simm.s32 @!p0 $0x1C02  }
0x16a: {  	[timem:s3], [sflag:s2] =	dma.local @!p0 [hbm:s0], s1  }
0x16b: {  	s0 =	simm.s32 @!p0 $0x2  }
0x16c: {  	_ =	swait.ge @!p0 [sflag:s0], s1  }
0x16d: {  	s1 =	ssub.s32 @!p0 $0x0, s1;
	[sflag:s0] =	ssyncset.done @!p0 $0x0  }
0x16e: {  	[sflag:s0] =	ssyncadd.s32 @!p0 s1  }
0x16f: {  	[bflag:$0x3] =	sbarrier.arrive $0xFFFF  }
0x170: {  	_ =	shalt  }

// kernel: sparse-core-data-format-call.cloned.1.call-start
scs
called_computation_lowered:
.L_overlay_start_0:
0x0: {  	s2 =	sld [smem:$0x3FD9]  }
0x1: {  	s3 =	sld [smem:$0x3FFE];
	_ =	sdelay $0x1  }
0x2: {  	s1 =	srdreg.scid  }
0x3: {  	s0 =	sand.u32 $0x1, s1  }
0x4: {  	s18 =	sshll.u32 s0, $0xA;
	s2 =	sadd.s32 s3, s2  }
0x5: {  	s2 =	sadd.s32 s2, s18  }
0x6: {  	[smem:$0x3FC2] =	sst s2  }
0x7: {  	_ = 	snop  }
0x8: {  	(tm) =	ssettm $0x1  }
0x9: {  	s19 =	sld [smem:$0x3FFB];
	_ =	sdelay $0x3  }
0xa: {  	_ =	strace s19  }
0xb: {  	s2 =	sld [smem:$0x3FFC];
	_ =	sdelay $0x3  }
0xc: {  	_ =	strace s2  }
0xd: {  	s2 =	sld [smem:$0x3FFD];
	_ =	sdelay $0x3  }
0xe: {  	_ =	strace s2  }
0xf: {  	_ =	strace $0x8FFFFFFF  }
0x10: {  	s20 =	sld [smem:$0x3FDB];
	_ =	sdelay $0x1  }
0x11: {  	s21 =	simm.s32 $_scs_section_size  }
0x12: {  	s4 =	simm.s32 $_size__tile_overlayer_lowered;
	s5 =	simm.s32 $_tile_overlayer_lowered  }
0x13: {  	s6 =	simm.s32 $0x1BFF;
	s22 =	sshll.u32 s5, $0x1;
	s3 =	sadd.s32 s21, s20  }
0x14: {  	s23 =	simm.s32 $0x0;
	s4 =	sshll.u32 s4, $0x1;
	s5 =	sadd.s32 s22, s3  }
0x15: {  	[timem:s23], [sflag:s6] =	dma.local [hbm:s5], s4  }
0x16: {  	_ =	swait.ge [sflag:s6], s4  }
0x17: {  	s4 =	ssub.s32 $0x0, s4;
	[sflag:s6] =	ssyncset.done $0x0  }
0x18: {  	[sflag:s6] =	ssyncadd.s32 s4;
	_ =	sdelay $0x1  }
0x19: {  	s24 =	simm.s32 $0x1B8B  }
0x1a: {  	_ =	swait.ge [sflag:s24], $0x1  }
0x1b: {  	[sflag:s24] =	ssyncset.done $0x0  }
0x1c: {  	[sflag:s24] =	ssyncadd.s32 $0xFFFFFFFF  }
0x1d: {  	s4 =	sld [smem:$0x0]  }
0x1e: {  	s5 =	sand.u32 $0xFFFFFFFE, s1  }
0x1f: {  	p0 =	sne.s32 s1, s5  }
0x20: {  	s5 =	sshll.u32 @p0 s5, $0xE  }
0x21: {  	s5 =	sadd.s32 @p0 $0x11B8D, s5;
	s6 =	sshll.u32 @p0 s4, $0x11  }
0x22: {  	s5 =	sor.u32 @p0 s6, s5  }
0x23: {  	[sflag:s5] =	ssyncadd.remote.s32 @p0 $0x1;
	_ =	sdelay $0x1  }
0x24: {  	s5 =	simm.s32 @p0 $0x1B8D  }
0x25: {  	_ =	swait.eq @p0 [sflag:s5], $0x1  }
0x26: {  	[sflag:s5] =	ssyncadd.s32 @p0 $0xFFFFFFFF  }
0x27: {  	s6 =	sshll.u32 @!p0 s1, $0xE  }
0x28: {  	s6 =	sor.u32 @!p0 $0x4000, s6;
	s5 =	simm.s32 @!p0 $0x1B8D  }
0x29: {  	s4 =	sshll.u32 @!p0 s4, $0x11;
	s6 =	sadd.s32 @!p0 $0x11B8D, s6;
	_ =	swait.eq @!p0 [sflag:s5], $0x1  }
0x2a: {  	s4 =	sor.u32 @!p0 s4, s6;
	[sflag:s5] =	ssyncadd.s32 @!p0 $0xFFFFFFFF  }
0x2b: {  	s26 =	simm.s32 $0x1B8E;
	s25 =	sld [smem:$0x3FFE];
	[sflag:s4] =	ssyncadd.remote.s32 @!p0 $0x1  }
0x2c: {  	s27 =	simm.s32 $execute0_lowered;
	[smem:$0x3FD2] =	sst s26  }
0x2d: {  	s5 =	sshll.u32 s27, $0x1;
	_ =	strace $0x80000049;
	[dreg:$0x1] =	wrdreg $0xFFFFFFFF  }
0x2e: {  	s28 =	simm.s32 $_size_execute0_lowered;
	s3 =	sadd.s32 s3, s5;
	[dreg:$0x0] =	wrdreg $0x0  }
0x2f: {  	s5 =	sshll.u32 s28, $0x1;
	[dreg:$0x2] =	wrdreg s3  }
0x30: {  	[dreg:$0x3] =	wrdreg s5  }
0x31: {  	[dreg:$0x4] =	wrdreg $0xC0  }
0x32: {  	_ =	task [dreg:s23], $0x5FFFF  }
0x33: {  	[dreg:$0x1] =	wrdreg $0xFFFFFFFF  }
0x34: {  	[dreg:$0x0] =	wrdreg $0x60  }
0x35: {  	[dreg:$0x2] =	wrdreg s25  }
0x36: {  	[dreg:$0x3] =	wrdreg $0x9  }
0x37: {  	_ =	task.clear_ibuf [dreg:s23], $0x4FFFF;
	_ =	strace $0x90000049  }
0x38: {  	s29 =	simm.s32 $0x9;
	_ =	strace $0x8000004B  }
0x39: {  	_ =	swait.ge [sflag:s29], $0x1  }
0x3a: {  	[sflag:s29] =	ssyncadd.s32 $0xFFFFFFFF  }
0x3b: {  	_ =	strace $0x9000004B  }
0x3c: {  	_ =	sfence  }
0x3d: {  	s30 =	sld [smem:$0x0];
	_ =	sdelay $0x2  }
0x3e: {  	s31 =	sshll.u32 s1, $0xD;
	s1 =	sshrl.u32 s1, $0x2  }
0x3f: {  	s4 =	sand.u32 $0x4000, s31;
	s1 =	sadd.s32 s1, s30  }
0x40: {  	s0 =	sor.u32 s4, s0;
	s1 =	sshll.u32 s1, $0x11  }
0x41: {  	s0 =	sor.u32 s1, s0  }
0x42: {  	s0 =	sadd.s32 $0x8F2B, s0  }
0x43: {  	[sflag:s0] =	ssyncadd.remote.s32 $0x1  }
0x44: {  	_ =	sfence.sel $0xFFFF  }
0x45: {  	[dreg:$0x0] =	wrdreg $0xFFFFFFFF;
	(pc) =	sbr.abs _section_cstart, $3  }
0x46: {  	[dreg:$0x1] =	wrdreg $0xFFFFFFFF  }
0x47: {  	_ =	task.clear_ibuf [dreg:s23], $0x2FFFF;
	_ =	strace $0x9FFFFFFF  }
0x48: {  	(tm) =	ssettm $0x7FFFFFFF  }
0x49: {  	_ =	shalt  }
tec
execute0_lowered:
.L_overlay_start_1:
0x0: {  	(tag) =	ssettag $0x1  }
0x1: {  	s0 =	srdreg.scid  }
0x2: {  	s1 =	sshll.u32 s0, $0x4  }
0x3: {  	s4 =	rddreg [dreg:$0x0];
	s0 =	stileid.u32;
	s1 =	sand.u32 $0x10, s1  }
0x4: {  	s7 =	simm.s32 $0x1;
	s8 =	simm.s32 $0x2;
	s2 =	sor.u32 s0, s1  }
0x5: {  	s9 =	simm.s32 $0x0;
	s12 =	simm.s32 $0x0;
	s2 =	sshll.u32 s2, $0x2  }
0x6: {  	s11 =	simm.s32 $0x0;
	s3 =	sadd.s32 $0x192400, s4;
	s6 =	ssub.s32 $0xC40, s2  }
.Ltmp0:
0x7: {  	s4 =	sadd.s32 $0x31A400, s4;
	s5 =	sand.u32 $0x7C, s6;
	(pc) =	sbr.rel .LBB1_1-.Ltmp0, $4  }
0x8: {  	s1 =	rddreg [dreg:$0x1];
	_ =	strace $0x8000004A;
	p0 =	sne.s32 s5, $0x0  }
0x9: {  	s6 =	sshrl.u32 s6, $0x7;
	s5 =	simm.s32 $0x1;
	s7 =	simm.s32 @!p0 $0x0  }
0xa: {  	s10 =	smov.u32 s2;
	[sflag:s5] =	ssyncpa.u1 $0x0;
	s6 =	sadd.s32 s7, s6  }
0xb: {  	[sflag:s8] =	ssyncpa.u1 $0x0;
	s8 =	simm.s32 $0x0;
	s7 =	sadd.s32 $0x1, s6  }
.LBB1_9:
0xc: {  	s14 =	sadd.s32 $0x80, s10  }
0xd: {  	p1 =	sgt.s32 s14, $0xC3F  }
0xe: {  	s14 =	smov.u32 @p1 s2;
	p1 =	sne.s32 s11, s7  }
.Ltmp1:
0xf: {  	p0 =	slt.u32 s11, $0x2;
	(pc) =	sbr.rel @!p1 .LBB1_10-.Ltmp1, $4  }
0x10: {  	s13 =	simm.s32 @!p0 $0x2  }
0x11: {  	s15 =	sadd.s32 $0x1, s11;
	_ =	swait.ge @!p0 [sflag:s13], $0x4000  }
0x12: {  	s12 =	smov.u32 s10;
	s9 =	sadd.s32 $0x4000, s9;
	[sflag:s13] =	ssyncset.done @!p0 $0x0  }
0x13: {  	s11 =	smov.u32 s15;
	s10 =	smov.u32 s14;
	[sflag:s13] =	ssyncadd.s32 @!p0 $0xFFFFC000  }
.LBB1_1:
0x14: {  	p0 =	sge.u32 s11, s6  }
0x15: {  	s13 =	sxor.u32 @!p0 $0xFFFFFFFF, s11  }
0x16: {  	s31 =	sadd.s32 $0xFFFFFFFF, s11;
	s14 =	sshll.u32 @!p0 s10, $0x9;
	s13 =	sshll.u32 @!p0 s13, $0xE  }
0x17: {  	s15 =	simm.s32 @!p0 $0x0;
	s14 =	sadd.s32 @!p0 s3, s14;
	s13 =	sand.u32 @!p0 $0x4000, s13  }
0x18: {  	[tilespmem:s13], [sflag:$0x1] =	stream.linear.gather @!p0 [hbm4b:s14+s15], $0x4000, $0x38;
	[tilespmem:$0x10000] =	vst v63  }
0x19: {  	p0 =	sge.u32 s31, s6  }
.Ltmp2:
0x1a: {  	_ = 	snop;
	(pc) =	sbr.rel @p0 .LBB1_9-.Ltmp2, $1  }
0x1b: {  	_ =	sdelay $0x3  }
0x1c: {  	s14 =	sand.u32 $0x4000, s9  }
0x1d: {  	_ =	swait.ge [sflag:s5], $0x4000;
	s15 =	sshll.u32 s11, $0xE;
	s16 =	simm.s32 $0x0  }
0x1e: {  	s13 =	sor.u32 $0x40, s14;
	[sflag:s5] =	ssyncset.done $0x0;
	s15 =	sand.u32 $0x4000, s15  }
0x1f: {  	s14 =	sor.u32 $0x8040, s14;
	[sflag:s5] =	ssyncadd.s32 $0xFFFFC000;
	s15 =	sor.u32 $0x8000, s15  }
.LBB1_3:
0x20: {  	s17 =	smov.u32 s14;
	s18 =	smov.u32 s13;
	s19 =	simm.s32 $0x0  }
.LBB1_4:
0x21: {  	v0 =	vmov s17;
	v2 =	vld [tilespmem:s18+$0x30]  }
0x22: {  	v4 =	vld [tilespmem:s18+$0xFFFFFFD0]  }
0x23: {  	v6 =	vld [tilespmem:s18+$0xFFFFFFE0]  }
0x24: {  	v7 =	vld [tilespmem:s18+$0xFFFFFFF0]  }
0x25: {  	s20 =	simm.s32 $0x0;
	v1 =	vld [tilespmem:s18+$0x0]  }
0x26: {  	v3 =	vld [tilespmem:s18+$0x10];
	[tilespmem:v0+s20+$0x30 ss:$0x1] =	vst.idx.msk $0xffff, v2  }
0x27: {  	v5 =	vld [tilespmem:s18+$0x20];
	[tilespmem:v0+s20+$0xFFFFFFD0 ss:$0x1] =	vst.idx.msk $0xffff, v4  }
0x28: {  	s21 =	sadd.s32 $0x80, s18;
	v2 =	vld [tilespmem:s18+$0xFFFFFFC0];
	[tilespmem:v0+s20+$0xFFFFFFE0 ss:$0x1] =	vst.idx.msk $0xffff, v6  }
0x29: {  	s22 =	simm.s32 $0x800;
	s23 =	simm.s32 $0x1000;
	v4 =	vld [tilespmem:s21+$0x30];
	[tilespmem:v0+s20+$0xFFFFFFF0 ss:$0x1] =	vst.idx.msk $0xffff, v7  }
.LBB1_5:
0x2a: {  	p0 =	sne.s32 s23, $0x3800;
	v6 =	vld [tilespmem:s21+$0xFFFFFFD0];
	[tilespmem:v0+s20+$0x0 ss:$0x1] =	vst.idx.msk $0xffff, v1  }
0x2b: {  	v7 =	vld [tilespmem:s21+$0xFFFFFFE0];
	[tilespmem:v0+s20+$0x10 ss:$0x1] =	vst.idx.msk $0xffff, v3  }
0x2c: {  	v8 =	vld [tilespmem:s21+$0xFFFFFFF0];
	[tilespmem:v0+s20+$0x20 ss:$0x1] =	vst.idx.msk $0xffff, v5  }
.Ltmp3:
0x2d: {  	v1 =	vld [tilespmem:s21+$0x0];
	[tilespmem:v0+s20+$0xFFFFFFC0 ss:$0x1] =	vst.idx.msk $0xffff, v2;
	s20 =	sshra.s32 s22, $0x2;
	s22 =	smov.u32 s23;
	(pc) =	sbr.rel @p0 .LBB1_5-.Ltmp3, $4  }
0x2e: {  	v3 =	vld [tilespmem:s21+$0x10];
	[tilespmem:v0+s20+$0x30 ss:$0x1] =	vst.idx.msk $0xffff, v4  }
0x2f: {  	[tilespmem:v0+s20+$0xFFFFFFD0 ss:$0x1] =	vst.idx.msk $0xffff, v6;
	v5 =	vld [tilespmem:s21+$0x20]  }
0x30: {  	v2 =	vld [tilespmem:s21+$0xFFFFFFC0];
	[tilespmem:v0+s20+$0xFFFFFFE0 ss:$0x1] =	vst.idx.msk $0xffff, v7;
	s21 =	sadd.s32 $0x80, s21  }
0x31: {  	s23 =	sadd.s32 $0x800, s23;
	v4 =	vld [tilespmem:s21+$0x30];
	[tilespmem:v0+s20+$0xFFFFFFF0 ss:$0x1] =	vst.idx.msk $0xffff, v8  }
0x32: {  	_ =	sdelay $0x3  }
0x33: {  	v6 =	vld [tilespmem:s21+$0xFFFFFFD0];
	[tilespmem:v0+s20+$0x0 ss:$0x1] =	vst.idx.msk $0xffff, v1  }
0x34: {  	v58 =	vld [tilespmem:s21+$0xFFFFFFE0];
	[tilespmem:v0+s20+$0x10 ss:$0x1] =	vst.idx.msk $0xffff, v3  }
0x35: {  	v59 =	vld [tilespmem:s21+$0xFFFFFFF0];
	[tilespmem:v0+s20+$0x20 ss:$0x1] =	vst.idx.msk $0xffff, v5  }
0x36: {  	s22 =	sshra.s32 s22, $0x2;
	v60 =	vld [tilespmem:s21+$0x0];
	[tilespmem:v0+s20+$0xFFFFFFC0 ss:$0x1] =	vst.idx.msk $0xffff, v2  }
0x37: {  	v61 =	vld [tilespmem:s21+$0x10];
	[tilespmem:v0+s22+$0x30 ss:$0x1] =	vst.idx.msk $0xffff, v4  }
0x38: {  	v62 =	vld [tilespmem:s21+$0x20];
	s19 =	sadd.s32 $0x1, s19;
	[tilespmem:v0+s22+$0xFFFFFFD0 ss:$0x1] =	vst.idx.msk $0xffff, v6  }
0x39: {  	v63 =	vld [tilespmem:s21+$0xFFFFFFC0];
	p0 =	sne.s32 s19, $0x4;
	[tilespmem:v0+s22+$0xFFFFFFE0 ss:$0x1] =	vst.idx.msk $0xffff, v58  }
.Ltmp4:
0x3a: {  	[tilespmem:v0+s22+$0xFFFFFFF0 ss:$0x1] =	vst.idx.msk $0xffff, v59;
	(pc) =	sbr.rel @p0 .LBB1_4-.Ltmp4, $4  }
0x3b: {  	[tilespmem:v0+s22+$0x0 ss:$0x1] =	vst.idx.msk $0xffff, v60  }
0x3c: {  	[tilespmem:v0+s22+$0x10 ss:$0x1] =	vst.idx.msk $0xffff, v61  }
0x3d: {  	[tilespmem:v0+s22+$0x20 ss:$0x1] =	vst.idx.msk $0xffff, v62  }
0x3e: {  	s18 =	sadd.s32 $0x400, s18;
	s17 =	sadd.s32 $0x80, s17;
	[tilespmem:v0+s22+$0xFFFFFFC0 ss:$0x1] =	vst.idx.msk $0xffff, v63  }
0x3f: {  	s16 =	sadd.s32 $0x1, s16  }
0x40: {  	p0 =	sne.s32 s16, $0x4  }
.Ltmp5:
0x41: {  	_ = 	snop;
	(pc) =	sbr.rel @p0 .LBB1_3-.Ltmp5, $2  }
0x42: {  	_ =	sdelay $0x2  }
0x43: {  	s13 =	sadd.s32 $0x1000, s13;
	s14 =	sadd.s32 $0x1000, s14  }
.Ltmp6:
0x44: {  	(pc) =	sbr.rel .LBB1_9-.Ltmp6, $4  }
0x45: {  	_ = 	snop  }
0x46: {  	s12 =	sshll.u32 s12, $0x9  }
0x47: {  	s12 =	sadd.s32 s4, s12  }
0x48: {  	[hbm4b:s12+s8] =	stream.linear.scatter [tilespmem:s15], [sflag:$0x2], $0x4000, $0x38;
	[tilespmem:$0x10000] =	vst v63  }
.LBB1_10:
0x49: {  	_ =	sfence.sel $0x180000  }
0x4a: {  	s2 =	simm.s32 $0x1;
	[bflag:$0x0] =	sbarrier.arrive $0xFFFF  }
0x4b: {  	s31 =	simm.s32 $0x2;
	[sflag:s2] =	ssyncpa.u1 $0x1  }
0x4c: {  	[sflag:s31] =	ssyncpa.u1 $0x1  }
0x4d: {  	p0 =	sne.s32 s0, $0x0;
	_ =	strace $0x9000004A  }
0x4e: {  	s0 =	sadd.s32 @!p0 $0x100000, s1;
	[bflag:$0x2] =	sbarrier.arrive $0xFFFF  }
0x4f: {  	[sflag:s0] =	ssyncadd.tile.s32 @!p0 $0x1;
	_ =	shalt  }
.Lfunc_end1:
_tile_overlayer_lowered:
.L_overlay_start_2:
0x50: {  	(tag) =	ssettag $0x2  }
0x51: {  	s0 =	rddreg [dreg:$0x0];
	s2 =	stileid.u32  }
0x52: {  	s1 =	rddreg [dreg:$0x1];
	p0 =	sne.s32 s2, $0x0  }
0x53: {  	s3 =	rddreg [dreg:$0x2];
	[bflag:$0x3] =	sbarrier.arrive $0xFFFF;
	s2 =	simm.s32 @!p0 $0x1C01  }
0x54: {  	[timem:s3], [sflag:s2] =	dma.local @!p0 [hbm:s0], s1  }
0x55: {  	s0 =	simm.s32 @!p0 $0x1  }
0x56: {  	_ =	swait.ge @!p0 [sflag:s0], s1  }
0x57: {  	s1 =	ssub.s32 @!p0 $0x0, s1;
	[sflag:s0] =	ssyncset.done @!p0 $0x0  }
0x58: {  	[sflag:s0] =	ssyncadd.s32 @!p0 s1  }
0x59: {  	[bflag:$0x3] =	sbarrier.arrive $0xFFFF  }
0x5a: {  	_ =	shalt  }

</sc_bundles>
